<compile_context>
chip_gen: v7x
topology: tpu7x:2x2x1
jax: 0.10.2.dev20260603
libtpu: 0.0.44.dev20260713+nightly
codegen_flags: <defaults>
</compile_context>

<pallas_src>
import functools
import jax
import jax.numpy as jnp
from jax import lax
from jax.experimental import pallas as pl
from jax.experimental.pallas import tpu as pltpu
from jax.experimental.pallas import tpu_sc as plsc

NC = 2
NS = 16
NW = NC * NS

BT = 128
XP = BT + 1
SB = 4
L = 16


def _make_kernel(B, S, V, D):
    assert B == BT * NW and S % (2 * SB) == 0 and D % 8 == 0
    STEPS = S // SB
    DT = D // 8

    mesh = plsc.VectorSubcoreMesh(core_axis_name="c", subcore_axis_name="s")

    @functools.partial(
        pl.kernel,
        mesh=mesh,
        out_type=jax.ShapeDtypeStruct((S, DT, NW, 8, BT), jnp.float32),
        scratch_types=[
            pltpu.VMEM((2, SB, BT), jnp.int32),
            pltpu.VMEM((2, SB, BT, D), jnp.float32),
            pltpu.VMEM((2, SB, D, XP), jnp.float32),
            pltpu.VMEM((2, SB, D), jnp.float32),
            pltpu.SemaphoreType.DMA,
            pltpu.SemaphoreType.DMA,
            pltpu.SemaphoreType.DMA,
            pltpu.SemaphoreType.DMA,
        ],
        compiler_params=pltpu.CompilerParams(
            use_tc_tiling_on_sc=False, needs_layout_passes=False
        ),
    )
    def k(idx_hbm, table_hbm, pos_hbm, out_hbm, idx_v, rows_v, x_v, pos_v,
          gsem0, gsem1, ssem0, ssem1):
        wid = lax.axis_index("s") * NC + lax.axis_index("c")
        bbase = wid * BT
        gsems = (gsem0, gsem1)
        ssems = (ssem0, ssem1)

        def fire(g, b):
            s0 = g * SB
            pltpu.sync_copy(
                idx_hbm.at[pl.ds(s0, SB), pl.ds(bbase, BT)], idx_v.at[b]
            )
            pltpu.sync_copy(pos_hbm.at[pl.ds(s0, SB)], pos_v.at[b])
            for sl in range(SB):
                pltpu.async_copy(
                    table_hbm.at[idx_v.at[b, sl]], rows_v.at[b, sl], gsems[b]
                )

        def store_waits(g, b):
            for sl in range(SB):
                for ti in range(DT):
                    pltpu.make_async_copy(
                        x_v.at[b, sl, pl.ds(ti * 8, 8), pl.ds(0, BT)],
                        out_hbm.at[g * SB + sl, ti, wid],
                        ssems[b],
                    ).wait()

        def process(g, b):
            @pl.when(g >= 2)
            def _():
                store_waits(g - 2, b)

            for sl in range(SB):
                pltpu.make_async_copy(
                    table_hbm.at[idx_v.at[b, sl]], rows_v.at[b, sl], gsems[b]
                ).wait()

            dlo = lax.iota(jnp.int32, L)
            dhi = dlo + L

            @plsc.parallel_loop(0, BT * SB, 1, unroll=4)
            def _(i):
                c = i // SB
                sl = i - c * SB
                cvec = jnp.full((L,), c, jnp.int32)
                v_lo = rows_v[b, sl, c, pl.ds(0, L)] + pos_v[b, sl, pl.ds(0, L)]
                v_hi = rows_v[b, sl, c, pl.ds(L, L)] + pos_v[b, sl, pl.ds(L, L)]
                plsc.store_scatter(x_v.at[b, sl], [dlo, cvec], v_lo)
                plsc.store_scatter(x_v.at[b, sl], [dhi, cvec], v_hi)

            for sl in range(SB):
                for ti in range(DT):
                    pltpu.async_copy(
                        x_v.at[b, sl, pl.ds(ti * 8, 8), pl.ds(0, BT)],
                        out_hbm.at[g * SB + sl, ti, wid],
                        ssems[b],
                    )

        fire(0, 0)

        def body(gg, carry):
            g0 = 2 * gg
            fire(g0 + 1, 1)
            process(g0, 0)

            @pl.when(g0 + 2 < STEPS)
            def _():
                fire(g0 + 2, 0)

            process(g0 + 1, 1)
            return carry

        lax.fori_loop(0, STEPS // 2, body, 0)
        store_waits(STEPS - 2, 0)
        store_waits(STEPS - 1, 1)

    return k


def kernel(inputs, word_table, pos_embed):
    B, S = inputs.shape
    V, D = word_table.shape
    idx_t = inputs.astype(jnp.int32).T
    x = _make_kernel(B, S, V, D)(idx_t, word_table, pos_embed)
    return x.transpose(2, 4, 0, 1, 3).reshape(B, S, D)

# --- scband reference (transcript-rebuilt; emitter-appended) ---
"""Pipeline reference for scband-word-and-positional-embedding-9577777070533 (READ-ONLY COPY).

The authoritative reference and input builder live on the scoring server;
editing this copy changes nothing except your own understanding.
"""

import jax, jax.numpy as jnp
import numpy as np

VOCAB = 100000
DIM = 32
BATCH = 4096
SEQ = 200

def setup_inputs(seed: int = 0) -> dict:
    key = jax.random.key(seed)
    k1, k2, k3 = jax.random.split(key, 3)
    inputs = jax.random.randint(k1, (BATCH, SEQ), 0, VOCAB, dtype=jnp.int64 if jax.config.jax_enable_x64 else jnp.int32)
    # Keras Embedding default init: uniform(-0.05, 0.05)
    word_table = jax.random.uniform(k2, (VOCAB, DIM), dtype=jnp.float32, minval=-0.05, maxval=0.05)
    # positional_embedding: uniform(-0.05, 0.05), shape (seq_len, model_dims)
    pos_embed = jax.random.uniform(k3, (SEQ, DIM), dtype=jnp.float32, minval=-0.05, maxval=0.05)
    return {"inputs": inputs, "word_table": word_table, "pos_embed": pos_embed}

def reference(inputs, word_table, pos_embed):
    # word embedding lookup: gather rows from table
    word_embedding = jnp.take(word_table, inputs, axis=0)  # [B, S, D]
    # add positional embedding broadcast over batch
    return word_embedding + pos_embed[None, :, :]

if __name__ == "__main__":
    import jax
    _d = setup_inputs()
    print(jax.jit(kernel)(*tuple(_d.values())))

</pallas_src>

<mosaic_0001>
#map = affine_map<(d0, d1) -> (0, 0)>
#map1 = affine_map<(d0, d1) -> (0, 0, 0, 0, 0)>
module attributes {stable_mosaic.version = 14 : i64} {
  func.func @k(%arg0: i32, %arg1: i32, %arg2: memref<200x4096xi32, #tpu.memory_space<hbm>>, %arg3: memref<100000x32xf32, #tpu.memory_space<hbm>>, %arg4: memref<200x32xf32, #tpu.memory_space<hbm>>, %arg5: memref<200x4x32x8x128xf32, #tpu.memory_space<hbm>>, %arg6: memref<2x4x128xi32, #tpu.memory_space<vmem>>, %arg7: memref<2x4x128x32xf32, #tpu.memory_space<vmem>>, %arg8: memref<2x4x32x129xf32, #tpu.memory_space<vmem>>, %arg9: memref<2x4x32xf32, #tpu.memory_space<vmem>>, %arg10: memref<!tpu.dma_semaphore, #tpu.memory_space<semaphore_mem>>, %arg11: memref<!tpu.dma_semaphore, #tpu.memory_space<semaphore_mem>>, %arg12: memref<!tpu.dma_semaphore, #tpu.memory_space<semaphore_mem>>, %arg13: memref<!tpu.dma_semaphore, #tpu.memory_space<semaphore_mem>>) attributes {dimension_semantics = [#tpu.dimension_semantics<core_parallel>, #tpu.dimension_semantics<subcore_parallel>], iteration_bounds = array<i64: 2, 16>, scalar_prefetch = 0 : i64, scratch_operands = 8 : i64, tpu.core_type = #tpu.core_type<sc_vector_subcore>, window_params = [{transform_indices = #map}, {transform_indices = #map}, {transform_indices = #map}, {transform_indices = #map1}]} {
    %mul3A = arith.constant 2 : i32
    %mul3A_0 = arith.muli %arg1, %mul3A : i32
    %add3A = arith.addi %mul3A_0, %arg0 : i32
    %mul3A_1 = arith.constant 128 : i32
    %mul3A_2 = arith.muli %add3A, %mul3A_1 : i32
    %run_scoped3A = arith.constant 0 : i32
    "tpu.region"() ({
      %run_scoped3A_703 = tpu.sem_alloc : memref<!tpu.dma_semaphore, #tpu.memory_space<semaphore_mem>>
      %dma_start3A_704 = arith.constant 0 : i32
      %dma_start3A_705 = arith.constant 0 : i32
      %dma_start3A_706 = tpu.memref_slice %arg6[%run_scoped3A, %dma_start3A_704, %dma_start3A_705] : memref<2x4x128xi32, #tpu.memory_space<vmem>> -> memref<1x4x128xi32, #tpu.memory_space<vmem>>
      %dma_start3A_707 = tpu.memref_squeeze %dma_start3A_706 : memref<1x4x128xi32, #tpu.memory_space<vmem>> -> memref<4x128xi32, #tpu.memory_space<vmem>>
      %dma_start3A_708 = arith.constant 0 : i32
      %dma_start3A_709 = tpu.memref_slice %arg2[%dma_start3A_708, %mul3A_2] : memref<200x4096xi32, #tpu.memory_space<hbm>> -> memref<4x128xi32, #tpu.memory_space<hbm>>
      %dma_start3A_710 = arith.constant 0 : i32
      %dma_start3A_711 = arith.constant 0 : i32
      %dma_start3A_712 = tpu.memref_slice %arg6[%run_scoped3A, %dma_start3A_710, %dma_start3A_711] : memref<2x4x128xi32, #tpu.memory_space<vmem>> -> memref<1x4x128xi32, #tpu.memory_space<vmem>>
      %dma_start3A_713 = tpu.memref_squeeze %dma_start3A_712 : memref<1x4x128xi32, #tpu.memory_space<vmem>> -> memref<4x128xi32, #tpu.memory_space<vmem>>
      %dma_start3A_714 = arith.constant 0 : i32
      %dma_start3A_715 = tpu.memref_slice %arg2[%dma_start3A_714, %mul3A_2] : memref<200x4096xi32, #tpu.memory_space<hbm>> -> memref<4x128xi32, #tpu.memory_space<hbm>>
      tpu.enqueue_dma source(%dma_start3A_715 : memref<4x128xi32, #tpu.memory_space<hbm>>) target(%dma_start3A_713 : memref<4x128xi32, #tpu.memory_space<vmem>>) target_semaphore(%run_scoped3A_703 : memref<!tpu.dma_semaphore, #tpu.memory_space<semaphore_mem>>)
      %dma_wait3A_716 = arith.constant 0 : i32
      %dma_wait3A_717 = arith.constant 0 : i32
      %dma_wait3A_718 = tpu.memref_slice %arg6[%run_scoped3A, %dma_wait3A_716, %dma_wait3A_717] : memref<2x4x128xi32, #tpu.memory_space<vmem>> -> memref<1x4x128xi32, #tpu.memory_space<vmem>>
      %dma_wait3A_719 = tpu.memref_squeeze %dma_wait3A_718 : memref<1x4x128xi32, #tpu.memory_space<vmem>> -> memref<4x128xi32, #tpu.memory_space<vmem>>
      %dma_wait3A_720 = arith.constant 0 : i32
      %dma_wait3A_721 = tpu.memref_slice %arg2[%dma_wait3A_720, %mul3A_2] : memref<200x4096xi32, #tpu.memory_space<hbm>> -> memref<4x128xi32, #tpu.memory_space<hbm>>
      %dma_wait3A_722 = arith.constant 0 : i32
      %dma_wait3A_723 = arith.constant 0 : i32
      %dma_wait3A_724 = tpu.memref_slice %arg6[%run_scoped3A, %dma_wait3A_722, %dma_wait3A_723] : memref<2x4x128xi32, #tpu.memory_space<vmem>> -> memref<1x4x128xi32, #tpu.memory_space<vmem>>
      %dma_wait3A_725 = tpu.memref_squeeze %dma_wait3A_724 : memref<1x4x128xi32, #tpu.memory_space<vmem>> -> memref<4x128xi32, #tpu.memory_space<vmem>>
      %dma_wait3A_726 = arith.constant 0 : i32
      %dma_wait3A_727 = tpu.memref_slice %arg2[%dma_wait3A_726, %mul3A_2] : memref<200x4096xi32, #tpu.memory_space<hbm>> -> memref<4x128xi32, #tpu.memory_space<hbm>>
      tpu.wait_dma2 semaphore(%run_scoped3A_703 : memref<!tpu.dma_semaphore, #tpu.memory_space<semaphore_mem>>) src(%dma_wait3A_727 : memref<4x128xi32, #tpu.memory_space<hbm>>) dst(%dma_wait3A_725 : memref<4x128xi32, #tpu.memory_space<vmem>>)
      tpu.yield
    }) : () -> ()
    %run_scoped3A_3 = arith.constant 0 : i32
    "tpu.region"() ({
      %run_scoped3A_703 = tpu.sem_alloc : memref<!tpu.dma_semaphore, #tpu.memory_space<semaphore_mem>>
      %dma_start3A_704 = arith.constant 0 : i32
      %dma_start3A_705 = arith.constant 0 : i32
      %dma_start3A_706 = tpu.memref_slice %arg9[%run_scoped3A_3, %dma_start3A_704, %dma_start3A_705] : memref<2x4x32xf32, #tpu.memory_space<vmem>> -> memref<1x4x32xf32, #tpu.memory_space<vmem>>
      %dma_start3A_707 = tpu.memref_squeeze %dma_start3A_706 : memref<1x4x32xf32, #tpu.memory_space<vmem>> -> memref<4x32xf32, #tpu.memory_space<vmem>>
      %dma_start3A_708 = arith.constant 0 : i32
      %dma_start3A_709 = arith.constant 0 : i32
      %dma_start3A_710 = tpu.memref_slice %arg4[%dma_start3A_708, %dma_start3A_709] : memref<200x32xf32, #tpu.memory_space<hbm>> -> memref<4x32xf32, #tpu.memory_space<hbm>>
      %dma_start3A_711 = arith.constant 0 : i32
      %dma_start3A_712 = arith.constant 0 : i32
      %dma_start3A_713 = tpu.memref_slice %arg9[%run_scoped3A_3, %dma_start3A_711, %dma_start3A_712] : memref<2x4x32xf32, #tpu.memory_space<vmem>> -> memref<1x4x32xf32, #tpu.memory_space<vmem>>
      %dma_start3A_714 = tpu.memref_squeeze %dma_start3A_713 : memref<1x4x32xf32, #tpu.memory_space<vmem>> -> memref<4x32xf32, #tpu.memory_space<vmem>>
      %dma_start3A_715 = arith.constant 0 : i32
      %dma_start3A_716 = arith.constant 0 : i32
      %dma_start3A_717 = tpu.memref_slice %arg4[%dma_start3A_715, %dma_start3A_716] : memref<200x32xf32, #tpu.memory_space<hbm>> -> memref<4x32xf32, #tpu.memory_space<hbm>>
      tpu.enqueue_dma source(%dma_start3A_717 : memref<4x32xf32, #tpu.memory_space<hbm>>) target(%dma_start3A_714 : memref<4x32xf32, #tpu.memory_space<vmem>>) target_semaphore(%run_scoped3A_703 : memref<!tpu.dma_semaphore, #tpu.memory_space<semaphore_mem>>)
      %dma_wait3A_718 = arith.constant 0 : i32
      %dma_wait3A_719 = arith.constant 0 : i32
      %dma_wait3A_720 = tpu.memref_slice %arg9[%run_scoped3A_3, %dma_wait3A_718, %dma_wait3A_719] : memref<2x4x32xf32, #tpu.memory_space<vmem>> -> memref<1x4x32xf32, #tpu.memory_space<vmem>>
      %dma_wait3A_721 = tpu.memref_squeeze %dma_wait3A_720 : memref<1x4x32xf32, #tpu.memory_space<vmem>> -> memref<4x32xf32, #tpu.memory_space<vmem>>
      %dma_wait3A_722 = arith.constant 0 : i32
      %dma_wait3A_723 = arith.constant 0 : i32
      %dma_wait3A_724 = tpu.memref_slice %arg4[%dma_wait3A_722, %dma_wait3A_723] : memref<200x32xf32, #tpu.memory_space<hbm>> -> memref<4x32xf32, #tpu.memory_space<hbm>>
      %dma_wait3A_725 = arith.constant 0 : i32
      %dma_wait3A_726 = arith.constant 0 : i32
      %dma_wait3A_727 = tpu.memref_slice %arg9[%run_scoped3A_3, %dma_wait3A_725, %dma_wait3A_726] : memref<2x4x32xf32, #tpu.memory_space<vmem>> -> memref<1x4x32xf32, #tpu.memory_space<vmem>>
      %dma_wait3A_728 = tpu.memref_squeeze %dma_wait3A_727 : memref<1x4x32xf32, #tpu.memory_space<vmem>> -> memref<4x32xf32, #tpu.memory_space<vmem>>
      %dma_wait3A_729 = arith.constant 0 : i32
      %dma_wait3A_730 = arith.constant 0 : i32
      %dma_wait3A_731 = tpu.memref_slice %arg4[%dma_wait3A_729, %dma_wait3A_730] : memref<200x32xf32, #tpu.memory_space<hbm>> -> memref<4x32xf32, #tpu.memory_space<hbm>>
      tpu.wait_dma2 semaphore(%run_scoped3A_703 : memref<!tpu.dma_semaphore, #tpu.memory_space<semaphore_mem>>) src(%dma_wait3A_731 : memref<4x32xf32, #tpu.memory_space<hbm>>) dst(%dma_wait3A_728 : memref<4x32xf32, #tpu.memory_space<vmem>>)
      tpu.yield
    }) : () -> ()
    %dma_start3A = arith.constant 0 : i32
    %dma_start3A_4 = arith.constant 0 : i32
    %dma_start3A_5 = arith.constant 0 : i32
    %dma_start3A_6 = arith.constant 0 : i32
    %dma_start3A_7 = arith.constant 0 : i32
    %dma_start3A_8 = arith.constant 0 : i32
    %dma_start3A_9 = tpu.memref_slice %arg7[%dma_start3A_5, %dma_start3A_6, %dma_start3A_7, %dma_start3A_8] : memref<2x4x128x32xf32, #tpu.memory_space<vmem>> -> memref<1x1x128x32xf32, #tpu.memory_space<vmem>>
    %dma_start3A_10 = tpu.memref_squeeze %dma_start3A_9 : memref<1x1x128x32xf32, #tpu.memory_space<vmem>> -> memref<128x32xf32, #tpu.memory_space<vmem>>
    %dma_start3A_11 = arith.constant 0 : i32
    %dma_start3A_12 = tpu.memref_slice %arg6[%dma_start3A, %dma_start3A_4, %dma_start3A_11] : memref<2x4x128xi32, #tpu.memory_space<vmem>> -> memref<1x1x128xi32, #tpu.memory_space<vmem>>
    %dma_start3A_13 = tpu.memref_squeeze %dma_start3A_12 : memref<1x1x128xi32, #tpu.memory_space<vmem>> -> memref<128xi32, #tpu.memory_space<vmem>>
    %dma_start3A_14 = arith.constant 0 : i32
    %dma_start3A_15 = arith.constant 0 : i32
    %dma_start3A_16 = tpu.memref_slice %arg3[%dma_start3A_14, %dma_start3A_15] : memref<100000x32xf32, #tpu.memory_space<hbm>> -> memref<100000x32xf32, #tpu.memory_space<hbm>>
    tpu.enqueue_indirect_dma source(%dma_start3A_16 : memref<100000x32xf32, #tpu.memory_space<hbm>>) target(%dma_start3A_10 : memref<128x32xf32, #tpu.memory_space<vmem>>) offsets(%dma_start3A_13 : memref<128xi32, #tpu.memory_space<vmem>>) semaphore(%arg10 : memref<!tpu.dma_semaphore, #tpu.memory_space<semaphore_mem>>)
    %dma_start3A_17 = arith.constant 0 : i32
    %dma_start3A_18 = arith.constant 1 : i32
    %dma_start3A_19 = arith.constant 0 : i32
    %dma_start3A_20 = arith.constant 1 : i32
    %dma_start3A_21 = arith.constant 0 : i32
    %dma_start3A_22 = arith.constant 0 : i32
    %dma_start3A_23 = tpu.memref_slice %arg7[%dma_start3A_19, %dma_start3A_20, %dma_start3A_21, %dma_start3A_22] : memref<2x4x128x32xf32, #tpu.memory_space<vmem>> -> memref<1x1x128x32xf32, #tpu.memory_space<vmem>>
    %dma_start3A_24 = tpu.memref_squeeze %dma_start3A_23 : memref<1x1x128x32xf32, #tpu.memory_space<vmem>> -> memref<128x32xf32, #tpu.memory_space<vmem>>
    %dma_start3A_25 = arith.constant 0 : i32
    %dma_start3A_26 = tpu.memref_slice %arg6[%dma_start3A_17, %dma_start3A_18, %dma_start3A_25] : memref<2x4x128xi32, #tpu.memory_space<vmem>> -> memref<1x1x128xi32, #tpu.memory_space<vmem>>
    %dma_start3A_27 = tpu.memref_squeeze %dma_start3A_26 : memref<1x1x128xi32, #tpu.memory_space<vmem>> -> memref<128xi32, #tpu.memory_space<vmem>>
    %dma_start3A_28 = arith.constant 0 : i32
    %dma_start3A_29 = arith.constant 0 : i32
    %dma_start3A_30 = tpu.memref_slice %arg3[%dma_start3A_28, %dma_start3A_29] : memref<100000x32xf32, #tpu.memory_space<hbm>> -> memref<100000x32xf32, #tpu.memory_space<hbm>>
    tpu.enqueue_indirect_dma source(%dma_start3A_30 : memref<100000x32xf32, #tpu.memory_space<hbm>>) target(%dma_start3A_24 : memref<128x32xf32, #tpu.memory_space<vmem>>) offsets(%dma_start3A_27 : memref<128xi32, #tpu.memory_space<vmem>>) semaphore(%arg10 : memref<!tpu.dma_semaphore, #tpu.memory_space<semaphore_mem>>)
    %dma_start3A_31 = arith.constant 0 : i32
    %dma_start3A_32 = arith.constant 2 : i32
    %dma_start3A_33 = arith.constant 0 : i32
    %dma_start3A_34 = arith.constant 2 : i32
    %dma_start3A_35 = arith.constant 0 : i32
    %dma_start3A_36 = arith.constant 0 : i32
    %dma_start3A_37 = tpu.memref_slice %arg7[%dma_start3A_33, %dma_start3A_34, %dma_start3A_35, %dma_start3A_36] : memref<2x4x128x32xf32, #tpu.memory_space<vmem>> -> memref<1x1x128x32xf32, #tpu.memory_space<vmem>>
    %dma_start3A_38 = tpu.memref_squeeze %dma_start3A_37 : memref<1x1x128x32xf32, #tpu.memory_space<vmem>> -> memref<128x32xf32, #tpu.memory_space<vmem>>
    %dma_start3A_39 = arith.constant 0 : i32
    %dma_start3A_40 = tpu.memref_slice %arg6[%dma_start3A_31, %dma_start3A_32, %dma_start3A_39] : memref<2x4x128xi32, #tpu.memory_space<vmem>> -> memref<1x1x128xi32, #tpu.memory_space<vmem>>
    %dma_start3A_41 = tpu.memref_squeeze %dma_start3A_40 : memref<1x1x128xi32, #tpu.memory_space<vmem>> -> memref<128xi32, #tpu.memory_space<vmem>>
    %dma_start3A_42 = arith.constant 0 : i32
    %dma_start3A_43 = arith.constant 0 : i32
    %dma_start3A_44 = tpu.memref_slice %arg3[%dma_start3A_42, %dma_start3A_43] : memref<100000x32xf32, #tpu.memory_space<hbm>> -> memref<100000x32xf32, #tpu.memory_space<hbm>>
    tpu.enqueue_indirect_dma source(%dma_start3A_44 : memref<100000x32xf32, #tpu.memory_space<hbm>>) target(%dma_start3A_38 : memref<128x32xf32, #tpu.memory_space<vmem>>) offsets(%dma_start3A_41 : memref<128xi32, #tpu.memory_space<vmem>>) semaphore(%arg10 : memref<!tpu.dma_semaphore, #tpu.memory_space<semaphore_mem>>)
    %dma_start3A_45 = arith.constant 0 : i32
    %dma_start3A_46 = arith.constant 3 : i32
    %dma_start3A_47 = arith.constant 0 : i32
    %dma_start3A_48 = arith.constant 3 : i32
    %dma_start3A_49 = arith.constant 0 : i32
    %dma_start3A_50 = arith.constant 0 : i32
    %dma_start3A_51 = tpu.memref_slice %arg7[%dma_start3A_47, %dma_start3A_48, %dma_start3A_49, %dma_start3A_50] : memref<2x4x128x32xf32, #tpu.memory_space<vmem>> -> memref<1x1x128x32xf32, #tpu.memory_space<vmem>>
    %dma_start3A_52 = tpu.memref_squeeze %dma_start3A_51 : memref<1x1x128x32xf32, #tpu.memory_space<vmem>> -> memref<128x32xf32, #tpu.memory_space<vmem>>
    %dma_start3A_53 = arith.constant 0 : i32
    %dma_start3A_54 = tpu.memref_slice %arg6[%dma_start3A_45, %dma_start3A_46, %dma_start3A_53] : memref<2x4x128xi32, #tpu.memory_space<vmem>> -> memref<1x1x128xi32, #tpu.memory_space<vmem>>
    %dma_start3A_55 = tpu.memref_squeeze %dma_start3A_54 : memref<1x1x128xi32, #tpu.memory_space<vmem>> -> memref<128xi32, #tpu.memory_space<vmem>>
    %dma_start3A_56 = arith.constant 0 : i32
    %dma_start3A_57 = arith.constant 0 : i32
    %dma_start3A_58 = tpu.memref_slice %arg3[%dma_start3A_56, %dma_start3A_57] : memref<100000x32xf32, #tpu.memory_space<hbm>> -> memref<100000x32xf32, #tpu.memory_space<hbm>>
    tpu.enqueue_indirect_dma source(%dma_start3A_58 : memref<100000x32xf32, #tpu.memory_space<hbm>>) target(%dma_start3A_52 : memref<128x32xf32, #tpu.memory_space<vmem>>) offsets(%dma_start3A_55 : memref<128xi32, #tpu.memory_space<vmem>>) semaphore(%arg10 : memref<!tpu.dma_semaphore, #tpu.memory_space<semaphore_mem>>)
    %scan3A = arith.constant 0 : i32
    %scan3A_59 = arith.constant 0 : i32
    %scan3A_60 = arith.constant 25 : i32
    %scan3A_61 = arith.addi %scan3A_59, %scan3A_60 : i32
    %scan3A_62 = arith.constant 1 : i32
    scf.for %scan3A_703 = %scan3A_59 to %scan3A_61 step %scan3A_62  : i32 {
      %mul3A_704 = arith.constant 2 : i32
      %mul3A_705 = arith.muli %mul3A_704, %scan3A_703 : i32
      %add3A_706 = arith.constant 1 : i32
      %add3A_707 = arith.addi %mul3A_705, %add3A_706 : i32
      %mul3A_708 = arith.constant 4 : i32
      %mul3A_709 = arith.muli %add3A_707, %mul3A_708 : i32
      %run_scoped3A_710 = arith.constant 1 : i32
      "tpu.region"() ({
        %run_scoped3A_1643 = tpu.sem_alloc : memref<!tpu.dma_semaphore, #tpu.memory_space<semaphore_mem>>
        %dma_start3A_1644 = arith.constant 0 : i32
        %dma_start3A_1645 = arith.constant 0 : i32
        %dma_start3A_1646 = tpu.memref_slice %arg6[%run_scoped3A_710, %dma_start3A_1644, %dma_start3A_1645] : memref<2x4x128xi32, #tpu.memory_space<vmem>> -> memref<1x4x128xi32, #tpu.memory_space<vmem>>
        %dma_start3A_1647 = tpu.memref_squeeze %dma_start3A_1646 : memref<1x4x128xi32, #tpu.memory_space<vmem>> -> memref<4x128xi32, #tpu.memory_space<vmem>>
        %dma_start3A_1648 = tpu.memref_slice %arg2[%mul3A_709, %mul3A_2] : memref<200x4096xi32, #tpu.memory_space<hbm>> -> memref<4x128xi32, #tpu.memory_space<hbm>>
        %dma_start3A_1649 = arith.constant 0 : i32
        %dma_start3A_1650 = arith.constant 0 : i32
        %dma_start3A_1651 = tpu.memref_slice %arg6[%run_scoped3A_710, %dma_start3A_1649, %dma_start3A_1650] : memref<2x4x128xi32, #tpu.memory_space<vmem>> -> memref<1x4x128xi32, #tpu.memory_space<vmem>>
        %dma_start3A_1652 = tpu.memref_squeeze %dma_start3A_1651 : memref<1x4x128xi32, #tpu.memory_space<vmem>> -> memref<4x128xi32, #tpu.memory_space<vmem>>
        %dma_start3A_1653 = tpu.memref_slice %arg2[%mul3A_709, %mul3A_2] : memref<200x4096xi32, #tpu.memory_space<hbm>> -> memref<4x128xi32, #tpu.memory_space<hbm>>
        tpu.enqueue_dma source(%dma_start3A_1653 : memref<4x128xi32, #tpu.memory_space<hbm>>) target(%dma_start3A_1652 : memref<4x128xi32, #tpu.memory_space<vmem>>) target_semaphore(%run_scoped3A_1643 : memref<!tpu.dma_semaphore, #tpu.memory_space<semaphore_mem>>)
        %dma_wait3A_1654 = arith.constant 0 : i32
        %dma_wait3A_1655 = arith.constant 0 : i32
        %dma_wait3A_1656 = tpu.memref_slice %arg6[%run_scoped3A_710, %dma_wait3A_1654, %dma_wait3A_1655] : memref<2x4x128xi32, #tpu.memory_space<vmem>> -> memref<1x4x128xi32, #tpu.memory_space<vmem>>
        %dma_wait3A_1657 = tpu.memref_squeeze %dma_wait3A_1656 : memref<1x4x128xi32, #tpu.memory_space<vmem>> -> memref<4x128xi32, #tpu.memory_space<vmem>>
        %dma_wait3A_1658 = tpu.memref_slice %arg2[%mul3A_709, %mul3A_2] : memref<200x4096xi32, #tpu.memory_space<hbm>> -> memref<4x128xi32, #tpu.memory_space<hbm>>
        %dma_wait3A_1659 = arith.constant 0 : i32
        %dma_wait3A_1660 = arith.constant 0 : i32
        %dma_wait3A_1661 = tpu.memref_slice %arg6[%run_scoped3A_710, %dma_wait3A_1659, %dma_wait3A_1660] : memref<2x4x128xi32, #tpu.memory_space<vmem>> -> memref<1x4x128xi32, #tpu.memory_space<vmem>>
        %dma_wait3A_1662 = tpu.memref_squeeze %dma_wait3A_1661 : memref<1x4x128xi32, #tpu.memory_space<vmem>> -> memref<4x128xi32, #tpu.memory_space<vmem>>
        %dma_wait3A_1663 = tpu.memref_slice %arg2[%mul3A_709, %mul3A_2] : memref<200x4096xi32, #tpu.memory_space<hbm>> -> memref<4x128xi32, #tpu.memory_space<hbm>>
        tpu.wait_dma2 semaphore(%run_scoped3A_1643 : memref<!tpu.dma_semaphore, #tpu.memory_space<semaphore_mem>>) src(%dma_wait3A_1663 : memref<4x128xi32, #tpu.memory_space<hbm>>) dst(%dma_wait3A_1662 : memref<4x128xi32, #tpu.memory_space<vmem>>)
        tpu.yield
      }) : () -> ()
      %run_scoped3A_711 = arith.constant 1 : i32
      "tpu.region"() ({
        %run_scoped3A_1643 = tpu.sem_alloc : memref<!tpu.dma_semaphore, #tpu.memory_space<semaphore_mem>>
        %dma_start3A_1644 = arith.constant 0 : i32
        %dma_start3A_1645 = arith.constant 0 : i32
        %dma_start3A_1646 = tpu.memref_slice %arg9[%run_scoped3A_711, %dma_start3A_1644, %dma_start3A_1645] : memref<2x4x32xf32, #tpu.memory_space<vmem>> -> memref<1x4x32xf32, #tpu.memory_space<vmem>>
        %dma_start3A_1647 = tpu.memref_squeeze %dma_start3A_1646 : memref<1x4x32xf32, #tpu.memory_space<vmem>> -> memref<4x32xf32, #tpu.memory_space<vmem>>
        %dma_start3A_1648 = arith.constant 0 : i32
        %dma_start3A_1649 = tpu.memref_slice %arg4[%mul3A_709, %dma_start3A_1648] : memref<200x32xf32, #tpu.memory_space<hbm>> -> memref<4x32xf32, #tpu.memory_space<hbm>>
        %dma_start3A_1650 = arith.constant 0 : i32
        %dma_start3A_1651 = arith.constant 0 : i32
        %dma_start3A_1652 = tpu.memref_slice %arg9[%run_scoped3A_711, %dma_start3A_1650, %dma_start3A_1651] : memref<2x4x32xf32, #tpu.memory_space<vmem>> -> memref<1x4x32xf32, #tpu.memory_space<vmem>>
        %dma_start3A_1653 = tpu.memref_squeeze %dma_start3A_1652 : memref<1x4x32xf32, #tpu.memory_space<vmem>> -> memref<4x32xf32, #tpu.memory_space<vmem>>
        %dma_start3A_1654 = arith.constant 0 : i32
        %dma_start3A_1655 = tpu.memref_slice %arg4[%mul3A_709, %dma_start3A_1654] : memref<200x32xf32, #tpu.memory_space<hbm>> -> memref<4x32xf32, #tpu.memory_space<hbm>>
        tpu.enqueue_dma source(%dma_start3A_1655 : memref<4x32xf32, #tpu.memory_space<hbm>>) target(%dma_start3A_1653 : memref<4x32xf32, #tpu.memory_space<vmem>>) target_semaphore(%run_scoped3A_1643 : memref<!tpu.dma_semaphore, #tpu.memory_space<semaphore_mem>>)
        %dma_wait3A_1656 = arith.constant 0 : i32
        %dma_wait3A_1657 = arith.constant 0 : i32
        %dma_wait3A_1658 = tpu.memref_slice %arg9[%run_scoped3A_711, %dma_wait3A_1656, %dma_wait3A_1657] : memref<2x4x32xf32, #tpu.memory_space<vmem>> -> memref<1x4x32xf32, #tpu.memory_space<vmem>>
        %dma_wait3A_1659 = tpu.memref_squeeze %dma_wait3A_1658 : memref<1x4x32xf32, #tpu.memory_space<vmem>> -> memref<4x32xf32, #tpu.memory_space<vmem>>
        %dma_wait3A_1660 = arith.constant 0 : i32
        %dma_wait3A_1661 = tpu.memref_slice %arg4[%mul3A_709, %dma_wait3A_1660] : memref<200x32xf32, #tpu.memory_space<hbm>> -> memref<4x32xf32, #tpu.memory_space<hbm>>
        %dma_wait3A_1662 = arith.constant 0 : i32
        %dma_wait3A_1663 = arith.constant 0 : i32
        %dma_wait3A_1664 = tpu.memref_slice %arg9[%run_scoped3A_711, %dma_wait3A_1662, %dma_wait3A_1663] : memref<2x4x32xf32, #tpu.memory_space<vmem>> -> memref<1x4x32xf32, #tpu.memory_space<vmem>>
        %dma_wait3A_1665 = tpu.memref_squeeze %dma_wait3A_1664 : memref<1x4x32xf32, #tpu.memory_space<vmem>> -> memref<4x32xf32, #tpu.memory_space<vmem>>
        %dma_wait3A_1666 = arith.constant 0 : i32
        %dma_wait3A_1667 = tpu.memref_slice %arg4[%mul3A_709, %dma_wait3A_1666] : memref<200x32xf32, #tpu.memory_space<hbm>> -> memref<4x32xf32, #tpu.memory_space<hbm>>
        tpu.wait_dma2 semaphore(%run_scoped3A_1643 : memref<!tpu.dma_semaphore, #tpu.memory_space<semaphore_mem>>) src(%dma_wait3A_1667 : memref<4x32xf32, #tpu.memory_space<hbm>>) dst(%dma_wait3A_1665 : memref<4x32xf32, #tpu.memory_space<vmem>>)
        tpu.yield
      }) : () -> ()
      %dma_start3A_712 = arith.constant 1 : i32
      %dma_start3A_713 = arith.constant 0 : i32
      %dma_start3A_714 = arith.constant 1 : i32
      %dma_start3A_715 = arith.constant 0 : i32
      %dma_start3A_716 = arith.constant 0 : i32
      %dma_start3A_717 = arith.constant 0 : i32
      %dma_start3A_718 = tpu.memref_slice %arg7[%dma_start3A_714, %dma_start3A_715, %dma_start3A_716, %dma_start3A_717] : memref<2x4x128x32xf32, #tpu.memory_space<vmem>> -> memref<1x1x128x32xf32, #tpu.memory_space<vmem>>
      %dma_start3A_719 = tpu.memref_squeeze %dma_start3A_718 : memref<1x1x128x32xf32, #tpu.memory_space<vmem>> -> memref<128x32xf32, #tpu.memory_space<vmem>>
      %dma_start3A_720 = arith.constant 0 : i32
      %dma_start3A_721 = tpu.memref_slice %arg6[%dma_start3A_712, %dma_start3A_713, %dma_start3A_720] : memref<2x4x128xi32, #tpu.memory_space<vmem>> -> memref<1x1x128xi32, #tpu.memory_space<vmem>>
      %dma_start3A_722 = tpu.memref_squeeze %dma_start3A_721 : memref<1x1x128xi32, #tpu.memory_space<vmem>> -> memref<128xi32, #tpu.memory_space<vmem>>
      %dma_start3A_723 = arith.constant 0 : i32
      %dma_start3A_724 = arith.constant 0 : i32
      %dma_start3A_725 = tpu.memref_slice %arg3[%dma_start3A_723, %dma_start3A_724] : memref<100000x32xf32, #tpu.memory_space<hbm>> -> memref<100000x32xf32, #tpu.memory_space<hbm>>
      tpu.enqueue_indirect_dma source(%dma_start3A_725 : memref<100000x32xf32, #tpu.memory_space<hbm>>) target(%dma_start3A_719 : memref<128x32xf32, #tpu.memory_space<vmem>>) offsets(%dma_start3A_722 : memref<128xi32, #tpu.memory_space<vmem>>) semaphore(%arg11 : memref<!tpu.dma_semaphore, #tpu.memory_space<semaphore_mem>>)
      %dma_start3A_726 = arith.constant 1 : i32
      %dma_start3A_727 = arith.constant 1 : i32
      %dma_start3A_728 = arith.constant 1 : i32
      %dma_start3A_729 = arith.constant 1 : i32
      %dma_start3A_730 = arith.constant 0 : i32
      %dma_start3A_731 = arith.constant 0 : i32
      %dma_start3A_732 = tpu.memref_slice %arg7[%dma_start3A_728, %dma_start3A_729, %dma_start3A_730, %dma_start3A_731] : memref<2x4x128x32xf32, #tpu.memory_space<vmem>> -> memref<1x1x128x32xf32, #tpu.memory_space<vmem>>
      %dma_start3A_733 = tpu.memref_squeeze %dma_start3A_732 : memref<1x1x128x32xf32, #tpu.memory_space<vmem>> -> memref<128x32xf32, #tpu.memory_space<vmem>>
      %dma_start3A_734 = arith.constant 0 : i32
      %dma_start3A_735 = tpu.memref_slice %arg6[%dma_start3A_726, %dma_start3A_727, %dma_start3A_734] : memref<2x4x128xi32, #tpu.memory_space<vmem>> -> memref<1x1x128xi32, #tpu.memory_space<vmem>>
      %dma_start3A_736 = tpu.memref_squeeze %dma_start3A_735 : memref<1x1x128xi32, #tpu.memory_space<vmem>> -> memref<128xi32, #tpu.memory_space<vmem>>
      %dma_start3A_737 = arith.constant 0 : i32
      %dma_start3A_738 = arith.constant 0 : i32
      %dma_start3A_739 = tpu.memref_slice %arg3[%dma_start3A_737, %dma_start3A_738] : memref<100000x32xf32, #tpu.memory_space<hbm>> -> memref<100000x32xf32, #tpu.memory_space<hbm>>
      tpu.enqueue_indirect_dma source(%dma_start3A_739 : memref<100000x32xf32, #tpu.memory_space<hbm>>) target(%dma_start3A_733 : memref<128x32xf32, #tpu.memory_space<vmem>>) offsets(%dma_start3A_736 : memref<128xi32, #tpu.memory_space<vmem>>) semaphore(%arg11 : memref<!tpu.dma_semaphore, #tpu.memory_space<semaphore_mem>>)
      %dma_start3A_740 = arith.constant 1 : i32
      %dma_start3A_741 = arith.constant 2 : i32
      %dma_start3A_742 = arith.constant 1 : i32
      %dma_start3A_743 = arith.constant 2 : i32
      %dma_start3A_744 = arith.constant 0 : i32
      %dma_start3A_745 = arith.constant 0 : i32
      %dma_start3A_746 = tpu.memref_slice %arg7[%dma_start3A_742, %dma_start3A_743, %dma_start3A_744, %dma_start3A_745] : memref<2x4x128x32xf32, #tpu.memory_space<vmem>> -> memref<1x1x128x32xf32, #tpu.memory_space<vmem>>
      %dma_start3A_747 = tpu.memref_squeeze %dma_start3A_746 : memref<1x1x128x32xf32, #tpu.memory_space<vmem>> -> memref<128x32xf32, #tpu.memory_space<vmem>>
      %dma_start3A_748 = arith.constant 0 : i32
      %dma_start3A_749 = tpu.memref_slice %arg6[%dma_start3A_740, %dma_start3A_741, %dma_start3A_748] : memref<2x4x128xi32, #tpu.memory_space<vmem>> -> memref<1x1x128xi32, #tpu.memory_space<vmem>>
      %dma_start3A_750 = tpu.memref_squeeze %dma_start3A_749 : memref<1x1x128xi32, #tpu.memory_space<vmem>> -> memref<128xi32, #tpu.memory_space<vmem>>
      %dma_start3A_751 = arith.constant 0 : i32
      %dma_start3A_752 = arith.constant 0 : i32
      %dma_start3A_753 = tpu.memref_slice %arg3[%dma_start3A_751, %dma_start3A_752] : memref<100000x32xf32, #tpu.memory_space<hbm>> -> memref<100000x32xf32, #tpu.memory_space<hbm>>
      tpu.enqueue_indirect_dma source(%dma_start3A_753 : memref<100000x32xf32, #tpu.memory_space<hbm>>) target(%dma_start3A_747 : memref<128x32xf32, #tpu.memory_space<vmem>>) offsets(%dma_start3A_750 : memref<128xi32, #tpu.memory_space<vmem>>) semaphore(%arg11 : memref<!tpu.dma_semaphore, #tpu.memory_space<semaphore_mem>>)
      %dma_start3A_754 = arith.constant 1 : i32
      %dma_start3A_755 = arith.constant 3 : i32
      %dma_start3A_756 = arith.constant 1 : i32
      %dma_start3A_757 = arith.constant 3 : i32
      %dma_start3A_758 = arith.constant 0 : i32
      %dma_start3A_759 = arith.constant 0 : i32
      %dma_start3A_760 = tpu.memref_slice %arg7[%dma_start3A_756, %dma_start3A_757, %dma_start3A_758, %dma_start3A_759] : memref<2x4x128x32xf32, #tpu.memory_space<vmem>> -> memref<1x1x128x32xf32, #tpu.memory_space<vmem>>
      %dma_start3A_761 = tpu.memref_squeeze %dma_start3A_760 : memref<1x1x128x32xf32, #tpu.memory_space<vmem>> -> memref<128x32xf32, #tpu.memory_space<vmem>>
      %dma_start3A_762 = arith.constant 0 : i32
      %dma_start3A_763 = tpu.memref_slice %arg6[%dma_start3A_754, %dma_start3A_755, %dma_start3A_762] : memref<2x4x128xi32, #tpu.memory_space<vmem>> -> memref<1x1x128xi32, #tpu.memory_space<vmem>>
      %dma_start3A_764 = tpu.memref_squeeze %dma_start3A_763 : memref<1x1x128xi32, #tpu.memory_space<vmem>> -> memref<128xi32, #tpu.memory_space<vmem>>
      %dma_start3A_765 = arith.constant 0 : i32
      %dma_start3A_766 = arith.constant 0 : i32
      %dma_start3A_767 = tpu.memref_slice %arg3[%dma_start3A_765, %dma_start3A_766] : memref<100000x32xf32, #tpu.memory_space<hbm>> -> memref<100000x32xf32, #tpu.memory_space<hbm>>
      tpu.enqueue_indirect_dma source(%dma_start3A_767 : memref<100000x32xf32, #tpu.memory_space<hbm>>) target(%dma_start3A_761 : memref<128x32xf32, #tpu.memory_space<vmem>>) offsets(%dma_start3A_764 : memref<128xi32, #tpu.memory_space<vmem>>) semaphore(%arg11 : memref<!tpu.dma_semaphore, #tpu.memory_space<semaphore_mem>>)
      %ge3A = arith.constant 2 : i32
      %ge3A_768 = arith.cmpi sge, %mul3A_705, %ge3A : i32
      %convert_element_type3A = arith.extui %ge3A_768 : i1 to i32
      %cond3A = arith.constant 0 : i32
      %cond3A_769 = arith.cmpi ne, %convert_element_type3A, %cond3A : i32
      scf.if %cond3A_769 {
        %sub3A = arith.constant 2 : i32
        %sub3A_1643 = arith.subi %mul3A_705, %sub3A : i32
        %mul3A_1644 = arith.constant 4 : i32
        %mul3A_1645 = arith.muli %sub3A_1643, %mul3A_1644 : i32
        %add3A_1646 = arith.constant 0 : i32
        %add3A_1647 = arith.addi %mul3A_1645, %add3A_1646 : i32
        %dma_wait3A_1648 = arith.constant 0 : i32
        %dma_wait3A_1649 = arith.constant 0 : i32
        %dma_wait3A_1650 = arith.constant 0 : i32
        %dma_wait3A_1651 = arith.constant 0 : i32
        %dma_wait3A_1652 = arith.constant 0 : i32
        %dma_wait3A_1653 = tpu.memref_slice %arg8[%dma_wait3A_1648, %dma_wait3A_1649, %dma_wait3A_1651, %dma_wait3A_1652] : memref<2x4x32x129xf32, #tpu.memory_space<vmem>> -> memref<1x1x8x128xf32, #tpu.memory_space<vmem>>
        %dma_wait3A_1654 = tpu.memref_squeeze %dma_wait3A_1653 : memref<1x1x8x128xf32, #tpu.memory_space<vmem>> -> memref<8x128xf32, #tpu.memory_space<vmem>>
        %dma_wait3A_1655 = arith.constant 0 : i32
        %dma_wait3A_1656 = arith.constant 0 : i32
        %dma_wait3A_1657 = tpu.memref_slice %arg5[%add3A_1647, %dma_wait3A_1650, %add3A, %dma_wait3A_1655, %dma_wait3A_1656] : memref<200x4x32x8x128xf32, #tpu.memory_space<hbm>> -> memref<1x1x1x8x128xf32, #tpu.memory_space<hbm>>
        %dma_wait3A_1658 = tpu.memref_squeeze %dma_wait3A_1657 : memref<1x1x1x8x128xf32, #tpu.memory_space<hbm>> -> memref<8x128xf32, #tpu.memory_space<hbm>>
        %dma_wait3A_1659 = arith.constant 0 : i32
        %dma_wait3A_1660 = arith.constant 0 : i32
        %dma_wait3A_1661 = tpu.memref_slice %arg5[%add3A_1647, %dma_wait3A_1650, %add3A, %dma_wait3A_1659, %dma_wait3A_1660] : memref<200x4x32x8x128xf32, #tpu.memory_space<hbm>> -> memref<1x1x1x8x128xf32, #tpu.memory_space<hbm>>
        %dma_wait3A_1662 = tpu.memref_squeeze %dma_wait3A_1661 : memref<1x1x1x8x128xf32, #tpu.memory_space<hbm>> -> memref<8x128xf32, #tpu.memory_space<hbm>>
        %dma_wait3A_1663 = arith.constant 0 : i32
        %dma_wait3A_1664 = arith.constant 0 : i32
        %dma_wait3A_1665 = tpu.memref_slice %arg8[%dma_wait3A_1648, %dma_wait3A_1649, %dma_wait3A_1663, %dma_wait3A_1664] : memref<2x4x32x129xf32, #tpu.memory_space<vmem>> -> memref<1x1x8x128xf32, #tpu.memory_space<vmem>>
        %dma_wait3A_1666 = tpu.memref_squeeze %dma_wait3A_1665 : memref<1x1x8x128xf32, #tpu.memory_space<vmem>> -> memref<8x128xf32, #tpu.memory_space<vmem>>
        tpu.wait_dma2 semaphore(%arg12 : memref<!tpu.dma_semaphore, #tpu.memory_space<semaphore_mem>>) src(%dma_wait3A_1666 : memref<8x128xf32, #tpu.memory_space<vmem>>) dst(%dma_wait3A_1662 : memref<8x128xf32, #tpu.memory_space<hbm>>)
        %mul3A_1667 = arith.constant 4 : i32
        %mul3A_1668 = arith.muli %sub3A_1643, %mul3A_1667 : i32
        %add3A_1669 = arith.constant 0 : i32
        %add3A_1670 = arith.addi %mul3A_1668, %add3A_1669 : i32
        %dma_wait3A_1671 = arith.constant 0 : i32
        %dma_wait3A_1672 = arith.constant 0 : i32
        %dma_wait3A_1673 = arith.constant 1 : i32
        %dma_wait3A_1674 = arith.constant 8 : i32
        %dma_wait3A_1675 = arith.constant 0 : i32
        %dma_wait3A_1676 = tpu.memref_slice %arg8[%dma_wait3A_1671, %dma_wait3A_1672, %dma_wait3A_1674, %dma_wait3A_1675] : memref<2x4x32x129xf32, #tpu.memory_space<vmem>> -> memref<1x1x8x128xf32, #tpu.memory_space<vmem>>
        %dma_wait3A_1677 = tpu.memref_squeeze %dma_wait3A_1676 : memref<1x1x8x128xf32, #tpu.memory_space<vmem>> -> memref<8x128xf32, #tpu.memory_space<vmem>>
        %dma_wait3A_1678 = arith.constant 0 : i32
        %dma_wait3A_1679 = arith.constant 0 : i32
        %dma_wait3A_1680 = tpu.memref_slice %arg5[%add3A_1670, %dma_wait3A_1673, %add3A, %dma_wait3A_1678, %dma_wait3A_1679] : memref<200x4x32x8x128xf32, #tpu.memory_space<hbm>> -> memref<1x1x1x8x128xf32, #tpu.memory_space<hbm>>
        %dma_wait3A_1681 = tpu.memref_squeeze %dma_wait3A_1680 : memref<1x1x1x8x128xf32, #tpu.memory_space<hbm>> -> memref<8x128xf32, #tpu.memory_space<hbm>>
        %dma_wait3A_1682 = arith.constant 0 : i32
        %dma_wait3A_1683 = arith.constant 0 : i32
        %dma_wait3A_1684 = tpu.memref_slice %arg5[%add3A_1670, %dma_wait3A_1673, %add3A, %dma_wait3A_1682, %dma_wait3A_1683] : memref<200x4x32x8x128xf32, #tpu.memory_space<hbm>> -> memref<1x1x1x8x128xf32, #tpu.memory_space<hbm>>
        %dma_wait3A_1685 = tpu.memref_squeeze %dma_wait3A_1684 : memref<1x1x1x8x128xf32, #tpu.memory_space<hbm>> -> memref<8x128xf32, #tpu.memory_space<hbm>>
        %dma_wait3A_1686 = arith.constant 8 : i32
        %dma_wait3A_1687 = arith.constant 0 : i32
        %dma_wait3A_1688 = tpu.memref_slice %arg8[%dma_wait3A_1671, %dma_wait3A_1672, %dma_wait3A_1686, %dma_wait3A_1687] : memref<2x4x32x129xf32, #tpu.memory_space<vmem>> -> memref<1x1x8x128xf32, #tpu.memory_space<vmem>>
        %dma_wait3A_1689 = tpu.memref_squeeze %dma_wait3A_1688 : memref<1x1x8x128xf32, #tpu.memory_space<vmem>> -> memref<8x128xf32, #tpu.memory_space<vmem>>
        tpu.wait_dma2 semaphore(%arg12 : memref<!tpu.dma_semaphore, #tpu.memory_space<semaphore_mem>>) src(%dma_wait3A_1689 : memref<8x128xf32, #tpu.memory_space<vmem>>) dst(%dma_wait3A_1685 : memref<8x128xf32, #tpu.memory_space<hbm>>)
        %mul3A_1690 = arith.constant 4 : i32
        %mul3A_1691 = arith.muli %sub3A_1643, %mul3A_1690 : i32
        %add3A_1692 = arith.constant 0 : i32
        %add3A_1693 = arith.addi %mul3A_1691, %add3A_1692 : i32
        %dma_wait3A_1694 = arith.constant 0 : i32
        %dma_wait3A_1695 = arith.constant 0 : i32
        %dma_wait3A_1696 = arith.constant 2 : i32
        %dma_wait3A_1697 = arith.constant 16 : i32
        %dma_wait3A_1698 = arith.constant 0 : i32
        %dma_wait3A_1699 = tpu.memref_slice %arg8[%dma_wait3A_1694, %dma_wait3A_1695, %dma_wait3A_1697, %dma_wait3A_1698] : memref<2x4x32x129xf32, #tpu.memory_space<vmem>> -> memref<1x1x8x128xf32, #tpu.memory_space<vmem>>
        %dma_wait3A_1700 = tpu.memref_squeeze %dma_wait3A_1699 : memref<1x1x8x128xf32, #tpu.memory_space<vmem>> -> memref<8x128xf32, #tpu.memory_space<vmem>>
        %dma_wait3A_1701 = arith.constant 0 : i32
        %dma_wait3A_1702 = arith.constant 0 : i32
        %dma_wait3A_1703 = tpu.memref_slice %arg5[%add3A_1693, %dma_wait3A_1696, %add3A, %dma_wait3A_1701, %dma_wait3A_1702] : memref<200x4x32x8x128xf32, #tpu.memory_space<hbm>> -> memref<1x1x1x8x128xf32, #tpu.memory_space<hbm>>
        %dma_wait3A_1704 = tpu.memref_squeeze %dma_wait3A_1703 : memref<1x1x1x8x128xf32, #tpu.memory_space<hbm>> -> memref<8x128xf32, #tpu.memory_space<hbm>>
        %dma_wait3A_1705 = arith.constant 0 : i32
        %dma_wait3A_1706 = arith.constant 0 : i32
        %dma_wait3A_1707 = tpu.memref_slice %arg5[%add3A_1693, %dma_wait3A_1696, %add3A, %dma_wait3A_1705, %dma_wait3A_1706] : memref<200x4x32x8x128xf32, #tpu.memory_space<hbm>> -> memref<1x1x1x8x128xf32, #tpu.memory_space<hbm>>
        %dma_wait3A_1708 = tpu.memref_squeeze %dma_wait3A_1707 : memref<1x1x1x8x128xf32, #tpu.memory_space<hbm>> -> memref<8x128xf32, #tpu.memory_space<hbm>>
        %dma_wait3A_1709 = arith.constant 16 : i32
        %dma_wait3A_1710 = arith.constant 0 : i32
        %dma_wait3A_1711 = tpu.memref_slice %arg8[%dma_wait3A_1694, %dma_wait3A_1695, %dma_wait3A_1709, %dma_wait3A_1710] : memref<2x4x32x129xf32, #tpu.memory_space<vmem>> -> memref<1x1x8x128xf32, #tpu.memory_space<vmem>>
        %dma_wait3A_1712 = tpu.memref_squeeze %dma_wait3A_1711 : memref<1x1x8x128xf32, #tpu.memory_space<vmem>> -> memref<8x128xf32, #tpu.memory_space<vmem>>
        tpu.wait_dma2 semaphore(%arg12 : memref<!tpu.dma_semaphore, #tpu.memory_space<semaphore_mem>>) src(%dma_wait3A_1712 : memref<8x128xf32, #tpu.memory_space<vmem>>) dst(%dma_wait3A_1708 : memref<8x128xf32, #tpu.memory_space<hbm>>)
        %mul3A_1713 = arith.constant 4 : i32
        %mul3A_1714 = arith.muli %sub3A_1643, %mul3A_1713 : i32
        %add3A_1715 = arith.constant 0 : i32
        %add3A_1716 = arith.addi %mul3A_1714, %add3A_1715 : i32
        %dma_wait3A_1717 = arith.constant 0 : i32
        %dma_wait3A_1718 = arith.constant 0 : i32
        %dma_wait3A_1719 = arith.constant 3 : i32
        %dma_wait3A_1720 = arith.constant 24 : i32
        %dma_wait3A_1721 = arith.constant 0 : i32
        %dma_wait3A_1722 = tpu.memref_slice %arg8[%dma_wait3A_1717, %dma_wait3A_1718, %dma_wait3A_1720, %dma_wait3A_1721] : memref<2x4x32x129xf32, #tpu.memory_space<vmem>> -> memref<1x1x8x128xf32, #tpu.memory_space<vmem>>
        %dma_wait3A_1723 = tpu.memref_squeeze %dma_wait3A_1722 : memref<1x1x8x128xf32, #tpu.memory_space<vmem>> -> memref<8x128xf32, #tpu.memory_space<vmem>>
        %dma_wait3A_1724 = arith.constant 0 : i32
        %dma_wait3A_1725 = arith.constant 0 : i32
        %dma_wait3A_1726 = tpu.memref_slice %arg5[%add3A_1716, %dma_wait3A_1719, %add3A, %dma_wait3A_1724, %dma_wait3A_1725] : memref<200x4x32x8x128xf32, #tpu.memory_space<hbm>> -> memref<1x1x1x8x128xf32, #tpu.memory_space<hbm>>
        %dma_wait3A_1727 = tpu.memref_squeeze %dma_wait3A_1726 : memref<1x1x1x8x128xf32, #tpu.memory_space<hbm>> -> memref<8x128xf32, #tpu.memory_space<hbm>>
        %dma_wait3A_1728 = arith.constant 0 : i32
        %dma_wait3A_1729 = arith.constant 0 : i32
        %dma_wait3A_1730 = tpu.memref_slice %arg5[%add3A_1716, %dma_wait3A_1719, %add3A, %dma_wait3A_1728, %dma_wait3A_1729] : memref<200x4x32x8x128xf32, #tpu.memory_space<hbm>> -> memref<1x1x1x8x128xf32, #tpu.memory_space<hbm>>
        %dma_wait3A_1731 = tpu.memref_squeeze %dma_wait3A_1730 : memref<1x1x1x8x128xf32, #tpu.memory_space<hbm>> -> memref<8x128xf32, #tpu.memory_space<hbm>>
        %dma_wait3A_1732 = arith.constant 24 : i32
        %dma_wait3A_1733 = arith.constant 0 : i32
        %dma_wait3A_1734 = tpu.memref_slice %arg8[%dma_wait3A_1717, %dma_wait3A_1718, %dma_wait3A_1732, %dma_wait3A_1733] : memref<2x4x32x129xf32, #tpu.memory_space<vmem>> -> memref<1x1x8x128xf32, #tpu.memory_space<vmem>>
        %dma_wait3A_1735 = tpu.memref_squeeze %dma_wait3A_1734 : memref<1x1x8x128xf32, #tpu.memory_space<vmem>> -> memref<8x128xf32, #tpu.memory_space<vmem>>
        tpu.wait_dma2 semaphore(%arg12 : memref<!tpu.dma_semaphore, #tpu.memory_space<semaphore_mem>>) src(%dma_wait3A_1735 : memref<8x128xf32, #tpu.memory_space<vmem>>) dst(%dma_wait3A_1731 : memref<8x128xf32, #tpu.memory_space<hbm>>)
        %mul3A_1736 = arith.constant 4 : i32
        %mul3A_1737 = arith.muli %sub3A_1643, %mul3A_1736 : i32
        %add3A_1738 = arith.constant 1 : i32
        %add3A_1739 = arith.addi %mul3A_1737, %add3A_1738 : i32
        %dma_wait3A_1740 = arith.constant 0 : i32
        %dma_wait3A_1741 = arith.constant 1 : i32
        %dma_wait3A_1742 = arith.constant 0 : i32
        %dma_wait3A_1743 = arith.constant 0 : i32
        %dma_wait3A_1744 = arith.constant 0 : i32
        %dma_wait3A_1745 = tpu.memref_slice %arg8[%dma_wait3A_1740, %dma_wait3A_1741, %dma_wait3A_1743, %dma_wait3A_1744] : memref<2x4x32x129xf32, #tpu.memory_space<vmem>> -> memref<1x1x8x128xf32, #tpu.memory_space<vmem>>
        %dma_wait3A_1746 = tpu.memref_squeeze %dma_wait3A_1745 : memref<1x1x8x128xf32, #tpu.memory_space<vmem>> -> memref<8x128xf32, #tpu.memory_space<vmem>>
        %dma_wait3A_1747 = arith.constant 0 : i32
        %dma_wait3A_1748 = arith.constant 0 : i32
        %dma_wait3A_1749 = tpu.memref_slice %arg5[%add3A_1739, %dma_wait3A_1742, %add3A, %dma_wait3A_1747, %dma_wait3A_1748] : memref<200x4x32x8x128xf32, #tpu.memory_space<hbm>> -> memref<1x1x1x8x128xf32, #tpu.memory_space<hbm>>
        %dma_wait3A_1750 = tpu.memref_squeeze %dma_wait3A_1749 : memref<1x1x1x8x128xf32, #tpu.memory_space<hbm>> -> memref<8x128xf32, #tpu.memory_space<hbm>>
        %dma_wait3A_1751 = arith.constant 0 : i32
        %dma_wait3A_1752 = arith.constant 0 : i32
        %dma_wait3A_1753 = tpu.memref_slice %arg5[%add3A_1739, %dma_wait3A_1742, %add3A, %dma_wait3A_1751, %dma_wait3A_1752] : memref<200x4x32x8x128xf32, #tpu.memory_space<hbm>> -> memref<1x1x1x8x128xf32, #tpu.memory_space<hbm>>
        %dma_wait3A_1754 = tpu.memref_squeeze %dma_wait3A_1753 : memref<1x1x1x8x128xf32, #tpu.memory_space<hbm>> -> memref<8x128xf32, #tpu.memory_space<hbm>>
        %dma_wait3A_1755 = arith.constant 0 : i32
        %dma_wait3A_1756 = arith.constant 0 : i32
        %dma_wait3A_1757 = tpu.memref_slice %arg8[%dma_wait3A_1740, %dma_wait3A_1741, %dma_wait3A_1755, %dma_wait3A_1756] : memref<2x4x32x129xf32, #tpu.memory_space<vmem>> -> memref<1x1x8x128xf32, #tpu.memory_space<vmem>>
        %dma_wait3A_1758 = tpu.memref_squeeze %dma_wait3A_1757 : memref<1x1x8x128xf32, #tpu.memory_space<vmem>> -> memref<8x128xf32, #tpu.memory_space<vmem>>
        tpu.wait_dma2 semaphore(%arg12 : memref<!tpu.dma_semaphore, #tpu.memory_space<semaphore_mem>>) src(%dma_wait3A_1758 : memref<8x128xf32, #tpu.memory_space<vmem>>) dst(%dma_wait3A_1754 : memref<8x128xf32, #tpu.memory_space<hbm>>)
        %mul3A_1759 = arith.constant 4 : i32
        %mul3A_1760 = arith.muli %sub3A_1643, %mul3A_1759 : i32
        %add3A_1761 = arith.constant 1 : i32
        %add3A_1762 = arith.addi %mul3A_1760, %add3A_1761 : i32
        %dma_wait3A_1763 = arith.constant 0 : i32
        %dma_wait3A_1764 = arith.constant 1 : i32
        %dma_wait3A_1765 = arith.constant 1 : i32
        %dma_wait3A_1766 = arith.constant 8 : i32
        %dma_wait3A_1767 = arith.constant 0 : i32
        %dma_wait3A_1768 = tpu.memref_slice %arg8[%dma_wait3A_1763, %dma_wait3A_1764, %dma_wait3A_1766, %dma_wait3A_1767] : memref<2x4x32x129xf32, #tpu.memory_space<vmem>> -> memref<1x1x8x128xf32, #tpu.memory_space<vmem>>
        %dma_wait3A_1769 = tpu.memref_squeeze %dma_wait3A_1768 : memref<1x1x8x128xf32, #tpu.memory_space<vmem>> -> memref<8x128xf32, #tpu.memory_space<vmem>>
        %dma_wait3A_1770 = arith.constant 0 : i32
        %dma_wait3A_1771 = arith.constant 0 : i32
        %dma_wait3A_1772 = tpu.memref_slice %arg5[%add3A_1762, %dma_wait3A_1765, %add3A, %dma_wait3A_1770, %dma_wait3A_1771] : memref<200x4x32x8x128xf32, #tpu.memory_space<hbm>> -> memref<1x1x1x8x128xf32, #tpu.memory_space<hbm>>
        %dma_wait3A_1773 = tpu.memref_squeeze %dma_wait3A_1772 : memref<1x1x1x8x128xf32, #tpu.memory_space<hbm>> -> memref<8x128xf32, #tpu.memory_space<hbm>>
        %dma_wait3A_1774 = arith.constant 0 : i32
        %dma_wait3A_1775 = arith.constant 0 : i32
        %dma_wait3A_1776 = tpu.memref_slice %arg5[%add3A_1762, %dma_wait3A_1765, %add3A, %dma_wait3A_1774, %dma_wait3A_1775] : memref<200x4x32x8x128xf32, #tpu.memory_space<hbm>> -> memref<1x1x1x8x128xf32, #tpu.memory_space<hbm>>
        %dma_wait3A_1777 = tpu.memref_squeeze %dma_wait3A_1776 : memref<1x1x1x8x128xf32, #tpu.memory_space<hbm>> -> memref<8x128xf32, #tpu.memory_space<hbm>>
        %dma_wait3A_1778 = arith.constant 8 : i32
        %dma_wait3A_1779 = arith.constant 0 : i32
        %dma_wait3A_1780 = tpu.memref_slice %arg8[%dma_wait3A_1763, %dma_wait3A_1764, %dma_wait3A_1778, %dma_wait3A_1779] : memref<2x4x32x129xf32, #tpu.memory_space<vmem>> -> memref<1x1x8x128xf32, #tpu.memory_space<vmem>>
        %dma_wait3A_1781 = tpu.memref_squeeze %dma_wait3A_1780 : memref<1x1x8x128xf32, #tpu.memory_space<vmem>> -> memref<8x128xf32, #tpu.memory_space<vmem>>
        tpu.wait_dma2 semaphore(%arg12 : memref<!tpu.dma_semaphore, #tpu.memory_space<semaphore_mem>>) src(%dma_wait3A_1781 : memref<8x128xf32, #tpu.memory_space<vmem>>) dst(%dma_wait3A_1777 : memref<8x128xf32, #tpu.memory_space<hbm>>)
        %mul3A_1782 = arith.constant 4 : i32
        %mul3A_1783 = arith.muli %sub3A_1643, %mul3A_1782 : i32
        %add3A_1784 = arith.constant 1 : i32
        %add3A_1785 = arith.addi %mul3A_1783, %add3A_1784 : i32
        %dma_wait3A_1786 = arith.constant 0 : i32
        %dma_wait3A_1787 = arith.constant 1 : i32
        %dma_wait3A_1788 = arith.constant 2 : i32
        %dma_wait3A_1789 = arith.constant 16 : i32
        %dma_wait3A_1790 = arith.constant 0 : i32
        %dma_wait3A_1791 = tpu.memref_slice %arg8[%dma_wait3A_1786, %dma_wait3A_1787, %dma_wait3A_1789, %dma_wait3A_1790] : memref<2x4x32x129xf32, #tpu.memory_space<vmem>> -> memref<1x1x8x128xf32, #tpu.memory_space<vmem>>
        %dma_wait3A_1792 = tpu.memref_squeeze %dma_wait3A_1791 : memref<1x1x8x128xf32, #tpu.memory_space<vmem>> -> memref<8x128xf32, #tpu.memory_space<vmem>>
        %dma_wait3A_1793 = arith.constant 0 : i32
        %dma_wait3A_1794 = arith.constant 0 : i32
        %dma_wait3A_1795 = tpu.memref_slice %arg5[%add3A_1785, %dma_wait3A_1788, %add3A, %dma_wait3A_1793, %dma_wait3A_1794] : memref<200x4x32x8x128xf32, #tpu.memory_space<hbm>> -> memref<1x1x1x8x128xf32, #tpu.memory_space<hbm>>
        %dma_wait3A_1796 = tpu.memref_squeeze %dma_wait3A_1795 : memref<1x1x1x8x128xf32, #tpu.memory_space<hbm>> -> memref<8x128xf32, #tpu.memory_space<hbm>>
        %dma_wait3A_1797 = arith.constant 0 : i32
        %dma_wait3A_1798 = arith.constant 0 : i32
        %dma_wait3A_1799 = tpu.memref_slice %arg5[%add3A_1785, %dma_wait3A_1788, %add3A, %dma_wait3A_1797, %dma_wait3A_1798] : memref<200x4x32x8x128xf32, #tpu.memory_space<hbm>> -> memref<1x1x1x8x128xf32, #tpu.memory_space<hbm>>
        %dma_wait3A_1800 = tpu.memref_squeeze %dma_wait3A_1799 : memref<1x1x1x8x128xf32, #tpu.memory_space<hbm>> -> memref<8x128xf32, #tpu.memory_space<hbm>>
        %dma_wait3A_1801 = arith.constant 16 : i32
        %dma_wait3A_1802 = arith.constant 0 : i32
        %dma_wait3A_1803 = tpu.memref_slice %arg8[%dma_wait3A_1786, %dma_wait3A_1787, %dma_wait3A_1801, %dma_wait3A_1802] : memref<2x4x32x129xf32, #tpu.memory_space<vmem>> -> memref<1x1x8x128xf32, #tpu.memory_space<vmem>>
        %dma_wait3A_1804 = tpu.memref_squeeze %dma_wait3A_1803 : memref<1x1x8x128xf32, #tpu.memory_space<vmem>> -> memref<8x128xf32, #tpu.memory_space<vmem>>
        tpu.wait_dma2 semaphore(%arg12 : memref<!tpu.dma_semaphore, #tpu.memory_space<semaphore_mem>>) src(%dma_wait3A_1804 : memref<8x128xf32, #tpu.memory_space<vmem>>) dst(%dma_wait3A_1800 : memref<8x128xf32, #tpu.memory_space<hbm>>)
        %mul3A_1805 = arith.constant 4 : i32
        %mul3A_1806 = arith.muli %sub3A_1643, %mul3A_1805 : i32
        %add3A_1807 = arith.constant 1 : i32
        %add3A_1808 = arith.addi %mul3A_1806, %add3A_1807 : i32
        %dma_wait3A_1809 = arith.constant 0 : i32
        %dma_wait3A_1810 = arith.constant 1 : i32
        %dma_wait3A_1811 = arith.constant 3 : i32
        %dma_wait3A_1812 = arith.constant 24 : i32
        %dma_wait3A_1813 = arith.constant 0 : i32
        %dma_wait3A_1814 = tpu.memref_slice %arg8[%dma_wait3A_1809, %dma_wait3A_1810, %dma_wait3A_1812, %dma_wait3A_1813] : memref<2x4x32x129xf32, #tpu.memory_space<vmem>> -> memref<1x1x8x128xf32, #tpu.memory_space<vmem>>
        %dma_wait3A_1815 = tpu.memref_squeeze %dma_wait3A_1814 : memref<1x1x8x128xf32, #tpu.memory_space<vmem>> -> memref<8x128xf32, #tpu.memory_space<vmem>>
        %dma_wait3A_1816 = arith.constant 0 : i32
        %dma_wait3A_1817 = arith.constant 0 : i32
        %dma_wait3A_1818 = tpu.memref_slice %arg5[%add3A_1808, %dma_wait3A_1811, %add3A, %dma_wait3A_1816, %dma_wait3A_1817] : memref<200x4x32x8x128xf32, #tpu.memory_space<hbm>> -> memref<1x1x1x8x128xf32, #tpu.memory_space<hbm>>
        %dma_wait3A_1819 = tpu.memref_squeeze %dma_wait3A_1818 : memref<1x1x1x8x128xf32, #tpu.memory_space<hbm>> -> memref<8x128xf32, #tpu.memory_space<hbm>>
        %dma_wait3A_1820 = arith.constant 0 : i32
        %dma_wait3A_1821 = arith.constant 0 : i32
        %dma_wait3A_1822 = tpu.memref_slice %arg5[%add3A_1808, %dma_wait3A_1811, %add3A, %dma_wait3A_1820, %dma_wait3A_1821] : memref<200x4x32x8x128xf32, #tpu.memory_space<hbm>> -> memref<1x1x1x8x128xf32, #tpu.memory_space<hbm>>
        %dma_wait3A_1823 = tpu.memref_squeeze %dma_wait3A_1822 : memref<1x1x1x8x128xf32, #tpu.memory_space<hbm>> -> memref<8x128xf32, #tpu.memory_space<hbm>>
        %dma_wait3A_1824 = arith.constant 24 : i32
        %dma_wait3A_1825 = arith.constant 0 : i32
        %dma_wait3A_1826 = tpu.memref_slice %arg8[%dma_wait3A_1809, %dma_wait3A_1810, %dma_wait3A_1824, %dma_wait3A_1825] : memref<2x4x32x129xf32, #tpu.memory_space<vmem>> -> memref<1x1x8x128xf32, #tpu.memory_space<vmem>>
        %dma_wait3A_1827 = tpu.memref_squeeze %dma_wait3A_1826 : memref<1x1x8x128xf32, #tpu.memory_space<vmem>> -> memref<8x128xf32, #tpu.memory_space<vmem>>
        tpu.wait_dma2 semaphore(%arg12 : memref<!tpu.dma_semaphore, #tpu.memory_space<semaphore_mem>>) src(%dma_wait3A_1827 : memref<8x128xf32, #tpu.memory_space<vmem>>) dst(%dma_wait3A_1823 : memref<8x128xf32, #tpu.memory_space<hbm>>)
        %mul3A_1828 = arith.constant 4 : i32
        %mul3A_1829 = arith.muli %sub3A_1643, %mul3A_1828 : i32
        %add3A_1830 = arith.constant 2 : i32
        %add3A_1831 = arith.addi %mul3A_1829, %add3A_1830 : i32
        %dma_wait3A_1832 = arith.constant 0 : i32
        %dma_wait3A_1833 = arith.constant 2 : i32
        %dma_wait3A_1834 = arith.constant 0 : i32
        %dma_wait3A_1835 = arith.constant 0 : i32
        %dma_wait3A_1836 = arith.constant 0 : i32
        %dma_wait3A_1837 = tpu.memref_slice %arg8[%dma_wait3A_1832, %dma_wait3A_1833, %dma_wait3A_1835, %dma_wait3A_1836] : memref<2x4x32x129xf32, #tpu.memory_space<vmem>> -> memref<1x1x8x128xf32, #tpu.memory_space<vmem>>
        %dma_wait3A_1838 = tpu.memref_squeeze %dma_wait3A_1837 : memref<1x1x8x128xf32, #tpu.memory_space<vmem>> -> memref<8x128xf32, #tpu.memory_space<vmem>>
        %dma_wait3A_1839 = arith.constant 0 : i32
        %dma_wait3A_1840 = arith.constant 0 : i32
        %dma_wait3A_1841 = tpu.memref_slice %arg5[%add3A_1831, %dma_wait3A_1834, %add3A, %dma_wait3A_1839, %dma_wait3A_1840] : memref<200x4x32x8x128xf32, #tpu.memory_space<hbm>> -> memref<1x1x1x8x128xf32, #tpu.memory_space<hbm>>
        %dma_wait3A_1842 = tpu.memref_squeeze %dma_wait3A_1841 : memref<1x1x1x8x128xf32, #tpu.memory_space<hbm>> -> memref<8x128xf32, #tpu.memory_space<hbm>>
        %dma_wait3A_1843 = arith.constant 0 : i32
        %dma_wait3A_1844 = arith.constant 0 : i32
        %dma_wait3A_1845 = tpu.memref_slice %arg5[%add3A_1831, %dma_wait3A_1834, %add3A, %dma_wait3A_1843, %dma_wait3A_1844] : memref<200x4x32x8x128xf32, #tpu.memory_space<hbm>> -> memref<1x1x1x8x128xf32, #tpu.memory_space<hbm>>
        %dma_wait3A_1846 = tpu.memref_squeeze %dma_wait3A_1845 : memref<1x1x1x8x128xf32, #tpu.memory_space<hbm>> -> memref<8x128xf32, #tpu.memory_space<hbm>>
        %dma_wait3A_1847 = arith.constant 0 : i32
        %dma_wait3A_1848 = arith.constant 0 : i32
        %dma_wait3A_1849 = tpu.memref_slice %arg8[%dma_wait3A_1832, %dma_wait3A_1833, %dma_wait3A_1847, %dma_wait3A_1848] : memref<2x4x32x129xf32, #tpu.memory_space<vmem>> -> memref<1x1x8x128xf32, #tpu.memory_space<vmem>>
        %dma_wait3A_1850 = tpu.memref_squeeze %dma_wait3A_1849 : memref<1x1x8x128xf32, #tpu.memory_space<vmem>> -> memref<8x128xf32, #tpu.memory_space<vmem>>
        tpu.wait_dma2 semaphore(%arg12 : memref<!tpu.dma_semaphore, #tpu.memory_space<semaphore_mem>>) src(%dma_wait3A_1850 : memref<8x128xf32, #tpu.memory_space<vmem>>) dst(%dma_wait3A_1846 : memref<8x128xf32, #tpu.memory_space<hbm>>)
        %mul3A_1851 = arith.constant 4 : i32
        %mul3A_1852 = arith.muli %sub3A_1643, %mul3A_1851 : i32
        %add3A_1853 = arith.constant 2 : i32
        %add3A_1854 = arith.addi %mul3A_1852, %add3A_1853 : i32
        %dma_wait3A_1855 = arith.constant 0 : i32
        %dma_wait3A_1856 = arith.constant 2 : i32
        %dma_wait3A_1857 = arith.constant 1 : i32
        %dma_wait3A_1858 = arith.constant 8 : i32
        %dma_wait3A_1859 = arith.constant 0 : i32
        %dma_wait3A_1860 = tpu.memref_slice %arg8[%dma_wait3A_1855, %dma_wait3A_1856, %dma_wait3A_1858, %dma_wait3A_1859] : memref<2x4x32x129xf32, #tpu.memory_space<vmem>> -> memref<1x1x8x128xf32, #tpu.memory_space<vmem>>
        %dma_wait3A_1861 = tpu.memref_squeeze %dma_wait3A_1860 : memref<1x1x8x128xf32, #tpu.memory_space<vmem>> -> memref<8x128xf32, #tpu.memory_space<vmem>>
        %dma_wait3A_1862 = arith.constant 0 : i32
        %dma_wait3A_1863 = arith.constant 0 : i32
        %dma_wait3A_1864 = tpu.memref_slice %arg5[%add3A_1854, %dma_wait3A_1857, %add3A, %dma_wait3A_1862, %dma_wait3A_1863] : memref<200x4x32x8x128xf32, #tpu.memory_space<hbm>> -> memref<1x1x1x8x128xf32, #tpu.memory_space<hbm>>
        %dma_wait3A_1865 = tpu.memref_squeeze %dma_wait3A_1864 : memref<1x1x1x8x128xf32, #tpu.memory_space<hbm>> -> memref<8x128xf32, #tpu.memory_space<hbm>>
        %dma_wait3A_1866 = arith.constant 0 : i32
        %dma_wait3A_1867 = arith.constant 0 : i32
        %dma_wait3A_1868 = tpu.memref_slice %arg5[%add3A_1854, %dma_wait3A_1857, %add3A, %dma_wait3A_1866, %dma_wait3A_1867] : memref<200x4x32x8x128xf32, #tpu.memory_space<hbm>> -> memref<1x1x1x8x128xf32, #tpu.memory_space<hbm>>
        %dma_wait3A_1869 = tpu.memref_squeeze %dma_wait3A_1868 : memref<1x1x1x8x128xf32, #tpu.memory_space<hbm>> -> memref<8x128xf32, #tpu.memory_space<hbm>>
        %dma_wait3A_1870 = arith.constant 8 : i32
        %dma_wait3A_1871 = arith.constant 0 : i32
        %dma_wait3A_1872 = tpu.memref_slice %arg8[%dma_wait3A_1855, %dma_wait3A_1856, %dma_wait3A_1870, %dma_wait3A_1871] : memref<2x4x32x129xf32, #tpu.memory_space<vmem>> -> memref<1x1x8x128xf32, #tpu.memory_space<vmem>>
        %dma_wait3A_1873 = tpu.memref_squeeze %dma_wait3A_1872 : memref<1x1x8x128xf32, #tpu.memory_space<vmem>> -> memref<8x128xf32, #tpu.memory_space<vmem>>
        tpu.wait_dma2 semaphore(%arg12 : memref<!tpu.dma_semaphore, #tpu.memory_space<semaphore_mem>>) src(%dma_wait3A_1873 : memref<8x128xf32, #tpu.memory_space<vmem>>) dst(%dma_wait3A_1869 : memref<8x128xf32, #tpu.memory_space<hbm>>)
        %mul3A_1874 = arith.constant 4 : i32
        %mul3A_1875 = arith.muli %sub3A_1643, %mul3A_1874 : i32
        %add3A_1876 = arith.constant 2 : i32
        %add3A_1877 = arith.addi %mul3A_1875, %add3A_1876 : i32
        %dma_wait3A_1878 = arith.constant 0 : i32
        %dma_wait3A_1879 = arith.constant 2 : i32
        %dma_wait3A_1880 = arith.constant 2 : i32
        %dma_wait3A_1881 = arith.constant 16 : i32
        %dma_wait3A_1882 = arith.constant 0 : i32
        %dma_wait3A_1883 = tpu.memref_slice %arg8[%dma_wait3A_1878, %dma_wait3A_1879, %dma_wait3A_1881, %dma_wait3A_1882] : memref<2x4x32x129xf32, #tpu.memory_space<vmem>> -> memref<1x1x8x128xf32, #tpu.memory_space<vmem>>
        %dma_wait3A_1884 = tpu.memref_squeeze %dma_wait3A_1883 : memref<1x1x8x128xf32, #tpu.memory_space<vmem>> -> memref<8x128xf32, #tpu.memory_space<vmem>>
        %dma_wait3A_1885 = arith.constant 0 : i32
        %dma_wait3A_1886 = arith.constant 0 : i32
        %dma_wait3A_1887 = tpu.memref_slice %arg5[%add3A_1877, %dma_wait3A_1880, %add3A, %dma_wait3A_1885, %dma_wait3A_1886] : memref<200x4x32x8x128xf32, #tpu.memory_space<hbm>> -> memref<1x1x1x8x128xf32, #tpu.memory_space<hbm>>
        %dma_wait3A_1888 = tpu.memref_squeeze %dma_wait3A_1887 : memref<1x1x1x8x128xf32, #tpu.memory_space<hbm>> -> memref<8x128xf32, #tpu.memory_space<hbm>>
        %dma_wait3A_1889 = arith.constant 0 : i32
        %dma_wait3A_1890 = arith.constant 0 : i32
        %dma_wait3A_1891 = tpu.memref_slice %arg5[%add3A_1877, %dma_wait3A_1880, %add3A, %dma_wait3A_1889, %dma_wait3A_1890] : memref<200x4x32x8x128xf32, #tpu.memory_space<hbm>> -> memref<1x1x1x8x128xf32, #tpu.memory_space<hbm>>
        %dma_wait3A_1892 = tpu.memref_squeeze %dma_wait3A_1891 : memref<1x1x1x8x128xf32, #tpu.memory_space<hbm>> -> memref<8x128xf32, #tpu.memory_space<hbm>>
        %dma_wait3A_1893 = arith.constant 16 : i32
        %dma_wait3A_1894 = arith.constant 0 : i32
        %dma_wait3A_1895 = tpu.memref_slice %arg8[%dma_wait3A_1878, %dma_wait3A_1879, %dma_wait3A_1893, %dma_wait3A_1894] : memref<2x4x32x129xf32, #tpu.memory_space<vmem>> -> memref<1x1x8x128xf32, #tpu.memory_space<vmem>>
        %dma_wait3A_1896 = tpu.memref_squeeze %dma_wait3A_1895 : memref<1x1x8x128xf32, #tpu.memory_space<vmem>> -> memref<8x128xf32, #tpu.memory_space<vmem>>
        tpu.wait_dma2 semaphore(%arg12 : memref<!tpu.dma_semaphore, #tpu.memory_space<semaphore_mem>>) src(%dma_wait3A_1896 : memref<8x128xf32, #tpu.memory_space<vmem>>) dst(%dma_wait3A_1892 : memref<8x128xf32, #tpu.memory_space<hbm>>)
        %mul3A_1897 = arith.constant 4 : i32
        %mul3A_1898 = arith.muli %sub3A_1643, %mul3A_1897 : i32
        %add3A_1899 = arith.constant 2 : i32
        %add3A_1900 = arith.addi %mul3A_1898, %add3A_1899 : i32
        %dma_wait3A_1901 = arith.constant 0 : i32
        %dma_wait3A_1902 = arith.constant 2 : i32
        %dma_wait3A_1903 = arith.constant 3 : i32
        %dma_wait3A_1904 = arith.constant 24 : i32
        %dma_wait3A_1905 = arith.constant 0 : i32
        %dma_wait3A_1906 = tpu.memref_slice %arg8[%dma_wait3A_1901, %dma_wait3A_1902, %dma_wait3A_1904, %dma_wait3A_1905] : memref<2x4x32x129xf32, #tpu.memory_space<vmem>> -> memref<1x1x8x128xf32, #tpu.memory_space<vmem>>
        %dma_wait3A_1907 = tpu.memref_squeeze %dma_wait3A_1906 : memref<1x1x8x128xf32, #tpu.memory_space<vmem>> -> memref<8x128xf32, #tpu.memory_space<vmem>>
        %dma_wait3A_1908 = arith.constant 0 : i32
        %dma_wait3A_1909 = arith.constant 0 : i32
        %dma_wait3A_1910 = tpu.memref_slice %arg5[%add3A_1900, %dma_wait3A_1903, %add3A, %dma_wait3A_1908, %dma_wait3A_1909] : memref<200x4x32x8x128xf32, #tpu.memory_space<hbm>> -> memref<1x1x1x8x128xf32, #tpu.memory_space<hbm>>
        %dma_wait3A_1911 = tpu.memref_squeeze %dma_wait3A_1910 : memref<1x1x1x8x128xf32, #tpu.memory_space<hbm>> -> memref<8x128xf32, #tpu.memory_space<hbm>>
        %dma_wait3A_1912 = arith.constant 0 : i32
        %dma_wait3A_1913 = arith.constant 0 : i32
        %dma_wait3A_1914 = tpu.memref_slice %arg5[%add3A_1900, %dma_wait3A_1903, %add3A, %dma_wait3A_1912, %dma_wait3A_1913] : memref<200x4x32x8x128xf32, #tpu.memory_space<hbm>> -> memref<1x1x1x8x128xf32, #tpu.memory_space<hbm>>
        %dma_wait3A_1915 = tpu.memref_squeeze %dma_wait3A_1914 : memref<1x1x1x8x128xf32, #tpu.memory_space<hbm>> -> memref<8x128xf32, #tpu.memory_space<hbm>>
        %dma_wait3A_1916 = arith.constant 24 : i32
        %dma_wait3A_1917 = arith.constant 0 : i32
        %dma_wait3A_1918 = tpu.memref_slice %arg8[%dma_wait3A_1901, %dma_wait3A_1902, %dma_wait3A_1916, %dma_wait3A_1917] : memref<2x4x32x129xf32, #tpu.memory_space<vmem>> -> memref<1x1x8x128xf32, #tpu.memory_space<vmem>>
        %dma_wait3A_1919 = tpu.memref_squeeze %dma_wait3A_1918 : memref<1x1x8x128xf32, #tpu.memory_space<vmem>> -> memref<8x128xf32, #tpu.memory_space<vmem>>
        tpu.wait_dma2 semaphore(%arg12 : memref<!tpu.dma_semaphore, #tpu.memory_space<semaphore_mem>>) src(%dma_wait3A_1919 : memref<8x128xf32, #tpu.memory_space<vmem>>) dst(%dma_wait3A_1915 : memref<8x128xf32, #tpu.memory_space<hbm>>)
        %mul3A_1920 = arith.constant 4 : i32
        %mul3A_1921 = arith.muli %sub3A_1643, %mul3A_1920 : i32
        %add3A_1922 = arith.constant 3 : i32
        %add3A_1923 = arith.addi %mul3A_1921, %add3A_1922 : i32
        %dma_wait3A_1924 = arith.constant 0 : i32
        %dma_wait3A_1925 = arith.constant 3 : i32
        %dma_wait3A_1926 = arith.constant 0 : i32
        %dma_wait3A_1927 = arith.constant 0 : i32
        %dma_wait3A_1928 = arith.constant 0 : i32
        %dma_wait3A_1929 = tpu.memref_slice %arg8[%dma_wait3A_1924, %dma_wait3A_1925, %dma_wait3A_1927, %dma_wait3A_1928] : memref<2x4x32x129xf32, #tpu.memory_space<vmem>> -> memref<1x1x8x128xf32, #tpu.memory_space<vmem>>
        %dma_wait3A_1930 = tpu.memref_squeeze %dma_wait3A_1929 : memref<1x1x8x128xf32, #tpu.memory_space<vmem>> -> memref<8x128xf32, #tpu.memory_space<vmem>>
        %dma_wait3A_1931 = arith.constant 0 : i32
        %dma_wait3A_1932 = arith.constant 0 : i32
        %dma_wait3A_1933 = tpu.memref_slice %arg5[%add3A_1923, %dma_wait3A_1926, %add3A, %dma_wait3A_1931, %dma_wait3A_1932] : memref<200x4x32x8x128xf32, #tpu.memory_space<hbm>> -> memref<1x1x1x8x128xf32, #tpu.memory_space<hbm>>
        %dma_wait3A_1934 = tpu.memref_squeeze %dma_wait3A_1933 : memref<1x1x1x8x128xf32, #tpu.memory_space<hbm>> -> memref<8x128xf32, #tpu.memory_space<hbm>>
        %dma_wait3A_1935 = arith.constant 0 : i32
        %dma_wait3A_1936 = arith.constant 0 : i32
        %dma_wait3A_1937 = tpu.memref_slice %arg5[%add3A_1923, %dma_wait3A_1926, %add3A, %dma_wait3A_1935, %dma_wait3A_1936] : memref<200x4x32x8x128xf32, #tpu.memory_space<hbm>> -> memref<1x1x1x8x128xf32, #tpu.memory_space<hbm>>
        %dma_wait3A_1938 = tpu.memref_squeeze %dma_wait3A_1937 : memref<1x1x1x8x128xf32, #tpu.memory_space<hbm>> -> memref<8x128xf32, #tpu.memory_space<hbm>>
        %dma_wait3A_1939 = arith.constant 0 : i32
        %dma_wait3A_1940 = arith.constant 0 : i32
        %dma_wait3A_1941 = tpu.memref_slice %arg8[%dma_wait3A_1924, %dma_wait3A_1925, %dma_wait3A_1939, %dma_wait3A_1940] : memref<2x4x32x129xf32, #tpu.memory_space<vmem>> -> memref<1x1x8x128xf32, #tpu.memory_space<vmem>>
        %dma_wait3A_1942 = tpu.memref_squeeze %dma_wait3A_1941 : memref<1x1x8x128xf32, #tpu.memory_space<vmem>> -> memref<8x128xf32, #tpu.memory_space<vmem>>
        tpu.wait_dma2 semaphore(%arg12 : memref<!tpu.dma_semaphore, #tpu.memory_space<semaphore_mem>>) src(%dma_wait3A_1942 : memref<8x128xf32, #tpu.memory_space<vmem>>) dst(%dma_wait3A_1938 : memref<8x128xf32, #tpu.memory_space<hbm>>)
        %mul3A_1943 = arith.constant 4 : i32
        %mul3A_1944 = arith.muli %sub3A_1643, %mul3A_1943 : i32
        %add3A_1945 = arith.constant 3 : i32
        %add3A_1946 = arith.addi %mul3A_1944, %add3A_1945 : i32
        %dma_wait3A_1947 = arith.constant 0 : i32
        %dma_wait3A_1948 = arith.constant 3 : i32
        %dma_wait3A_1949 = arith.constant 1 : i32
        %dma_wait3A_1950 = arith.constant 8 : i32
        %dma_wait3A_1951 = arith.constant 0 : i32
        %dma_wait3A_1952 = tpu.memref_slice %arg8[%dma_wait3A_1947, %dma_wait3A_1948, %dma_wait3A_1950, %dma_wait3A_1951] : memref<2x4x32x129xf32, #tpu.memory_space<vmem>> -> memref<1x1x8x128xf32, #tpu.memory_space<vmem>>
        %dma_wait3A_1953 = tpu.memref_squeeze %dma_wait3A_1952 : memref<1x1x8x128xf32, #tpu.memory_space<vmem>> -> memref<8x128xf32, #tpu.memory_space<vmem>>
        %dma_wait3A_1954 = arith.constant 0 : i32
        %dma_wait3A_1955 = arith.constant 0 : i32
        %dma_wait3A_1956 = tpu.memref_slice %arg5[%add3A_1946, %dma_wait3A_1949, %add3A, %dma_wait3A_1954, %dma_wait3A_1955] : memref<200x4x32x8x128xf32, #tpu.memory_space<hbm>> -> memref<1x1x1x8x128xf32, #tpu.memory_space<hbm>>
        %dma_wait3A_1957 = tpu.memref_squeeze %dma_wait3A_1956 : memref<1x1x1x8x128xf32, #tpu.memory_space<hbm>> -> memref<8x128xf32, #tpu.memory_space<hbm>>
        %dma_wait3A_1958 = arith.constant 0 : i32
        %dma_wait3A_1959 = arith.constant 0 : i32
        %dma_wait3A_1960 = tpu.memref_slice %arg5[%add3A_1946, %dma_wait3A_1949, %add3A, %dma_wait3A_1958, %dma_wait3A_1959] : memref<200x4x32x8x128xf32, #tpu.memory_space<hbm>> -> memref<1x1x1x8x128xf32, #tpu.memory_space<hbm>>
        %dma_wait3A_1961 = tpu.memref_squeeze %dma_wait3A_1960 : memref<1x1x1x8x128xf32, #tpu.memory_space<hbm>> -> memref<8x128xf32, #tpu.memory_space<hbm>>
        %dma_wait3A_1962 = arith.constant 8 : i32
        %dma_wait3A_1963 = arith.constant 0 : i32
        %dma_wait3A_1964 = tpu.memref_slice %arg8[%dma_wait3A_1947, %dma_wait3A_1948, %dma_wait3A_1962, %dma_wait3A_1963] : memref<2x4x32x129xf32, #tpu.memory_space<vmem>> -> memref<1x1x8x128xf32, #tpu.memory_space<vmem>>
        %dma_wait3A_1965 = tpu.memref_squeeze %dma_wait3A_1964 : memref<1x1x8x128xf32, #tpu.memory_space<vmem>> -> memref<8x128xf32, #tpu.memory_space<vmem>>
        tpu.wait_dma2 semaphore(%arg12 : memref<!tpu.dma_semaphore, #tpu.memory_space<semaphore_mem>>) src(%dma_wait3A_1965 : memref<8x128xf32, #tpu.memory_space<vmem>>) dst(%dma_wait3A_1961 : memref<8x128xf32, #tpu.memory_space<hbm>>)
        %mul3A_1966 = arith.constant 4 : i32
        %mul3A_1967 = arith.muli %sub3A_1643, %mul3A_1966 : i32
        %add3A_1968 = arith.constant 3 : i32
        %add3A_1969 = arith.addi %mul3A_1967, %add3A_1968 : i32
        %dma_wait3A_1970 = arith.constant 0 : i32
        %dma_wait3A_1971 = arith.constant 3 : i32
        %dma_wait3A_1972 = arith.constant 2 : i32
        %dma_wait3A_1973 = arith.constant 16 : i32
        %dma_wait3A_1974 = arith.constant 0 : i32
        %dma_wait3A_1975 = tpu.memref_slice %arg8[%dma_wait3A_1970, %dma_wait3A_1971, %dma_wait3A_1973, %dma_wait3A_1974] : memref<2x4x32x129xf32, #tpu.memory_space<vmem>> -> memref<1x1x8x128xf32, #tpu.memory_space<vmem>>
        %dma_wait3A_1976 = tpu.memref_squeeze %dma_wait3A_1975 : memref<1x1x8x128xf32, #tpu.memory_space<vmem>> -> memref<8x128xf32, #tpu.memory_space<vmem>>
        %dma_wait3A_1977 = arith.constant 0 : i32
        %dma_wait3A_1978 = arith.constant 0 : i32
        %dma_wait3A_1979 = tpu.memref_slice %arg5[%add3A_1969, %dma_wait3A_1972, %add3A, %dma_wait3A_1977, %dma_wait3A_1978] : memref<200x4x32x8x128xf32, #tpu.memory_space<hbm>> -> memref<1x1x1x8x128xf32, #tpu.memory_space<hbm>>
        %dma_wait3A_1980 = tpu.memref_squeeze %dma_wait3A_1979 : memref<1x1x1x8x128xf32, #tpu.memory_space<hbm>> -> memref<8x128xf32, #tpu.memory_space<hbm>>
        %dma_wait3A_1981 = arith.constant 0 : i32
        %dma_wait3A_1982 = arith.constant 0 : i32
        %dma_wait3A_1983 = tpu.memref_slice %arg5[%add3A_1969, %dma_wait3A_1972, %add3A, %dma_wait3A_1981, %dma_wait3A_1982] : memref<200x4x32x8x128xf32, #tpu.memory_space<hbm>> -> memref<1x1x1x8x128xf32, #tpu.memory_space<hbm>>
        %dma_wait3A_1984 = tpu.memref_squeeze %dma_wait3A_1983 : memref<1x1x1x8x128xf32, #tpu.memory_space<hbm>> -> memref<8x128xf32, #tpu.memory_space<hbm>>
        %dma_wait3A_1985 = arith.constant 16 : i32
        %dma_wait3A_1986 = arith.constant 0 : i32
        %dma_wait3A_1987 = tpu.memref_slice %arg8[%dma_wait3A_1970, %dma_wait3A_1971, %dma_wait3A_1985, %dma_wait3A_1986] : memref<2x4x32x129xf32, #tpu.memory_space<vmem>> -> memref<1x1x8x128xf32, #tpu.memory_space<vmem>>
        %dma_wait3A_1988 = tpu.memref_squeeze %dma_wait3A_1987 : memref<1x1x8x128xf32, #tpu.memory_space<vmem>> -> memref<8x128xf32, #tpu.memory_space<vmem>>
        tpu.wait_dma2 semaphore(%arg12 : memref<!tpu.dma_semaphore, #tpu.memory_space<semaphore_mem>>) src(%dma_wait3A_1988 : memref<8x128xf32, #tpu.memory_space<vmem>>) dst(%dma_wait3A_1984 : memref<8x128xf32, #tpu.memory_space<hbm>>)
        %mul3A_1989 = arith.constant 4 : i32
        %mul3A_1990 = arith.muli %sub3A_1643, %mul3A_1989 : i32
        %add3A_1991 = arith.constant 3 : i32
        %add3A_1992 = arith.addi %mul3A_1990, %add3A_1991 : i32
        %dma_wait3A_1993 = arith.constant 0 : i32
        %dma_wait3A_1994 = arith.constant 3 : i32
        %dma_wait3A_1995 = arith.constant 3 : i32
        %dma_wait3A_1996 = arith.constant 24 : i32
        %dma_wait3A_1997 = arith.constant 0 : i32
        %dma_wait3A_1998 = tpu.memref_slice %arg8[%dma_wait3A_1993, %dma_wait3A_1994, %dma_wait3A_1996, %dma_wait3A_1997] : memref<2x4x32x129xf32, #tpu.memory_space<vmem>> -> memref<1x1x8x128xf32, #tpu.memory_space<vmem>>
        %dma_wait3A_1999 = tpu.memref_squeeze %dma_wait3A_1998 : memref<1x1x8x128xf32, #tpu.memory_space<vmem>> -> memref<8x128xf32, #tpu.memory_space<vmem>>
        %dma_wait3A_2000 = arith.constant 0 : i32
        %dma_wait3A_2001 = arith.constant 0 : i32
        %dma_wait3A_2002 = tpu.memref_slice %arg5[%add3A_1992, %dma_wait3A_1995, %add3A, %dma_wait3A_2000, %dma_wait3A_2001] : memref<200x4x32x8x128xf32, #tpu.memory_space<hbm>> -> memref<1x1x1x8x128xf32, #tpu.memory_space<hbm>>
        %dma_wait3A_2003 = tpu.memref_squeeze %dma_wait3A_2002 : memref<1x1x1x8x128xf32, #tpu.memory_space<hbm>> -> memref<8x128xf32, #tpu.memory_space<hbm>>
        %dma_wait3A_2004 = arith.constant 0 : i32
        %dma_wait3A_2005 = arith.constant 0 : i32
        %dma_wait3A_2006 = tpu.memref_slice %arg5[%add3A_1992, %dma_wait3A_1995, %add3A, %dma_wait3A_2004, %dma_wait3A_2005] : memref<200x4x32x8x128xf32, #tpu.memory_space<hbm>> -> memref<1x1x1x8x128xf32, #tpu.memory_space<hbm>>
        %dma_wait3A_2007 = tpu.memref_squeeze %dma_wait3A_2006 : memref<1x1x1x8x128xf32, #tpu.memory_space<hbm>> -> memref<8x128xf32, #tpu.memory_space<hbm>>
        %dma_wait3A_2008 = arith.constant 24 : i32
        %dma_wait3A_2009 = arith.constant 0 : i32
        %dma_wait3A_2010 = tpu.memref_slice %arg8[%dma_wait3A_1993, %dma_wait3A_1994, %dma_wait3A_2008, %dma_wait3A_2009] : memref<2x4x32x129xf32, #tpu.memory_space<vmem>> -> memref<1x1x8x128xf32, #tpu.memory_space<vmem>>
        %dma_wait3A_2011 = tpu.memref_squeeze %dma_wait3A_2010 : memref<1x1x8x128xf32, #tpu.memory_space<vmem>> -> memref<8x128xf32, #tpu.memory_space<vmem>>
        tpu.wait_dma2 semaphore(%arg12 : memref<!tpu.dma_semaphore, #tpu.memory_space<semaphore_mem>>) src(%dma_wait3A_2011 : memref<8x128xf32, #tpu.memory_space<vmem>>) dst(%dma_wait3A_2007 : memref<8x128xf32, #tpu.memory_space<hbm>>)
      } else {
      }
      %dma_wait3A_770 = arith.constant 0 : i32
      %dma_wait3A_771 = arith.constant 0 : i32
      %dma_wait3A_772 = arith.constant 0 : i32
      %dma_wait3A_773 = arith.constant 0 : i32
      %dma_wait3A_774 = arith.constant 0 : i32
      %dma_wait3A_775 = arith.constant 0 : i32
      %dma_wait3A_776 = tpu.memref_slice %arg7[%dma_wait3A_772, %dma_wait3A_773, %dma_wait3A_774, %dma_wait3A_775] : memref<2x4x128x32xf32, #tpu.memory_space<vmem>> -> memref<1x1x128x32xf32, #tpu.memory_space<vmem>>
      %dma_wait3A_777 = tpu.memref_squeeze %dma_wait3A_776 : memref<1x1x128x32xf32, #tpu.memory_space<vmem>> -> memref<128x32xf32, #tpu.memory_space<vmem>>
      %dma_wait3A_778 = arith.constant 0 : i32
      %dma_wait3A_779 = tpu.memref_slice %arg6[%dma_wait3A_770, %dma_wait3A_771, %dma_wait3A_778] : memref<2x4x128xi32, #tpu.memory_space<vmem>> -> memref<1x1x128xi32, #tpu.memory_space<vmem>>
      %dma_wait3A_780 = tpu.memref_squeeze %dma_wait3A_779 : memref<1x1x128xi32, #tpu.memory_space<vmem>> -> memref<128xi32, #tpu.memory_space<vmem>>
      %dma_wait3A_781 = arith.constant 0 : i32
      %dma_wait3A_782 = arith.constant 0 : i32
      %dma_wait3A_783 = tpu.memref_slice %arg3[%dma_wait3A_781, %dma_wait3A_782] : memref<100000x32xf32, #tpu.memory_space<hbm>> -> memref<100000x32xf32, #tpu.memory_space<hbm>>
      tpu.wait_indirect_dma semaphore(%arg10 : memref<!tpu.dma_semaphore, #tpu.memory_space<semaphore_mem>>) src(%dma_wait3A_783 : memref<100000x32xf32, #tpu.memory_space<hbm>>) dst(%dma_wait3A_777 : memref<128x32xf32, #tpu.memory_space<vmem>>)
      %dma_wait3A_784 = arith.constant 0 : i32
      %dma_wait3A_785 = arith.constant 1 : i32
      %dma_wait3A_786 = arith.constant 0 : i32
      %dma_wait3A_787 = arith.constant 1 : i32
      %dma_wait3A_788 = arith.constant 0 : i32
      %dma_wait3A_789 = arith.constant 0 : i32
      %dma_wait3A_790 = tpu.memref_slice %arg7[%dma_wait3A_786, %dma_wait3A_787, %dma_wait3A_788, %dma_wait3A_789] : memref<2x4x128x32xf32, #tpu.memory_space<vmem>> -> memref<1x1x128x32xf32, #tpu.memory_space<vmem>>
      %dma_wait3A_791 = tpu.memref_squeeze %dma_wait3A_790 : memref<1x1x128x32xf32, #tpu.memory_space<vmem>> -> memref<128x32xf32, #tpu.memory_space<vmem>>
      %dma_wait3A_792 = arith.constant 0 : i32
      %dma_wait3A_793 = tpu.memref_slice %arg6[%dma_wait3A_784, %dma_wait3A_785, %dma_wait3A_792] : memref<2x4x128xi32, #tpu.memory_space<vmem>> -> memref<1x1x128xi32, #tpu.memory_space<vmem>>
      %dma_wait3A_794 = tpu.memref_squeeze %dma_wait3A_793 : memref<1x1x128xi32, #tpu.memory_space<vmem>> -> memref<128xi32, #tpu.memory_space<vmem>>
      %dma_wait3A_795 = arith.constant 0 : i32
      %dma_wait3A_796 = arith.constant 0 : i32
      %dma_wait3A_797 = tpu.memref_slice %arg3[%dma_wait3A_795, %dma_wait3A_796] : memref<100000x32xf32, #tpu.memory_space<hbm>> -> memref<100000x32xf32, #tpu.memory_space<hbm>>
      tpu.wait_indirect_dma semaphore(%arg10 : memref<!tpu.dma_semaphore, #tpu.memory_space<semaphore_mem>>) src(%dma_wait3A_797 : memref<100000x32xf32, #tpu.memory_space<hbm>>) dst(%dma_wait3A_791 : memref<128x32xf32, #tpu.memory_space<vmem>>)
      %dma_wait3A_798 = arith.constant 0 : i32
      %dma_wait3A_799 = arith.constant 2 : i32
      %dma_wait3A_800 = arith.constant 0 : i32
      %dma_wait3A_801 = arith.constant 2 : i32
      %dma_wait3A_802 = arith.constant 0 : i32
      %dma_wait3A_803 = arith.constant 0 : i32
      %dma_wait3A_804 = tpu.memref_slice %arg7[%dma_wait3A_800, %dma_wait3A_801, %dma_wait3A_802, %dma_wait3A_803] : memref<2x4x128x32xf32, #tpu.memory_space<vmem>> -> memref<1x1x128x32xf32, #tpu.memory_space<vmem>>
      %dma_wait3A_805 = tpu.memref_squeeze %dma_wait3A_804 : memref<1x1x128x32xf32, #tpu.memory_space<vmem>> -> memref<128x32xf32, #tpu.memory_space<vmem>>
      %dma_wait3A_806 = arith.constant 0 : i32
      %dma_wait3A_807 = tpu.memref_slice %arg6[%dma_wait3A_798, %dma_wait3A_799, %dma_wait3A_806] : memref<2x4x128xi32, #tpu.memory_space<vmem>> -> memref<1x1x128xi32, #tpu.memory_space<vmem>>
      %dma_wait3A_808 = tpu.memref_squeeze %dma_wait3A_807 : memref<1x1x128xi32, #tpu.memory_space<vmem>> -> memref<128xi32, #tpu.memory_space<vmem>>
      %dma_wait3A_809 = arith.constant 0 : i32
      %dma_wait3A_810 = arith.constant 0 : i32
      %dma_wait3A_811 = tpu.memref_slice %arg3[%dma_wait3A_809, %dma_wait3A_810] : memref<100000x32xf32, #tpu.memory_space<hbm>> -> memref<100000x32xf32, #tpu.memory_space<hbm>>
      tpu.wait_indirect_dma semaphore(%arg10 : memref<!tpu.dma_semaphore, #tpu.memory_space<semaphore_mem>>) src(%dma_wait3A_811 : memref<100000x32xf32, #tpu.memory_space<hbm>>) dst(%dma_wait3A_805 : memref<128x32xf32, #tpu.memory_space<vmem>>)
      %dma_wait3A_812 = arith.constant 0 : i32
      %dma_wait3A_813 = arith.constant 3 : i32
      %dma_wait3A_814 = arith.constant 0 : i32
      %dma_wait3A_815 = arith.constant 3 : i32
      %dma_wait3A_816 = arith.constant 0 : i32
      %dma_wait3A_817 = arith.constant 0 : i32
      %dma_wait3A_818 = tpu.memref_slice %arg7[%dma_wait3A_814, %dma_wait3A_815, %dma_wait3A_816, %dma_wait3A_817] : memref<2x4x128x32xf32, #tpu.memory_space<vmem>> -> memref<1x1x128x32xf32, #tpu.memory_space<vmem>>
      %dma_wait3A_819 = tpu.memref_squeeze %dma_wait3A_818 : memref<1x1x128x32xf32, #tpu.memory_space<vmem>> -> memref<128x32xf32, #tpu.memory_space<vmem>>
      %dma_wait3A_820 = arith.constant 0 : i32
      %dma_wait3A_821 = tpu.memref_slice %arg6[%dma_wait3A_812, %dma_wait3A_813, %dma_wait3A_820] : memref<2x4x128xi32, #tpu.memory_space<vmem>> -> memref<1x1x128xi32, #tpu.memory_space<vmem>>
      %dma_wait3A_822 = tpu.memref_squeeze %dma_wait3A_821 : memref<1x1x128xi32, #tpu.memory_space<vmem>> -> memref<128xi32, #tpu.memory_space<vmem>>
      %dma_wait3A_823 = arith.constant 0 : i32
      %dma_wait3A_824 = arith.constant 0 : i32
      %dma_wait3A_825 = tpu.memref_slice %arg3[%dma_wait3A_823, %dma_wait3A_824] : memref<100000x32xf32, #tpu.memory_space<hbm>> -> memref<100000x32xf32, #tpu.memory_space<hbm>>
      tpu.wait_indirect_dma semaphore(%arg10 : memref<!tpu.dma_semaphore, #tpu.memory_space<semaphore_mem>>) src(%dma_wait3A_825 : memref<100000x32xf32, #tpu.memory_space<hbm>>) dst(%dma_wait3A_819 : memref<128x32xf32, #tpu.memory_space<vmem>>)
      %iota3A = tpu.iota {dimensions = array<i32: 0>} : vector<16xi32>
      %add3A_826 = arith.constant 16 : i32
      %add3A_827 = vector.broadcast %add3A_826 : i32 to vector<16xi32>
      %add3A_828 = arith.addi %iota3A, %add3A_827 : vector<16xi32>
      %parallel_loop3A = arith.constant 0 : i32
      %parallel_loop3A_829 = arith.constant 512 : i32
      %parallel_loop3A_830 = arith.constant 1 : i32
      scf.for %parallel_loop3A_1643 = %parallel_loop3A to %parallel_loop3A_829 step %parallel_loop3A_830  : i32 {
        %parallel_loop3A_1644 = arith.constant 4 : i32
        %parallel_loop3A_1645 = arith.divsi %parallel_loop3A_1643, %parallel_loop3A_1644 : i32
        %parallel_loop3A_1646 = arith.constant 0 : i32
        %parallel_loop3A_1647 = arith.cmpi sgt, %parallel_loop3A_1643, %parallel_loop3A_1646 : i32
        %parallel_loop3A_1648 = arith.extui %parallel_loop3A_1647 : i1 to i32
        %parallel_loop3A_1649 = arith.constant 0 : i32
        %parallel_loop3A_1650 = arith.cmpi slt, %parallel_loop3A_1643, %parallel_loop3A_1649 : i32
        %parallel_loop3A_1651 = arith.extui %parallel_loop3A_1650 : i1 to i32
        %parallel_loop3A_1652 = arith.subi %parallel_loop3A_1648, %parallel_loop3A_1651 : i32
        %parallel_loop3A_1653 = arith.constant 0 : i32
        %parallel_loop3A_1654 = arith.cmpi sgt, %parallel_loop3A_1644, %parallel_loop3A_1653 : i32
        %parallel_loop3A_1655 = arith.extui %parallel_loop3A_1654 : i1 to i32
        %parallel_loop3A_1656 = arith.constant 0 : i32
        %parallel_loop3A_1657 = arith.cmpi slt, %parallel_loop3A_1644, %parallel_loop3A_1656 : i32
        %parallel_loop3A_1658 = arith.extui %parallel_loop3A_1657 : i1 to i32
        %parallel_loop3A_1659 = arith.subi %parallel_loop3A_1655, %parallel_loop3A_1658 : i32
        %parallel_loop3A_1660 = arith.cmpi ne, %parallel_loop3A_1652, %parallel_loop3A_1659 : i32
        %parallel_loop3A_1661 = arith.remsi %parallel_loop3A_1643, %parallel_loop3A_1644 : i32
        %parallel_loop3A_1662 = arith.constant 0 : i32
        %parallel_loop3A_1663 = arith.cmpi ne, %parallel_loop3A_1661, %parallel_loop3A_1662 : i32
        %parallel_loop3A_1664 = arith.andi %parallel_loop3A_1660, %parallel_loop3A_1663 : i1
        %parallel_loop3A_1665 = arith.constant 1 : i32
        %parallel_loop3A_1666 = arith.subi %parallel_loop3A_1645, %parallel_loop3A_1665 : i32
        %parallel_loop3A_1667 = arith.select %parallel_loop3A_1664, %parallel_loop3A_1666, %parallel_loop3A_1645 : i32
        %parallel_loop3A_1668 = arith.constant 4 : i32
        %parallel_loop3A_1669 = arith.muli %parallel_loop3A_1667, %parallel_loop3A_1668 : i32
        %parallel_loop3A_1670 = arith.subi %parallel_loop3A_1643, %parallel_loop3A_1669 : i32
        %parallel_loop3A_1671 = vector.broadcast %parallel_loop3A_1667 : i32 to vector<16xi32>
        %parallel_loop3A_1672 = arith.constant 0 : i32
        %parallel_loop3A_1673 = arith.index_cast %parallel_loop3A_1672 : i32 to index
        %parallel_loop3A_1674 = arith.index_cast %parallel_loop3A_1670 : i32 to index
        %parallel_loop3A_1675 = arith.index_cast %parallel_loop3A_1667 : i32 to index
        %parallel_loop3A_1676 = arith.constant 0 : index
        %parallel_loop3A_1677 = tpu.vector_load %arg7[%parallel_loop3A_1673, %parallel_loop3A_1674, %parallel_loop3A_1675, %parallel_loop3A_1676] {strides = array<i32>} : memref<2x4x128x32xf32, #tpu.memory_space<vmem>>, vector<16xf32>,
        %parallel_loop3A_1678 = arith.constant 0 : i32
        %parallel_loop3A_1679 = arith.index_cast %parallel_loop3A_1678 : i32 to index
        %parallel_loop3A_1680 = arith.index_cast %parallel_loop3A_1670 : i32 to index
        %parallel_loop3A_1681 = arith.constant 0 : index
        %parallel_loop3A_1682 = tpu.vector_load %arg9[%parallel_loop3A_1679, %parallel_loop3A_1680, %parallel_loop3A_1681] {strides = array<i32>} : memref<2x4x32xf32, #tpu.memory_space<vmem>>, vector<16xf32>,
        %parallel_loop3A_1683 = arith.addf %parallel_loop3A_1677, %parallel_loop3A_1682 : vector<16xf32>
        %parallel_loop3A_1684 = arith.constant 0 : i32
        %parallel_loop3A_1685 = arith.index_cast %parallel_loop3A_1684 : i32 to index
        %parallel_loop3A_1686 = arith.index_cast %parallel_loop3A_1670 : i32 to index
        %parallel_loop3A_1687 = arith.index_cast %parallel_loop3A_1667 : i32 to index
        %parallel_loop3A_1688 = arith.constant 16 : index
        %parallel_loop3A_1689 = tpu.vector_load %arg7[%parallel_loop3A_1685, %parallel_loop3A_1686, %parallel_loop3A_1687, %parallel_loop3A_1688] {strides = array<i32>} : memref<2x4x128x32xf32, #tpu.memory_space<vmem>>, vector<16xf32>,
        %parallel_loop3A_1690 = arith.constant 0 : i32
        %parallel_loop3A_1691 = arith.index_cast %parallel_loop3A_1690 : i32 to index
        %parallel_loop3A_1692 = arith.index_cast %parallel_loop3A_1670 : i32 to index
        %parallel_loop3A_1693 = arith.constant 16 : index
        %parallel_loop3A_1694 = tpu.vector_load %arg9[%parallel_loop3A_1691, %parallel_loop3A_1692, %parallel_loop3A_1693] {strides = array<i32>} : memref<2x4x32xf32, #tpu.memory_space<vmem>>, vector<16xf32>,
        %parallel_loop3A_1695 = arith.addf %parallel_loop3A_1689, %parallel_loop3A_1694 : vector<16xf32>
        %parallel_loop3A_1696 = arith.constant 0 : i32
        %parallel_loop3A_1697 = arith.constant 0 : i32
        %parallel_loop3A_1698 = arith.constant 0 : i32
        %parallel_loop3A_1699 = tpu.memref_slice %arg8[%parallel_loop3A_1696, %parallel_loop3A_1670, %parallel_loop3A_1697, %parallel_loop3A_1698] : memref<2x4x32x129xf32, #tpu.memory_space<vmem>> -> memref<1x1x32x129xf32, #tpu.memory_space<vmem>>
        %parallel_loop3A_1700 = tpu.memref_squeeze %parallel_loop3A_1699 : memref<1x1x32x129xf32, #tpu.memory_space<vmem>> -> memref<32x129xf32, #tpu.memory_space<vmem>>
        tpu.vector_store_idx %parallel_loop3A_1700[%iota3A, %parallel_loop3A_1671], %parallel_loop3A_1683 : memref<32x129xf32, #tpu.memory_space<vmem>>[vector<16xi32>, vector<16xi32>], vector<16xf32>,
        %parallel_loop3A_1701 = arith.constant 0 : i32
        %parallel_loop3A_1702 = arith.constant 0 : i32
        %parallel_loop3A_1703 = arith.constant 0 : i32
        %parallel_loop3A_1704 = tpu.memref_slice %arg8[%parallel_loop3A_1701, %parallel_loop3A_1670, %parallel_loop3A_1702, %parallel_loop3A_1703] : memref<2x4x32x129xf32, #tpu.memory_space<vmem>> -> memref<1x1x32x129xf32, #tpu.memory_space<vmem>>
        %parallel_loop3A_1705 = tpu.memref_squeeze %parallel_loop3A_1704 : memref<1x1x32x129xf32, #tpu.memory_space<vmem>> -> memref<32x129xf32, #tpu.memory_space<vmem>>
        tpu.vector_store_idx %parallel_loop3A_1705[%add3A_828, %parallel_loop3A_1671], %parallel_loop3A_1695 : memref<32x129xf32, #tpu.memory_space<vmem>>[vector<16xi32>, vector<16xi32>], vector<16xf32>,
      } {sc.loop_unroll_factor = 4 : i64, sc.parallel_access}
      %mul3A_831 = arith.constant 4 : i32
      %mul3A_832 = arith.muli %mul3A_705, %mul3A_831 : i32
      %add3A_833 = arith.constant 0 : i32
      %add3A_834 = arith.addi %mul3A_832, %add3A_833 : i32
      %dma_start3A_835 = arith.constant 0 : i32
      %dma_start3A_836 = arith.constant 0 : i32
      %dma_start3A_837 = arith.constant 0 : i32
      %dma_start3A_838 = arith.constant 0 : i32
      %dma_start3A_839 = arith.constant 0 : i32
      %dma_start3A_840 = tpu.memref_slice %arg8[%dma_start3A_835, %dma_start3A_836, %dma_start3A_838, %dma_start3A_839] : memref<2x4x32x129xf32, #tpu.memory_space<vmem>> -> memref<1x1x8x128xf32, #tpu.memory_space<vmem>>
      %dma_start3A_841 = tpu.memref_squeeze %dma_start3A_840 : memref<1x1x8x128xf32, #tpu.memory_space<vmem>> -> memref<8x128xf32, #tpu.memory_space<vmem>>
      %dma_start3A_842 = arith.constant 0 : i32
      %dma_start3A_843 = arith.constant 0 : i32
      %dma_start3A_844 = tpu.memref_slice %arg5[%add3A_834, %dma_start3A_837, %add3A, %dma_start3A_842, %dma_start3A_843] : memref<200x4x32x8x128xf32, #tpu.memory_space<hbm>> -> memref<1x1x1x8x128xf32, #tpu.memory_space<hbm>>
      %dma_start3A_845 = tpu.memref_squeeze %dma_start3A_844 : memref<1x1x1x8x128xf32, #tpu.memory_space<hbm>> -> memref<8x128xf32, #tpu.memory_space<hbm>>
      %dma_start3A_846 = arith.constant 0 : i32
      %dma_start3A_847 = arith.constant 0 : i32
      %dma_start3A_848 = tpu.memref_slice %arg5[%add3A_834, %dma_start3A_837, %add3A, %dma_start3A_846, %dma_start3A_847] : memref<200x4x32x8x128xf32, #tpu.memory_space<hbm>> -> memref<1x1x1x8x128xf32, #tpu.memory_space<hbm>>
      %dma_start3A_849 = tpu.memref_squeeze %dma_start3A_848 : memref<1x1x1x8x128xf32, #tpu.memory_space<hbm>> -> memref<8x128xf32, #tpu.memory_space<hbm>>
      %dma_start3A_850 = arith.constant 0 : i32
      %dma_start3A_851 = arith.constant 0 : i32
      %dma_start3A_852 = tpu.memref_slice %arg8[%dma_start3A_835, %dma_start3A_836, %dma_start3A_850, %dma_start3A_851] : memref<2x4x32x129xf32, #tpu.memory_space<vmem>> -> memref<1x1x8x128xf32, #tpu.memory_space<vmem>>
      %dma_start3A_853 = tpu.memref_squeeze %dma_start3A_852 : memref<1x1x8x128xf32, #tpu.memory_space<vmem>> -> memref<8x128xf32, #tpu.memory_space<vmem>>
      tpu.enqueue_dma source(%dma_start3A_853 : memref<8x128xf32, #tpu.memory_space<vmem>>) target(%dma_start3A_849 : memref<8x128xf32, #tpu.memory_space<hbm>>) target_semaphore(%arg12 : memref<!tpu.dma_semaphore, #tpu.memory_space<semaphore_mem>>)
      %mul3A_854 = arith.constant 4 : i32
      %mul3A_855 = arith.muli %mul3A_705, %mul3A_854 : i32
      %add3A_856 = arith.constant 0 : i32
      %add3A_857 = arith.addi %mul3A_855, %add3A_856 : i32
      %dma_start3A_858 = arith.constant 0 : i32
      %dma_start3A_859 = arith.constant 0 : i32
      %dma_start3A_860 = arith.constant 1 : i32
      %dma_start3A_861 = arith.constant 8 : i32
      %dma_start3A_862 = arith.constant 0 : i32
      %dma_start3A_863 = tpu.memref_slice %arg8[%dma_start3A_858, %dma_start3A_859, %dma_start3A_861, %dma_start3A_862] : memref<2x4x32x129xf32, #tpu.memory_space<vmem>> -> memref<1x1x8x128xf32, #tpu.memory_space<vmem>>
      %dma_start3A_864 = tpu.memref_squeeze %dma_start3A_863 : memref<1x1x8x128xf32, #tpu.memory_space<vmem>> -> memref<8x128xf32, #tpu.memory_space<vmem>>
      %dma_start3A_865 = arith.constant 0 : i32
      %dma_start3A_866 = arith.constant 0 : i32
      %dma_start3A_867 = tpu.memref_slice %arg5[%add3A_857, %dma_start3A_860, %add3A, %dma_start3A_865, %dma_start3A_866] : memref<200x4x32x8x128xf32, #tpu.memory_space<hbm>> -> memref<1x1x1x8x128xf32, #tpu.memory_space<hbm>>
      %dma_start3A_868 = tpu.memref_squeeze %dma_start3A_867 : memref<1x1x1x8x128xf32, #tpu.memory_space<hbm>> -> memref<8x128xf32, #tpu.memory_space<hbm>>
      %dma_start3A_869 = arith.constant 0 : i32
      %dma_start3A_870 = arith.constant 0 : i32
      %dma_start3A_871 = tpu.memref_slice %arg5[%add3A_857, %dma_start3A_860, %add3A, %dma_start3A_869, %dma_start3A_870] : memref<200x4x32x8x128xf32, #tpu.memory_space<hbm>> -> memref<1x1x1x8x128xf32, #tpu.memory_space<hbm>>
      %dma_start3A_872 = tpu.memref_squeeze %dma_start3A_871 : memref<1x1x1x8x128xf32, #tpu.memory_space<hbm>> -> memref<8x128xf32, #tpu.memory_space<hbm>>
      %dma_start3A_873 = arith.constant 8 : i32
      %dma_start3A_874 = arith.constant 0 : i32
      %dma_start3A_875 = tpu.memref_slice %arg8[%dma_start3A_858, %dma_start3A_859, %dma_start3A_873, %dma_start3A_874] : memref<2x4x32x129xf32, #tpu.memory_space<vmem>> -> memref<1x1x8x128xf32, #tpu.memory_space<vmem>>
      %dma_start3A_876 = tpu.memref_squeeze %dma_start3A_875 : memref<1x1x8x128xf32, #tpu.memory_space<vmem>> -> memref<8x128xf32, #tpu.memory_space<vmem>>
      tpu.enqueue_dma source(%dma_start3A_876 : memref<8x128xf32, #tpu.memory_space<vmem>>) target(%dma_start3A_872 : memref<8x128xf32, #tpu.memory_space<hbm>>) target_semaphore(%arg12 : memref<!tpu.dma_semaphore, #tpu.memory_space<semaphore_mem>>)
      %mul3A_877 = arith.constant 4 : i32
      %mul3A_878 = arith.muli %mul3A_705, %mul3A_877 : i32
      %add3A_879 = arith.constant 0 : i32
      %add3A_880 = arith.addi %mul3A_878, %add3A_879 : i32
      %dma_start3A_881 = arith.constant 0 : i32
      %dma_start3A_882 = arith.constant 0 : i32
      %dma_start3A_883 = arith.constant 2 : i32
      %dma_start3A_884 = arith.constant 16 : i32
      %dma_start3A_885 = arith.constant 0 : i32
      %dma_start3A_886 = tpu.memref_slice %arg8[%dma_start3A_881, %dma_start3A_882, %dma_start3A_884, %dma_start3A_885] : memref<2x4x32x129xf32, #tpu.memory_space<vmem>> -> memref<1x1x8x128xf32, #tpu.memory_space<vmem>>
      %dma_start3A_887 = tpu.memref_squeeze %dma_start3A_886 : memref<1x1x8x128xf32, #tpu.memory_space<vmem>> -> memref<8x128xf32, #tpu.memory_space<vmem>>
      %dma_start3A_888 = arith.constant 0 : i32
      %dma_start3A_889 = arith.constant 0 : i32
      %dma_start3A_890 = tpu.memref_slice %arg5[%add3A_880, %dma_start3A_883, %add3A, %dma_start3A_888, %dma_start3A_889] : memref<200x4x32x8x128xf32, #tpu.memory_space<hbm>> -> memref<1x1x1x8x128xf32, #tpu.memory_space<hbm>>
      %dma_start3A_891 = tpu.memref_squeeze %dma_start3A_890 : memref<1x1x1x8x128xf32, #tpu.memory_space<hbm>> -> memref<8x128xf32, #tpu.memory_space<hbm>>
      %dma_start3A_892 = arith.constant 0 : i32
      %dma_start3A_893 = arith.constant 0 : i32
      %dma_start3A_894 = tpu.memref_slice %arg5[%add3A_880, %dma_start3A_883, %add3A, %dma_start3A_892, %dma_start3A_893] : memref<200x4x32x8x128xf32, #tpu.memory_space<hbm>> -> memref<1x1x1x8x128xf32, #tpu.memory_space<hbm>>
      %dma_start3A_895 = tpu.memref_squeeze %dma_start3A_894 : memref<1x1x1x8x128xf32, #tpu.memory_space<hbm>> -> memref<8x128xf32, #tpu.memory_space<hbm>>
      %dma_start3A_896 = arith.constant 16 : i32
      %dma_start3A_897 = arith.constant 0 : i32
      %dma_start3A_898 = tpu.memref_slice %arg8[%dma_start3A_881, %dma_start3A_882, %dma_start3A_896, %dma_start3A_897] : memref<2x4x32x129xf32, #tpu.memory_space<vmem>> -> memref<1x1x8x128xf32, #tpu.memory_space<vmem>>
      %dma_start3A_899 = tpu.memref_squeeze %dma_start3A_898 : memref<1x1x8x128xf32, #tpu.memory_space<vmem>> -> memref<8x128xf32, #tpu.memory_space<vmem>>
      tpu.enqueue_dma source(%dma_start3A_899 : memref<8x128xf32, #tpu.memory_space<vmem>>) target(%dma_start3A_895 : memref<8x128xf32, #tpu.memory_space<hbm>>) target_semaphore(%arg12 : memref<!tpu.dma_semaphore, #tpu.memory_space<semaphore_mem>>)
      %mul3A_900 = arith.constant 4 : i32
      %mul3A_901 = arith.muli %mul3A_705, %mul3A_900 : i32
      %add3A_902 = arith.constant 0 : i32
      %add3A_903 = arith.addi %mul3A_901, %add3A_902 : i32
      %dma_start3A_904 = arith.constant 0 : i32
      %dma_start3A_905 = arith.constant 0 : i32
      %dma_start3A_906 = arith.constant 3 : i32
      %dma_start3A_907 = arith.constant 24 : i32
      %dma_start3A_908 = arith.constant 0 : i32
      %dma_start3A_909 = tpu.memref_slice %arg8[%dma_start3A_904, %dma_start3A_905, %dma_start3A_907, %dma_start3A_908] : memref<2x4x32x129xf32, #tpu.memory_space<vmem>> -> memref<1x1x8x128xf32, #tpu.memory_space<vmem>>
      %dma_start3A_910 = tpu.memref_squeeze %dma_start3A_909 : memref<1x1x8x128xf32, #tpu.memory_space<vmem>> -> memref<8x128xf32, #tpu.memory_space<vmem>>
      %dma_start3A_911 = arith.constant 0 : i32
      %dma_start3A_912 = arith.constant 0 : i32
      %dma_start3A_913 = tpu.memref_slice %arg5[%add3A_903, %dma_start3A_906, %add3A, %dma_start3A_911, %dma_start3A_912] : memref<200x4x32x8x128xf32, #tpu.memory_space<hbm>> -> memref<1x1x1x8x128xf32, #tpu.memory_space<hbm>>
      %dma_start3A_914 = tpu.memref_squeeze %dma_start3A_913 : memref<1x1x1x8x128xf32, #tpu.memory_space<hbm>> -> memref<8x128xf32, #tpu.memory_space<hbm>>
      %dma_start3A_915 = arith.constant 0 : i32
      %dma_start3A_916 = arith.constant 0 : i32
      %dma_start3A_917 = tpu.memref_slice %arg5[%add3A_903, %dma_start3A_906, %add3A, %dma_start3A_915, %dma_start3A_916] : memref<200x4x32x8x128xf32, #tpu.memory_space<hbm>> -> memref<1x1x1x8x128xf32, #tpu.memory_space<hbm>>
      %dma_start3A_918 = tpu.memref_squeeze %dma_start3A_917 : memref<1x1x1x8x128xf32, #tpu.memory_space<hbm>> -> memref<8x128xf32, #tpu.memory_space<hbm>>
      %dma_start3A_919 = arith.constant 24 : i32
      %dma_start3A_920 = arith.constant 0 : i32
      %dma_start3A_921 = tpu.memref_slice %arg8[%dma_start3A_904, %dma_start3A_905, %dma_start3A_919, %dma_start3A_920] : memref<2x4x32x129xf32, #tpu.memory_space<vmem>> -> memref<1x1x8x128xf32, #tpu.memory_space<vmem>>
      %dma_start3A_922 = tpu.memref_squeeze %dma_start3A_921 : memref<1x1x8x128xf32, #tpu.memory_space<vmem>> -> memref<8x128xf32, #tpu.memory_space<vmem>>
      tpu.enqueue_dma source(%dma_start3A_922 : memref<8x128xf32, #tpu.memory_space<vmem>>) target(%dma_start3A_918 : memref<8x128xf32, #tpu.memory_space<hbm>>) target_semaphore(%arg12 : memref<!tpu.dma_semaphore, #tpu.memory_space<semaphore_mem>>)
      %mul3A_923 = arith.constant 4 : i32
      %mul3A_924 = arith.muli %mul3A_705, %mul3A_923 : i32
      %add3A_925 = arith.constant 1 : i32
      %add3A_926 = arith.addi %mul3A_924, %add3A_925 : i32
      %dma_start3A_927 = arith.constant 0 : i32
      %dma_start3A_928 = arith.constant 1 : i32
      %dma_start3A_929 = arith.constant 0 : i32
      %dma_start3A_930 = arith.constant 0 : i32
      %dma_start3A_931 = arith.constant 0 : i32
      %dma_start3A_932 = tpu.memref_slice %arg8[%dma_start3A_927, %dma_start3A_928, %dma_start3A_930, %dma_start3A_931] : memref<2x4x32x129xf32, #tpu.memory_space<vmem>> -> memref<1x1x8x128xf32, #tpu.memory_space<vmem>>
      %dma_start3A_933 = tpu.memref_squeeze %dma_start3A_932 : memref<1x1x8x128xf32, #tpu.memory_space<vmem>> -> memref<8x128xf32, #tpu.memory_space<vmem>>
      %dma_start3A_934 = arith.constant 0 : i32
      %dma_start3A_935 = arith.constant 0 : i32
      %dma_start3A_936 = tpu.memref_slice %arg5[%add3A_926, %dma_start3A_929, %add3A, %dma_start3A_934, %dma_start3A_935] : memref<200x4x32x8x128xf32, #tpu.memory_space<hbm>> -> memref<1x1x1x8x128xf32, #tpu.memory_space<hbm>>
      %dma_start3A_937 = tpu.memref_squeeze %dma_start3A_936 : memref<1x1x1x8x128xf32, #tpu.memory_space<hbm>> -> memref<8x128xf32, #tpu.memory_space<hbm>>
      %dma_start3A_938 = arith.constant 0 : i32
      %dma_start3A_939 = arith.constant 0 : i32
      %dma_start3A_940 = tpu.memref_slice %arg5[%add3A_926, %dma_start3A_929, %add3A, %dma_start3A_938, %dma_start3A_939] : memref<200x4x32x8x128xf32, #tpu.memory_space<hbm>> -> memref<1x1x1x8x128xf32, #tpu.memory_space<hbm>>
      %dma_start3A_941 = tpu.memref_squeeze %dma_start3A_940 : memref<1x1x1x8x128xf32, #tpu.memory_space<hbm>> -> memref<8x128xf32, #tpu.memory_space<hbm>>
      %dma_start3A_942 = arith.constant 0 : i32
      %dma_start3A_943 = arith.constant 0 : i32
      %dma_start3A_944 = tpu.memref_slice %arg8[%dma_start3A_927, %dma_start3A_928, %dma_start3A_942, %dma_start3A_943] : memref<2x4x32x129xf32, #tpu.memory_space<vmem>> -> memref<1x1x8x128xf32, #tpu.memory_space<vmem>>
      %dma_start3A_945 = tpu.memref_squeeze %dma_start3A_944 : memref<1x1x8x128xf32, #tpu.memory_space<vmem>> -> memref<8x128xf32, #tpu.memory_space<vmem>>
      tpu.enqueue_dma source(%dma_start3A_945 : memref<8x128xf32, #tpu.memory_space<vmem>>) target(%dma_start3A_941 : memref<8x128xf32, #tpu.memory_space<hbm>>) target_semaphore(%arg12 : memref<!tpu.dma_semaphore, #tpu.memory_space<semaphore_mem>>)
      %mul3A_946 = arith.constant 4 : i32
      %mul3A_947 = arith.muli %mul3A_705, %mul3A_946 : i32
      %add3A_948 = arith.constant 1 : i32
      %add3A_949 = arith.addi %mul3A_947, %add3A_948 : i32
      %dma_start3A_950 = arith.constant 0 : i32
      %dma_start3A_951 = arith.constant 1 : i32
      %dma_start3A_952 = arith.constant 1 : i32
      %dma_start3A_953 = arith.constant 8 : i32
      %dma_start3A_954 = arith.constant 0 : i32
      %dma_start3A_955 = tpu.memref_slice %arg8[%dma_start3A_950, %dma_start3A_951, %dma_start3A_953, %dma_start3A_954] : memref<2x4x32x129xf32, #tpu.memory_space<vmem>> -> memref<1x1x8x128xf32, #tpu.memory_space<vmem>>
      %dma_start3A_956 = tpu.memref_squeeze %dma_start3A_955 : memref<1x1x8x128xf32, #tpu.memory_space<vmem>> -> memref<8x128xf32, #tpu.memory_space<vmem>>
      %dma_start3A_957 = arith.constant 0 : i32
      %dma_start3A_958 = arith.constant 0 : i32
      %dma_start3A_959 = tpu.memref_slice %arg5[%add3A_949, %dma_start3A_952, %add3A, %dma_start3A_957, %dma_start3A_958] : memref<200x4x32x8x128xf32, #tpu.memory_space<hbm>> -> memref<1x1x1x8x128xf32, #tpu.memory_space<hbm>>
      %dma_start3A_960 = tpu.memref_squeeze %dma_start3A_959 : memref<1x1x1x8x128xf32, #tpu.memory_space<hbm>> -> memref<8x128xf32, #tpu.memory_space<hbm>>
      %dma_start3A_961 = arith.constant 0 : i32
      %dma_start3A_962 = arith.constant 0 : i32
      %dma_start3A_963 = tpu.memref_slice %arg5[%add3A_949, %dma_start3A_952, %add3A, %dma_start3A_961, %dma_start3A_962] : memref<200x4x32x8x128xf32, #tpu.memory_space<hbm>> -> memref<1x1x1x8x128xf32, #tpu.memory_space<hbm>>
      %dma_start3A_964 = tpu.memref_squeeze %dma_start3A_963 : memref<1x1x1x8x128xf32, #tpu.memory_space<hbm>> -> memref<8x128xf32, #tpu.memory_space<hbm>>
      %dma_start3A_965 = arith.constant 8 : i32
      %dma_start3A_966 = arith.constant 0 : i32
      %dma_start3A_967 = tpu.memref_slice %arg8[%dma_start3A_950, %dma_start3A_951, %dma_start3A_965, %dma_start3A_966] : memref<2x4x32x129xf32, #tpu.memory_space<vmem>> -> memref<1x1x8x128xf32, #tpu.memory_space<vmem>>
      %dma_start3A_968 = tpu.memref_squeeze %dma_start3A_967 : memref<1x1x8x128xf32, #tpu.memory_space<vmem>> -> memref<8x128xf32, #tpu.memory_space<vmem>>
      tpu.enqueue_dma source(%dma_start3A_968 : memref<8x128xf32, #tpu.memory_space<vmem>>) target(%dma_start3A_964 : memref<8x128xf32, #tpu.memory_space<hbm>>) target_semaphore(%arg12 : memref<!tpu.dma_semaphore, #tpu.memory_space<semaphore_mem>>)
      %mul3A_969 = arith.constant 4 : i32
      %mul3A_970 = arith.muli %mul3A_705, %mul3A_969 : i32
      %add3A_971 = arith.constant 1 : i32
      %add3A_972 = arith.addi %mul3A_970, %add3A_971 : i32
      %dma_start3A_973 = arith.constant 0 : i32
      %dma_start3A_974 = arith.constant 1 : i32
      %dma_start3A_975 = arith.constant 2 : i32
      %dma_start3A_976 = arith.constant 16 : i32
      %dma_start3A_977 = arith.constant 0 : i32
      %dma_start3A_978 = tpu.memref_slice %arg8[%dma_start3A_973, %dma_start3A_974, %dma_start3A_976, %dma_start3A_977] : memref<2x4x32x129xf32, #tpu.memory_space<vmem>> -> memref<1x1x8x128xf32, #tpu.memory_space<vmem>>
      %dma_start3A_979 = tpu.memref_squeeze %dma_start3A_978 : memref<1x1x8x128xf32, #tpu.memory_space<vmem>> -> memref<8x128xf32, #tpu.memory_space<vmem>>
      %dma_start3A_980 = arith.constant 0 : i32
      %dma_start3A_981 = arith.constant 0 : i32
      %dma_start3A_982 = tpu.memref_slice %arg5[%add3A_972, %dma_start3A_975, %add3A, %dma_start3A_980, %dma_start3A_981] : memref<200x4x32x8x128xf32, #tpu.memory_space<hbm>> -> memref<1x1x1x8x128xf32, #tpu.memory_space<hbm>>
      %dma_start3A_983 = tpu.memref_squeeze %dma_start3A_982 : memref<1x1x1x8x128xf32, #tpu.memory_space<hbm>> -> memref<8x128xf32, #tpu.memory_space<hbm>>
      %dma_start3A_984 = arith.constant 0 : i32
      %dma_start3A_985 = arith.constant 0 : i32
      %dma_start3A_986 = tpu.memref_slice %arg5[%add3A_972, %dma_start3A_975, %add3A, %dma_start3A_984, %dma_start3A_985] : memref<200x4x32x8x128xf32, #tpu.memory_space<hbm>> -> memref<1x1x1x8x128xf32, #tpu.memory_space<hbm>>
      %dma_start3A_987 = tpu.memref_squeeze %dma_start3A_986 : memref<1x1x1x8x128xf32, #tpu.memory_space<hbm>> -> memref<8x128xf32, #tpu.memory_space<hbm>>
      %dma_start3A_988 = arith.constant 16 : i32
      %dma_start3A_989 = arith.constant 0 : i32
      %dma_start3A_990 = tpu.memref_slice %arg8[%dma_start3A_973, %dma_start3A_974, %dma_start3A_988, %dma_start3A_989] : memref<2x4x32x129xf32, #tpu.memory_space<vmem>> -> memref<1x1x8x128xf32, #tpu.memory_space<vmem>>
      %dma_start3A_991 = tpu.memref_squeeze %dma_start3A_990 : memref<1x1x8x128xf32, #tpu.memory_space<vmem>> -> memref<8x128xf32, #tpu.memory_space<vmem>>
      tpu.enqueue_dma source(%dma_start3A_991 : memref<8x128xf32, #tpu.memory_space<vmem>>) target(%dma_start3A_987 : memref<8x128xf32, #tpu.memory_space<hbm>>) target_semaphore(%arg12 : memref<!tpu.dma_semaphore, #tpu.memory_space<semaphore_mem>>)
      %mul3A_992 = arith.constant 4 : i32
      %mul3A_993 = arith.muli %mul3A_705, %mul3A_992 : i32
      %add3A_994 = arith.constant 1 : i32
      %add3A_995 = arith.addi %mul3A_993, %add3A_994 : i32
      %dma_start3A_996 = arith.constant 0 : i32
      %dma_start3A_997 = arith.constant 1 : i32
      %dma_start3A_998 = arith.constant 3 : i32
      %dma_start3A_999 = arith.constant 24 : i32
      %dma_start3A_1000 = arith.constant 0 : i32
      %dma_start3A_1001 = tpu.memref_slice %arg8[%dma_start3A_996, %dma_start3A_997, %dma_start3A_999, %dma_start3A_1000] : memref<2x4x32x129xf32, #tpu.memory_space<vmem>> -> memref<1x1x8x128xf32, #tpu.memory_space<vmem>>
      %dma_start3A_1002 = tpu.memref_squeeze %dma_start3A_1001 : memref<1x1x8x128xf32, #tpu.memory_space<vmem>> -> memref<8x128xf32, #tpu.memory_space<vmem>>
      %dma_start3A_1003 = arith.constant 0 : i32
      %dma_start3A_1004 = arith.constant 0 : i32
      %dma_start3A_1005 = tpu.memref_slice %arg5[%add3A_995, %dma_start3A_998, %add3A, %dma_start3A_1003, %dma_start3A_1004] : memref<200x4x32x8x128xf32, #tpu.memory_space<hbm>> -> memref<1x1x1x8x128xf32, #tpu.memory_space<hbm>>
      %dma_start3A_1006 = tpu.memref_squeeze %dma_start3A_1005 : memref<1x1x1x8x128xf32, #tpu.memory_space<hbm>> -> memref<8x128xf32, #tpu.memory_space<hbm>>
      %dma_start3A_1007 = arith.constant 0 : i32
      %dma_start3A_1008 = arith.constant 0 : i32
      %dma_start3A_1009 = tpu.memref_slice %arg5[%add3A_995, %dma_start3A_998, %add3A, %dma_start3A_1007, %dma_start3A_1008] : memref<200x4x32x8x128xf32, #tpu.memory_space<hbm>> -> memref<1x1x1x8x128xf32, #tpu.memory_space<hbm>>
      %dma_start3A_1010 = tpu.memref_squeeze %dma_start3A_1009 : memref<1x1x1x8x128xf32, #tpu.memory_space<hbm>> -> memref<8x128xf32, #tpu.memory_space<hbm>>
      %dma_start3A_1011 = arith.constant 24 : i32
      %dma_start3A_1012 = arith.constant 0 : i32
      %dma_start3A_1013 = tpu.memref_slice %arg8[%dma_start3A_996, %dma_start3A_997, %dma_start3A_1011, %dma_start3A_1012] : memref<2x4x32x129xf32, #tpu.memory_space<vmem>> -> memref<1x1x8x128xf32, #tpu.memory_space<vmem>>
      %dma_start3A_1014 = tpu.memref_squeeze %dma_start3A_1013 : memref<1x1x8x128xf32, #tpu.memory_space<vmem>> -> memref<8x128xf32, #tpu.memory_space<vmem>>
      tpu.enqueue_dma source(%dma_start3A_1014 : memref<8x128xf32, #tpu.memory_space<vmem>>) target(%dma_start3A_1010 : memref<8x128xf32, #tpu.memory_space<hbm>>) target_semaphore(%arg12 : memref<!tpu.dma_semaphore, #tpu.memory_space<semaphore_mem>>)
      %mul3A_1015 = arith.constant 4 : i32
      %mul3A_1016 = arith.muli %mul3A_705, %mul3A_1015 : i32
      %add3A_1017 = arith.constant 2 : i32
      %add3A_1018 = arith.addi %mul3A_1016, %add3A_1017 : i32
      %dma_start3A_1019 = arith.constant 0 : i32
      %dma_start3A_1020 = arith.constant 2 : i32
      %dma_start3A_1021 = arith.constant 0 : i32
      %dma_start3A_1022 = arith.constant 0 : i32
      %dma_start3A_1023 = arith.constant 0 : i32
      %dma_start3A_1024 = tpu.memref_slice %arg8[%dma_start3A_1019, %dma_start3A_1020, %dma_start3A_1022, %dma_start3A_1023] : memref<2x4x32x129xf32, #tpu.memory_space<vmem>> -> memref<1x1x8x128xf32, #tpu.memory_space<vmem>>
      %dma_start3A_1025 = tpu.memref_squeeze %dma_start3A_1024 : memref<1x1x8x128xf32, #tpu.memory_space<vmem>> -> memref<8x128xf32, #tpu.memory_space<vmem>>
      %dma_start3A_1026 = arith.constant 0 : i32
      %dma_start3A_1027 = arith.constant 0 : i32
      %dma_start3A_1028 = tpu.memref_slice %arg5[%add3A_1018, %dma_start3A_1021, %add3A, %dma_start3A_1026, %dma_start3A_1027] : memref<200x4x32x8x128xf32, #tpu.memory_space<hbm>> -> memref<1x1x1x8x128xf32, #tpu.memory_space<hbm>>
      %dma_start3A_1029 = tpu.memref_squeeze %dma_start3A_1028 : memref<1x1x1x8x128xf32, #tpu.memory_space<hbm>> -> memref<8x128xf32, #tpu.memory_space<hbm>>
      %dma_start3A_1030 = arith.constant 0 : i32
      %dma_start3A_1031 = arith.constant 0 : i32
      %dma_start3A_1032 = tpu.memref_slice %arg5[%add3A_1018, %dma_start3A_1021, %add3A, %dma_start3A_1030, %dma_start3A_1031] : memref<200x4x32x8x128xf32, #tpu.memory_space<hbm>> -> memref<1x1x1x8x128xf32, #tpu.memory_space<hbm>>
      %dma_start3A_1033 = tpu.memref_squeeze %dma_start3A_1032 : memref<1x1x1x8x128xf32, #tpu.memory_space<hbm>> -> memref<8x128xf32, #tpu.memory_space<hbm>>
      %dma_start3A_1034 = arith.constant 0 : i32
      %dma_start3A_1035 = arith.constant 0 : i32
      %dma_start3A_1036 = tpu.memref_slice %arg8[%dma_start3A_1019, %dma_start3A_1020, %dma_start3A_1034, %dma_start3A_1035] : memref<2x4x32x129xf32, #tpu.memory_space<vmem>> -> memref<1x1x8x128xf32, #tpu.memory_space<vmem>>
      %dma_start3A_1037 = tpu.memref_squeeze %dma_start3A_1036 : memref<1x1x8x128xf32, #tpu.memory_space<vmem>> -> memref<8x128xf32, #tpu.memory_space<vmem>>
      tpu.enqueue_dma source(%dma_start3A_1037 : memref<8x128xf32, #tpu.memory_space<vmem>>) target(%dma_start3A_1033 : memref<8x128xf32, #tpu.memory_space<hbm>>) target_semaphore(%arg12 : memref<!tpu.dma_semaphore, #tpu.memory_space<semaphore_mem>>)
      %mul3A_1038 = arith.constant 4 : i32
      %mul3A_1039 = arith.muli %mul3A_705, %mul3A_1038 : i32
      %add3A_1040 = arith.constant 2 : i32
      %add3A_1041 = arith.addi %mul3A_1039, %add3A_1040 : i32
      %dma_start3A_1042 = arith.constant 0 : i32
      %dma_start3A_1043 = arith.constant 2 : i32
      %dma_start3A_1044 = arith.constant 1 : i32
      %dma_start3A_1045 = arith.constant 8 : i32
      %dma_start3A_1046 = arith.constant 0 : i32
      %dma_start3A_1047 = tpu.memref_slice %arg8[%dma_start3A_1042, %dma_start3A_1043, %dma_start3A_1045, %dma_start3A_1046] : memref<2x4x32x129xf32, #tpu.memory_space<vmem>> -> memref<1x1x8x128xf32, #tpu.memory_space<vmem>>
      %dma_start3A_1048 = tpu.memref_squeeze %dma_start3A_1047 : memref<1x1x8x128xf32, #tpu.memory_space<vmem>> -> memref<8x128xf32, #tpu.memory_space<vmem>>
      %dma_start3A_1049 = arith.constant 0 : i32
      %dma_start3A_1050 = arith.constant 0 : i32
      %dma_start3A_1051 = tpu.memref_slice %arg5[%add3A_1041, %dma_start3A_1044, %add3A, %dma_start3A_1049, %dma_start3A_1050] : memref<200x4x32x8x128xf32, #tpu.memory_space<hbm>> -> memref<1x1x1x8x128xf32, #tpu.memory_space<hbm>>
      %dma_start3A_1052 = tpu.memref_squeeze %dma_start3A_1051 : memref<1x1x1x8x128xf32, #tpu.memory_space<hbm>> -> memref<8x128xf32, #tpu.memory_space<hbm>>
      %dma_start3A_1053 = arith.constant 0 : i32
      %dma_start3A_1054 = arith.constant 0 : i32
      %dma_start3A_1055 = tpu.memref_slice %arg5[%add3A_1041, %dma_start3A_1044, %add3A, %dma_start3A_1053, %dma_start3A_1054] : memref<200x4x32x8x128xf32, #tpu.memory_space<hbm>> -> memref<1x1x1x8x128xf32, #tpu.memory_space<hbm>>
      %dma_start3A_1056 = tpu.memref_squeeze %dma_start3A_1055 : memref<1x1x1x8x128xf32, #tpu.memory_space<hbm>> -> memref<8x128xf32, #tpu.memory_space<hbm>>
      %dma_start3A_1057 = arith.constant 8 : i32
      %dma_start3A_1058 = arith.constant 0 : i32
      %dma_start3A_1059 = tpu.memref_slice %arg8[%dma_start3A_1042, %dma_start3A_1043, %dma_start3A_1057, %dma_start3A_1058] : memref<2x4x32x129xf32, #tpu.memory_space<vmem>> -> memref<1x1x8x128xf32, #tpu.memory_space<vmem>>
      %dma_start3A_1060 = tpu.memref_squeeze %dma_start3A_1059 : memref<1x1x8x128xf32, #tpu.memory_space<vmem>> -> memref<8x128xf32, #tpu.memory_space<vmem>>
      tpu.enqueue_dma source(%dma_start3A_1060 : memref<8x128xf32, #tpu.memory_space<vmem>>) target(%dma_start3A_1056 : memref<8x128xf32, #tpu.memory_space<hbm>>) target_semaphore(%arg12 : memref<!tpu.dma_semaphore, #tpu.memory_space<semaphore_mem>>)
      %mul3A_1061 = arith.constant 4 : i32
      %mul3A_1062 = arith.muli %mul3A_705, %mul3A_1061 : i32
      %add3A_1063 = arith.constant 2 : i32
      %add3A_1064 = arith.addi %mul3A_1062, %add3A_1063 : i32
      %dma_start3A_1065 = arith.constant 0 : i32
      %dma_start3A_1066 = arith.constant 2 : i32
      %dma_start3A_1067 = arith.constant 2 : i32
      %dma_start3A_1068 = arith.constant 16 : i32
      %dma_start3A_1069 = arith.constant 0 : i32
      %dma_start3A_1070 = tpu.memref_slice %arg8[%dma_start3A_1065, %dma_start3A_1066, %dma_start3A_1068, %dma_start3A_1069] : memref<2x4x32x129xf32, #tpu.memory_space<vmem>> -> memref<1x1x8x128xf32, #tpu.memory_space<vmem>>
      %dma_start3A_1071 = tpu.memref_squeeze %dma_start3A_1070 : memref<1x1x8x128xf32, #tpu.memory_space<vmem>> -> memref<8x128xf32, #tpu.memory_space<vmem>>
      %dma_start3A_1072 = arith.constant 0 : i32
      %dma_start3A_1073 = arith.constant 0 : i32
      %dma_start3A_1074 = tpu.memref_slice %arg5[%add3A_1064, %dma_start3A_1067, %add3A, %dma_start3A_1072, %dma_start3A_1073] : memref<200x4x32x8x128xf32, #tpu.memory_space<hbm>> -> memref<1x1x1x8x128xf32, #tpu.memory_space<hbm>>
      %dma_start3A_1075 = tpu.memref_squeeze %dma_start3A_1074 : memref<1x1x1x8x128xf32, #tpu.memory_space<hbm>> -> memref<8x128xf32, #tpu.memory_space<hbm>>
      %dma_start3A_1076 = arith.constant 0 : i32
      %dma_start3A_1077 = arith.constant 0 : i32
      %dma_start3A_1078 = tpu.memref_slice %arg5[%add3A_1064, %dma_start3A_1067, %add3A, %dma_start3A_1076, %dma_start3A_1077] : memref<200x4x32x8x128xf32, #tpu.memory_space<hbm>> -> memref<1x1x1x8x128xf32, #tpu.memory_space<hbm>>
      %dma_start3A_1079 = tpu.memref_squeeze %dma_start3A_1078 : memref<1x1x1x8x128xf32, #tpu.memory_space<hbm>> -> memref<8x128xf32, #tpu.memory_space<hbm>>
      %dma_start3A_1080 = arith.constant 16 : i32
      %dma_start3A_1081 = arith.constant 0 : i32
      %dma_start3A_1082 = tpu.memref_slice %arg8[%dma_start3A_1065, %dma_start3A_1066, %dma_start3A_1080, %dma_start3A_1081] : memref<2x4x32x129xf32, #tpu.memory_space<vmem>> -> memref<1x1x8x128xf32, #tpu.memory_space<vmem>>
      %dma_start3A_1083 = tpu.memref_squeeze %dma_start3A_1082 : memref<1x1x8x128xf32, #tpu.memory_space<vmem>> -> memref<8x128xf32, #tpu.memory_space<vmem>>
      tpu.enqueue_dma source(%dma_start3A_1083 : memref<8x128xf32, #tpu.memory_space<vmem>>) target(%dma_start3A_1079 : memref<8x128xf32, #tpu.memory_space<hbm>>) target_semaphore(%arg12 : memref<!tpu.dma_semaphore, #tpu.memory_space<semaphore_mem>>)
      %mul3A_1084 = arith.constant 4 : i32
      %mul3A_1085 = arith.muli %mul3A_705, %mul3A_1084 : i32
      %add3A_1086 = arith.constant 2 : i32
      %add3A_1087 = arith.addi %mul3A_1085, %add3A_1086 : i32
      %dma_start3A_1088 = arith.constant 0 : i32
      %dma_start3A_1089 = arith.constant 2 : i32
      %dma_start3A_1090 = arith.constant 3 : i32
      %dma_start3A_1091 = arith.constant 24 : i32
      %dma_start3A_1092 = arith.constant 0 : i32
      %dma_start3A_1093 = tpu.memref_slice %arg8[%dma_start3A_1088, %dma_start3A_1089, %dma_start3A_1091, %dma_start3A_1092] : memref<2x4x32x129xf32, #tpu.memory_space<vmem>> -> memref<1x1x8x128xf32, #tpu.memory_space<vmem>>
      %dma_start3A_1094 = tpu.memref_squeeze %dma_start3A_1093 : memref<1x1x8x128xf32, #tpu.memory_space<vmem>> -> memref<8x128xf32, #tpu.memory_space<vmem>>
      %dma_start3A_1095 = arith.constant 0 : i32
      %dma_start3A_1096 = arith.constant 0 : i32
      %dma_start3A_1097 = tpu.memref_slice %arg5[%add3A_1087, %dma_start3A_1090, %add3A, %dma_start3A_1095, %dma_start3A_1096] : memref<200x4x32x8x128xf32, #tpu.memory_space<hbm>> -> memref<1x1x1x8x128xf32, #tpu.memory_space<hbm>>
      %dma_start3A_1098 = tpu.memref_squeeze %dma_start3A_1097 : memref<1x1x1x8x128xf32, #tpu.memory_space<hbm>> -> memref<8x128xf32, #tpu.memory_space<hbm>>
      %dma_start3A_1099 = arith.constant 0 : i32
      %dma_start3A_1100 = arith.constant 0 : i32
      %dma_start3A_1101 = tpu.memref_slice %arg5[%add3A_1087, %dma_start3A_1090, %add3A, %dma_start3A_1099, %dma_start3A_1100] : memref<200x4x32x8x128xf32, #tpu.memory_space<hbm>> -> memref<1x1x1x8x128xf32, #tpu.memory_space<hbm>>
      %dma_start3A_1102 = tpu.memref_squeeze %dma_start3A_1101 : memref<1x1x1x8x128xf32, #tpu.memory_space<hbm>> -> memref<8x128xf32, #tpu.memory_space<hbm>>
      %dma_start3A_1103 = arith.constant 24 : i32
      %dma_start3A_1104 = arith.constant 0 : i32
      %dma_start3A_1105 = tpu.memref_slice %arg8[%dma_start3A_1088, %dma_start3A_1089, %dma_start3A_1103, %dma_start3A_1104] : memref<2x4x32x129xf32, #tpu.memory_space<vmem>> -> memref<1x1x8x128xf32, #tpu.memory_space<vmem>>
      %dma_start3A_1106 = tpu.memref_squeeze %dma_start3A_1105 : memref<1x1x8x128xf32, #tpu.memory_space<vmem>> -> memref<8x128xf32, #tpu.memory_space<vmem>>
      tpu.enqueue_dma source(%dma_start3A_1106 : memref<8x128xf32, #tpu.memory_space<vmem>>) target(%dma_start3A_1102 : memref<8x128xf32, #tpu.memory_space<hbm>>) target_semaphore(%arg12 : memref<!tpu.dma_semaphore, #tpu.memory_space<semaphore_mem>>)
      %mul3A_1107 = arith.constant 4 : i32
      %mul3A_1108 = arith.muli %mul3A_705, %mul3A_1107 : i32
      %add3A_1109 = arith.constant 3 : i32
      %add3A_1110 = arith.addi %mul3A_1108, %add3A_1109 : i32
      %dma_start3A_1111 = arith.constant 0 : i32
      %dma_start3A_1112 = arith.constant 3 : i32
      %dma_start3A_1113 = arith.constant 0 : i32
      %dma_start3A_1114 = arith.constant 0 : i32
      %dma_start3A_1115 = arith.constant 0 : i32
      %dma_start3A_1116 = tpu.memref_slice %arg8[%dma_start3A_1111, %dma_start3A_1112, %dma_start3A_1114, %dma_start3A_1115] : memref<2x4x32x129xf32, #tpu.memory_space<vmem>> -> memref<1x1x8x128xf32, #tpu.memory_space<vmem>>
      %dma_start3A_1117 = tpu.memref_squeeze %dma_start3A_1116 : memref<1x1x8x128xf32, #tpu.memory_space<vmem>> -> memref<8x128xf32, #tpu.memory_space<vmem>>
      %dma_start3A_1118 = arith.constant 0 : i32
      %dma_start3A_1119 = arith.constant 0 : i32
      %dma_start3A_1120 = tpu.memref_slice %arg5[%add3A_1110, %dma_start3A_1113, %add3A, %dma_start3A_1118, %dma_start3A_1119] : memref<200x4x32x8x128xf32, #tpu.memory_space<hbm>> -> memref<1x1x1x8x128xf32, #tpu.memory_space<hbm>>
      %dma_start3A_1121 = tpu.memref_squeeze %dma_start3A_1120 : memref<1x1x1x8x128xf32, #tpu.memory_space<hbm>> -> memref<8x128xf32, #tpu.memory_space<hbm>>
      %dma_start3A_1122 = arith.constant 0 : i32
      %dma_start3A_1123 = arith.constant 0 : i32
      %dma_start3A_1124 = tpu.memref_slice %arg5[%add3A_1110, %dma_start3A_1113, %add3A, %dma_start3A_1122, %dma_start3A_1123] : memref<200x4x32x8x128xf32, #tpu.memory_space<hbm>> -> memref<1x1x1x8x128xf32, #tpu.memory_space<hbm>>
      %dma_start3A_1125 = tpu.memref_squeeze %dma_start3A_1124 : memref<1x1x1x8x128xf32, #tpu.memory_space<hbm>> -> memref<8x128xf32, #tpu.memory_space<hbm>>
      %dma_start3A_1126 = arith.constant 0 : i32
      %dma_start3A_1127 = arith.constant 0 : i32
      %dma_start3A_1128 = tpu.memref_slice %arg8[%dma_start3A_1111, %dma_start3A_1112, %dma_start3A_1126, %dma_start3A_1127] : memref<2x4x32x129xf32, #tpu.memory_space<vmem>> -> memref<1x1x8x128xf32, #tpu.memory_space<vmem>>
      %dma_start3A_1129 = tpu.memref_squeeze %dma_start3A_1128 : memref<1x1x8x128xf32, #tpu.memory_space<vmem>> -> memref<8x128xf32, #tpu.memory_space<vmem>>
      tpu.enqueue_dma source(%dma_start3A_1129 : memref<8x128xf32, #tpu.memory_space<vmem>>) target(%dma_start3A_1125 : memref<8x128xf32, #tpu.memory_space<hbm>>) target_semaphore(%arg12 : memref<!tpu.dma_semaphore, #tpu.memory_space<semaphore_mem>>)
      %mul3A_1130 = arith.constant 4 : i32
      %mul3A_1131 = arith.muli %mul3A_705, %mul3A_1130 : i32
      %add3A_1132 = arith.constant 3 : i32
      %add3A_1133 = arith.addi %mul3A_1131, %add3A_1132 : i32
      %dma_start3A_1134 = arith.constant 0 : i32
      %dma_start3A_1135 = arith.constant 3 : i32
      %dma_start3A_1136 = arith.constant 1 : i32
      %dma_start3A_1137 = arith.constant 8 : i32
      %dma_start3A_1138 = arith.constant 0 : i32
      %dma_start3A_1139 = tpu.memref_slice %arg8[%dma_start3A_1134, %dma_start3A_1135, %dma_start3A_1137, %dma_start3A_1138] : memref<2x4x32x129xf32, #tpu.memory_space<vmem>> -> memref<1x1x8x128xf32, #tpu.memory_space<vmem>>
      %dma_start3A_1140 = tpu.memref_squeeze %dma_start3A_1139 : memref<1x1x8x128xf32, #tpu.memory_space<vmem>> -> memref<8x128xf32, #tpu.memory_space<vmem>>
      %dma_start3A_1141 = arith.constant 0 : i32
      %dma_start3A_1142 = arith.constant 0 : i32
      %dma_start3A_1143 = tpu.memref_slice %arg5[%add3A_1133, %dma_start3A_1136, %add3A, %dma_start3A_1141, %dma_start3A_1142] : memref<200x4x32x8x128xf32, #tpu.memory_space<hbm>> -> memref<1x1x1x8x128xf32, #tpu.memory_space<hbm>>
      %dma_start3A_1144 = tpu.memref_squeeze %dma_start3A_1143 : memref<1x1x1x8x128xf32, #tpu.memory_space<hbm>> -> memref<8x128xf32, #tpu.memory_space<hbm>>
      %dma_start3A_1145 = arith.constant 0 : i32
      %dma_start3A_1146 = arith.constant 0 : i32
      %dma_start3A_1147 = tpu.memref_slice %arg5[%add3A_1133, %dma_start3A_1136, %add3A, %dma_start3A_1145, %dma_start3A_1146] : memref<200x4x32x8x128xf32, #tpu.memory_space<hbm>> -> memref<1x1x1x8x128xf32, #tpu.memory_space<hbm>>
      %dma_start3A_1148 = tpu.memref_squeeze %dma_start3A_1147 : memref<1x1x1x8x128xf32, #tpu.memory_space<hbm>> -> memref<8x128xf32, #tpu.memory_space<hbm>>
      %dma_start3A_1149 = arith.constant 8 : i32
      %dma_start3A_1150 = arith.constant 0 : i32
      %dma_start3A_1151 = tpu.memref_slice %arg8[%dma_start3A_1134, %dma_start3A_1135, %dma_start3A_1149, %dma_start3A_1150] : memref<2x4x32x129xf32, #tpu.memory_space<vmem>> -> memref<1x1x8x128xf32, #tpu.memory_space<vmem>>
      %dma_start3A_1152 = tpu.memref_squeeze %dma_start3A_1151 : memref<1x1x8x128xf32, #tpu.memory_space<vmem>> -> memref<8x128xf32, #tpu.memory_space<vmem>>
      tpu.enqueue_dma source(%dma_start3A_1152 : memref<8x128xf32, #tpu.memory_space<vmem>>) target(%dma_start3A_1148 : memref<8x128xf32, #tpu.memory_space<hbm>>) target_semaphore(%arg12 : memref<!tpu.dma_semaphore, #tpu.memory_space<semaphore_mem>>)
      %mul3A_1153 = arith.constant 4 : i32
      %mul3A_1154 = arith.muli %mul3A_705, %mul3A_1153 : i32
      %add3A_1155 = arith.constant 3 : i32
      %add3A_1156 = arith.addi %mul3A_1154, %add3A_1155 : i32
      %dma_start3A_1157 = arith.constant 0 : i32
      %dma_start3A_1158 = arith.constant 3 : i32
      %dma_start3A_1159 = arith.constant 2 : i32
      %dma_start3A_1160 = arith.constant 16 : i32
      %dma_start3A_1161 = arith.constant 0 : i32
      %dma_start3A_1162 = tpu.memref_slice %arg8[%dma_start3A_1157, %dma_start3A_1158, %dma_start3A_1160, %dma_start3A_1161] : memref<2x4x32x129xf32, #tpu.memory_space<vmem>> -> memref<1x1x8x128xf32, #tpu.memory_space<vmem>>
      %dma_start3A_1163 = tpu.memref_squeeze %dma_start3A_1162 : memref<1x1x8x128xf32, #tpu.memory_space<vmem>> -> memref<8x128xf32, #tpu.memory_space<vmem>>
      %dma_start3A_1164 = arith.constant 0 : i32
      %dma_start3A_1165 = arith.constant 0 : i32
      %dma_start3A_1166 = tpu.memref_slice %arg5[%add3A_1156, %dma_start3A_1159, %add3A, %dma_start3A_1164, %dma_start3A_1165] : memref<200x4x32x8x128xf32, #tpu.memory_space<hbm>> -> memref<1x1x1x8x128xf32, #tpu.memory_space<hbm>>
      %dma_start3A_1167 = tpu.memref_squeeze %dma_start3A_1166 : memref<1x1x1x8x128xf32, #tpu.memory_space<hbm>> -> memref<8x128xf32, #tpu.memory_space<hbm>>
      %dma_start3A_1168 = arith.constant 0 : i32
      %dma_start3A_1169 = arith.constant 0 : i32
      %dma_start3A_1170 = tpu.memref_slice %arg5[%add3A_1156, %dma_start3A_1159, %add3A, %dma_start3A_1168, %dma_start3A_1169] : memref<200x4x32x8x128xf32, #tpu.memory_space<hbm>> -> memref<1x1x1x8x128xf32, #tpu.memory_space<hbm>>
      %dma_start3A_1171 = tpu.memref_squeeze %dma_start3A_1170 : memref<1x1x1x8x128xf32, #tpu.memory_space<hbm>> -> memref<8x128xf32, #tpu.memory_space<hbm>>
      %dma_start3A_1172 = arith.constant 16 : i32
      %dma_start3A_1173 = arith.constant 0 : i32
      %dma_start3A_1174 = tpu.memref_slice %arg8[%dma_start3A_1157, %dma_start3A_1158, %dma_start3A_1172, %dma_start3A_1173] : memref<2x4x32x129xf32, #tpu.memory_space<vmem>> -> memref<1x1x8x128xf32, #tpu.memory_space<vmem>>
      %dma_start3A_1175 = tpu.memref_squeeze %dma_start3A_1174 : memref<1x1x8x128xf32, #tpu.memory_space<vmem>> -> memref<8x128xf32, #tpu.memory_space<vmem>>
      tpu.enqueue_dma source(%dma_start3A_1175 : memref<8x128xf32, #tpu.memory_space<vmem>>) target(%dma_start3A_1171 : memref<8x128xf32, #tpu.memory_space<hbm>>) target_semaphore(%arg12 : memref<!tpu.dma_semaphore, #tpu.memory_space<semaphore_mem>>)
      %mul3A_1176 = arith.constant 4 : i32
      %mul3A_1177 = arith.muli %mul3A_705, %mul3A_1176 : i32
      %add3A_1178 = arith.constant 3 : i32
      %add3A_1179 = arith.addi %mul3A_1177, %add3A_1178 : i32
      %dma_start3A_1180 = arith.constant 0 : i32
      %dma_start3A_1181 = arith.constant 3 : i32
      %dma_start3A_1182 = arith.constant 3 : i32
      %dma_start3A_1183 = arith.constant 24 : i32
      %dma_start3A_1184 = arith.constant 0 : i32
      %dma_start3A_1185 = tpu.memref_slice %arg8[%dma_start3A_1180, %dma_start3A_1181, %dma_start3A_1183, %dma_start3A_1184] : memref<2x4x32x129xf32, #tpu.memory_space<vmem>> -> memref<1x1x8x128xf32, #tpu.memory_space<vmem>>
      %dma_start3A_1186 = tpu.memref_squeeze %dma_start3A_1185 : memref<1x1x8x128xf32, #tpu.memory_space<vmem>> -> memref<8x128xf32, #tpu.memory_space<vmem>>
      %dma_start3A_1187 = arith.constant 0 : i32
      %dma_start3A_1188 = arith.constant 0 : i32
      %dma_start3A_1189 = tpu.memref_slice %arg5[%add3A_1179, %dma_start3A_1182, %add3A, %dma_start3A_1187, %dma_start3A_1188] : memref<200x4x32x8x128xf32, #tpu.memory_space<hbm>> -> memref<1x1x1x8x128xf32, #tpu.memory_space<hbm>>
      %dma_start3A_1190 = tpu.memref_squeeze %dma_start3A_1189 : memref<1x1x1x8x128xf32, #tpu.memory_space<hbm>> -> memref<8x128xf32, #tpu.memory_space<hbm>>
      %dma_start3A_1191 = arith.constant 0 : i32
      %dma_start3A_1192 = arith.constant 0 : i32
      %dma_start3A_1193 = tpu.memref_slice %arg5[%add3A_1179, %dma_start3A_1182, %add3A, %dma_start3A_1191, %dma_start3A_1192] : memref<200x4x32x8x128xf32, #tpu.memory_space<hbm>> -> memref<1x1x1x8x128xf32, #tpu.memory_space<hbm>>
      %dma_start3A_1194 = tpu.memref_squeeze %dma_start3A_1193 : memref<1x1x1x8x128xf32, #tpu.memory_space<hbm>> -> memref<8x128xf32, #tpu.memory_space<hbm>>
      %dma_start3A_1195 = arith.constant 24 : i32
      %dma_start3A_1196 = arith.constant 0 : i32
      %dma_start3A_1197 = tpu.memref_slice %arg8[%dma_start3A_1180, %dma_start3A_1181, %dma_start3A_1195, %dma_start3A_1196] : memref<2x4x32x129xf32, #tpu.memory_space<vmem>> -> memref<1x1x8x128xf32, #tpu.memory_space<vmem>>
      %dma_start3A_1198 = tpu.memref_squeeze %dma_start3A_1197 : memref<1x1x8x128xf32, #tpu.memory_space<vmem>> -> memref<8x128xf32, #tpu.memory_space<vmem>>
      tpu.enqueue_dma source(%dma_start3A_1198 : memref<8x128xf32, #tpu.memory_space<vmem>>) target(%dma_start3A_1194 : memref<8x128xf32, #tpu.memory_space<hbm>>) target_semaphore(%arg12 : memref<!tpu.dma_semaphore, #tpu.memory_space<semaphore_mem>>)
      %add3A_1199 = arith.constant 2 : i32
      %add3A_1200 = arith.addi %mul3A_705, %add3A_1199 : i32
      %lt3A = arith.constant 50 : i32
      %lt3A_1201 = arith.cmpi slt, %add3A_1200, %lt3A : i32
      %convert_element_type3A_1202 = arith.extui %lt3A_1201 : i1 to i32
      %cond3A_1203 = arith.constant 0 : i32
      %cond3A_1204 = arith.cmpi ne, %convert_element_type3A_1202, %cond3A_1203 : i32
      scf.if %cond3A_1204 {
        %add3A_1643 = arith.constant 2 : i32
        %add3A_1644 = arith.addi %mul3A_705, %add3A_1643 : i32
        %mul3A_1645 = arith.constant 4 : i32
        %mul3A_1646 = arith.muli %add3A_1644, %mul3A_1645 : i32
        %run_scoped3A_1647 = arith.constant 0 : i32
        "tpu.region"() ({
          %run_scoped3A_1705 = tpu.sem_alloc : memref<!tpu.dma_semaphore, #tpu.memory_space<semaphore_mem>>
          %dma_start3A_1706 = arith.constant 0 : i32
          %dma_start3A_1707 = arith.constant 0 : i32
          %dma_start3A_1708 = tpu.memref_slice %arg6[%run_scoped3A_1647, %dma_start3A_1706, %dma_start3A_1707] : memref<2x4x128xi32, #tpu.memory_space<vmem>> -> memref<1x4x128xi32, #tpu.memory_space<vmem>>
          %dma_start3A_1709 = tpu.memref_squeeze %dma_start3A_1708 : memref<1x4x128xi32, #tpu.memory_space<vmem>> -> memref<4x128xi32, #tpu.memory_space<vmem>>
          %dma_start3A_1710 = tpu.memref_slice %arg2[%mul3A_1646, %mul3A_2] : memref<200x4096xi32, #tpu.memory_space<hbm>> -> memref<4x128xi32, #tpu.memory_space<hbm>>
          %dma_start3A_1711 = arith.constant 0 : i32
          %dma_start3A_1712 = arith.constant 0 : i32
          %dma_start3A_1713 = tpu.memref_slice %arg6[%run_scoped3A_1647, %dma_start3A_1711, %dma_start3A_1712] : memref<2x4x128xi32, #tpu.memory_space<vmem>> -> memref<1x4x128xi32, #tpu.memory_space<vmem>>
          %dma_start3A_1714 = tpu.memref_squeeze %dma_start3A_1713 : memref<1x4x128xi32, #tpu.memory_space<vmem>> -> memref<4x128xi32, #tpu.memory_space<vmem>>
          %dma_start3A_1715 = tpu.memref_slice %arg2[%mul3A_1646, %mul3A_2] : memref<200x4096xi32, #tpu.memory_space<hbm>> -> memref<4x128xi32, #tpu.memory_space<hbm>>
          tpu.enqueue_dma source(%dma_start3A_1715 : memref<4x128xi32, #tpu.memory_space<hbm>>) target(%dma_start3A_1714 : memref<4x128xi32, #tpu.memory_space<vmem>>) target_semaphore(%run_scoped3A_1705 : memref<!tpu.dma_semaphore, #tpu.memory_space<semaphore_mem>>)
          %dma_wait3A_1716 = arith.constant 0 : i32
          %dma_wait3A_1717 = arith.constant 0 : i32
          %dma_wait3A_1718 = tpu.memref_slice %arg6[%run_scoped3A_1647, %dma_wait3A_1716, %dma_wait3A_1717] : memref<2x4x128xi32, #tpu.memory_space<vmem>> -> memref<1x4x128xi32, #tpu.memory_space<vmem>>
          %dma_wait3A_1719 = tpu.memref_squeeze %dma_wait3A_1718 : memref<1x4x128xi32, #tpu.memory_space<vmem>> -> memref<4x128xi32, #tpu.memory_space<vmem>>
          %dma_wait3A_1720 = tpu.memref_slice %arg2[%mul3A_1646, %mul3A_2] : memref<200x4096xi32, #tpu.memory_space<hbm>> -> memref<4x128xi32, #tpu.memory_space<hbm>>
          %dma_wait3A_1721 = arith.constant 0 : i32
          %dma_wait3A_1722 = arith.constant 0 : i32
          %dma_wait3A_1723 = tpu.memref_slice %arg6[%run_scoped3A_1647, %dma_wait3A_1721, %dma_wait3A_1722] : memref<2x4x128xi32, #tpu.memory_space<vmem>> -> memref<1x4x128xi32, #tpu.memory_space<vmem>>
          %dma_wait3A_1724 = tpu.memref_squeeze %dma_wait3A_1723 : memref<1x4x128xi32, #tpu.memory_space<vmem>> -> memref<4x128xi32, #tpu.memory_space<vmem>>
          %dma_wait3A_1725 = tpu.memref_slice %arg2[%mul3A_1646, %mul3A_2] : memref<200x4096xi32, #tpu.memory_space<hbm>> -> memref<4x128xi32, #tpu.memory_space<hbm>>
          tpu.wait_dma2 semaphore(%run_scoped3A_1705 : memref<!tpu.dma_semaphore, #tpu.memory_space<semaphore_mem>>) src(%dma_wait3A_1725 : memref<4x128xi32, #tpu.memory_space<hbm>>) dst(%dma_wait3A_1724 : memref<4x128xi32, #tpu.memory_space<vmem>>)
          tpu.yield
        }) : () -> ()
        %run_scoped3A_1648 = arith.constant 0 : i32
        "tpu.region"() ({
          %run_scoped3A_1705 = tpu.sem_alloc : memref<!tpu.dma_semaphore, #tpu.memory_space<semaphore_mem>>
          %dma_start3A_1706 = arith.constant 0 : i32
          %dma_start3A_1707 = arith.constant 0 : i32
          %dma_start3A_1708 = tpu.memref_slice %arg9[%run_scoped3A_1648, %dma_start3A_1706, %dma_start3A_1707] : memref<2x4x32xf32, #tpu.memory_space<vmem>> -> memref<1x4x32xf32, #tpu.memory_space<vmem>>
          %dma_start3A_1709 = tpu.memref_squeeze %dma_start3A_1708 : memref<1x4x32xf32, #tpu.memory_space<vmem>> -> memref<4x32xf32, #tpu.memory_space<vmem>>
          %dma_start3A_1710 = arith.constant 0 : i32
          %dma_start3A_1711 = tpu.memref_slice %arg4[%mul3A_1646, %dma_start3A_1710] : memref<200x32xf32, #tpu.memory_space<hbm>> -> memref<4x32xf32, #tpu.memory_space<hbm>>
          %dma_start3A_1712 = arith.constant 0 : i32
          %dma_start3A_1713 = arith.constant 0 : i32
          %dma_start3A_1714 = tpu.memref_slice %arg9[%run_scoped3A_1648, %dma_start3A_1712, %dma_start3A_1713] : memref<2x4x32xf32, #tpu.memory_space<vmem>> -> memref<1x4x32xf32, #tpu.memory_space<vmem>>
          %dma_start3A_1715 = tpu.memref_squeeze %dma_start3A_1714 : memref<1x4x32xf32, #tpu.memory_space<vmem>> -> memref<4x32xf32, #tpu.memory_space<vmem>>
          %dma_start3A_1716 = arith.constant 0 : i32
          %dma_start3A_1717 = tpu.memref_slice %arg4[%mul3A_1646, %dma_start3A_1716] : memref<200x32xf32, #tpu.memory_space<hbm>> -> memref<4x32xf32, #tpu.memory_space<hbm>>
          tpu.enqueue_dma source(%dma_start3A_1717 : memref<4x32xf32, #tpu.memory_space<hbm>>) target(%dma_start3A_1715 : memref<4x32xf32, #tpu.memory_space<vmem>>) target_semaphore(%run_scoped3A_1705 : memref<!tpu.dma_semaphore, #tpu.memory_space<semaphore_mem>>)
          %dma_wait3A_1718 = arith.constant 0 : i32
          %dma_wait3A_1719 = arith.constant 0 : i32
          %dma_wait3A_1720 = tpu.memref_slice %arg9[%run_scoped3A_1648, %dma_wait3A_1718, %dma_wait3A_1719] : memref<2x4x32xf32, #tpu.memory_space<vmem>> -> memref<1x4x32xf32, #tpu.memory_space<vmem>>
          %dma_wait3A_1721 = tpu.memref_squeeze %dma_wait3A_1720 : memref<1x4x32xf32, #tpu.memory_space<vmem>> -> memref<4x32xf32, #tpu.memory_space<vmem>>
          %dma_wait3A_1722 = arith.constant 0 : i32
          %dma_wait3A_1723 = tpu.memref_slice %arg4[%mul3A_1646, %dma_wait3A_1722] : memref<200x32xf32, #tpu.memory_space<hbm>> -> memref<4x32xf32, #tpu.memory_space<hbm>>
          %dma_wait3A_1724 = arith.constant 0 : i32
          %dma_wait3A_1725 = arith.constant 0 : i32
          %dma_wait3A_1726 = tpu.memref_slice %arg9[%run_scoped3A_1648, %dma_wait3A_1724, %dma_wait3A_1725] : memref<2x4x32xf32, #tpu.memory_space<vmem>> -> memref<1x4x32xf32, #tpu.memory_space<vmem>>
          %dma_wait3A_1727 = tpu.memref_squeeze %dma_wait3A_1726 : memref<1x4x32xf32, #tpu.memory_space<vmem>> -> memref<4x32xf32, #tpu.memory_space<vmem>>
          %dma_wait3A_1728 = arith.constant 0 : i32
          %dma_wait3A_1729 = tpu.memref_slice %arg4[%mul3A_1646, %dma_wait3A_1728] : memref<200x32xf32, #tpu.memory_space<hbm>> -> memref<4x32xf32, #tpu.memory_space<hbm>>
          tpu.wait_dma2 semaphore(%run_scoped3A_1705 : memref<!tpu.dma_semaphore, #tpu.memory_space<semaphore_mem>>) src(%dma_wait3A_1729 : memref<4x32xf32, #tpu.memory_space<hbm>>) dst(%dma_wait3A_1727 : memref<4x32xf32, #tpu.memory_space<vmem>>)
          tpu.yield
        }) : () -> ()
        %dma_start3A_1649 = arith.constant 0 : i32
        %dma_start3A_1650 = arith.constant 0 : i32
        %dma_start3A_1651 = arith.constant 0 : i32
        %dma_start3A_1652 = arith.constant 0 : i32
        %dma_start3A_1653 = arith.constant 0 : i32
        %dma_start3A_1654 = arith.constant 0 : i32
        %dma_start3A_1655 = tpu.memref_slice %arg7[%dma_start3A_1651, %dma_start3A_1652, %dma_start3A_1653, %dma_start3A_1654] : memref<2x4x128x32xf32, #tpu.memory_space<vmem>> -> memref<1x1x128x32xf32, #tpu.memory_space<vmem>>
        %dma_start3A_1656 = tpu.memref_squeeze %dma_start3A_1655 : memref<1x1x128x32xf32, #tpu.memory_space<vmem>> -> memref<128x32xf32, #tpu.memory_space<vmem>>
        %dma_start3A_1657 = arith.constant 0 : i32
        %dma_start3A_1658 = tpu.memref_slice %arg6[%dma_start3A_1649, %dma_start3A_1650, %dma_start3A_1657] : memref<2x4x128xi32, #tpu.memory_space<vmem>> -> memref<1x1x128xi32, #tpu.memory_space<vmem>>
        %dma_start3A_1659 = tpu.memref_squeeze %dma_start3A_1658 : memref<1x1x128xi32, #tpu.memory_space<vmem>> -> memref<128xi32, #tpu.memory_space<vmem>>
        %dma_start3A_1660 = arith.constant 0 : i32
        %dma_start3A_1661 = arith.constant 0 : i32
        %dma_start3A_1662 = tpu.memref_slice %arg3[%dma_start3A_1660, %dma_start3A_1661] : memref<100000x32xf32, #tpu.memory_space<hbm>> -> memref<100000x32xf32, #tpu.memory_space<hbm>>
        tpu.enqueue_indirect_dma source(%dma_start3A_1662 : memref<100000x32xf32, #tpu.memory_space<hbm>>) target(%dma_start3A_1656 : memref<128x32xf32, #tpu.memory_space<vmem>>) offsets(%dma_start3A_1659 : memref<128xi32, #tpu.memory_space<vmem>>) semaphore(%arg10 : memref<!tpu.dma_semaphore, #tpu.memory_space<semaphore_mem>>)
        %dma_start3A_1663 = arith.constant 0 : i32
        %dma_start3A_1664 = arith.constant 1 : i32
        %dma_start3A_1665 = arith.constant 0 : i32
        %dma_start3A_1666 = arith.constant 1 : i32
        %dma_start3A_1667 = arith.constant 0 : i32
        %dma_start3A_1668 = arith.constant 0 : i32
        %dma_start3A_1669 = tpu.memref_slice %arg7[%dma_start3A_1665, %dma_start3A_1666, %dma_start3A_1667, %dma_start3A_1668] : memref<2x4x128x32xf32, #tpu.memory_space<vmem>> -> memref<1x1x128x32xf32, #tpu.memory_space<vmem>>
        %dma_start3A_1670 = tpu.memref_squeeze %dma_start3A_1669 : memref<1x1x128x32xf32, #tpu.memory_space<vmem>> -> memref<128x32xf32, #tpu.memory_space<vmem>>
        %dma_start3A_1671 = arith.constant 0 : i32
        %dma_start3A_1672 = tpu.memref_slice %arg6[%dma_start3A_1663, %dma_start3A_1664, %dma_start3A_1671] : memref<2x4x128xi32, #tpu.memory_space<vmem>> -> memref<1x1x128xi32, #tpu.memory_space<vmem>>
        %dma_start3A_1673 = tpu.memref_squeeze %dma_start3A_1672 : memref<1x1x128xi32, #tpu.memory_space<vmem>> -> memref<128xi32, #tpu.memory_space<vmem>>
        %dma_start3A_1674 = arith.constant 0 : i32
        %dma_start3A_1675 = arith.constant 0 : i32
        %dma_start3A_1676 = tpu.memref_slice %arg3[%dma_start3A_1674, %dma_start3A_1675] : memref<100000x32xf32, #tpu.memory_space<hbm>> -> memref<100000x32xf32, #tpu.memory_space<hbm>>
        tpu.enqueue_indirect_dma source(%dma_start3A_1676 : memref<100000x32xf32, #tpu.memory_space<hbm>>) target(%dma_start3A_1670 : memref<128x32xf32, #tpu.memory_space<vmem>>) offsets(%dma_start3A_1673 : memref<128xi32, #tpu.memory_space<vmem>>) semaphore(%arg10 : memref<!tpu.dma_semaphore, #tpu.memory_space<semaphore_mem>>)
        %dma_start3A_1677 = arith.constant 0 : i32
        %dma_start3A_1678 = arith.constant 2 : i32
        %dma_start3A_1679 = arith.constant 0 : i32
        %dma_start3A_1680 = arith.constant 2 : i32
        %dma_start3A_1681 = arith.constant 0 : i32
        %dma_start3A_1682 = arith.constant 0 : i32
        %dma_start3A_1683 = tpu.memref_slice %arg7[%dma_start3A_1679, %dma_start3A_1680, %dma_start3A_1681, %dma_start3A_1682] : memref<2x4x128x32xf32, #tpu.memory_space<vmem>> -> memref<1x1x128x32xf32, #tpu.memory_space<vmem>>
        %dma_start3A_1684 = tpu.memref_squeeze %dma_start3A_1683 : memref<1x1x128x32xf32, #tpu.memory_space<vmem>> -> memref<128x32xf32, #tpu.memory_space<vmem>>
        %dma_start3A_1685 = arith.constant 0 : i32
        %dma_start3A_1686 = tpu.memref_slice %arg6[%dma_start3A_1677, %dma_start3A_1678, %dma_start3A_1685] : memref<2x4x128xi32, #tpu.memory_space<vmem>> -> memref<1x1x128xi32, #tpu.memory_space<vmem>>
        %dma_start3A_1687 = tpu.memref_squeeze %dma_start3A_1686 : memref<1x1x128xi32, #tpu.memory_space<vmem>> -> memref<128xi32, #tpu.memory_space<vmem>>
        %dma_start3A_1688 = arith.constant 0 : i32
        %dma_start3A_1689 = arith.constant 0 : i32
        %dma_start3A_1690 = tpu.memref_slice %arg3[%dma_start3A_1688, %dma_start3A_1689] : memref<100000x32xf32, #tpu.memory_space<hbm>> -> memref<100000x32xf32, #tpu.memory_space<hbm>>
        tpu.enqueue_indirect_dma source(%dma_start3A_1690 : memref<100000x32xf32, #tpu.memory_space<hbm>>) target(%dma_start3A_1684 : memref<128x32xf32, #tpu.memory_space<vmem>>) offsets(%dma_start3A_1687 : memref<128xi32, #tpu.memory_space<vmem>>) semaphore(%arg10 : memref<!tpu.dma_semaphore, #tpu.memory_space<semaphore_mem>>)
        %dma_start3A_1691 = arith.constant 0 : i32
        %dma_start3A_1692 = arith.constant 3 : i32
        %dma_start3A_1693 = arith.constant 0 : i32
        %dma_start3A_1694 = arith.constant 3 : i32
        %dma_start3A_1695 = arith.constant 0 : i32
        %dma_start3A_1696 = arith.constant 0 : i32
        %dma_start3A_1697 = tpu.memref_slice %arg7[%dma_start3A_1693, %dma_start3A_1694, %dma_start3A_1695, %dma_start3A_1696] : memref<2x4x128x32xf32, #tpu.memory_space<vmem>> -> memref<1x1x128x32xf32, #tpu.memory_space<vmem>>
        %dma_start3A_1698 = tpu.memref_squeeze %dma_start3A_1697 : memref<1x1x128x32xf32, #tpu.memory_space<vmem>> -> memref<128x32xf32, #tpu.memory_space<vmem>>
        %dma_start3A_1699 = arith.constant 0 : i32
        %dma_start3A_1700 = tpu.memref_slice %arg6[%dma_start3A_1691, %dma_start3A_1692, %dma_start3A_1699] : memref<2x4x128xi32, #tpu.memory_space<vmem>> -> memref<1x1x128xi32, #tpu.memory_space<vmem>>
        %dma_start3A_1701 = tpu.memref_squeeze %dma_start3A_1700 : memref<1x1x128xi32, #tpu.memory_space<vmem>> -> memref<128xi32, #tpu.memory_space<vmem>>
        %dma_start3A_1702 = arith.constant 0 : i32
        %dma_start3A_1703 = arith.constant 0 : i32
        %dma_start3A_1704 = tpu.memref_slice %arg3[%dma_start3A_1702, %dma_start3A_1703] : memref<100000x32xf32, #tpu.memory_space<hbm>> -> memref<100000x32xf32, #tpu.memory_space<hbm>>
        tpu.enqueue_indirect_dma source(%dma_start3A_1704 : memref<100000x32xf32, #tpu.memory_space<hbm>>) target(%dma_start3A_1698 : memref<128x32xf32, #tpu.memory_space<vmem>>) offsets(%dma_start3A_1701 : memref<128xi32, #tpu.memory_space<vmem>>) semaphore(%arg10 : memref<!tpu.dma_semaphore, #tpu.memory_space<semaphore_mem>>)
      } else {
      }
      %add3A_1205 = arith.constant 1 : i32
      %add3A_1206 = arith.addi %mul3A_705, %add3A_1205 : i32
      %ge3A_1207 = arith.constant 2 : i32
      %ge3A_1208 = arith.cmpi sge, %add3A_1206, %ge3A_1207 : i32
      %convert_element_type3A_1209 = arith.extui %ge3A_1208 : i1 to i32
      %cond3A_1210 = arith.constant 0 : i32
      %cond3A_1211 = arith.cmpi ne, %convert_element_type3A_1209, %cond3A_1210 : i32
      scf.if %cond3A_1211 {
        %sub3A = arith.constant 2 : i32
        %sub3A_1643 = arith.subi %add3A_1206, %sub3A : i32
        %mul3A_1644 = arith.constant 4 : i32
        %mul3A_1645 = arith.muli %sub3A_1643, %mul3A_1644 : i32
        %add3A_1646 = arith.constant 0 : i32
        %add3A_1647 = arith.addi %mul3A_1645, %add3A_1646 : i32
        %dma_wait3A_1648 = arith.constant 1 : i32
        %dma_wait3A_1649 = arith.constant 0 : i32
        %dma_wait3A_1650 = arith.constant 0 : i32
        %dma_wait3A_1651 = arith.constant 0 : i32
        %dma_wait3A_1652 = arith.constant 0 : i32
        %dma_wait3A_1653 = tpu.memref_slice %arg8[%dma_wait3A_1648, %dma_wait3A_1649, %dma_wait3A_1651, %dma_wait3A_1652] : memref<2x4x32x129xf32, #tpu.memory_space<vmem>> -> memref<1x1x8x128xf32, #tpu.memory_space<vmem>>
        %dma_wait3A_1654 = tpu.memref_squeeze %dma_wait3A_1653 : memref<1x1x8x128xf32, #tpu.memory_space<vmem>> -> memref<8x128xf32, #tpu.memory_space<vmem>>
        %dma_wait3A_1655 = arith.constant 0 : i32
        %dma_wait3A_1656 = arith.constant 0 : i32
        %dma_wait3A_1657 = tpu.memref_slice %arg5[%add3A_1647, %dma_wait3A_1650, %add3A, %dma_wait3A_1655, %dma_wait3A_1656] : memref<200x4x32x8x128xf32, #tpu.memory_space<hbm>> -> memref<1x1x1x8x128xf32, #tpu.memory_space<hbm>>
        %dma_wait3A_1658 = tpu.memref_squeeze %dma_wait3A_1657 : memref<1x1x1x8x128xf32, #tpu.memory_space<hbm>> -> memref<8x128xf32, #tpu.memory_space<hbm>>
        %dma_wait3A_1659 = arith.constant 0 : i32
        %dma_wait3A_1660 = arith.constant 0 : i32
        %dma_wait3A_1661 = tpu.memref_slice %arg5[%add3A_1647, %dma_wait3A_1650, %add3A, %dma_wait3A_1659, %dma_wait3A_1660] : memref<200x4x32x8x128xf32, #tpu.memory_space<hbm>> -> memref<1x1x1x8x128xf32, #tpu.memory_space<hbm>>
        %dma_wait3A_1662 = tpu.memref_squeeze %dma_wait3A_1661 : memref<1x1x1x8x128xf32, #tpu.memory_space<hbm>> -> memref<8x128xf32, #tpu.memory_space<hbm>>
        %dma_wait3A_1663 = arith.constant 0 : i32
        %dma_wait3A_1664 = arith.constant 0 : i32
        %dma_wait3A_1665 = tpu.memref_slice %arg8[%dma_wait3A_1648, %dma_wait3A_1649, %dma_wait3A_1663, %dma_wait3A_1664] : memref<2x4x32x129xf32, #tpu.memory_space<vmem>> -> memref<1x1x8x128xf32, #tpu.memory_space<vmem>>
        %dma_wait3A_1666 = tpu.memref_squeeze %dma_wait3A_1665 : memref<1x1x8x128xf32, #tpu.memory_space<vmem>> -> memref<8x128xf32, #tpu.memory_space<vmem>>
        tpu.wait_dma2 semaphore(%arg13 : memref<!tpu.dma_semaphore, #tpu.memory_space<semaphore_mem>>) src(%dma_wait3A_1666 : memref<8x128xf32, #tpu.memory_space<vmem>>) dst(%dma_wait3A_1662 : memref<8x128xf32, #tpu.memory_space<hbm>>)
        %mul3A_1667 = arith.constant 4 : i32
        %mul3A_1668 = arith.muli %sub3A_1643, %mul3A_1667 : i32
        %add3A_1669 = arith.constant 0 : i32
        %add3A_1670 = arith.addi %mul3A_1668, %add3A_1669 : i32
        %dma_wait3A_1671 = arith.constant 1 : i32
        %dma_wait3A_1672 = arith.constant 0 : i32
        %dma_wait3A_1673 = arith.constant 1 : i32
        %dma_wait3A_1674 = arith.constant 8 : i32
        %dma_wait3A_1675 = arith.constant 0 : i32
        %dma_wait3A_1676 = tpu.memref_slice %arg8[%dma_wait3A_1671, %dma_wait3A_1672, %dma_wait3A_1674, %dma_wait3A_1675] : memref<2x4x32x129xf32, #tpu.memory_space<vmem>> -> memref<1x1x8x128xf32, #tpu.memory_space<vmem>>
        %dma_wait3A_1677 = tpu.memref_squeeze %dma_wait3A_1676 : memref<1x1x8x128xf32, #tpu.memory_space<vmem>> -> memref<8x128xf32, #tpu.memory_space<vmem>>
        %dma_wait3A_1678 = arith.constant 0 : i32
        %dma_wait3A_1679 = arith.constant 0 : i32
        %dma_wait3A_1680 = tpu.memref_slice %arg5[%add3A_1670, %dma_wait3A_1673, %add3A, %dma_wait3A_1678, %dma_wait3A_1679] : memref<200x4x32x8x128xf32, #tpu.memory_space<hbm>> -> memref<1x1x1x8x128xf32, #tpu.memory_space<hbm>>
        %dma_wait3A_1681 = tpu.memref_squeeze %dma_wait3A_1680 : memref<1x1x1x8x128xf32, #tpu.memory_space<hbm>> -> memref<8x128xf32, #tpu.memory_space<hbm>>
        %dma_wait3A_1682 = arith.constant 0 : i32
        %dma_wait3A_1683 = arith.constant 0 : i32
        %dma_wait3A_1684 = tpu.memref_slice %arg5[%add3A_1670, %dma_wait3A_1673, %add3A, %dma_wait3A_1682, %dma_wait3A_1683] : memref<200x4x32x8x128xf32, #tpu.memory_space<hbm>> -> memref<1x1x1x8x128xf32, #tpu.memory_space<hbm>>
        %dma_wait3A_1685 = tpu.memref_squeeze %dma_wait3A_1684 : memref<1x1x1x8x128xf32, #tpu.memory_space<hbm>> -> memref<8x128xf32, #tpu.memory_space<hbm>>
        %dma_wait3A_1686 = arith.constant 8 : i32
        %dma_wait3A_1687 = arith.constant 0 : i32
        %dma_wait3A_1688 = tpu.memref_slice %arg8[%dma_wait3A_1671, %dma_wait3A_1672, %dma_wait3A_1686, %dma_wait3A_1687] : memref<2x4x32x129xf32, #tpu.memory_space<vmem>> -> memref<1x1x8x128xf32, #tpu.memory_space<vmem>>
        %dma_wait3A_1689 = tpu.memref_squeeze %dma_wait3A_1688 : memref<1x1x8x128xf32, #tpu.memory_space<vmem>> -> memref<8x128xf32, #tpu.memory_space<vmem>>
        tpu.wait_dma2 semaphore(%arg13 : memref<!tpu.dma_semaphore, #tpu.memory_space<semaphore_mem>>) src(%dma_wait3A_1689 : memref<8x128xf32, #tpu.memory_space<vmem>>) dst(%dma_wait3A_1685 : memref<8x128xf32, #tpu.memory_space<hbm>>)
        %mul3A_1690 = arith.constant 4 : i32
        %mul3A_1691 = arith.muli %sub3A_1643, %mul3A_1690 : i32
        %add3A_1692 = arith.constant 0 : i32
        %add3A_1693 = arith.addi %mul3A_1691, %add3A_1692 : i32
        %dma_wait3A_1694 = arith.constant 1 : i32
        %dma_wait3A_1695 = arith.constant 0 : i32
        %dma_wait3A_1696 = arith.constant 2 : i32
        %dma_wait3A_1697 = arith.constant 16 : i32
        %dma_wait3A_1698 = arith.constant 0 : i32
        %dma_wait3A_1699 = tpu.memref_slice %arg8[%dma_wait3A_1694, %dma_wait3A_1695, %dma_wait3A_1697, %dma_wait3A_1698] : memref<2x4x32x129xf32, #tpu.memory_space<vmem>> -> memref<1x1x8x128xf32, #tpu.memory_space<vmem>>
        %dma_wait3A_1700 = tpu.memref_squeeze %dma_wait3A_1699 : memref<1x1x8x128xf32, #tpu.memory_space<vmem>> -> memref<8x128xf32, #tpu.memory_space<vmem>>
        %dma_wait3A_1701 = arith.constant 0 : i32
        %dma_wait3A_1702 = arith.constant 0 : i32
        %dma_wait3A_1703 = tpu.memref_slice %arg5[%add3A_1693, %dma_wait3A_1696, %add3A, %dma_wait3A_1701, %dma_wait3A_1702] : memref<200x4x32x8x128xf32, #tpu.memory_space<hbm>> -> memref<1x1x1x8x128xf32, #tpu.memory_space<hbm>>
        %dma_wait3A_1704 = tpu.memref_squeeze %dma_wait3A_1703 : memref<1x1x1x8x128xf32, #tpu.memory_space<hbm>> -> memref<8x128xf32, #tpu.memory_space<hbm>>
        %dma_wait3A_1705 = arith.constant 0 : i32
        %dma_wait3A_1706 = arith.constant 0 : i32
        %dma_wait3A_1707 = tpu.memref_slice %arg5[%add3A_1693, %dma_wait3A_1696, %add3A, %dma_wait3A_1705, %dma_wait3A_1706] : memref<200x4x32x8x128xf32, #tpu.memory_space<hbm>> -> memref<1x1x1x8x128xf32, #tpu.memory_space<hbm>>
        %dma_wait3A_1708 = tpu.memref_squeeze %dma_wait3A_1707 : memref<1x1x1x8x128xf32, #tpu.memory_space<hbm>> -> memref<8x128xf32, #tpu.memory_space<hbm>>
        %dma_wait3A_1709 = arith.constant 16 : i32
        %dma_wait3A_1710 = arith.constant 0 : i32
        %dma_wait3A_1711 = tpu.memref_slice %arg8[%dma_wait3A_1694, %dma_wait3A_1695, %dma_wait3A_1709, %dma_wait3A_1710] : memref<2x4x32x129xf32, #tpu.memory_space<vmem>> -> memref<1x1x8x128xf32, #tpu.memory_space<vmem>>
        %dma_wait3A_1712 = tpu.memref_squeeze %dma_wait3A_1711 : memref<1x1x8x128xf32, #tpu.memory_space<vmem>> -> memref<8x128xf32, #tpu.memory_space<vmem>>
        tpu.wait_dma2 semaphore(%arg13 : memref<!tpu.dma_semaphore, #tpu.memory_space<semaphore_mem>>) src(%dma_wait3A_1712 : memref<8x128xf32, #tpu.memory_space<vmem>>) dst(%dma_wait3A_1708 : memref<8x128xf32, #tpu.memory_space<hbm>>)
        %mul3A_1713 = arith.constant 4 : i32
        %mul3A_1714 = arith.muli %sub3A_1643, %mul3A_1713 : i32
        %add3A_1715 = arith.constant 0 : i32
        %add3A_1716 = arith.addi %mul3A_1714, %add3A_1715 : i32
        %dma_wait3A_1717 = arith.constant 1 : i32
        %dma_wait3A_1718 = arith.constant 0 : i32
        %dma_wait3A_1719 = arith.constant 3 : i32
        %dma_wait3A_1720 = arith.constant 24 : i32
        %dma_wait3A_1721 = arith.constant 0 : i32
        %dma_wait3A_1722 = tpu.memref_slice %arg8[%dma_wait3A_1717, %dma_wait3A_1718, %dma_wait3A_1720, %dma_wait3A_1721] : memref<2x4x32x129xf32, #tpu.memory_space<vmem>> -> memref<1x1x8x128xf32, #tpu.memory_space<vmem>>
        %dma_wait3A_1723 = tpu.memref_squeeze %dma_wait3A_1722 : memref<1x1x8x128xf32, #tpu.memory_space<vmem>> -> memref<8x128xf32, #tpu.memory_space<vmem>>
        %dma_wait3A_1724 = arith.constant 0 : i32
        %dma_wait3A_1725 = arith.constant 0 : i32
        %dma_wait3A_1726 = tpu.memref_slice %arg5[%add3A_1716, %dma_wait3A_1719, %add3A, %dma_wait3A_1724, %dma_wait3A_1725] : memref<200x4x32x8x128xf32, #tpu.memory_space<hbm>> -> memref<1x1x1x8x128xf32, #tpu.memory_space<hbm>>
        %dma_wait3A_1727 = tpu.memref_squeeze %dma_wait3A_1726 : memref<1x1x1x8x128xf32, #tpu.memory_space<hbm>> -> memref<8x128xf32, #tpu.memory_space<hbm>>
        %dma_wait3A_1728 = arith.constant 0 : i32
        %dma_wait3A_1729 = arith.constant 0 : i32
        %dma_wait3A_1730 = tpu.memref_slice %arg5[%add3A_1716, %dma_wait3A_1719, %add3A, %dma_wait3A_1728, %dma_wait3A_1729] : memref<200x4x32x8x128xf32, #tpu.memory_space<hbm>> -> memref<1x1x1x8x128xf32, #tpu.memory_space<hbm>>
        %dma_wait3A_1731 = tpu.memref_squeeze %dma_wait3A_1730 : memref<1x1x1x8x128xf32, #tpu.memory_space<hbm>> -> memref<8x128xf32, #tpu.memory_space<hbm>>
        %dma_wait3A_1732 = arith.constant 24 : i32
        %dma_wait3A_1733 = arith.constant 0 : i32
        %dma_wait3A_1734 = tpu.memref_slice %arg8[%dma_wait3A_1717, %dma_wait3A_1718, %dma_wait3A_1732, %dma_wait3A_1733] : memref<2x4x32x129xf32, #tpu.memory_space<vmem>> -> memref<1x1x8x128xf32, #tpu.memory_space<vmem>>
        %dma_wait3A_1735 = tpu.memref_squeeze %dma_wait3A_1734 : memref<1x1x8x128xf32, #tpu.memory_space<vmem>> -> memref<8x128xf32, #tpu.memory_space<vmem>>
        tpu.wait_dma2 semaphore(%arg13 : memref<!tpu.dma_semaphore, #tpu.memory_space<semaphore_mem>>) src(%dma_wait3A_1735 : memref<8x128xf32, #tpu.memory_space<vmem>>) dst(%dma_wait3A_1731 : memref<8x128xf32, #tpu.memory_space<hbm>>)
        %mul3A_1736 = arith.constant 4 : i32
        %mul3A_1737 = arith.muli %sub3A_1643, %mul3A_1736 : i32
        %add3A_1738 = arith.constant 1 : i32
        %add3A_1739 = arith.addi %mul3A_1737, %add3A_1738 : i32
        %dma_wait3A_1740 = arith.constant 1 : i32
        %dma_wait3A_1741 = arith.constant 1 : i32
        %dma_wait3A_1742 = arith.constant 0 : i32
        %dma_wait3A_1743 = arith.constant 0 : i32
        %dma_wait3A_1744 = arith.constant 0 : i32
        %dma_wait3A_1745 = tpu.memref_slice %arg8[%dma_wait3A_1740, %dma_wait3A_1741, %dma_wait3A_1743, %dma_wait3A_1744] : memref<2x4x32x129xf32, #tpu.memory_space<vmem>> -> memref<1x1x8x128xf32, #tpu.memory_space<vmem>>
        %dma_wait3A_1746 = tpu.memref_squeeze %dma_wait3A_1745 : memref<1x1x8x128xf32, #tpu.memory_space<vmem>> -> memref<8x128xf32, #tpu.memory_space<vmem>>
        %dma_wait3A_1747 = arith.constant 0 : i32
        %dma_wait3A_1748 = arith.constant 0 : i32
        %dma_wait3A_1749 = tpu.memref_slice %arg5[%add3A_1739, %dma_wait3A_1742, %add3A, %dma_wait3A_1747, %dma_wait3A_1748] : memref<200x4x32x8x128xf32, #tpu.memory_space<hbm>> -> memref<1x1x1x8x128xf32, #tpu.memory_space<hbm>>
        %dma_wait3A_1750 = tpu.memref_squeeze %dma_wait3A_1749 : memref<1x1x1x8x128xf32, #tpu.memory_space<hbm>> -> memref<8x128xf32, #tpu.memory_space<hbm>>
        %dma_wait3A_1751 = arith.constant 0 : i32
        %dma_wait3A_1752 = arith.constant 0 : i32
        %dma_wait3A_1753 = tpu.memref_slice %arg5[%add3A_1739, %dma_wait3A_1742, %add3A, %dma_wait3A_1751, %dma_wait3A_1752] : memref<200x4x32x8x128xf32, #tpu.memory_space<hbm>> -> memref<1x1x1x8x128xf32, #tpu.memory_space<hbm>>
        %dma_wait3A_1754 = tpu.memref_squeeze %dma_wait3A_1753 : memref<1x1x1x8x128xf32, #tpu.memory_space<hbm>> -> memref<8x128xf32, #tpu.memory_space<hbm>>
        %dma_wait3A_1755 = arith.constant 0 : i32
        %dma_wait3A_1756 = arith.constant 0 : i32
        %dma_wait3A_1757 = tpu.memref_slice %arg8[%dma_wait3A_1740, %dma_wait3A_1741, %dma_wait3A_1755, %dma_wait3A_1756] : memref<2x4x32x129xf32, #tpu.memory_space<vmem>> -> memref<1x1x8x128xf32, #tpu.memory_space<vmem>>
        %dma_wait3A_1758 = tpu.memref_squeeze %dma_wait3A_1757 : memref<1x1x8x128xf32, #tpu.memory_space<vmem>> -> memref<8x128xf32, #tpu.memory_space<vmem>>
        tpu.wait_dma2 semaphore(%arg13 : memref<!tpu.dma_semaphore, #tpu.memory_space<semaphore_mem>>) src(%dma_wait3A_1758 : memref<8x128xf32, #tpu.memory_space<vmem>>) dst(%dma_wait3A_1754 : memref<8x128xf32, #tpu.memory_space<hbm>>)
        %mul3A_1759 = arith.constant 4 : i32
        %mul3A_1760 = arith.muli %sub3A_1643, %mul3A_1759 : i32
        %add3A_1761 = arith.constant 1 : i32
        %add3A_1762 = arith.addi %mul3A_1760, %add3A_1761 : i32
        %dma_wait3A_1763 = arith.constant 1 : i32
        %dma_wait3A_1764 = arith.constant 1 : i32
        %dma_wait3A_1765 = arith.constant 1 : i32
        %dma_wait3A_1766 = arith.constant 8 : i32
        %dma_wait3A_1767 = arith.constant 0 : i32
        %dma_wait3A_1768 = tpu.memref_slice %arg8[%dma_wait3A_1763, %dma_wait3A_1764, %dma_wait3A_1766, %dma_wait3A_1767] : memref<2x4x32x129xf32, #tpu.memory_space<vmem>> -> memref<1x1x8x128xf32, #tpu.memory_space<vmem>>
        %dma_wait3A_1769 = tpu.memref_squeeze %dma_wait3A_1768 : memref<1x1x8x128xf32, #tpu.memory_space<vmem>> -> memref<8x128xf32, #tpu.memory_space<vmem>>
        %dma_wait3A_1770 = arith.constant 0 : i32
        %dma_wait3A_1771 = arith.constant 0 : i32
        %dma_wait3A_1772 = tpu.memref_slice %arg5[%add3A_1762, %dma_wait3A_1765, %add3A, %dma_wait3A_1770, %dma_wait3A_1771] : memref<200x4x32x8x128xf32, #tpu.memory_space<hbm>> -> memref<1x1x1x8x128xf32, #tpu.memory_space<hbm>>
        %dma_wait3A_1773 = tpu.memref_squeeze %dma_wait3A_1772 : memref<1x1x1x8x128xf32, #tpu.memory_space<hbm>> -> memref<8x128xf32, #tpu.memory_space<hbm>>
        %dma_wait3A_1774 = arith.constant 0 : i32
        %dma_wait3A_1775 = arith.constant 0 : i32
        %dma_wait3A_1776 = tpu.memref_slice %arg5[%add3A_1762, %dma_wait3A_1765, %add3A, %dma_wait3A_1774, %dma_wait3A_1775] : memref<200x4x32x8x128xf32, #tpu.memory_space<hbm>> -> memref<1x1x1x8x128xf32, #tpu.memory_space<hbm>>
        %dma_wait3A_1777 = tpu.memref_squeeze %dma_wait3A_1776 : memref<1x1x1x8x128xf32, #tpu.memory_space<hbm>> -> memref<8x128xf32, #tpu.memory_space<hbm>>
        %dma_wait3A_1778 = arith.constant 8 : i32
        %dma_wait3A_1779 = arith.constant 0 : i32
        %dma_wait3A_1780 = tpu.memref_slice %arg8[%dma_wait3A_1763, %dma_wait3A_1764, %dma_wait3A_1778, %dma_wait3A_1779] : memref<2x4x32x129xf32, #tpu.memory_space<vmem>> -> memref<1x1x8x128xf32, #tpu.memory_space<vmem>>
        %dma_wait3A_1781 = tpu.memref_squeeze %dma_wait3A_1780 : memref<1x1x8x128xf32, #tpu.memory_space<vmem>> -> memref<8x128xf32, #tpu.memory_space<vmem>>
        tpu.wait_dma2 semaphore(%arg13 : memref<!tpu.dma_semaphore, #tpu.memory_space<semaphore_mem>>) src(%dma_wait3A_1781 : memref<8x128xf32, #tpu.memory_space<vmem>>) dst(%dma_wait3A_1777 : memref<8x128xf32, #tpu.memory_space<hbm>>)
        %mul3A_1782 = arith.constant 4 : i32
        %mul3A_1783 = arith.muli %sub3A_1643, %mul3A_1782 : i32
        %add3A_1784 = arith.constant 1 : i32
        %add3A_1785 = arith.addi %mul3A_1783, %add3A_1784 : i32
        %dma_wait3A_1786 = arith.constant 1 : i32
        %dma_wait3A_1787 = arith.constant 1 : i32
        %dma_wait3A_1788 = arith.constant 2 : i32
        %dma_wait3A_1789 = arith.constant 16 : i32
        %dma_wait3A_1790 = arith.constant 0 : i32
        %dma_wait3A_1791 = tpu.memref_slice %arg8[%dma_wait3A_1786, %dma_wait3A_1787, %dma_wait3A_1789, %dma_wait3A_1790] : memref<2x4x32x129xf32, #tpu.memory_space<vmem>> -> memref<1x1x8x128xf32, #tpu.memory_space<vmem>>
        %dma_wait3A_1792 = tpu.memref_squeeze %dma_wait3A_1791 : memref<1x1x8x128xf32, #tpu.memory_space<vmem>> -> memref<8x128xf32, #tpu.memory_space<vmem>>
        %dma_wait3A_1793 = arith.constant 0 : i32
        %dma_wait3A_1794 = arith.constant 0 : i32
        %dma_wait3A_1795 = tpu.memref_slice %arg5[%add3A_1785, %dma_wait3A_1788, %add3A, %dma_wait3A_1793, %dma_wait3A_1794] : memref<200x4x32x8x128xf32, #tpu.memory_space<hbm>> -> memref<1x1x1x8x128xf32, #tpu.memory_space<hbm>>
        %dma_wait3A_1796 = tpu.memref_squeeze %dma_wait3A_1795 : memref<1x1x1x8x128xf32, #tpu.memory_space<hbm>> -> memref<8x128xf32, #tpu.memory_space<hbm>>
        %dma_wait3A_1797 = arith.constant 0 : i32
        %dma_wait3A_1798 = arith.constant 0 : i32
        %dma_wait3A_1799 = tpu.memref_slice %arg5[%add3A_1785, %dma_wait3A_1788, %add3A, %dma_wait3A_1797, %dma_wait3A_1798] : memref<200x4x32x8x128xf32, #tpu.memory_space<hbm>> -> memref<1x1x1x8x128xf32, #tpu.memory_space<hbm>>
        %dma_wait3A_1800 = tpu.memref_squeeze %dma_wait3A_1799 : memref<1x1x1x8x128xf32, #tpu.memory_space<hbm>> -> memref<8x128xf32, #tpu.memory_space<hbm>>
        %dma_wait3A_1801 = arith.constant 16 : i32
        %dma_wait3A_1802 = arith.constant 0 : i32
        %dma_wait3A_1803 = tpu.memref_slice %arg8[%dma_wait3A_1786, %dma_wait3A_1787, %dma_wait3A_1801, %dma_wait3A_1802] : memref<2x4x32x129xf32, #tpu.memory_space<vmem>> -> memref<1x1x8x128xf32, #tpu.memory_space<vmem>>
        %dma_wait3A_1804 = tpu.memref_squeeze %dma_wait3A_1803 : memref<1x1x8x128xf32, #tpu.memory_space<vmem>> -> memref<8x128xf32, #tpu.memory_space<vmem>>
        tpu.wait_dma2 semaphore(%arg13 : memref<!tpu.dma_semaphore, #tpu.memory_space<semaphore_mem>>) src(%dma_wait3A_1804 : memref<8x128xf32, #tpu.memory_space<vmem>>) dst(%dma_wait3A_1800 : memref<8x128xf32, #tpu.memory_space<hbm>>)
        %mul3A_1805 = arith.constant 4 : i32
        %mul3A_1806 = arith.muli %sub3A_1643, %mul3A_1805 : i32
        %add3A_1807 = arith.constant 1 : i32
        %add3A_1808 = arith.addi %mul3A_1806, %add3A_1807 : i32
        %dma_wait3A_1809 = arith.constant 1 : i32
        %dma_wait3A_1810 = arith.constant 1 : i32
        %dma_wait3A_1811 = arith.constant 3 : i32
        %dma_wait3A_1812 = arith.constant 24 : i32
        %dma_wait3A_1813 = arith.constant 0 : i32
        %dma_wait3A_1814 = tpu.memref_slice %arg8[%dma_wait3A_1809, %dma_wait3A_1810, %dma_wait3A_1812, %dma_wait3A_1813] : memref<2x4x32x129xf32, #tpu.memory_space<vmem>> -> memref<1x1x8x128xf32, #tpu.memory_space<vmem>>
        %dma_wait3A_1815 = tpu.memref_squeeze %dma_wait3A_1814 : memref<1x1x8x128xf32, #tpu.memory_space<vmem>> -> memref<8x128xf32, #tpu.memory_space<vmem>>
        %dma_wait3A_1816 = arith.constant 0 : i32
        %dma_wait3A_1817 = arith.constant 0 : i32
        %dma_wait3A_1818 = tpu.memref_slice %arg5[%add3A_1808, %dma_wait3A_1811, %add3A, %dma_wait3A_1816, %dma_wait3A_1817] : memref<200x4x32x8x128xf32, #tpu.memory_space<hbm>> -> memref<1x1x1x8x128xf32, #tpu.memory_space<hbm>>
        %dma_wait3A_1819 = tpu.memref_squeeze %dma_wait3A_1818 : memref<1x1x1x8x128xf32, #tpu.memory_space<hbm>> -> memref<8x128xf32, #tpu.memory_space<hbm>>
        %dma_wait3A_1820 = arith.constant 0 : i32
        %dma_wait3A_1821 = arith.constant 0 : i32
        %dma_wait3A_1822 = tpu.memref_slice %arg5[%add3A_1808, %dma_wait3A_1811, %add3A, %dma_wait3A_1820, %dma_wait3A_1821] : memref<200x4x32x8x128xf32, #tpu.memory_space<hbm>> -> memref<1x1x1x8x128xf32, #tpu.memory_space<hbm>>
        %dma_wait3A_1823 = tpu.memref_squeeze %dma_wait3A_1822 : memref<1x1x1x8x128xf32, #tpu.memory_space<hbm>> -> memref<8x128xf32, #tpu.memory_space<hbm>>
        %dma_wait3A_1824 = arith.constant 24 : i32
        %dma_wait3A_1825 = arith.constant 0 : i32
        %dma_wait3A_1826 = tpu.memref_slice %arg8[%dma_wait3A_1809, %dma_wait3A_1810, %dma_wait3A_1824, %dma_wait3A_1825] : memref<2x4x32x129xf32, #tpu.memory_space<vmem>> -> memref<1x1x8x128xf32, #tpu.memory_space<vmem>>
        %dma_wait3A_1827 = tpu.memref_squeeze %dma_wait3A_1826 : memref<1x1x8x128xf32, #tpu.memory_space<vmem>> -> memref<8x128xf32, #tpu.memory_space<vmem>>
        tpu.wait_dma2 semaphore(%arg13 : memref<!tpu.dma_semaphore, #tpu.memory_space<semaphore_mem>>) src(%dma_wait3A_1827 : memref<8x128xf32, #tpu.memory_space<vmem>>) dst(%dma_wait3A_1823 : memref<8x128xf32, #tpu.memory_space<hbm>>)
        %mul3A_1828 = arith.constant 4 : i32
        %mul3A_1829 = arith.muli %sub3A_1643, %mul3A_1828 : i32
        %add3A_1830 = arith.constant 2 : i32
        %add3A_1831 = arith.addi %mul3A_1829, %add3A_1830 : i32
        %dma_wait3A_1832 = arith.constant 1 : i32
        %dma_wait3A_1833 = arith.constant 2 : i32
        %dma_wait3A_1834 = arith.constant 0 : i32
        %dma_wait3A_1835 = arith.constant 0 : i32
        %dma_wait3A_1836 = arith.constant 0 : i32
        %dma_wait3A_1837 = tpu.memref_slice %arg8[%dma_wait3A_1832, %dma_wait3A_1833, %dma_wait3A_1835, %dma_wait3A_1836] : memref<2x4x32x129xf32, #tpu.memory_space<vmem>> -> memref<1x1x8x128xf32, #tpu.memory_space<vmem>>
        %dma_wait3A_1838 = tpu.memref_squeeze %dma_wait3A_1837 : memref<1x1x8x128xf32, #tpu.memory_space<vmem>> -> memref<8x128xf32, #tpu.memory_space<vmem>>
        %dma_wait3A_1839 = arith.constant 0 : i32
        %dma_wait3A_1840 = arith.constant 0 : i32
        %dma_wait3A_1841 = tpu.memref_slice %arg5[%add3A_1831, %dma_wait3A_1834, %add3A, %dma_wait3A_1839, %dma_wait3A_1840] : memref<200x4x32x8x128xf32, #tpu.memory_space<hbm>> -> memref<1x1x1x8x128xf32, #tpu.memory_space<hbm>>
        %dma_wait3A_1842 = tpu.memref_squeeze %dma_wait3A_1841 : memref<1x1x1x8x128xf32, #tpu.memory_space<hbm>> -> memref<8x128xf32, #tpu.memory_space<hbm>>
        %dma_wait3A_1843 = arith.constant 0 : i32
        %dma_wait3A_1844 = arith.constant 0 : i32
        %dma_wait3A_1845 = tpu.memref_slice %arg5[%add3A_1831, %dma_wait3A_1834, %add3A, %dma_wait3A_1843, %dma_wait3A_1844] : memref<200x4x32x8x128xf32, #tpu.memory_space<hbm>> -> memref<1x1x1x8x128xf32, #tpu.memory_space<hbm>>
        %dma_wait3A_1846 = tpu.memref_squeeze %dma_wait3A_1845 : memref<1x1x1x8x128xf32, #tpu.memory_space<hbm>> -> memref<8x128xf32, #tpu.memory_space<hbm>>
        %dma_wait3A_1847 = arith.constant 0 : i32
        %dma_wait3A_1848 = arith.constant 0 : i32
        %dma_wait3A_1849 = tpu.memref_slice %arg8[%dma_wait3A_1832, %dma_wait3A_1833, %dma_wait3A_1847, %dma_wait3A_1848] : memref<2x4x32x129xf32, #tpu.memory_space<vmem>> -> memref<1x1x8x128xf32, #tpu.memory_space<vmem>>
        %dma_wait3A_1850 = tpu.memref_squeeze %dma_wait3A_1849 : memref<1x1x8x128xf32, #tpu.memory_space<vmem>> -> memref<8x128xf32, #tpu.memory_space<vmem>>
        tpu.wait_dma2 semaphore(%arg13 : memref<!tpu.dma_semaphore, #tpu.memory_space<semaphore_mem>>) src(%dma_wait3A_1850 : memref<8x128xf32, #tpu.memory_space<vmem>>) dst(%dma_wait3A_1846 : memref<8x128xf32, #tpu.memory_space<hbm>>)
        %mul3A_1851 = arith.constant 4 : i32
        %mul3A_1852 = arith.muli %sub3A_1643, %mul3A_1851 : i32
        %add3A_1853 = arith.constant 2 : i32
        %add3A_1854 = arith.addi %mul3A_1852, %add3A_1853 : i32
        %dma_wait3A_1855 = arith.constant 1 : i32
        %dma_wait3A_1856 = arith.constant 2 : i32
        %dma_wait3A_1857 = arith.constant 1 : i32
        %dma_wait3A_1858 = arith.constant 8 : i32
        %dma_wait3A_1859 = arith.constant 0 : i32
        %dma_wait3A_1860 = tpu.memref_slice %arg8[%dma_wait3A_1855, %dma_wait3A_1856, %dma_wait3A_1858, %dma_wait3A_1859] : memref<2x4x32x129xf32, #tpu.memory_space<vmem>> -> memref<1x1x8x128xf32, #tpu.memory_space<vmem>>
        %dma_wait3A_1861 = tpu.memref_squeeze %dma_wait3A_1860 : memref<1x1x8x128xf32, #tpu.memory_space<vmem>> -> memref<8x128xf32, #tpu.memory_space<vmem>>
        %dma_wait3A_1862 = arith.constant 0 : i32
        %dma_wait3A_1863 = arith.constant 0 : i32
        %dma_wait3A_1864 = tpu.memref_slice %arg5[%add3A_1854, %dma_wait3A_1857, %add3A, %dma_wait3A_1862, %dma_wait3A_1863] : memref<200x4x32x8x128xf32, #tpu.memory_space<hbm>> -> memref<1x1x1x8x128xf32, #tpu.memory_space<hbm>>
        %dma_wait3A_1865 = tpu.memref_squeeze %dma_wait3A_1864 : memref<1x1x1x8x128xf32, #tpu.memory_space<hbm>> -> memref<8x128xf32, #tpu.memory_space<hbm>>
        %dma_wait3A_1866 = arith.constant 0 : i32
        %dma_wait3A_1867 = arith.constant 0 : i32
        %dma_wait3A_1868 = tpu.memref_slice %arg5[%add3A_1854, %dma_wait3A_1857, %add3A, %dma_wait3A_1866, %dma_wait3A_1867] : memref<200x4x32x8x128xf32, #tpu.memory_space<hbm>> -> memref<1x1x1x8x128xf32, #tpu.memory_space<hbm>>
        %dma_wait3A_1869 = tpu.memref_squeeze %dma_wait3A_1868 : memref<1x1x1x8x128xf32, #tpu.memory_space<hbm>> -> memref<8x128xf32, #tpu.memory_space<hbm>>
        %dma_wait3A_1870 = arith.constant 8 : i32
        %dma_wait3A_1871 = arith.constant 0 : i32
        %dma_wait3A_1872 = tpu.memref_slice %arg8[%dma_wait3A_1855, %dma_wait3A_1856, %dma_wait3A_1870, %dma_wait3A_1871] : memref<2x4x32x129xf32, #tpu.memory_space<vmem>> -> memref<1x1x8x128xf32, #tpu.memory_space<vmem>>
        %dma_wait3A_1873 = tpu.memref_squeeze %dma_wait3A_1872 : memref<1x1x8x128xf32, #tpu.memory_space<vmem>> -> memref<8x128xf32, #tpu.memory_space<vmem>>
        tpu.wait_dma2 semaphore(%arg13 : memref<!tpu.dma_semaphore, #tpu.memory_space<semaphore_mem>>) src(%dma_wait3A_1873 : memref<8x128xf32, #tpu.memory_space<vmem>>) dst(%dma_wait3A_1869 : memref<8x128xf32, #tpu.memory_space<hbm>>)
        %mul3A_1874 = arith.constant 4 : i32
        %mul3A_1875 = arith.muli %sub3A_1643, %mul3A_1874 : i32
        %add3A_1876 = arith.constant 2 : i32
        %add3A_1877 = arith.addi %mul3A_1875, %add3A_1876 : i32
        %dma_wait3A_1878 = arith.constant 1 : i32
        %dma_wait3A_1879 = arith.constant 2 : i32
        %dma_wait3A_1880 = arith.constant 2 : i32
        %dma_wait3A_1881 = arith.constant 16 : i32
        %dma_wait3A_1882 = arith.constant 0 : i32
        %dma_wait3A_1883 = tpu.memref_slice %arg8[%dma_wait3A_1878, %dma_wait3A_1879, %dma_wait3A_1881, %dma_wait3A_1882] : memref<2x4x32x129xf32, #tpu.memory_space<vmem>> -> memref<1x1x8x128xf32, #tpu.memory_space<vmem>>
        %dma_wait3A_1884 = tpu.memref_squeeze %dma_wait3A_1883 : memref<1x1x8x128xf32, #tpu.memory_space<vmem>> -> memref<8x128xf32, #tpu.memory_space<vmem>>
        %dma_wait3A_1885 = arith.constant 0 : i32
        %dma_wait3A_1886 = arith.constant 0 : i32
        %dma_wait3A_1887 = tpu.memref_slice %arg5[%add3A_1877, %dma_wait3A_1880, %add3A, %dma_wait3A_1885, %dma_wait3A_1886] : memref<200x4x32x8x128xf32, #tpu.memory_space<hbm>> -> memref<1x1x1x8x128xf32, #tpu.memory_space<hbm>>
        %dma_wait3A_1888 = tpu.memref_squeeze %dma_wait3A_1887 : memref<1x1x1x8x128xf32, #tpu.memory_space<hbm>> -> memref<8x128xf32, #tpu.memory_space<hbm>>
        %dma_wait3A_1889 = arith.constant 0 : i32
        %dma_wait3A_1890 = arith.constant 0 : i32
        %dma_wait3A_1891 = tpu.memref_slice %arg5[%add3A_1877, %dma_wait3A_1880, %add3A, %dma_wait3A_1889, %dma_wait3A_1890] : memref<200x4x32x8x128xf32, #tpu.memory_space<hbm>> -> memref<1x1x1x8x128xf32, #tpu.memory_space<hbm>>
        %dma_wait3A_1892 = tpu.memref_squeeze %dma_wait3A_1891 : memref<1x1x1x8x128xf32, #tpu.memory_space<hbm>> -> memref<8x128xf32, #tpu.memory_space<hbm>>
        %dma_wait3A_1893 = arith.constant 16 : i32
        %dma_wait3A_1894 = arith.constant 0 : i32
        %dma_wait3A_1895 = tpu.memref_slice %arg8[%dma_wait3A_1878, %dma_wait3A_1879, %dma_wait3A_1893, %dma_wait3A_1894] : memref<2x4x32x129xf32, #tpu.memory_space<vmem>> -> memref<1x1x8x128xf32, #tpu.memory_space<vmem>>
        %dma_wait3A_1896 = tpu.memref_squeeze %dma_wait3A_1895 : memref<1x1x8x128xf32, #tpu.memory_space<vmem>> -> memref<8x128xf32, #tpu.memory_space<vmem>>
        tpu.wait_dma2 semaphore(%arg13 : memref<!tpu.dma_semaphore, #tpu.memory_space<semaphore_mem>>) src(%dma_wait3A_1896 : memref<8x128xf32, #tpu.memory_space<vmem>>) dst(%dma_wait3A_1892 : memref<8x128xf32, #tpu.memory_space<hbm>>)
        %mul3A_1897 = arith.constant 4 : i32
        %mul3A_1898 = arith.muli %sub3A_1643, %mul3A_1897 : i32
        %add3A_1899 = arith.constant 2 : i32
        %add3A_1900 = arith.addi %mul3A_1898, %add3A_1899 : i32
        %dma_wait3A_1901 = arith.constant 1 : i32
        %dma_wait3A_1902 = arith.constant 2 : i32
        %dma_wait3A_1903 = arith.constant 3 : i32
        %dma_wait3A_1904 = arith.constant 24 : i32
        %dma_wait3A_1905 = arith.constant 0 : i32
        %dma_wait3A_1906 = tpu.memref_slice %arg8[%dma_wait3A_1901, %dma_wait3A_1902, %dma_wait3A_1904, %dma_wait3A_1905] : memref<2x4x32x129xf32, #tpu.memory_space<vmem>> -> memref<1x1x8x128xf32, #tpu.memory_space<vmem>>
        %dma_wait3A_1907 = tpu.memref_squeeze %dma_wait3A_1906 : memref<1x1x8x128xf32, #tpu.memory_space<vmem>> -> memref<8x128xf32, #tpu.memory_space<vmem>>
        %dma_wait3A_1908 = arith.constant 0 : i32
        %dma_wait3A_1909 = arith.constant 0 : i32
        %dma_wait3A_1910 = tpu.memref_slice %arg5[%add3A_1900, %dma_wait3A_1903, %add3A, %dma_wait3A_1908, %dma_wait3A_1909] : memref<200x4x32x8x128xf32, #tpu.memory_space<hbm>> -> memref<1x1x1x8x128xf32, #tpu.memory_space<hbm>>
        %dma_wait3A_1911 = tpu.memref_squeeze %dma_wait3A_1910 : memref<1x1x1x8x128xf32, #tpu.memory_space<hbm>> -> memref<8x128xf32, #tpu.memory_space<hbm>>
        %dma_wait3A_1912 = arith.constant 0 : i32
        %dma_wait3A_1913 = arith.constant 0 : i32
        %dma_wait3A_1914 = tpu.memref_slice %arg5[%add3A_1900, %dma_wait3A_1903, %add3A, %dma_wait3A_1912, %dma_wait3A_1913] : memref<200x4x32x8x128xf32, #tpu.memory_space<hbm>> -> memref<1x1x1x8x128xf32, #tpu.memory_space<hbm>>
        %dma_wait3A_1915 = tpu.memref_squeeze %dma_wait3A_1914 : memref<1x1x1x8x128xf32, #tpu.memory_space<hbm>> -> memref<8x128xf32, #tpu.memory_space<hbm>>
        %dma_wait3A_1916 = arith.constant 24 : i32
        %dma_wait3A_1917 = arith.constant 0 : i32
        %dma_wait3A_1918 = tpu.memref_slice %arg8[%dma_wait3A_1901, %dma_wait3A_1902, %dma_wait3A_1916, %dma_wait3A_1917] : memref<2x4x32x129xf32, #tpu.memory_space<vmem>> -> memref<1x1x8x128xf32, #tpu.memory_space<vmem>>
        %dma_wait3A_1919 = tpu.memref_squeeze %dma_wait3A_1918 : memref<1x1x8x128xf32, #tpu.memory_space<vmem>> -> memref<8x128xf32, #tpu.memory_space<vmem>>
        tpu.wait_dma2 semaphore(%arg13 : memref<!tpu.dma_semaphore, #tpu.memory_space<semaphore_mem>>) src(%dma_wait3A_1919 : memref<8x128xf32, #tpu.memory_space<vmem>>) dst(%dma_wait3A_1915 : memref<8x128xf32, #tpu.memory_space<hbm>>)
        %mul3A_1920 = arith.constant 4 : i32
        %mul3A_1921 = arith.muli %sub3A_1643, %mul3A_1920 : i32
        %add3A_1922 = arith.constant 3 : i32
        %add3A_1923 = arith.addi %mul3A_1921, %add3A_1922 : i32
        %dma_wait3A_1924 = arith.constant 1 : i32
        %dma_wait3A_1925 = arith.constant 3 : i32
        %dma_wait3A_1926 = arith.constant 0 : i32
        %dma_wait3A_1927 = arith.constant 0 : i32
        %dma_wait3A_1928 = arith.constant 0 : i32
        %dma_wait3A_1929 = tpu.memref_slice %arg8[%dma_wait3A_1924, %dma_wait3A_1925, %dma_wait3A_1927, %dma_wait3A_1928] : memref<2x4x32x129xf32, #tpu.memory_space<vmem>> -> memref<1x1x8x128xf32, #tpu.memory_space<vmem>>
        %dma_wait3A_1930 = tpu.memref_squeeze %dma_wait3A_1929 : memref<1x1x8x128xf32, #tpu.memory_space<vmem>> -> memref<8x128xf32, #tpu.memory_space<vmem>>
        %dma_wait3A_1931 = arith.constant 0 : i32
        %dma_wait3A_1932 = arith.constant 0 : i32
        %dma_wait3A_1933 = tpu.memref_slice %arg5[%add3A_1923, %dma_wait3A_1926, %add3A, %dma_wait3A_1931, %dma_wait3A_1932] : memref<200x4x32x8x128xf32, #tpu.memory_space<hbm>> -> memref<1x1x1x8x128xf32, #tpu.memory_space<hbm>>
        %dma_wait3A_1934 = tpu.memref_squeeze %dma_wait3A_1933 : memref<1x1x1x8x128xf32, #tpu.memory_space<hbm>> -> memref<8x128xf32, #tpu.memory_space<hbm>>
        %dma_wait3A_1935 = arith.constant 0 : i32
        %dma_wait3A_1936 = arith.constant 0 : i32
        %dma_wait3A_1937 = tpu.memref_slice %arg5[%add3A_1923, %dma_wait3A_1926, %add3A, %dma_wait3A_1935, %dma_wait3A_1936] : memref<200x4x32x8x128xf32, #tpu.memory_space<hbm>> -> memref<1x1x1x8x128xf32, #tpu.memory_space<hbm>>
        %dma_wait3A_1938 = tpu.memref_squeeze %dma_wait3A_1937 : memref<1x1x1x8x128xf32, #tpu.memory_space<hbm>> -> memref<8x128xf32, #tpu.memory_space<hbm>>
        %dma_wait3A_1939 = arith.constant 0 : i32
        %dma_wait3A_1940 = arith.constant 0 : i32
        %dma_wait3A_1941 = tpu.memref_slice %arg8[%dma_wait3A_1924, %dma_wait3A_1925, %dma_wait3A_1939, %dma_wait3A_1940] : memref<2x4x32x129xf32, #tpu.memory_space<vmem>> -> memref<1x1x8x128xf32, #tpu.memory_space<vmem>>
        %dma_wait3A_1942 = tpu.memref_squeeze %dma_wait3A_1941 : memref<1x1x8x128xf32, #tpu.memory_space<vmem>> -> memref<8x128xf32, #tpu.memory_space<vmem>>
        tpu.wait_dma2 semaphore(%arg13 : memref<!tpu.dma_semaphore, #tpu.memory_space<semaphore_mem>>) src(%dma_wait3A_1942 : memref<8x128xf32, #tpu.memory_space<vmem>>) dst(%dma_wait3A_1938 : memref<8x128xf32, #tpu.memory_space<hbm>>)
        %mul3A_1943 = arith.constant 4 : i32
        %mul3A_1944 = arith.muli %sub3A_1643, %mul3A_1943 : i32
        %add3A_1945 = arith.constant 3 : i32
        %add3A_1946 = arith.addi %mul3A_1944, %add3A_1945 : i32
        %dma_wait3A_1947 = arith.constant 1 : i32
        %dma_wait3A_1948 = arith.constant 3 : i32
        %dma_wait3A_1949 = arith.constant 1 : i32
        %dma_wait3A_1950 = arith.constant 8 : i32
        %dma_wait3A_1951 = arith.constant 0 : i32
        %dma_wait3A_1952 = tpu.memref_slice %arg8[%dma_wait3A_1947, %dma_wait3A_1948, %dma_wait3A_1950, %dma_wait3A_1951] : memref<2x4x32x129xf32, #tpu.memory_space<vmem>> -> memref<1x1x8x128xf32, #tpu.memory_space<vmem>>
        %dma_wait3A_1953 = tpu.memref_squeeze %dma_wait3A_1952 : memref<1x1x8x128xf32, #tpu.memory_space<vmem>> -> memref<8x128xf32, #tpu.memory_space<vmem>>
        %dma_wait3A_1954 = arith.constant 0 : i32
        %dma_wait3A_1955 = arith.constant 0 : i32
        %dma_wait3A_1956 = tpu.memref_slice %arg5[%add3A_1946, %dma_wait3A_1949, %add3A, %dma_wait3A_1954, %dma_wait3A_1955] : memref<200x4x32x8x128xf32, #tpu.memory_space<hbm>> -> memref<1x1x1x8x128xf32, #tpu.memory_space<hbm>>
        %dma_wait3A_1957 = tpu.memref_squeeze %dma_wait3A_1956 : memref<1x1x1x8x128xf32, #tpu.memory_space<hbm>> -> memref<8x128xf32, #tpu.memory_space<hbm>>
        %dma_wait3A_1958 = arith.constant 0 : i32
        %dma_wait3A_1959 = arith.constant 0 : i32
        %dma_wait3A_1960 = tpu.memref_slice %arg5[%add3A_1946, %dma_wait3A_1949, %add3A, %dma_wait3A_1958, %dma_wait3A_1959] : memref<200x4x32x8x128xf32, #tpu.memory_space<hbm>> -> memref<1x1x1x8x128xf32, #tpu.memory_space<hbm>>
        %dma_wait3A_1961 = tpu.memref_squeeze %dma_wait3A_1960 : memref<1x1x1x8x128xf32, #tpu.memory_space<hbm>> -> memref<8x128xf32, #tpu.memory_space<hbm>>
        %dma_wait3A_1962 = arith.constant 8 : i32
        %dma_wait3A_1963 = arith.constant 0 : i32
        %dma_wait3A_1964 = tpu.memref_slice %arg8[%dma_wait3A_1947, %dma_wait3A_1948, %dma_wait3A_1962, %dma_wait3A_1963] : memref<2x4x32x129xf32, #tpu.memory_space<vmem>> -> memref<1x1x8x128xf32, #tpu.memory_space<vmem>>
        %dma_wait3A_1965 = tpu.memref_squeeze %dma_wait3A_1964 : memref<1x1x8x128xf32, #tpu.memory_space<vmem>> -> memref<8x128xf32, #tpu.memory_space<vmem>>
        tpu.wait_dma2 semaphore(%arg13 : memref<!tpu.dma_semaphore, #tpu.memory_space<semaphore_mem>>) src(%dma_wait3A_1965 : memref<8x128xf32, #tpu.memory_space<vmem>>) dst(%dma_wait3A_1961 : memref<8x128xf32, #tpu.memory_space<hbm>>)
        %mul3A_1966 = arith.constant 4 : i32
        %mul3A_1967 = arith.muli %sub3A_1643, %mul3A_1966 : i32
        %add3A_1968 = arith.constant 3 : i32
        %add3A_1969 = arith.addi %mul3A_1967, %add3A_1968 : i32
        %dma_wait3A_1970 = arith.constant 1 : i32
        %dma_wait3A_1971 = arith.constant 3 : i32
        %dma_wait3A_1972 = arith.constant 2 : i32
        %dma_wait3A_1973 = arith.constant 16 : i32
        %dma_wait3A_1974 = arith.constant 0 : i32
        %dma_wait3A_1975 = tpu.memref_slice %arg8[%dma_wait3A_1970, %dma_wait3A_1971, %dma_wait3A_1973, %dma_wait3A_1974] : memref<2x4x32x129xf32, #tpu.memory_space<vmem>> -> memref<1x1x8x128xf32, #tpu.memory_space<vmem>>
        %dma_wait3A_1976 = tpu.memref_squeeze %dma_wait3A_1975 : memref<1x1x8x128xf32, #tpu.memory_space<vmem>> -> memref<8x128xf32, #tpu.memory_space<vmem>>
        %dma_wait3A_1977 = arith.constant 0 : i32
        %dma_wait3A_1978 = arith.constant 0 : i32
        %dma_wait3A_1979 = tpu.memref_slice %arg5[%add3A_1969, %dma_wait3A_1972, %add3A, %dma_wait3A_1977, %dma_wait3A_1978] : memref<200x4x32x8x128xf32, #tpu.memory_space<hbm>> -> memref<1x1x1x8x128xf32, #tpu.memory_space<hbm>>
        %dma_wait3A_1980 = tpu.memref_squeeze %dma_wait3A_1979 : memref<1x1x1x8x128xf32, #tpu.memory_space<hbm>> -> memref<8x128xf32, #tpu.memory_space<hbm>>
        %dma_wait3A_1981 = arith.constant 0 : i32
        %dma_wait3A_1982 = arith.constant 0 : i32
        %dma_wait3A_1983 = tpu.memref_slice %arg5[%add3A_1969, %dma_wait3A_1972, %add3A, %dma_wait3A_1981, %dma_wait3A_1982] : memref<200x4x32x8x128xf32, #tpu.memory_space<hbm>> -> memref<1x1x1x8x128xf32, #tpu.memory_space<hbm>>
        %dma_wait3A_1984 = tpu.memref_squeeze %dma_wait3A_1983 : memref<1x1x1x8x128xf32, #tpu.memory_space<hbm>> -> memref<8x128xf32, #tpu.memory_space<hbm>>
        %dma_wait3A_1985 = arith.constant 16 : i32
        %dma_wait3A_1986 = arith.constant 0 : i32
        %dma_wait3A_1987 = tpu.memref_slice %arg8[%dma_wait3A_1970, %dma_wait3A_1971, %dma_wait3A_1985, %dma_wait3A_1986] : memref<2x4x32x129xf32, #tpu.memory_space<vmem>> -> memref<1x1x8x128xf32, #tpu.memory_space<vmem>>
        %dma_wait3A_1988 = tpu.memref_squeeze %dma_wait3A_1987 : memref<1x1x8x128xf32, #tpu.memory_space<vmem>> -> memref<8x128xf32, #tpu.memory_space<vmem>>
        tpu.wait_dma2 semaphore(%arg13 : memref<!tpu.dma_semaphore, #tpu.memory_space<semaphore_mem>>) src(%dma_wait3A_1988 : memref<8x128xf32, #tpu.memory_space<vmem>>) dst(%dma_wait3A_1984 : memref<8x128xf32, #tpu.memory_space<hbm>>)
        %mul3A_1989 = arith.constant 4 : i32
        %mul3A_1990 = arith.muli %sub3A_1643, %mul3A_1989 : i32
        %add3A_1991 = arith.constant 3 : i32
        %add3A_1992 = arith.addi %mul3A_1990, %add3A_1991 : i32
        %dma_wait3A_1993 = arith.constant 1 : i32
        %dma_wait3A_1994 = arith.constant 3 : i32
        %dma_wait3A_1995 = arith.constant 3 : i32
        %dma_wait3A_1996 = arith.constant 24 : i32
        %dma_wait3A_1997 = arith.constant 0 : i32
        %dma_wait3A_1998 = tpu.memref_slice %arg8[%dma_wait3A_1993, %dma_wait3A_1994, %dma_wait3A_1996, %dma_wait3A_1997] : memref<2x4x32x129xf32, #tpu.memory_space<vmem>> -> memref<1x1x8x128xf32, #tpu.memory_space<vmem>>
        %dma_wait3A_1999 = tpu.memref_squeeze %dma_wait3A_1998 : memref<1x1x8x128xf32, #tpu.memory_space<vmem>> -> memref<8x128xf32, #tpu.memory_space<vmem>>
        %dma_wait3A_2000 = arith.constant 0 : i32
        %dma_wait3A_2001 = arith.constant 0 : i32
        %dma_wait3A_2002 = tpu.memref_slice %arg5[%add3A_1992, %dma_wait3A_1995, %add3A, %dma_wait3A_2000, %dma_wait3A_2001] : memref<200x4x32x8x128xf32, #tpu.memory_space<hbm>> -> memref<1x1x1x8x128xf32, #tpu.memory_space<hbm>>
        %dma_wait3A_2003 = tpu.memref_squeeze %dma_wait3A_2002 : memref<1x1x1x8x128xf32, #tpu.memory_space<hbm>> -> memref<8x128xf32, #tpu.memory_space<hbm>>
        %dma_wait3A_2004 = arith.constant 0 : i32
        %dma_wait3A_2005 = arith.constant 0 : i32
        %dma_wait3A_2006 = tpu.memref_slice %arg5[%add3A_1992, %dma_wait3A_1995, %add3A, %dma_wait3A_2004, %dma_wait3A_2005] : memref<200x4x32x8x128xf32, #tpu.memory_space<hbm>> -> memref<1x1x1x8x128xf32, #tpu.memory_space<hbm>>
        %dma_wait3A_2007 = tpu.memref_squeeze %dma_wait3A_2006 : memref<1x1x1x8x128xf32, #tpu.memory_space<hbm>> -> memref<8x128xf32, #tpu.memory_space<hbm>>
        %dma_wait3A_2008 = arith.constant 24 : i32
        %dma_wait3A_2009 = arith.constant 0 : i32
        %dma_wait3A_2010 = tpu.memref_slice %arg8[%dma_wait3A_1993, %dma_wait3A_1994, %dma_wait3A_2008, %dma_wait3A_2009] : memref<2x4x32x129xf32, #tpu.memory_space<vmem>> -> memref<1x1x8x128xf32, #tpu.memory_space<vmem>>
        %dma_wait3A_2011 = tpu.memref_squeeze %dma_wait3A_2010 : memref<1x1x8x128xf32, #tpu.memory_space<vmem>> -> memref<8x128xf32, #tpu.memory_space<vmem>>
        tpu.wait_dma2 semaphore(%arg13 : memref<!tpu.dma_semaphore, #tpu.memory_space<semaphore_mem>>) src(%dma_wait3A_2011 : memref<8x128xf32, #tpu.memory_space<vmem>>) dst(%dma_wait3A_2007 : memref<8x128xf32, #tpu.memory_space<hbm>>)
      } else {
      }
      %dma_wait3A_1212 = arith.constant 1 : i32
      %dma_wait3A_1213 = arith.constant 0 : i32
      %dma_wait3A_1214 = arith.constant 1 : i32
      %dma_wait3A_1215 = arith.constant 0 : i32
      %dma_wait3A_1216 = arith.constant 0 : i32
      %dma_wait3A_1217 = arith.constant 0 : i32
      %dma_wait3A_1218 = tpu.memref_slice %arg7[%dma_wait3A_1214, %dma_wait3A_1215, %dma_wait3A_1216, %dma_wait3A_1217] : memref<2x4x128x32xf32, #tpu.memory_space<vmem>> -> memref<1x1x128x32xf32, #tpu.memory_space<vmem>>
      %dma_wait3A_1219 = tpu.memref_squeeze %dma_wait3A_1218 : memref<1x1x128x32xf32, #tpu.memory_space<vmem>> -> memref<128x32xf32, #tpu.memory_space<vmem>>
      %dma_wait3A_1220 = arith.constant 0 : i32
      %dma_wait3A_1221 = tpu.memref_slice %arg6[%dma_wait3A_1212, %dma_wait3A_1213, %dma_wait3A_1220] : memref<2x4x128xi32, #tpu.memory_space<vmem>> -> memref<1x1x128xi32, #tpu.memory_space<vmem>>
      %dma_wait3A_1222 = tpu.memref_squeeze %dma_wait3A_1221 : memref<1x1x128xi32, #tpu.memory_space<vmem>> -> memref<128xi32, #tpu.memory_space<vmem>>
      %dma_wait3A_1223 = arith.constant 0 : i32
      %dma_wait3A_1224 = arith.constant 0 : i32
      %dma_wait3A_1225 = tpu.memref_slice %arg3[%dma_wait3A_1223, %dma_wait3A_1224] : memref<100000x32xf32, #tpu.memory_space<hbm>> -> memref<100000x32xf32, #tpu.memory_space<hbm>>
      tpu.wait_indirect_dma semaphore(%arg11 : memref<!tpu.dma_semaphore, #tpu.memory_space<semaphore_mem>>) src(%dma_wait3A_1225 : memref<100000x32xf32, #tpu.memory_space<hbm>>) dst(%dma_wait3A_1219 : memref<128x32xf32, #tpu.memory_space<vmem>>)
      %dma_wait3A_1226 = arith.constant 1 : i32
      %dma_wait3A_1227 = arith.constant 1 : i32
      %dma_wait3A_1228 = arith.constant 1 : i32
      %dma_wait3A_1229 = arith.constant 1 : i32
      %dma_wait3A_1230 = arith.constant 0 : i32
      %dma_wait3A_1231 = arith.constant 0 : i32
      %dma_wait3A_1232 = tpu.memref_slice %arg7[%dma_wait3A_1228, %dma_wait3A_1229, %dma_wait3A_1230, %dma_wait3A_1231] : memref<2x4x128x32xf32, #tpu.memory_space<vmem>> -> memref<1x1x128x32xf32, #tpu.memory_space<vmem>>
      %dma_wait3A_1233 = tpu.memref_squeeze %dma_wait3A_1232 : memref<1x1x128x32xf32, #tpu.memory_space<vmem>> -> memref<128x32xf32, #tpu.memory_space<vmem>>
      %dma_wait3A_1234 = arith.constant 0 : i32
      %dma_wait3A_1235 = tpu.memref_slice %arg6[%dma_wait3A_1226, %dma_wait3A_1227, %dma_wait3A_1234] : memref<2x4x128xi32, #tpu.memory_space<vmem>> -> memref<1x1x128xi32, #tpu.memory_space<vmem>>
      %dma_wait3A_1236 = tpu.memref_squeeze %dma_wait3A_1235 : memref<1x1x128xi32, #tpu.memory_space<vmem>> -> memref<128xi32, #tpu.memory_space<vmem>>
      %dma_wait3A_1237 = arith.constant 0 : i32
      %dma_wait3A_1238 = arith.constant 0 : i32
      %dma_wait3A_1239 = tpu.memref_slice %arg3[%dma_wait3A_1237, %dma_wait3A_1238] : memref<100000x32xf32, #tpu.memory_space<hbm>> -> memref<100000x32xf32, #tpu.memory_space<hbm>>
      tpu.wait_indirect_dma semaphore(%arg11 : memref<!tpu.dma_semaphore, #tpu.memory_space<semaphore_mem>>) src(%dma_wait3A_1239 : memref<100000x32xf32, #tpu.memory_space<hbm>>) dst(%dma_wait3A_1233 : memref<128x32xf32, #tpu.memory_space<vmem>>)
      %dma_wait3A_1240 = arith.constant 1 : i32
      %dma_wait3A_1241 = arith.constant 2 : i32
      %dma_wait3A_1242 = arith.constant 1 : i32
      %dma_wait3A_1243 = arith.constant 2 : i32
      %dma_wait3A_1244 = arith.constant 0 : i32
      %dma_wait3A_1245 = arith.constant 0 : i32
      %dma_wait3A_1246 = tpu.memref_slice %arg7[%dma_wait3A_1242, %dma_wait3A_1243, %dma_wait3A_1244, %dma_wait3A_1245] : memref<2x4x128x32xf32, #tpu.memory_space<vmem>> -> memref<1x1x128x32xf32, #tpu.memory_space<vmem>>
      %dma_wait3A_1247 = tpu.memref_squeeze %dma_wait3A_1246 : memref<1x1x128x32xf32, #tpu.memory_space<vmem>> -> memref<128x32xf32, #tpu.memory_space<vmem>>
      %dma_wait3A_1248 = arith.constant 0 : i32
      %dma_wait3A_1249 = tpu.memref_slice %arg6[%dma_wait3A_1240, %dma_wait3A_1241, %dma_wait3A_1248] : memref<2x4x128xi32, #tpu.memory_space<vmem>> -> memref<1x1x128xi32, #tpu.memory_space<vmem>>
      %dma_wait3A_1250 = tpu.memref_squeeze %dma_wait3A_1249 : memref<1x1x128xi32, #tpu.memory_space<vmem>> -> memref<128xi32, #tpu.memory_space<vmem>>
      %dma_wait3A_1251 = arith.constant 0 : i32
      %dma_wait3A_1252 = arith.constant 0 : i32
      %dma_wait3A_1253 = tpu.memref_slice %arg3[%dma_wait3A_1251, %dma_wait3A_1252] : memref<100000x32xf32, #tpu.memory_space<hbm>> -> memref<100000x32xf32, #tpu.memory_space<hbm>>
      tpu.wait_indirect_dma semaphore(%arg11 : memref<!tpu.dma_semaphore, #tpu.memory_space<semaphore_mem>>) src(%dma_wait3A_1253 : memref<100000x32xf32, #tpu.memory_space<hbm>>) dst(%dma_wait3A_1247 : memref<128x32xf32, #tpu.memory_space<vmem>>)
      %dma_wait3A_1254 = arith.constant 1 : i32
      %dma_wait3A_1255 = arith.constant 3 : i32
      %dma_wait3A_1256 = arith.constant 1 : i32
      %dma_wait3A_1257 = arith.constant 3 : i32
      %dma_wait3A_1258 = arith.constant 0 : i32
      %dma_wait3A_1259 = arith.constant 0 : i32
      %dma_wait3A_1260 = tpu.memref_slice %arg7[%dma_wait3A_1256, %dma_wait3A_1257, %dma_wait3A_1258, %dma_wait3A_1259] : memref<2x4x128x32xf32, #tpu.memory_space<vmem>> -> memref<1x1x128x32xf32, #tpu.memory_space<vmem>>
      %dma_wait3A_1261 = tpu.memref_squeeze %dma_wait3A_1260 : memref<1x1x128x32xf32, #tpu.memory_space<vmem>> -> memref<128x32xf32, #tpu.memory_space<vmem>>
      %dma_wait3A_1262 = arith.constant 0 : i32
      %dma_wait3A_1263 = tpu.memref_slice %arg6[%dma_wait3A_1254, %dma_wait3A_1255, %dma_wait3A_1262] : memref<2x4x128xi32, #tpu.memory_space<vmem>> -> memref<1x1x128xi32, #tpu.memory_space<vmem>>
      %dma_wait3A_1264 = tpu.memref_squeeze %dma_wait3A_1263 : memref<1x1x128xi32, #tpu.memory_space<vmem>> -> memref<128xi32, #tpu.memory_space<vmem>>
      %dma_wait3A_1265 = arith.constant 0 : i32
      %dma_wait3A_1266 = arith.constant 0 : i32
      %dma_wait3A_1267 = tpu.memref_slice %arg3[%dma_wait3A_1265, %dma_wait3A_1266] : memref<100000x32xf32, #tpu.memory_space<hbm>> -> memref<100000x32xf32, #tpu.memory_space<hbm>>
      tpu.wait_indirect_dma semaphore(%arg11 : memref<!tpu.dma_semaphore, #tpu.memory_space<semaphore_mem>>) src(%dma_wait3A_1267 : memref<100000x32xf32, #tpu.memory_space<hbm>>) dst(%dma_wait3A_1261 : memref<128x32xf32, #tpu.memory_space<vmem>>)
      %iota3A_1268 = tpu.iota {dimensions = array<i32: 0>} : vector<16xi32>
      %add3A_1269 = arith.constant 16 : i32
      %add3A_1270 = vector.broadcast %add3A_1269 : i32 to vector<16xi32>
      %add3A_1271 = arith.addi %iota3A_1268, %add3A_1270 : vector<16xi32>
      %parallel_loop3A_1272 = arith.constant 0 : i32
      %parallel_loop3A_1273 = arith.constant 512 : i32
      %parallel_loop3A_1274 = arith.constant 1 : i32
      scf.for %parallel_loop3A_1643 = %parallel_loop3A_1272 to %parallel_loop3A_1273 step %parallel_loop3A_1274  : i32 {
        %parallel_loop3A_1644 = arith.constant 4 : i32
        %parallel_loop3A_1645 = arith.divsi %parallel_loop3A_1643, %parallel_loop3A_1644 : i32
        %parallel_loop3A_1646 = arith.constant 0 : i32
        %parallel_loop3A_1647 = arith.cmpi sgt, %parallel_loop3A_1643, %parallel_loop3A_1646 : i32
        %parallel_loop3A_1648 = arith.extui %parallel_loop3A_1647 : i1 to i32
        %parallel_loop3A_1649 = arith.constant 0 : i32
        %parallel_loop3A_1650 = arith.cmpi slt, %parallel_loop3A_1643, %parallel_loop3A_1649 : i32
        %parallel_loop3A_1651 = arith.extui %parallel_loop3A_1650 : i1 to i32
        %parallel_loop3A_1652 = arith.subi %parallel_loop3A_1648, %parallel_loop3A_1651 : i32
        %parallel_loop3A_1653 = arith.constant 0 : i32
        %parallel_loop3A_1654 = arith.cmpi sgt, %parallel_loop3A_1644, %parallel_loop3A_1653 : i32
        %parallel_loop3A_1655 = arith.extui %parallel_loop3A_1654 : i1 to i32
        %parallel_loop3A_1656 = arith.constant 0 : i32
        %parallel_loop3A_1657 = arith.cmpi slt, %parallel_loop3A_1644, %parallel_loop3A_1656 : i32
        %parallel_loop3A_1658 = arith.extui %parallel_loop3A_1657 : i1 to i32
        %parallel_loop3A_1659 = arith.subi %parallel_loop3A_1655, %parallel_loop3A_1658 : i32
        %parallel_loop3A_1660 = arith.cmpi ne, %parallel_loop3A_1652, %parallel_loop3A_1659 : i32
        %parallel_loop3A_1661 = arith.remsi %parallel_loop3A_1643, %parallel_loop3A_1644 : i32
        %parallel_loop3A_1662 = arith.constant 0 : i32
        %parallel_loop3A_1663 = arith.cmpi ne, %parallel_loop3A_1661, %parallel_loop3A_1662 : i32
        %parallel_loop3A_1664 = arith.andi %parallel_loop3A_1660, %parallel_loop3A_1663 : i1
        %parallel_loop3A_1665 = arith.constant 1 : i32
        %parallel_loop3A_1666 = arith.subi %parallel_loop3A_1645, %parallel_loop3A_1665 : i32
        %parallel_loop3A_1667 = arith.select %parallel_loop3A_1664, %parallel_loop3A_1666, %parallel_loop3A_1645 : i32
        %parallel_loop3A_1668 = arith.constant 4 : i32
        %parallel_loop3A_1669 = arith.muli %parallel_loop3A_1667, %parallel_loop3A_1668 : i32
        %parallel_loop3A_1670 = arith.subi %parallel_loop3A_1643, %parallel_loop3A_1669 : i32
        %parallel_loop3A_1671 = vector.broadcast %parallel_loop3A_1667 : i32 to vector<16xi32>
        %parallel_loop3A_1672 = arith.constant 1 : i32
        %parallel_loop3A_1673 = arith.index_cast %parallel_loop3A_1672 : i32 to index
        %parallel_loop3A_1674 = arith.index_cast %parallel_loop3A_1670 : i32 to index
        %parallel_loop3A_1675 = arith.index_cast %parallel_loop3A_1667 : i32 to index
        %parallel_loop3A_1676 = arith.constant 0 : index
        %parallel_loop3A_1677 = tpu.vector_load %arg7[%parallel_loop3A_1673, %parallel_loop3A_1674, %parallel_loop3A_1675, %parallel_loop3A_1676] {strides = array<i32>} : memref<2x4x128x32xf32, #tpu.memory_space<vmem>>, vector<16xf32>,
        %parallel_loop3A_1678 = arith.constant 1 : i32
        %parallel_loop3A_1679 = arith.index_cast %parallel_loop3A_1678 : i32 to index
        %parallel_loop3A_1680 = arith.index_cast %parallel_loop3A_1670 : i32 to index
        %parallel_loop3A_1681 = arith.constant 0 : index
        %parallel_loop3A_1682 = tpu.vector_load %arg9[%parallel_loop3A_1679, %parallel_loop3A_1680, %parallel_loop3A_1681] {strides = array<i32>} : memref<2x4x32xf32, #tpu.memory_space<vmem>>, vector<16xf32>,
        %parallel_loop3A_1683 = arith.addf %parallel_loop3A_1677, %parallel_loop3A_1682 : vector<16xf32>
        %parallel_loop3A_1684 = arith.constant 1 : i32
        %parallel_loop3A_1685 = arith.index_cast %parallel_loop3A_1684 : i32 to index
        %parallel_loop3A_1686 = arith.index_cast %parallel_loop3A_1670 : i32 to index
        %parallel_loop3A_1687 = arith.index_cast %parallel_loop3A_1667 : i32 to index
        %parallel_loop3A_1688 = arith.constant 16 : index
        %parallel_loop3A_1689 = tpu.vector_load %arg7[%parallel_loop3A_1685, %parallel_loop3A_1686, %parallel_loop3A_1687, %parallel_loop3A_1688] {strides = array<i32>} : memref<2x4x128x32xf32, #tpu.memory_space<vmem>>, vector<16xf32>,
        %parallel_loop3A_1690 = arith.constant 1 : i32
        %parallel_loop3A_1691 = arith.index_cast %parallel_loop3A_1690 : i32 to index
        %parallel_loop3A_1692 = arith.index_cast %parallel_loop3A_1670 : i32 to index
        %parallel_loop3A_1693 = arith.constant 16 : index
        %parallel_loop3A_1694 = tpu.vector_load %arg9[%parallel_loop3A_1691, %parallel_loop3A_1692, %parallel_loop3A_1693] {strides = array<i32>} : memref<2x4x32xf32, #tpu.memory_space<vmem>>, vector<16xf32>,
        %parallel_loop3A_1695 = arith.addf %parallel_loop3A_1689, %parallel_loop3A_1694 : vector<16xf32>
        %parallel_loop3A_1696 = arith.constant 1 : i32
        %parallel_loop3A_1697 = arith.constant 0 : i32
        %parallel_loop3A_1698 = arith.constant 0 : i32
        %parallel_loop3A_1699 = tpu.memref_slice %arg8[%parallel_loop3A_1696, %parallel_loop3A_1670, %parallel_loop3A_1697, %parallel_loop3A_1698] : memref<2x4x32x129xf32, #tpu.memory_space<vmem>> -> memref<1x1x32x129xf32, #tpu.memory_space<vmem>>
        %parallel_loop3A_1700 = tpu.memref_squeeze %parallel_loop3A_1699 : memref<1x1x32x129xf32, #tpu.memory_space<vmem>> -> memref<32x129xf32, #tpu.memory_space<vmem>>
        tpu.vector_store_idx %parallel_loop3A_1700[%iota3A_1268, %parallel_loop3A_1671], %parallel_loop3A_1683 : memref<32x129xf32, #tpu.memory_space<vmem>>[vector<16xi32>, vector<16xi32>], vector<16xf32>,
        %parallel_loop3A_1701 = arith.constant 1 : i32
        %parallel_loop3A_1702 = arith.constant 0 : i32
        %parallel_loop3A_1703 = arith.constant 0 : i32
        %parallel_loop3A_1704 = tpu.memref_slice %arg8[%parallel_loop3A_1701, %parallel_loop3A_1670, %parallel_loop3A_1702, %parallel_loop3A_1703] : memref<2x4x32x129xf32, #tpu.memory_space<vmem>> -> memref<1x1x32x129xf32, #tpu.memory_space<vmem>>
        %parallel_loop3A_1705 = tpu.memref_squeeze %parallel_loop3A_1704 : memref<1x1x32x129xf32, #tpu.memory_space<vmem>> -> memref<32x129xf32, #tpu.memory_space<vmem>>
        tpu.vector_store_idx %parallel_loop3A_1705[%add3A_1271, %parallel_loop3A_1671], %parallel_loop3A_1695 : memref<32x129xf32, #tpu.memory_space<vmem>>[vector<16xi32>, vector<16xi32>], vector<16xf32>,
      } {sc.loop_unroll_factor = 4 : i64, sc.parallel_access}
      %mul3A_1275 = arith.constant 4 : i32
      %mul3A_1276 = arith.muli %add3A_1206, %mul3A_1275 : i32
      %add3A_1277 = arith.constant 0 : i32
      %add3A_1278 = arith.addi %mul3A_1276, %add3A_1277 : i32
      %dma_start3A_1279 = arith.constant 1 : i32
      %dma_start3A_1280 = arith.constant 0 : i32
      %dma_start3A_1281 = arith.constant 0 : i32
      %dma_start3A_1282 = arith.constant 0 : i32
      %dma_start3A_1283 = arith.constant 0 : i32
      %dma_start3A_1284 = tpu.memref_slice %arg8[%dma_start3A_1279, %dma_start3A_1280, %dma_start3A_1282, %dma_start3A_1283] : memref<2x4x32x129xf32, #tpu.memory_space<vmem>> -> memref<1x1x8x128xf32, #tpu.memory_space<vmem>>
      %dma_start3A_1285 = tpu.memref_squeeze %dma_start3A_1284 : memref<1x1x8x128xf32, #tpu.memory_space<vmem>> -> memref<8x128xf32, #tpu.memory_space<vmem>>
      %dma_start3A_1286 = arith.constant 0 : i32
      %dma_start3A_1287 = arith.constant 0 : i32
      %dma_start3A_1288 = tpu.memref_slice %arg5[%add3A_1278, %dma_start3A_1281, %add3A, %dma_start3A_1286, %dma_start3A_1287] : memref<200x4x32x8x128xf32, #tpu.memory_space<hbm>> -> memref<1x1x1x8x128xf32, #tpu.memory_space<hbm>>
      %dma_start3A_1289 = tpu.memref_squeeze %dma_start3A_1288 : memref<1x1x1x8x128xf32, #tpu.memory_space<hbm>> -> memref<8x128xf32, #tpu.memory_space<hbm>>
      %dma_start3A_1290 = arith.constant 0 : i32
      %dma_start3A_1291 = arith.constant 0 : i32
      %dma_start3A_1292 = tpu.memref_slice %arg5[%add3A_1278, %dma_start3A_1281, %add3A, %dma_start3A_1290, %dma_start3A_1291] : memref<200x4x32x8x128xf32, #tpu.memory_space<hbm>> -> memref<1x1x1x8x128xf32, #tpu.memory_space<hbm>>
      %dma_start3A_1293 = tpu.memref_squeeze %dma_start3A_1292 : memref<1x1x1x8x128xf32, #tpu.memory_space<hbm>> -> memref<8x128xf32, #tpu.memory_space<hbm>>
      %dma_start3A_1294 = arith.constant 0 : i32
      %dma_start3A_1295 = arith.constant 0 : i32
      %dma_start3A_1296 = tpu.memref_slice %arg8[%dma_start3A_1279, %dma_start3A_1280, %dma_start3A_1294, %dma_start3A_1295] : memref<2x4x32x129xf32, #tpu.memory_space<vmem>> -> memref<1x1x8x128xf32, #tpu.memory_space<vmem>>
      %dma_start3A_1297 = tpu.memref_squeeze %dma_start3A_1296 : memref<1x1x8x128xf32, #tpu.memory_space<vmem>> -> memref<8x128xf32, #tpu.memory_space<vmem>>
      tpu.enqueue_dma source(%dma_start3A_1297 : memref<8x128xf32, #tpu.memory_space<vmem>>) target(%dma_start3A_1293 : memref<8x128xf32, #tpu.memory_space<hbm>>) target_semaphore(%arg13 : memref<!tpu.dma_semaphore, #tpu.memory_space<semaphore_mem>>)
      %mul3A_1298 = arith.constant 4 : i32
      %mul3A_1299 = arith.muli %add3A_1206, %mul3A_1298 : i32
      %add3A_1300 = arith.constant 0 : i32
      %add3A_1301 = arith.addi %mul3A_1299, %add3A_1300 : i32
      %dma_start3A_1302 = arith.constant 1 : i32
      %dma_start3A_1303 = arith.constant 0 : i32
      %dma_start3A_1304 = arith.constant 1 : i32
      %dma_start3A_1305 = arith.constant 8 : i32
      %dma_start3A_1306 = arith.constant 0 : i32
      %dma_start3A_1307 = tpu.memref_slice %arg8[%dma_start3A_1302, %dma_start3A_1303, %dma_start3A_1305, %dma_start3A_1306] : memref<2x4x32x129xf32, #tpu.memory_space<vmem>> -> memref<1x1x8x128xf32, #tpu.memory_space<vmem>>
      %dma_start3A_1308 = tpu.memref_squeeze %dma_start3A_1307 : memref<1x1x8x128xf32, #tpu.memory_space<vmem>> -> memref<8x128xf32, #tpu.memory_space<vmem>>
      %dma_start3A_1309 = arith.constant 0 : i32
      %dma_start3A_1310 = arith.constant 0 : i32
      %dma_start3A_1311 = tpu.memref_slice %arg5[%add3A_1301, %dma_start3A_1304, %add3A, %dma_start3A_1309, %dma_start3A_1310] : memref<200x4x32x8x128xf32, #tpu.memory_space<hbm>> -> memref<1x1x1x8x128xf32, #tpu.memory_space<hbm>>
      %dma_start3A_1312 = tpu.memref_squeeze %dma_start3A_1311 : memref<1x1x1x8x128xf32, #tpu.memory_space<hbm>> -> memref<8x128xf32, #tpu.memory_space<hbm>>
      %dma_start3A_1313 = arith.constant 0 : i32
      %dma_start3A_1314 = arith.constant 0 : i32
      %dma_start3A_1315 = tpu.memref_slice %arg5[%add3A_1301, %dma_start3A_1304, %add3A, %dma_start3A_1313, %dma_start3A_1314] : memref<200x4x32x8x128xf32, #tpu.memory_space<hbm>> -> memref<1x1x1x8x128xf32, #tpu.memory_space<hbm>>
      %dma_start3A_1316 = tpu.memref_squeeze %dma_start3A_1315 : memref<1x1x1x8x128xf32, #tpu.memory_space<hbm>> -> memref<8x128xf32, #tpu.memory_space<hbm>>
      %dma_start3A_1317 = arith.constant 8 : i32
      %dma_start3A_1318 = arith.constant 0 : i32
      %dma_start3A_1319 = tpu.memref_slice %arg8[%dma_start3A_1302, %dma_start3A_1303, %dma_start3A_1317, %dma_start3A_1318] : memref<2x4x32x129xf32, #tpu.memory_space<vmem>> -> memref<1x1x8x128xf32, #tpu.memory_space<vmem>>
      %dma_start3A_1320 = tpu.memref_squeeze %dma_start3A_1319 : memref<1x1x8x128xf32, #tpu.memory_space<vmem>> -> memref<8x128xf32, #tpu.memory_space<vmem>>
      tpu.enqueue_dma source(%dma_start3A_1320 : memref<8x128xf32, #tpu.memory_space<vmem>>) target(%dma_start3A_1316 : memref<8x128xf32, #tpu.memory_space<hbm>>) target_semaphore(%arg13 : memref<!tpu.dma_semaphore, #tpu.memory_space<semaphore_mem>>)
      %mul3A_1321 = arith.constant 4 : i32
      %mul3A_1322 = arith.muli %add3A_1206, %mul3A_1321 : i32
      %add3A_1323 = arith.constant 0 : i32
      %add3A_1324 = arith.addi %mul3A_1322, %add3A_1323 : i32
      %dma_start3A_1325 = arith.constant 1 : i32
      %dma_start3A_1326 = arith.constant 0 : i32
      %dma_start3A_1327 = arith.constant 2 : i32
      %dma_start3A_1328 = arith.constant 16 : i32
      %dma_start3A_1329 = arith.constant 0 : i32
      %dma_start3A_1330 = tpu.memref_slice %arg8[%dma_start3A_1325, %dma_start3A_1326, %dma_start3A_1328, %dma_start3A_1329] : memref<2x4x32x129xf32, #tpu.memory_space<vmem>> -> memref<1x1x8x128xf32, #tpu.memory_space<vmem>>
      %dma_start3A_1331 = tpu.memref_squeeze %dma_start3A_1330 : memref<1x1x8x128xf32, #tpu.memory_space<vmem>> -> memref<8x128xf32, #tpu.memory_space<vmem>>
      %dma_start3A_1332 = arith.constant 0 : i32
      %dma_start3A_1333 = arith.constant 0 : i32
      %dma_start3A_1334 = tpu.memref_slice %arg5[%add3A_1324, %dma_start3A_1327, %add3A, %dma_start3A_1332, %dma_start3A_1333] : memref<200x4x32x8x128xf32, #tpu.memory_space<hbm>> -> memref<1x1x1x8x128xf32, #tpu.memory_space<hbm>>
      %dma_start3A_1335 = tpu.memref_squeeze %dma_start3A_1334 : memref<1x1x1x8x128xf32, #tpu.memory_space<hbm>> -> memref<8x128xf32, #tpu.memory_space<hbm>>
      %dma_start3A_1336 = arith.constant 0 : i32
      %dma_start3A_1337 = arith.constant 0 : i32
      %dma_start3A_1338 = tpu.memref_slice %arg5[%add3A_1324, %dma_start3A_1327, %add3A, %dma_start3A_1336, %dma_start3A_1337] : memref<200x4x32x8x128xf32, #tpu.memory_space<hbm>> -> memref<1x1x1x8x128xf32, #tpu.memory_space<hbm>>
      %dma_start3A_1339 = tpu.memref_squeeze %dma_start3A_1338 : memref<1x1x1x8x128xf32, #tpu.memory_space<hbm>> -> memref<8x128xf32, #tpu.memory_space<hbm>>
      %dma_start3A_1340 = arith.constant 16 : i32
      %dma_start3A_1341 = arith.constant 0 : i32
      %dma_start3A_1342 = tpu.memref_slice %arg8[%dma_start3A_1325, %dma_start3A_1326, %dma_start3A_1340, %dma_start3A_1341] : memref<2x4x32x129xf32, #tpu.memory_space<vmem>> -> memref<1x1x8x128xf32, #tpu.memory_space<vmem>>
      %dma_start3A_1343 = tpu.memref_squeeze %dma_start3A_1342 : memref<1x1x8x128xf32, #tpu.memory_space<vmem>> -> memref<8x128xf32, #tpu.memory_space<vmem>>
      tpu.enqueue_dma source(%dma_start3A_1343 : memref<8x128xf32, #tpu.memory_space<vmem>>) target(%dma_start3A_1339 : memref<8x128xf32, #tpu.memory_space<hbm>>) target_semaphore(%arg13 : memref<!tpu.dma_semaphore, #tpu.memory_space<semaphore_mem>>)
      %mul3A_1344 = arith.constant 4 : i32
      %mul3A_1345 = arith.muli %add3A_1206, %mul3A_1344 : i32
      %add3A_1346 = arith.constant 0 : i32
      %add3A_1347 = arith.addi %mul3A_1345, %add3A_1346 : i32
      %dma_start3A_1348 = arith.constant 1 : i32
      %dma_start3A_1349 = arith.constant 0 : i32
      %dma_start3A_1350 = arith.constant 3 : i32
      %dma_start3A_1351 = arith.constant 24 : i32
      %dma_start3A_1352 = arith.constant 0 : i32
      %dma_start3A_1353 = tpu.memref_slice %arg8[%dma_start3A_1348, %dma_start3A_1349, %dma_start3A_1351, %dma_start3A_1352] : memref<2x4x32x129xf32, #tpu.memory_space<vmem>> -> memref<1x1x8x128xf32, #tpu.memory_space<vmem>>
      %dma_start3A_1354 = tpu.memref_squeeze %dma_start3A_1353 : memref<1x1x8x128xf32, #tpu.memory_space<vmem>> -> memref<8x128xf32, #tpu.memory_space<vmem>>
      %dma_start3A_1355 = arith.constant 0 : i32
      %dma_start3A_1356 = arith.constant 0 : i32
      %dma_start3A_1357 = tpu.memref_slice %arg5[%add3A_1347, %dma_start3A_1350, %add3A, %dma_start3A_1355, %dma_start3A_1356] : memref<200x4x32x8x128xf32, #tpu.memory_space<hbm>> -> memref<1x1x1x8x128xf32, #tpu.memory_space<hbm>>
      %dma_start3A_1358 = tpu.memref_squeeze %dma_start3A_1357 : memref<1x1x1x8x128xf32, #tpu.memory_space<hbm>> -> memref<8x128xf32, #tpu.memory_space<hbm>>
      %dma_start3A_1359 = arith.constant 0 : i32
      %dma_start3A_1360 = arith.constant 0 : i32
      %dma_start3A_1361 = tpu.memref_slice %arg5[%add3A_1347, %dma_start3A_1350, %add3A, %dma_start3A_1359, %dma_start3A_1360] : memref<200x4x32x8x128xf32, #tpu.memory_space<hbm>> -> memref<1x1x1x8x128xf32, #tpu.memory_space<hbm>>
      %dma_start3A_1362 = tpu.memref_squeeze %dma_start3A_1361 : memref<1x1x1x8x128xf32, #tpu.memory_space<hbm>> -> memref<8x128xf32, #tpu.memory_space<hbm>>
      %dma_start3A_1363 = arith.constant 24 : i32
      %dma_start3A_1364 = arith.constant 0 : i32
      %dma_start3A_1365 = tpu.memref_slice %arg8[%dma_start3A_1348, %dma_start3A_1349, %dma_start3A_1363, %dma_start3A_1364] : memref<2x4x32x129xf32, #tpu.memory_space<vmem>> -> memref<1x1x8x128xf32, #tpu.memory_space<vmem>>
      %dma_start3A_1366 = tpu.memref_squeeze %dma_start3A_1365 : memref<1x1x8x128xf32, #tpu.memory_space<vmem>> -> memref<8x128xf32, #tpu.memory_space<vmem>>
      tpu.enqueue_dma source(%dma_start3A_1366 : memref<8x128xf32, #tpu.memory_space<vmem>>) target(%dma_start3A_1362 : memref<8x128xf32, #tpu.memory_space<hbm>>) target_semaphore(%arg13 : memref<!tpu.dma_semaphore, #tpu.memory_space<semaphore_mem>>)
      %mul3A_1367 = arith.constant 4 : i32
      %mul3A_1368 = arith.muli %add3A_1206, %mul3A_1367 : i32
      %add3A_1369 = arith.constant 1 : i32
      %add3A_1370 = arith.addi %mul3A_1368, %add3A_1369 : i32
      %dma_start3A_1371 = arith.constant 1 : i32
      %dma_start3A_1372 = arith.constant 1 : i32
      %dma_start3A_1373 = arith.constant 0 : i32
      %dma_start3A_1374 = arith.constant 0 : i32
      %dma_start3A_1375 = arith.constant 0 : i32
      %dma_start3A_1376 = tpu.memref_slice %arg8[%dma_start3A_1371, %dma_start3A_1372, %dma_start3A_1374, %dma_start3A_1375] : memref<2x4x32x129xf32, #tpu.memory_space<vmem>> -> memref<1x1x8x128xf32, #tpu.memory_space<vmem>>
      %dma_start3A_1377 = tpu.memref_squeeze %dma_start3A_1376 : memref<1x1x8x128xf32, #tpu.memory_space<vmem>> -> memref<8x128xf32, #tpu.memory_space<vmem>>
      %dma_start3A_1378 = arith.constant 0 : i32
      %dma_start3A_1379 = arith.constant 0 : i32
      %dma_start3A_1380 = tpu.memref_slice %arg5[%add3A_1370, %dma_start3A_1373, %add3A, %dma_start3A_1378, %dma_start3A_1379] : memref<200x4x32x8x128xf32, #tpu.memory_space<hbm>> -> memref<1x1x1x8x128xf32, #tpu.memory_space<hbm>>
      %dma_start3A_1381 = tpu.memref_squeeze %dma_start3A_1380 : memref<1x1x1x8x128xf32, #tpu.memory_space<hbm>> -> memref<8x128xf32, #tpu.memory_space<hbm>>
      %dma_start3A_1382 = arith.constant 0 : i32
      %dma_start3A_1383 = arith.constant 0 : i32
      %dma_start3A_1384 = tpu.memref_slice %arg5[%add3A_1370, %dma_start3A_1373, %add3A, %dma_start3A_1382, %dma_start3A_1383] : memref<200x4x32x8x128xf32, #tpu.memory_space<hbm>> -> memref<1x1x1x8x128xf32, #tpu.memory_space<hbm>>
      %dma_start3A_1385 = tpu.memref_squeeze %dma_start3A_1384 : memref<1x1x1x8x128xf32, #tpu.memory_space<hbm>> -> memref<8x128xf32, #tpu.memory_space<hbm>>
      %dma_start3A_1386 = arith.constant 0 : i32
      %dma_start3A_1387 = arith.constant 0 : i32
      %dma_start3A_1388 = tpu.memref_slice %arg8[%dma_start3A_1371, %dma_start3A_1372, %dma_start3A_1386, %dma_start3A_1387] : memref<2x4x32x129xf32, #tpu.memory_space<vmem>> -> memref<1x1x8x128xf32, #tpu.memory_space<vmem>>
      %dma_start3A_1389 = tpu.memref_squeeze %dma_start3A_1388 : memref<1x1x8x128xf32, #tpu.memory_space<vmem>> -> memref<8x128xf32, #tpu.memory_space<vmem>>
      tpu.enqueue_dma source(%dma_start3A_1389 : memref<8x128xf32, #tpu.memory_space<vmem>>) target(%dma_start3A_1385 : memref<8x128xf32, #tpu.memory_space<hbm>>) target_semaphore(%arg13 : memref<!tpu.dma_semaphore, #tpu.memory_space<semaphore_mem>>)
      %mul3A_1390 = arith.constant 4 : i32
      %mul3A_1391 = arith.muli %add3A_1206, %mul3A_1390 : i32
      %add3A_1392 = arith.constant 1 : i32
      %add3A_1393 = arith.addi %mul3A_1391, %add3A_1392 : i32
      %dma_start3A_1394 = arith.constant 1 : i32
      %dma_start3A_1395 = arith.constant 1 : i32
      %dma_start3A_1396 = arith.constant 1 : i32
      %dma_start3A_1397 = arith.constant 8 : i32
      %dma_start3A_1398 = arith.constant 0 : i32
      %dma_start3A_1399 = tpu.memref_slice %arg8[%dma_start3A_1394, %dma_start3A_1395, %dma_start3A_1397, %dma_start3A_1398] : memref<2x4x32x129xf32, #tpu.memory_space<vmem>> -> memref<1x1x8x128xf32, #tpu.memory_space<vmem>>
      %dma_start3A_1400 = tpu.memref_squeeze %dma_start3A_1399 : memref<1x1x8x128xf32, #tpu.memory_space<vmem>> -> memref<8x128xf32, #tpu.memory_space<vmem>>
      %dma_start3A_1401 = arith.constant 0 : i32
      %dma_start3A_1402 = arith.constant 0 : i32
      %dma_start3A_1403 = tpu.memref_slice %arg5[%add3A_1393, %dma_start3A_1396, %add3A, %dma_start3A_1401, %dma_start3A_1402] : memref<200x4x32x8x128xf32, #tpu.memory_space<hbm>> -> memref<1x1x1x8x128xf32, #tpu.memory_space<hbm>>
      %dma_start3A_1404 = tpu.memref_squeeze %dma_start3A_1403 : memref<1x1x1x8x128xf32, #tpu.memory_space<hbm>> -> memref<8x128xf32, #tpu.memory_space<hbm>>
      %dma_start3A_1405 = arith.constant 0 : i32
      %dma_start3A_1406 = arith.constant 0 : i32
      %dma_start3A_1407 = tpu.memref_slice %arg5[%add3A_1393, %dma_start3A_1396, %add3A, %dma_start3A_1405, %dma_start3A_1406] : memref<200x4x32x8x128xf32, #tpu.memory_space<hbm>> -> memref<1x1x1x8x128xf32, #tpu.memory_space<hbm>>
      %dma_start3A_1408 = tpu.memref_squeeze %dma_start3A_1407 : memref<1x1x1x8x128xf32, #tpu.memory_space<hbm>> -> memref<8x128xf32, #tpu.memory_space<hbm>>
      %dma_start3A_1409 = arith.constant 8 : i32
      %dma_start3A_1410 = arith.constant 0 : i32
      %dma_start3A_1411 = tpu.memref_slice %arg8[%dma_start3A_1394, %dma_start3A_1395, %dma_start3A_1409, %dma_start3A_1410] : memref<2x4x32x129xf32, #tpu.memory_space<vmem>> -> memref<1x1x8x128xf32, #tpu.memory_space<vmem>>
      %dma_start3A_1412 = tpu.memref_squeeze %dma_start3A_1411 : memref<1x1x8x128xf32, #tpu.memory_space<vmem>> -> memref<8x128xf32, #tpu.memory_space<vmem>>
      tpu.enqueue_dma source(%dma_start3A_1412 : memref<8x128xf32, #tpu.memory_space<vmem>>) target(%dma_start3A_1408 : memref<8x128xf32, #tpu.memory_space<hbm>>) target_semaphore(%arg13 : memref<!tpu.dma_semaphore, #tpu.memory_space<semaphore_mem>>)
      %mul3A_1413 = arith.constant 4 : i32
      %mul3A_1414 = arith.muli %add3A_1206, %mul3A_1413 : i32
      %add3A_1415 = arith.constant 1 : i32
      %add3A_1416 = arith.addi %mul3A_1414, %add3A_1415 : i32
      %dma_start3A_1417 = arith.constant 1 : i32
      %dma_start3A_1418 = arith.constant 1 : i32
      %dma_start3A_1419 = arith.constant 2 : i32
      %dma_start3A_1420 = arith.constant 16 : i32
      %dma_start3A_1421 = arith.constant 0 : i32
      %dma_start3A_1422 = tpu.memref_slice %arg8[%dma_start3A_1417, %dma_start3A_1418, %dma_start3A_1420, %dma_start3A_1421] : memref<2x4x32x129xf32, #tpu.memory_space<vmem>> -> memref<1x1x8x128xf32, #tpu.memory_space<vmem>>
      %dma_start3A_1423 = tpu.memref_squeeze %dma_start3A_1422 : memref<1x1x8x128xf32, #tpu.memory_space<vmem>> -> memref<8x128xf32, #tpu.memory_space<vmem>>
      %dma_start3A_1424 = arith.constant 0 : i32
      %dma_start3A_1425 = arith.constant 0 : i32
      %dma_start3A_1426 = tpu.memref_slice %arg5[%add3A_1416, %dma_start3A_1419, %add3A, %dma_start3A_1424, %dma_start3A_1425] : memref<200x4x32x8x128xf32, #tpu.memory_space<hbm>> -> memref<1x1x1x8x128xf32, #tpu.memory_space<hbm>>
      %dma_start3A_1427 = tpu.memref_squeeze %dma_start3A_1426 : memref<1x1x1x8x128xf32, #tpu.memory_space<hbm>> -> memref<8x128xf32, #tpu.memory_space<hbm>>
      %dma_start3A_1428 = arith.constant 0 : i32
      %dma_start3A_1429 = arith.constant 0 : i32
      %dma_start3A_1430 = tpu.memref_slice %arg5[%add3A_1416, %dma_start3A_1419, %add3A, %dma_start3A_1428, %dma_start3A_1429] : memref<200x4x32x8x128xf32, #tpu.memory_space<hbm>> -> memref<1x1x1x8x128xf32, #tpu.memory_space<hbm>>
      %dma_start3A_1431 = tpu.memref_squeeze %dma_start3A_1430 : memref<1x1x1x8x128xf32, #tpu.memory_space<hbm>> -> memref<8x128xf32, #tpu.memory_space<hbm>>
      %dma_start3A_1432 = arith.constant 16 : i32
      %dma_start3A_1433 = arith.constant 0 : i32
      %dma_start3A_1434 = tpu.memref_slice %arg8[%dma_start3A_1417, %dma_start3A_1418, %dma_start3A_1432, %dma_start3A_1433] : memref<2x4x32x129xf32, #tpu.memory_space<vmem>> -> memref<1x1x8x128xf32, #tpu.memory_space<vmem>>
      %dma_start3A_1435 = tpu.memref_squeeze %dma_start3A_1434 : memref<1x1x8x128xf32, #tpu.memory_space<vmem>> -> memref<8x128xf32, #tpu.memory_space<vmem>>
      tpu.enqueue_dma source(%dma_start3A_1435 : memref<8x128xf32, #tpu.memory_space<vmem>>) target(%dma_start3A_1431 : memref<8x128xf32, #tpu.memory_space<hbm>>) target_semaphore(%arg13 : memref<!tpu.dma_semaphore, #tpu.memory_space<semaphore_mem>>)
      %mul3A_1436 = arith.constant 4 : i32
      %mul3A_1437 = arith.muli %add3A_1206, %mul3A_1436 : i32
      %add3A_1438 = arith.constant 1 : i32
      %add3A_1439 = arith.addi %mul3A_1437, %add3A_1438 : i32
      %dma_start3A_1440 = arith.constant 1 : i32
      %dma_start3A_1441 = arith.constant 1 : i32
      %dma_start3A_1442 = arith.constant 3 : i32
      %dma_start3A_1443 = arith.constant 24 : i32
      %dma_start3A_1444 = arith.constant 0 : i32
      %dma_start3A_1445 = tpu.memref_slice %arg8[%dma_start3A_1440, %dma_start3A_1441, %dma_start3A_1443, %dma_start3A_1444] : memref<2x4x32x129xf32, #tpu.memory_space<vmem>> -> memref<1x1x8x128xf32, #tpu.memory_space<vmem>>
      %dma_start3A_1446 = tpu.memref_squeeze %dma_start3A_1445 : memref<1x1x8x128xf32, #tpu.memory_space<vmem>> -> memref<8x128xf32, #tpu.memory_space<vmem>>
      %dma_start3A_1447 = arith.constant 0 : i32
      %dma_start3A_1448 = arith.constant 0 : i32
      %dma_start3A_1449 = tpu.memref_slice %arg5[%add3A_1439, %dma_start3A_1442, %add3A, %dma_start3A_1447, %dma_start3A_1448] : memref<200x4x32x8x128xf32, #tpu.memory_space<hbm>> -> memref<1x1x1x8x128xf32, #tpu.memory_space<hbm>>
      %dma_start3A_1450 = tpu.memref_squeeze %dma_start3A_1449 : memref<1x1x1x8x128xf32, #tpu.memory_space<hbm>> -> memref<8x128xf32, #tpu.memory_space<hbm>>
      %dma_start3A_1451 = arith.constant 0 : i32
      %dma_start3A_1452 = arith.constant 0 : i32
      %dma_start3A_1453 = tpu.memref_slice %arg5[%add3A_1439, %dma_start3A_1442, %add3A, %dma_start3A_1451, %dma_start3A_1452] : memref<200x4x32x8x128xf32, #tpu.memory_space<hbm>> -> memref<1x1x1x8x128xf32, #tpu.memory_space<hbm>>
      %dma_start3A_1454 = tpu.memref_squeeze %dma_start3A_1453 : memref<1x1x1x8x128xf32, #tpu.memory_space<hbm>> -> memref<8x128xf32, #tpu.memory_space<hbm>>
      %dma_start3A_1455 = arith.constant 24 : i32
      %dma_start3A_1456 = arith.constant 0 : i32
      %dma_start3A_1457 = tpu.memref_slice %arg8[%dma_start3A_1440, %dma_start3A_1441, %dma_start3A_1455, %dma_start3A_1456] : memref<2x4x32x129xf32, #tpu.memory_space<vmem>> -> memref<1x1x8x128xf32, #tpu.memory_space<vmem>>
      %dma_start3A_1458 = tpu.memref_squeeze %dma_start3A_1457 : memref<1x1x8x128xf32, #tpu.memory_space<vmem>> -> memref<8x128xf32, #tpu.memory_space<vmem>>
      tpu.enqueue_dma source(%dma_start3A_1458 : memref<8x128xf32, #tpu.memory_space<vmem>>) target(%dma_start3A_1454 : memref<8x128xf32, #tpu.memory_space<hbm>>) target_semaphore(%arg13 : memref<!tpu.dma_semaphore, #tpu.memory_space<semaphore_mem>>)
      %mul3A_1459 = arith.constant 4 : i32
      %mul3A_1460 = arith.muli %add3A_1206, %mul3A_1459 : i32
      %add3A_1461 = arith.constant 2 : i32
      %add3A_1462 = arith.addi %mul3A_1460, %add3A_1461 : i32
      %dma_start3A_1463 = arith.constant 1 : i32
      %dma_start3A_1464 = arith.constant 2 : i32
      %dma_start3A_1465 = arith.constant 0 : i32
      %dma_start3A_1466 = arith.constant 0 : i32
      %dma_start3A_1467 = arith.constant 0 : i32
      %dma_start3A_1468 = tpu.memref_slice %arg8[%dma_start3A_1463, %dma_start3A_1464, %dma_start3A_1466, %dma_start3A_1467] : memref<2x4x32x129xf32, #tpu.memory_space<vmem>> -> memref<1x1x8x128xf32, #tpu.memory_space<vmem>>
      %dma_start3A_1469 = tpu.memref_squeeze %dma_start3A_1468 : memref<1x1x8x128xf32, #tpu.memory_space<vmem>> -> memref<8x128xf32, #tpu.memory_space<vmem>>
      %dma_start3A_1470 = arith.constant 0 : i32
      %dma_start3A_1471 = arith.constant 0 : i32
      %dma_start3A_1472 = tpu.memref_slice %arg5[%add3A_1462, %dma_start3A_1465, %add3A, %dma_start3A_1470, %dma_start3A_1471] : memref<200x4x32x8x128xf32, #tpu.memory_space<hbm>> -> memref<1x1x1x8x128xf32, #tpu.memory_space<hbm>>
      %dma_start3A_1473 = tpu.memref_squeeze %dma_start3A_1472 : memref<1x1x1x8x128xf32, #tpu.memory_space<hbm>> -> memref<8x128xf32, #tpu.memory_space<hbm>>
      %dma_start3A_1474 = arith.constant 0 : i32
      %dma_start3A_1475 = arith.constant 0 : i32
      %dma_start3A_1476 = tpu.memref_slice %arg5[%add3A_1462, %dma_start3A_1465, %add3A, %dma_start3A_1474, %dma_start3A_1475] : memref<200x4x32x8x128xf32, #tpu.memory_space<hbm>> -> memref<1x1x1x8x128xf32, #tpu.memory_space<hbm>>
      %dma_start3A_1477 = tpu.memref_squeeze %dma_start3A_1476 : memref<1x1x1x8x128xf32, #tpu.memory_space<hbm>> -> memref<8x128xf32, #tpu.memory_space<hbm>>
      %dma_start3A_1478 = arith.constant 0 : i32
      %dma_start3A_1479 = arith.constant 0 : i32
      %dma_start3A_1480 = tpu.memref_slice %arg8[%dma_start3A_1463, %dma_start3A_1464, %dma_start3A_1478, %dma_start3A_1479] : memref<2x4x32x129xf32, #tpu.memory_space<vmem>> -> memref<1x1x8x128xf32, #tpu.memory_space<vmem>>
      %dma_start3A_1481 = tpu.memref_squeeze %dma_start3A_1480 : memref<1x1x8x128xf32, #tpu.memory_space<vmem>> -> memref<8x128xf32, #tpu.memory_space<vmem>>
      tpu.enqueue_dma source(%dma_start3A_1481 : memref<8x128xf32, #tpu.memory_space<vmem>>) target(%dma_start3A_1477 : memref<8x128xf32, #tpu.memory_space<hbm>>) target_semaphore(%arg13 : memref<!tpu.dma_semaphore, #tpu.memory_space<semaphore_mem>>)
      %mul3A_1482 = arith.constant 4 : i32
      %mul3A_1483 = arith.muli %add3A_1206, %mul3A_1482 : i32
      %add3A_1484 = arith.constant 2 : i32
      %add3A_1485 = arith.addi %mul3A_1483, %add3A_1484 : i32
      %dma_start3A_1486 = arith.constant 1 : i32
      %dma_start3A_1487 = arith.constant 2 : i32
      %dma_start3A_1488 = arith.constant 1 : i32
      %dma_start3A_1489 = arith.constant 8 : i32
      %dma_start3A_1490 = arith.constant 0 : i32
      %dma_start3A_1491 = tpu.memref_slice %arg8[%dma_start3A_1486, %dma_start3A_1487, %dma_start3A_1489, %dma_start3A_1490] : memref<2x4x32x129xf32, #tpu.memory_space<vmem>> -> memref<1x1x8x128xf32, #tpu.memory_space<vmem>>
      %dma_start3A_1492 = tpu.memref_squeeze %dma_start3A_1491 : memref<1x1x8x128xf32, #tpu.memory_space<vmem>> -> memref<8x128xf32, #tpu.memory_space<vmem>>
      %dma_start3A_1493 = arith.constant 0 : i32
      %dma_start3A_1494 = arith.constant 0 : i32
      %dma_start3A_1495 = tpu.memref_slice %arg5[%add3A_1485, %dma_start3A_1488, %add3A, %dma_start3A_1493, %dma_start3A_1494] : memref<200x4x32x8x128xf32, #tpu.memory_space<hbm>> -> memref<1x1x1x8x128xf32, #tpu.memory_space<hbm>>
      %dma_start3A_1496 = tpu.memref_squeeze %dma_start3A_1495 : memref<1x1x1x8x128xf32, #tpu.memory_space<hbm>> -> memref<8x128xf32, #tpu.memory_space<hbm>>
      %dma_start3A_1497 = arith.constant 0 : i32
      %dma_start3A_1498 = arith.constant 0 : i32
      %dma_start3A_1499 = tpu.memref_slice %arg5[%add3A_1485, %dma_start3A_1488, %add3A, %dma_start3A_1497, %dma_start3A_1498] : memref<200x4x32x8x128xf32, #tpu.memory_space<hbm>> -> memref<1x1x1x8x128xf32, #tpu.memory_space<hbm>>
      %dma_start3A_1500 = tpu.memref_squeeze %dma_start3A_1499 : memref<1x1x1x8x128xf32, #tpu.memory_space<hbm>> -> memref<8x128xf32, #tpu.memory_space<hbm>>
      %dma_start3A_1501 = arith.constant 8 : i32
      %dma_start3A_1502 = arith.constant 0 : i32
      %dma_start3A_1503 = tpu.memref_slice %arg8[%dma_start3A_1486, %dma_start3A_1487, %dma_start3A_1501, %dma_start3A_1502] : memref<2x4x32x129xf32, #tpu.memory_space<vmem>> -> memref<1x1x8x128xf32, #tpu.memory_space<vmem>>
      %dma_start3A_1504 = tpu.memref_squeeze %dma_start3A_1503 : memref<1x1x8x128xf32, #tpu.memory_space<vmem>> -> memref<8x128xf32, #tpu.memory_space<vmem>>
      tpu.enqueue_dma source(%dma_start3A_1504 : memref<8x128xf32, #tpu.memory_space<vmem>>) target(%dma_start3A_1500 : memref<8x128xf32, #tpu.memory_space<hbm>>) target_semaphore(%arg13 : memref<!tpu.dma_semaphore, #tpu.memory_space<semaphore_mem>>)
      %mul3A_1505 = arith.constant 4 : i32
      %mul3A_1506 = arith.muli %add3A_1206, %mul3A_1505 : i32
      %add3A_1507 = arith.constant 2 : i32
      %add3A_1508 = arith.addi %mul3A_1506, %add3A_1507 : i32
      %dma_start3A_1509 = arith.constant 1 : i32
      %dma_start3A_1510 = arith.constant 2 : i32
      %dma_start3A_1511 = arith.constant 2 : i32
      %dma_start3A_1512 = arith.constant 16 : i32
      %dma_start3A_1513 = arith.constant 0 : i32
      %dma_start3A_1514 = tpu.memref_slice %arg8[%dma_start3A_1509, %dma_start3A_1510, %dma_start3A_1512, %dma_start3A_1513] : memref<2x4x32x129xf32, #tpu.memory_space<vmem>> -> memref<1x1x8x128xf32, #tpu.memory_space<vmem>>
      %dma_start3A_1515 = tpu.memref_squeeze %dma_start3A_1514 : memref<1x1x8x128xf32, #tpu.memory_space<vmem>> -> memref<8x128xf32, #tpu.memory_space<vmem>>
      %dma_start3A_1516 = arith.constant 0 : i32
      %dma_start3A_1517 = arith.constant 0 : i32
      %dma_start3A_1518 = tpu.memref_slice %arg5[%add3A_1508, %dma_start3A_1511, %add3A, %dma_start3A_1516, %dma_start3A_1517] : memref<200x4x32x8x128xf32, #tpu.memory_space<hbm>> -> memref<1x1x1x8x128xf32, #tpu.memory_space<hbm>>
      %dma_start3A_1519 = tpu.memref_squeeze %dma_start3A_1518 : memref<1x1x1x8x128xf32, #tpu.memory_space<hbm>> -> memref<8x128xf32, #tpu.memory_space<hbm>>
      %dma_start3A_1520 = arith.constant 0 : i32
      %dma_start3A_1521 = arith.constant 0 : i32
      %dma_start3A_1522 = tpu.memref_slice %arg5[%add3A_1508, %dma_start3A_1511, %add3A, %dma_start3A_1520, %dma_start3A_1521] : memref<200x4x32x8x128xf32, #tpu.memory_space<hbm>> -> memref<1x1x1x8x128xf32, #tpu.memory_space<hbm>>
      %dma_start3A_1523 = tpu.memref_squeeze %dma_start3A_1522 : memref<1x1x1x8x128xf32, #tpu.memory_space<hbm>> -> memref<8x128xf32, #tpu.memory_space<hbm>>
      %dma_start3A_1524 = arith.constant 16 : i32
      %dma_start3A_1525 = arith.constant 0 : i32
      %dma_start3A_1526 = tpu.memref_slice %arg8[%dma_start3A_1509, %dma_start3A_1510, %dma_start3A_1524, %dma_start3A_1525] : memref<2x4x32x129xf32, #tpu.memory_space<vmem>> -> memref<1x1x8x128xf32, #tpu.memory_space<vmem>>
      %dma_start3A_1527 = tpu.memref_squeeze %dma_start3A_1526 : memref<1x1x8x128xf32, #tpu.memory_space<vmem>> -> memref<8x128xf32, #tpu.memory_space<vmem>>
      tpu.enqueue_dma source(%dma_start3A_1527 : memref<8x128xf32, #tpu.memory_space<vmem>>) target(%dma_start3A_1523 : memref<8x128xf32, #tpu.memory_space<hbm>>) target_semaphore(%arg13 : memref<!tpu.dma_semaphore, #tpu.memory_space<semaphore_mem>>)
      %mul3A_1528 = arith.constant 4 : i32
      %mul3A_1529 = arith.muli %add3A_1206, %mul3A_1528 : i32
      %add3A_1530 = arith.constant 2 : i32
      %add3A_1531 = arith.addi %mul3A_1529, %add3A_1530 : i32
      %dma_start3A_1532 = arith.constant 1 : i32
      %dma_start3A_1533 = arith.constant 2 : i32
      %dma_start3A_1534 = arith.constant 3 : i32
      %dma_start3A_1535 = arith.constant 24 : i32
      %dma_start3A_1536 = arith.constant 0 : i32
      %dma_start3A_1537 = tpu.memref_slice %arg8[%dma_start3A_1532, %dma_start3A_1533, %dma_start3A_1535, %dma_start3A_1536] : memref<2x4x32x129xf32, #tpu.memory_space<vmem>> -> memref<1x1x8x128xf32, #tpu.memory_space<vmem>>
      %dma_start3A_1538 = tpu.memref_squeeze %dma_start3A_1537 : memref<1x1x8x128xf32, #tpu.memory_space<vmem>> -> memref<8x128xf32, #tpu.memory_space<vmem>>
      %dma_start3A_1539 = arith.constant 0 : i32
      %dma_start3A_1540 = arith.constant 0 : i32
      %dma_start3A_1541 = tpu.memref_slice %arg5[%add3A_1531, %dma_start3A_1534, %add3A, %dma_start3A_1539, %dma_start3A_1540] : memref<200x4x32x8x128xf32, #tpu.memory_space<hbm>> -> memref<1x1x1x8x128xf32, #tpu.memory_space<hbm>>
      %dma_start3A_1542 = tpu.memref_squeeze %dma_start3A_1541 : memref<1x1x1x8x128xf32, #tpu.memory_space<hbm>> -> memref<8x128xf32, #tpu.memory_space<hbm>>
      %dma_start3A_1543 = arith.constant 0 : i32
      %dma_start3A_1544 = arith.constant 0 : i32
      %dma_start3A_1545 = tpu.memref_slice %arg5[%add3A_1531, %dma_start3A_1534, %add3A, %dma_start3A_1543, %dma_start3A_1544] : memref<200x4x32x8x128xf32, #tpu.memory_space<hbm>> -> memref<1x1x1x8x128xf32, #tpu.memory_space<hbm>>
      %dma_start3A_1546 = tpu.memref_squeeze %dma_start3A_1545 : memref<1x1x1x8x128xf32, #tpu.memory_space<hbm>> -> memref<8x128xf32, #tpu.memory_space<hbm>>
      %dma_start3A_1547 = arith.constant 24 : i32
      %dma_start3A_1548 = arith.constant 0 : i32
      %dma_start3A_1549 = tpu.memref_slice %arg8[%dma_start3A_1532, %dma_start3A_1533, %dma_start3A_1547, %dma_start3A_1548] : memref<2x4x32x129xf32, #tpu.memory_space<vmem>> -> memref<1x1x8x128xf32, #tpu.memory_space<vmem>>
      %dma_start3A_1550 = tpu.memref_squeeze %dma_start3A_1549 : memref<1x1x8x128xf32, #tpu.memory_space<vmem>> -> memref<8x128xf32, #tpu.memory_space<vmem>>
      tpu.enqueue_dma source(%dma_start3A_1550 : memref<8x128xf32, #tpu.memory_space<vmem>>) target(%dma_start3A_1546 : memref<8x128xf32, #tpu.memory_space<hbm>>) target_semaphore(%arg13 : memref<!tpu.dma_semaphore, #tpu.memory_space<semaphore_mem>>)
      %mul3A_1551 = arith.constant 4 : i32
      %mul3A_1552 = arith.muli %add3A_1206, %mul3A_1551 : i32
      %add3A_1553 = arith.constant 3 : i32
      %add3A_1554 = arith.addi %mul3A_1552, %add3A_1553 : i32
      %dma_start3A_1555 = arith.constant 1 : i32
      %dma_start3A_1556 = arith.constant 3 : i32
      %dma_start3A_1557 = arith.constant 0 : i32
      %dma_start3A_1558 = arith.constant 0 : i32
      %dma_start3A_1559 = arith.constant 0 : i32
      %dma_start3A_1560 = tpu.memref_slice %arg8[%dma_start3A_1555, %dma_start3A_1556, %dma_start3A_1558, %dma_start3A_1559] : memref<2x4x32x129xf32, #tpu.memory_space<vmem>> -> memref<1x1x8x128xf32, #tpu.memory_space<vmem>>
      %dma_start3A_1561 = tpu.memref_squeeze %dma_start3A_1560 : memref<1x1x8x128xf32, #tpu.memory_space<vmem>> -> memref<8x128xf32, #tpu.memory_space<vmem>>
      %dma_start3A_1562 = arith.constant 0 : i32
      %dma_start3A_1563 = arith.constant 0 : i32
      %dma_start3A_1564 = tpu.memref_slice %arg5[%add3A_1554, %dma_start3A_1557, %add3A, %dma_start3A_1562, %dma_start3A_1563] : memref<200x4x32x8x128xf32, #tpu.memory_space<hbm>> -> memref<1x1x1x8x128xf32, #tpu.memory_space<hbm>>
      %dma_start3A_1565 = tpu.memref_squeeze %dma_start3A_1564 : memref<1x1x1x8x128xf32, #tpu.memory_space<hbm>> -> memref<8x128xf32, #tpu.memory_space<hbm>>
      %dma_start3A_1566 = arith.constant 0 : i32
      %dma_start3A_1567 = arith.constant 0 : i32
      %dma_start3A_1568 = tpu.memref_slice %arg5[%add3A_1554, %dma_start3A_1557, %add3A, %dma_start3A_1566, %dma_start3A_1567] : memref<200x4x32x8x128xf32, #tpu.memory_space<hbm>> -> memref<1x1x1x8x128xf32, #tpu.memory_space<hbm>>
      %dma_start3A_1569 = tpu.memref_squeeze %dma_start3A_1568 : memref<1x1x1x8x128xf32, #tpu.memory_space<hbm>> -> memref<8x128xf32, #tpu.memory_space<hbm>>
      %dma_start3A_1570 = arith.constant 0 : i32
      %dma_start3A_1571 = arith.constant 0 : i32
      %dma_start3A_1572 = tpu.memref_slice %arg8[%dma_start3A_1555, %dma_start3A_1556, %dma_start3A_1570, %dma_start3A_1571] : memref<2x4x32x129xf32, #tpu.memory_space<vmem>> -> memref<1x1x8x128xf32, #tpu.memory_space<vmem>>
      %dma_start3A_1573 = tpu.memref_squeeze %dma_start3A_1572 : memref<1x1x8x128xf32, #tpu.memory_space<vmem>> -> memref<8x128xf32, #tpu.memory_space<vmem>>
      tpu.enqueue_dma source(%dma_start3A_1573 : memref<8x128xf32, #tpu.memory_space<vmem>>) target(%dma_start3A_1569 : memref<8x128xf32, #tpu.memory_space<hbm>>) target_semaphore(%arg13 : memref<!tpu.dma_semaphore, #tpu.memory_space<semaphore_mem>>)
      %mul3A_1574 = arith.constant 4 : i32
      %mul3A_1575 = arith.muli %add3A_1206, %mul3A_1574 : i32
      %add3A_1576 = arith.constant 3 : i32
      %add3A_1577 = arith.addi %mul3A_1575, %add3A_1576 : i32
      %dma_start3A_1578 = arith.constant 1 : i32
      %dma_start3A_1579 = arith.constant 3 : i32
      %dma_start3A_1580 = arith.constant 1 : i32
      %dma_start3A_1581 = arith.constant 8 : i32
      %dma_start3A_1582 = arith.constant 0 : i32
      %dma_start3A_1583 = tpu.memref_slice %arg8[%dma_start3A_1578, %dma_start3A_1579, %dma_start3A_1581, %dma_start3A_1582] : memref<2x4x32x129xf32, #tpu.memory_space<vmem>> -> memref<1x1x8x128xf32, #tpu.memory_space<vmem>>
      %dma_start3A_1584 = tpu.memref_squeeze %dma_start3A_1583 : memref<1x1x8x128xf32, #tpu.memory_space<vmem>> -> memref<8x128xf32, #tpu.memory_space<vmem>>
      %dma_start3A_1585 = arith.constant 0 : i32
      %dma_start3A_1586 = arith.constant 0 : i32
      %dma_start3A_1587 = tpu.memref_slice %arg5[%add3A_1577, %dma_start3A_1580, %add3A, %dma_start3A_1585, %dma_start3A_1586] : memref<200x4x32x8x128xf32, #tpu.memory_space<hbm>> -> memref<1x1x1x8x128xf32, #tpu.memory_space<hbm>>
      %dma_start3A_1588 = tpu.memref_squeeze %dma_start3A_1587 : memref<1x1x1x8x128xf32, #tpu.memory_space<hbm>> -> memref<8x128xf32, #tpu.memory_space<hbm>>
      %dma_start3A_1589 = arith.constant 0 : i32
      %dma_start3A_1590 = arith.constant 0 : i32
      %dma_start3A_1591 = tpu.memref_slice %arg5[%add3A_1577, %dma_start3A_1580, %add3A, %dma_start3A_1589, %dma_start3A_1590] : memref<200x4x32x8x128xf32, #tpu.memory_space<hbm>> -> memref<1x1x1x8x128xf32, #tpu.memory_space<hbm>>
      %dma_start3A_1592 = tpu.memref_squeeze %dma_start3A_1591 : memref<1x1x1x8x128xf32, #tpu.memory_space<hbm>> -> memref<8x128xf32, #tpu.memory_space<hbm>>
      %dma_start3A_1593 = arith.constant 8 : i32
      %dma_start3A_1594 = arith.constant 0 : i32
      %dma_start3A_1595 = tpu.memref_slice %arg8[%dma_start3A_1578, %dma_start3A_1579, %dma_start3A_1593, %dma_start3A_1594] : memref<2x4x32x129xf32, #tpu.memory_space<vmem>> -> memref<1x1x8x128xf32, #tpu.memory_space<vmem>>
      %dma_start3A_1596 = tpu.memref_squeeze %dma_start3A_1595 : memref<1x1x8x128xf32, #tpu.memory_space<vmem>> -> memref<8x128xf32, #tpu.memory_space<vmem>>
      tpu.enqueue_dma source(%dma_start3A_1596 : memref<8x128xf32, #tpu.memory_space<vmem>>) target(%dma_start3A_1592 : memref<8x128xf32, #tpu.memory_space<hbm>>) target_semaphore(%arg13 : memref<!tpu.dma_semaphore, #tpu.memory_space<semaphore_mem>>)
      %mul3A_1597 = arith.constant 4 : i32
      %mul3A_1598 = arith.muli %add3A_1206, %mul3A_1597 : i32
      %add3A_1599 = arith.constant 3 : i32
      %add3A_1600 = arith.addi %mul3A_1598, %add3A_1599 : i32
      %dma_start3A_1601 = arith.constant 1 : i32
      %dma_start3A_1602 = arith.constant 3 : i32
      %dma_start3A_1603 = arith.constant 2 : i32
      %dma_start3A_1604 = arith.constant 16 : i32
      %dma_start3A_1605 = arith.constant 0 : i32
      %dma_start3A_1606 = tpu.memref_slice %arg8[%dma_start3A_1601, %dma_start3A_1602, %dma_start3A_1604, %dma_start3A_1605] : memref<2x4x32x129xf32, #tpu.memory_space<vmem>> -> memref<1x1x8x128xf32, #tpu.memory_space<vmem>>
      %dma_start3A_1607 = tpu.memref_squeeze %dma_start3A_1606 : memref<1x1x8x128xf32, #tpu.memory_space<vmem>> -> memref<8x128xf32, #tpu.memory_space<vmem>>
      %dma_start3A_1608 = arith.constant 0 : i32
      %dma_start3A_1609 = arith.constant 0 : i32
      %dma_start3A_1610 = tpu.memref_slice %arg5[%add3A_1600, %dma_start3A_1603, %add3A, %dma_start3A_1608, %dma_start3A_1609] : memref<200x4x32x8x128xf32, #tpu.memory_space<hbm>> -> memref<1x1x1x8x128xf32, #tpu.memory_space<hbm>>
      %dma_start3A_1611 = tpu.memref_squeeze %dma_start3A_1610 : memref<1x1x1x8x128xf32, #tpu.memory_space<hbm>> -> memref<8x128xf32, #tpu.memory_space<hbm>>
      %dma_start3A_1612 = arith.constant 0 : i32
      %dma_start3A_1613 = arith.constant 0 : i32
      %dma_start3A_1614 = tpu.memref_slice %arg5[%add3A_1600, %dma_start3A_1603, %add3A, %dma_start3A_1612, %dma_start3A_1613] : memref<200x4x32x8x128xf32, #tpu.memory_space<hbm>> -> memref<1x1x1x8x128xf32, #tpu.memory_space<hbm>>
      %dma_start3A_1615 = tpu.memref_squeeze %dma_start3A_1614 : memref<1x1x1x8x128xf32, #tpu.memory_space<hbm>> -> memref<8x128xf32, #tpu.memory_space<hbm>>
      %dma_start3A_1616 = arith.constant 16 : i32
      %dma_start3A_1617 = arith.constant 0 : i32
      %dma_start3A_1618 = tpu.memref_slice %arg8[%dma_start3A_1601, %dma_start3A_1602, %dma_start3A_1616, %dma_start3A_1617] : memref<2x4x32x129xf32, #tpu.memory_space<vmem>> -> memref<1x1x8x128xf32, #tpu.memory_space<vmem>>
      %dma_start3A_1619 = tpu.memref_squeeze %dma_start3A_1618 : memref<1x1x8x128xf32, #tpu.memory_space<vmem>> -> memref<8x128xf32, #tpu.memory_space<vmem>>
      tpu.enqueue_dma source(%dma_start3A_1619 : memref<8x128xf32, #tpu.memory_space<vmem>>) target(%dma_start3A_1615 : memref<8x128xf32, #tpu.memory_space<hbm>>) target_semaphore(%arg13 : memref<!tpu.dma_semaphore, #tpu.memory_space<semaphore_mem>>)
      %mul3A_1620 = arith.constant 4 : i32
      %mul3A_1621 = arith.muli %add3A_1206, %mul3A_1620 : i32
      %add3A_1622 = arith.constant 3 : i32
      %add3A_1623 = arith.addi %mul3A_1621, %add3A_1622 : i32
      %dma_start3A_1624 = arith.constant 1 : i32
      %dma_start3A_1625 = arith.constant 3 : i32
      %dma_start3A_1626 = arith.constant 3 : i32
      %dma_start3A_1627 = arith.constant 24 : i32
      %dma_start3A_1628 = arith.constant 0 : i32
      %dma_start3A_1629 = tpu.memref_slice %arg8[%dma_start3A_1624, %dma_start3A_1625, %dma_start3A_1627, %dma_start3A_1628] : memref<2x4x32x129xf32, #tpu.memory_space<vmem>> -> memref<1x1x8x128xf32, #tpu.memory_space<vmem>>
      %dma_start3A_1630 = tpu.memref_squeeze %dma_start3A_1629 : memref<1x1x8x128xf32, #tpu.memory_space<vmem>> -> memref<8x128xf32, #tpu.memory_space<vmem>>
      %dma_start3A_1631 = arith.constant 0 : i32
      %dma_start3A_1632 = arith.constant 0 : i32
      %dma_start3A_1633 = tpu.memref_slice %arg5[%add3A_1623, %dma_start3A_1626, %add3A, %dma_start3A_1631, %dma_start3A_1632] : memref<200x4x32x8x128xf32, #tpu.memory_space<hbm>> -> memref<1x1x1x8x128xf32, #tpu.memory_space<hbm>>
      %dma_start3A_1634 = tpu.memref_squeeze %dma_start3A_1633 : memref<1x1x1x8x128xf32, #tpu.memory_space<hbm>> -> memref<8x128xf32, #tpu.memory_space<hbm>>
      %dma_start3A_1635 = arith.constant 0 : i32
      %dma_start3A_1636 = arith.constant 0 : i32
      %dma_start3A_1637 = tpu.memref_slice %arg5[%add3A_1623, %dma_start3A_1626, %add3A, %dma_start3A_1635, %dma_start3A_1636] : memref<200x4x32x8x128xf32, #tpu.memory_space<hbm>> -> memref<1x1x1x8x128xf32, #tpu.memory_space<hbm>>
      %dma_start3A_1638 = tpu.memref_squeeze %dma_start3A_1637 : memref<1x1x1x8x128xf32, #tpu.memory_space<hbm>> -> memref<8x128xf32, #tpu.memory_space<hbm>>
      %dma_start3A_1639 = arith.constant 24 : i32
      %dma_start3A_1640 = arith.constant 0 : i32
      %dma_start3A_1641 = tpu.memref_slice %arg8[%dma_start3A_1624, %dma_start3A_1625, %dma_start3A_1639, %dma_start3A_1640] : memref<2x4x32x129xf32, #tpu.memory_space<vmem>> -> memref<1x1x8x128xf32, #tpu.memory_space<vmem>>
      %dma_start3A_1642 = tpu.memref_squeeze %dma_start3A_1641 : memref<1x1x8x128xf32, #tpu.memory_space<vmem>> -> memref<8x128xf32, #tpu.memory_space<vmem>>
      tpu.enqueue_dma source(%dma_start3A_1642 : memref<8x128xf32, #tpu.memory_space<vmem>>) target(%dma_start3A_1638 : memref<8x128xf32, #tpu.memory_space<hbm>>) target_semaphore(%arg13 : memref<!tpu.dma_semaphore, #tpu.memory_space<semaphore_mem>>)
    }
    %scan3A_63 = arith.constant 25 : i32
    %dma_wait3A = arith.constant 0 : i32
    %dma_wait3A_64 = arith.constant 0 : i32
    %dma_wait3A_65 = arith.constant 192 : i32
    %dma_wait3A_66 = arith.constant 0 : i32
    %dma_wait3A_67 = arith.constant 0 : i32
    %dma_wait3A_68 = arith.constant 0 : i32
    %dma_wait3A_69 = tpu.memref_slice %arg8[%dma_wait3A, %dma_wait3A_64, %dma_wait3A_67, %dma_wait3A_68] : memref<2x4x32x129xf32, #tpu.memory_space<vmem>> -> memref<1x1x8x128xf32, #tpu.memory_space<vmem>>
    %dma_wait3A_70 = tpu.memref_squeeze %dma_wait3A_69 : memref<1x1x8x128xf32, #tpu.memory_space<vmem>> -> memref<8x128xf32, #tpu.memory_space<vmem>>
    %dma_wait3A_71 = arith.constant 0 : i32
    %dma_wait3A_72 = arith.constant 0 : i32
    %dma_wait3A_73 = tpu.memref_slice %arg5[%dma_wait3A_65, %dma_wait3A_66, %add3A, %dma_wait3A_71, %dma_wait3A_72] : memref<200x4x32x8x128xf32, #tpu.memory_space<hbm>> -> memref<1x1x1x8x128xf32, #tpu.memory_space<hbm>>
    %dma_wait3A_74 = tpu.memref_squeeze %dma_wait3A_73 : memref<1x1x1x8x128xf32, #tpu.memory_space<hbm>> -> memref<8x128xf32, #tpu.memory_space<hbm>>
    %dma_wait3A_75 = arith.constant 0 : i32
    %dma_wait3A_76 = arith.constant 0 : i32
    %dma_wait3A_77 = tpu.memref_slice %arg5[%dma_wait3A_65, %dma_wait3A_66, %add3A, %dma_wait3A_75, %dma_wait3A_76] : memref<200x4x32x8x128xf32, #tpu.memory_space<hbm>> -> memref<1x1x1x8x128xf32, #tpu.memory_space<hbm>>
    %dma_wait3A_78 = tpu.memref_squeeze %dma_wait3A_77 : memref<1x1x1x8x128xf32, #tpu.memory_space<hbm>> -> memref<8x128xf32, #tpu.memory_space<hbm>>
    %dma_wait3A_79 = arith.constant 0 : i32
    %dma_wait3A_80 = arith.constant 0 : i32
    %dma_wait3A_81 = tpu.memref_slice %arg8[%dma_wait3A, %dma_wait3A_64, %dma_wait3A_79, %dma_wait3A_80] : memref<2x4x32x129xf32, #tpu.memory_space<vmem>> -> memref<1x1x8x128xf32, #tpu.memory_space<vmem>>
    %dma_wait3A_82 = tpu.memref_squeeze %dma_wait3A_81 : memref<1x1x8x128xf32, #tpu.memory_space<vmem>> -> memref<8x128xf32, #tpu.memory_space<vmem>>
    tpu.wait_dma2 semaphore(%arg12 : memref<!tpu.dma_semaphore, #tpu.memory_space<semaphore_mem>>) src(%dma_wait3A_82 : memref<8x128xf32, #tpu.memory_space<vmem>>) dst(%dma_wait3A_78 : memref<8x128xf32, #tpu.memory_space<hbm>>)
    %dma_wait3A_83 = arith.constant 0 : i32
    %dma_wait3A_84 = arith.constant 0 : i32
    %dma_wait3A_85 = arith.constant 192 : i32
    %dma_wait3A_86 = arith.constant 1 : i32
    %dma_wait3A_87 = arith.constant 8 : i32
    %dma_wait3A_88 = arith.constant 0 : i32
    %dma_wait3A_89 = tpu.memref_slice %arg8[%dma_wait3A_83, %dma_wait3A_84, %dma_wait3A_87, %dma_wait3A_88] : memref<2x4x32x129xf32, #tpu.memory_space<vmem>> -> memref<1x1x8x128xf32, #tpu.memory_space<vmem>>
    %dma_wait3A_90 = tpu.memref_squeeze %dma_wait3A_89 : memref<1x1x8x128xf32, #tpu.memory_space<vmem>> -> memref<8x128xf32, #tpu.memory_space<vmem>>
    %dma_wait3A_91 = arith.constant 0 : i32
    %dma_wait3A_92 = arith.constant 0 : i32
    %dma_wait3A_93 = tpu.memref_slice %arg5[%dma_wait3A_85, %dma_wait3A_86, %add3A, %dma_wait3A_91, %dma_wait3A_92] : memref<200x4x32x8x128xf32, #tpu.memory_space<hbm>> -> memref<1x1x1x8x128xf32, #tpu.memory_space<hbm>>
    %dma_wait3A_94 = tpu.memref_squeeze %dma_wait3A_93 : memref<1x1x1x8x128xf32, #tpu.memory_space<hbm>> -> memref<8x128xf32, #tpu.memory_space<hbm>>
    %dma_wait3A_95 = arith.constant 0 : i32
    %dma_wait3A_96 = arith.constant 0 : i32
    %dma_wait3A_97 = tpu.memref_slice %arg5[%dma_wait3A_85, %dma_wait3A_86, %add3A, %dma_wait3A_95, %dma_wait3A_96] : memref<200x4x32x8x128xf32, #tpu.memory_space<hbm>> -> memref<1x1x1x8x128xf32, #tpu.memory_space<hbm>>
    %dma_wait3A_98 = tpu.memref_squeeze %dma_wait3A_97 : memref<1x1x1x8x128xf32, #tpu.memory_space<hbm>> -> memref<8x128xf32, #tpu.memory_space<hbm>>
    %dma_wait3A_99 = arith.constant 8 : i32
    %dma_wait3A_100 = arith.constant 0 : i32
    %dma_wait3A_101 = tpu.memref_slice %arg8[%dma_wait3A_83, %dma_wait3A_84, %dma_wait3A_99, %dma_wait3A_100] : memref<2x4x32x129xf32, #tpu.memory_space<vmem>> -> memref<1x1x8x128xf32, #tpu.memory_space<vmem>>
    %dma_wait3A_102 = tpu.memref_squeeze %dma_wait3A_101 : memref<1x1x8x128xf32, #tpu.memory_space<vmem>> -> memref<8x128xf32, #tpu.memory_space<vmem>>
    tpu.wait_dma2 semaphore(%arg12 : memref<!tpu.dma_semaphore, #tpu.memory_space<semaphore_mem>>) src(%dma_wait3A_102 : memref<8x128xf32, #tpu.memory_space<vmem>>) dst(%dma_wait3A_98 : memref<8x128xf32, #tpu.memory_space<hbm>>)
    %dma_wait3A_103 = arith.constant 0 : i32
    %dma_wait3A_104 = arith.constant 0 : i32
    %dma_wait3A_105 = arith.constant 192 : i32
    %dma_wait3A_106 = arith.constant 2 : i32
    %dma_wait3A_107 = arith.constant 16 : i32
    %dma_wait3A_108 = arith.constant 0 : i32
    %dma_wait3A_109 = tpu.memref_slice %arg8[%dma_wait3A_103, %dma_wait3A_104, %dma_wait3A_107, %dma_wait3A_108] : memref<2x4x32x129xf32, #tpu.memory_space<vmem>> -> memref<1x1x8x128xf32, #tpu.memory_space<vmem>>
    %dma_wait3A_110 = tpu.memref_squeeze %dma_wait3A_109 : memref<1x1x8x128xf32, #tpu.memory_space<vmem>> -> memref<8x128xf32, #tpu.memory_space<vmem>>
    %dma_wait3A_111 = arith.constant 0 : i32
    %dma_wait3A_112 = arith.constant 0 : i32
    %dma_wait3A_113 = tpu.memref_slice %arg5[%dma_wait3A_105, %dma_wait3A_106, %add3A, %dma_wait3A_111, %dma_wait3A_112] : memref<200x4x32x8x128xf32, #tpu.memory_space<hbm>> -> memref<1x1x1x8x128xf32, #tpu.memory_space<hbm>>
    %dma_wait3A_114 = tpu.memref_squeeze %dma_wait3A_113 : memref<1x1x1x8x128xf32, #tpu.memory_space<hbm>> -> memref<8x128xf32, #tpu.memory_space<hbm>>
    %dma_wait3A_115 = arith.constant 0 : i32
    %dma_wait3A_116 = arith.constant 0 : i32
    %dma_wait3A_117 = tpu.memref_slice %arg5[%dma_wait3A_105, %dma_wait3A_106, %add3A, %dma_wait3A_115, %dma_wait3A_116] : memref<200x4x32x8x128xf32, #tpu.memory_space<hbm>> -> memref<1x1x1x8x128xf32, #tpu.memory_space<hbm>>
    %dma_wait3A_118 = tpu.memref_squeeze %dma_wait3A_117 : memref<1x1x1x8x128xf32, #tpu.memory_space<hbm>> -> memref<8x128xf32, #tpu.memory_space<hbm>>
    %dma_wait3A_119 = arith.constant 16 : i32
    %dma_wait3A_120 = arith.constant 0 : i32
    %dma_wait3A_121 = tpu.memref_slice %arg8[%dma_wait3A_103, %dma_wait3A_104, %dma_wait3A_119, %dma_wait3A_120] : memref<2x4x32x129xf32, #tpu.memory_space<vmem>> -> memref<1x1x8x128xf32, #tpu.memory_space<vmem>>
    %dma_wait3A_122 = tpu.memref_squeeze %dma_wait3A_121 : memref<1x1x8x128xf32, #tpu.memory_space<vmem>> -> memref<8x128xf32, #tpu.memory_space<vmem>>
    tpu.wait_dma2 semaphore(%arg12 : memref<!tpu.dma_semaphore, #tpu.memory_space<semaphore_mem>>) src(%dma_wait3A_122 : memref<8x128xf32, #tpu.memory_space<vmem>>) dst(%dma_wait3A_118 : memref<8x128xf32, #tpu.memory_space<hbm>>)
    %dma_wait3A_123 = arith.constant 0 : i32
    %dma_wait3A_124 = arith.constant 0 : i32
    %dma_wait3A_125 = arith.constant 192 : i32
    %dma_wait3A_126 = arith.constant 3 : i32
    %dma_wait3A_127 = arith.constant 24 : i32
    %dma_wait3A_128 = arith.constant 0 : i32
    %dma_wait3A_129 = tpu.memref_slice %arg8[%dma_wait3A_123, %dma_wait3A_124, %dma_wait3A_127, %dma_wait3A_128] : memref<2x4x32x129xf32, #tpu.memory_space<vmem>> -> memref<1x1x8x128xf32, #tpu.memory_space<vmem>>
    %dma_wait3A_130 = tpu.memref_squeeze %dma_wait3A_129 : memref<1x1x8x128xf32, #tpu.memory_space<vmem>> -> memref<8x128xf32, #tpu.memory_space<vmem>>
    %dma_wait3A_131 = arith.constant 0 : i32
    %dma_wait3A_132 = arith.constant 0 : i32
    %dma_wait3A_133 = tpu.memref_slice %arg5[%dma_wait3A_125, %dma_wait3A_126, %add3A, %dma_wait3A_131, %dma_wait3A_132] : memref<200x4x32x8x128xf32, #tpu.memory_space<hbm>> -> memref<1x1x1x8x128xf32, #tpu.memory_space<hbm>>
    %dma_wait3A_134 = tpu.memref_squeeze %dma_wait3A_133 : memref<1x1x1x8x128xf32, #tpu.memory_space<hbm>> -> memref<8x128xf32, #tpu.memory_space<hbm>>
    %dma_wait3A_135 = arith.constant 0 : i32
    %dma_wait3A_136 = arith.constant 0 : i32
    %dma_wait3A_137 = tpu.memref_slice %arg5[%dma_wait3A_125, %dma_wait3A_126, %add3A, %dma_wait3A_135, %dma_wait3A_136] : memref<200x4x32x8x128xf32, #tpu.memory_space<hbm>> -> memref<1x1x1x8x128xf32, #tpu.memory_space<hbm>>
    %dma_wait3A_138 = tpu.memref_squeeze %dma_wait3A_137 : memref<1x1x1x8x128xf32, #tpu.memory_space<hbm>> -> memref<8x128xf32, #tpu.memory_space<hbm>>
    %dma_wait3A_139 = arith.constant 24 : i32
    %dma_wait3A_140 = arith.constant 0 : i32
    %dma_wait3A_141 = tpu.memref_slice %arg8[%dma_wait3A_123, %dma_wait3A_124, %dma_wait3A_139, %dma_wait3A_140] : memref<2x4x32x129xf32, #tpu.memory_space<vmem>> -> memref<1x1x8x128xf32, #tpu.memory_space<vmem>>
    %dma_wait3A_142 = tpu.memref_squeeze %dma_wait3A_141 : memref<1x1x8x128xf32, #tpu.memory_space<vmem>> -> memref<8x128xf32, #tpu.memory_space<vmem>>
    tpu.wait_dma2 semaphore(%arg12 : memref<!tpu.dma_semaphore, #tpu.memory_space<semaphore_mem>>) src(%dma_wait3A_142 : memref<8x128xf32, #tpu.memory_space<vmem>>) dst(%dma_wait3A_138 : memref<8x128xf32, #tpu.memory_space<hbm>>)
    %dma_wait3A_143 = arith.constant 0 : i32
    %dma_wait3A_144 = arith.constant 1 : i32
    %dma_wait3A_145 = arith.constant 193 : i32
    %dma_wait3A_146 = arith.constant 0 : i32
    %dma_wait3A_147 = arith.constant 0 : i32
    %dma_wait3A_148 = arith.constant 0 : i32
    %dma_wait3A_149 = tpu.memref_slice %arg8[%dma_wait3A_143, %dma_wait3A_144, %dma_wait3A_147, %dma_wait3A_148] : memref<2x4x32x129xf32, #tpu.memory_space<vmem>> -> memref<1x1x8x128xf32, #tpu.memory_space<vmem>>
    %dma_wait3A_150 = tpu.memref_squeeze %dma_wait3A_149 : memref<1x1x8x128xf32, #tpu.memory_space<vmem>> -> memref<8x128xf32, #tpu.memory_space<vmem>>
    %dma_wait3A_151 = arith.constant 0 : i32
    %dma_wait3A_152 = arith.constant 0 : i32
    %dma_wait3A_153 = tpu.memref_slice %arg5[%dma_wait3A_145, %dma_wait3A_146, %add3A, %dma_wait3A_151, %dma_wait3A_152] : memref<200x4x32x8x128xf32, #tpu.memory_space<hbm>> -> memref<1x1x1x8x128xf32, #tpu.memory_space<hbm>>
    %dma_wait3A_154 = tpu.memref_squeeze %dma_wait3A_153 : memref<1x1x1x8x128xf32, #tpu.memory_space<hbm>> -> memref<8x128xf32, #tpu.memory_space<hbm>>
    %dma_wait3A_155 = arith.constant 0 : i32
    %dma_wait3A_156 = arith.constant 0 : i32
    %dma_wait3A_157 = tpu.memref_slice %arg5[%dma_wait3A_145, %dma_wait3A_146, %add3A, %dma_wait3A_155, %dma_wait3A_156] : memref<200x4x32x8x128xf32, #tpu.memory_space<hbm>> -> memref<1x1x1x8x128xf32, #tpu.memory_space<hbm>>
    %dma_wait3A_158 = tpu.memref_squeeze %dma_wait3A_157 : memref<1x1x1x8x128xf32, #tpu.memory_space<hbm>> -> memref<8x128xf32, #tpu.memory_space<hbm>>
    %dma_wait3A_159 = arith.constant 0 : i32
    %dma_wait3A_160 = arith.constant 0 : i32
    %dma_wait3A_161 = tpu.memref_slice %arg8[%dma_wait3A_143, %dma_wait3A_144, %dma_wait3A_159, %dma_wait3A_160] : memref<2x4x32x129xf32, #tpu.memory_space<vmem>> -> memref<1x1x8x128xf32, #tpu.memory_space<vmem>>
    %dma_wait3A_162 = tpu.memref_squeeze %dma_wait3A_161 : memref<1x1x8x128xf32, #tpu.memory_space<vmem>> -> memref<8x128xf32, #tpu.memory_space<vmem>>
    tpu.wait_dma2 semaphore(%arg12 : memref<!tpu.dma_semaphore, #tpu.memory_space<semaphore_mem>>) src(%dma_wait3A_162 : memref<8x128xf32, #tpu.memory_space<vmem>>) dst(%dma_wait3A_158 : memref<8x128xf32, #tpu.memory_space<hbm>>)
    %dma_wait3A_163 = arith.constant 0 : i32
    %dma_wait3A_164 = arith.constant 1 : i32
    %dma_wait3A_165 = arith.constant 193 : i32
    %dma_wait3A_166 = arith.constant 1 : i32
    %dma_wait3A_167 = arith.constant 8 : i32
    %dma_wait3A_168 = arith.constant 0 : i32
    %dma_wait3A_169 = tpu.memref_slice %arg8[%dma_wait3A_163, %dma_wait3A_164, %dma_wait3A_167, %dma_wait3A_168] : memref<2x4x32x129xf32, #tpu.memory_space<vmem>> -> memref<1x1x8x128xf32, #tpu.memory_space<vmem>>
    %dma_wait3A_170 = tpu.memref_squeeze %dma_wait3A_169 : memref<1x1x8x128xf32, #tpu.memory_space<vmem>> -> memref<8x128xf32, #tpu.memory_space<vmem>>
    %dma_wait3A_171 = arith.constant 0 : i32
    %dma_wait3A_172 = arith.constant 0 : i32
    %dma_wait3A_173 = tpu.memref_slice %arg5[%dma_wait3A_165, %dma_wait3A_166, %add3A, %dma_wait3A_171, %dma_wait3A_172] : memref<200x4x32x8x128xf32, #tpu.memory_space<hbm>> -> memref<1x1x1x8x128xf32, #tpu.memory_space<hbm>>
    %dma_wait3A_174 = tpu.memref_squeeze %dma_wait3A_173 : memref<1x1x1x8x128xf32, #tpu.memory_space<hbm>> -> memref<8x128xf32, #tpu.memory_space<hbm>>
    %dma_wait3A_175 = arith.constant 0 : i32
    %dma_wait3A_176 = arith.constant 0 : i32
    %dma_wait3A_177 = tpu.memref_slice %arg5[%dma_wait3A_165, %dma_wait3A_166, %add3A, %dma_wait3A_175, %dma_wait3A_176] : memref<200x4x32x8x128xf32, #tpu.memory_space<hbm>> -> memref<1x1x1x8x128xf32, #tpu.memory_space<hbm>>
    %dma_wait3A_178 = tpu.memref_squeeze %dma_wait3A_177 : memref<1x1x1x8x128xf32, #tpu.memory_space<hbm>> -> memref<8x128xf32, #tpu.memory_space<hbm>>
    %dma_wait3A_179 = arith.constant 8 : i32
    %dma_wait3A_180 = arith.constant 0 : i32
    %dma_wait3A_181 = tpu.memref_slice %arg8[%dma_wait3A_163, %dma_wait3A_164, %dma_wait3A_179, %dma_wait3A_180] : memref<2x4x32x129xf32, #tpu.memory_space<vmem>> -> memref<1x1x8x128xf32, #tpu.memory_space<vmem>>
    %dma_wait3A_182 = tpu.memref_squeeze %dma_wait3A_181 : memref<1x1x8x128xf32, #tpu.memory_space<vmem>> -> memref<8x128xf32, #tpu.memory_space<vmem>>
    tpu.wait_dma2 semaphore(%arg12 : memref<!tpu.dma_semaphore, #tpu.memory_space<semaphore_mem>>) src(%dma_wait3A_182 : memref<8x128xf32, #tpu.memory_space<vmem>>) dst(%dma_wait3A_178 : memref<8x128xf32, #tpu.memory_space<hbm>>)
    %dma_wait3A_183 = arith.constant 0 : i32
    %dma_wait3A_184 = arith.constant 1 : i32
    %dma_wait3A_185 = arith.constant 193 : i32
    %dma_wait3A_186 = arith.constant 2 : i32
    %dma_wait3A_187 = arith.constant 16 : i32
    %dma_wait3A_188 = arith.constant 0 : i32
    %dma_wait3A_189 = tpu.memref_slice %arg8[%dma_wait3A_183, %dma_wait3A_184, %dma_wait3A_187, %dma_wait3A_188] : memref<2x4x32x129xf32, #tpu.memory_space<vmem>> -> memref<1x1x8x128xf32, #tpu.memory_space<vmem>>
    %dma_wait3A_190 = tpu.memref_squeeze %dma_wait3A_189 : memref<1x1x8x128xf32, #tpu.memory_space<vmem>> -> memref<8x128xf32, #tpu.memory_space<vmem>>
    %dma_wait3A_191 = arith.constant 0 : i32
    %dma_wait3A_192 = arith.constant 0 : i32
    %dma_wait3A_193 = tpu.memref_slice %arg5[%dma_wait3A_185, %dma_wait3A_186, %add3A, %dma_wait3A_191, %dma_wait3A_192] : memref<200x4x32x8x128xf32, #tpu.memory_space<hbm>> -> memref<1x1x1x8x128xf32, #tpu.memory_space<hbm>>
    %dma_wait3A_194 = tpu.memref_squeeze %dma_wait3A_193 : memref<1x1x1x8x128xf32, #tpu.memory_space<hbm>> -> memref<8x128xf32, #tpu.memory_space<hbm>>
    %dma_wait3A_195 = arith.constant 0 : i32
    %dma_wait3A_196 = arith.constant 0 : i32
    %dma_wait3A_197 = tpu.memref_slice %arg5[%dma_wait3A_185, %dma_wait3A_186, %add3A, %dma_wait3A_195, %dma_wait3A_196] : memref<200x4x32x8x128xf32, #tpu.memory_space<hbm>> -> memref<1x1x1x8x128xf32, #tpu.memory_space<hbm>>
    %dma_wait3A_198 = tpu.memref_squeeze %dma_wait3A_197 : memref<1x1x1x8x128xf32, #tpu.memory_space<hbm>> -> memref<8x128xf32, #tpu.memory_space<hbm>>
    %dma_wait3A_199 = arith.constant 16 : i32
    %dma_wait3A_200 = arith.constant 0 : i32
    %dma_wait3A_201 = tpu.memref_slice %arg8[%dma_wait3A_183, %dma_wait3A_184, %dma_wait3A_199, %dma_wait3A_200] : memref<2x4x32x129xf32, #tpu.memory_space<vmem>> -> memref<1x1x8x128xf32, #tpu.memory_space<vmem>>
    %dma_wait3A_202 = tpu.memref_squeeze %dma_wait3A_201 : memref<1x1x8x128xf32, #tpu.memory_space<vmem>> -> memref<8x128xf32, #tpu.memory_space<vmem>>
    tpu.wait_dma2 semaphore(%arg12 : memref<!tpu.dma_semaphore, #tpu.memory_space<semaphore_mem>>) src(%dma_wait3A_202 : memref<8x128xf32, #tpu.memory_space<vmem>>) dst(%dma_wait3A_198 : memref<8x128xf32, #tpu.memory_space<hbm>>)
    %dma_wait3A_203 = arith.constant 0 : i32
    %dma_wait3A_204 = arith.constant 1 : i32
    %dma_wait3A_205 = arith.constant 193 : i32
    %dma_wait3A_206 = arith.constant 3 : i32
    %dma_wait3A_207 = arith.constant 24 : i32
    %dma_wait3A_208 = arith.constant 0 : i32
    %dma_wait3A_209 = tpu.memref_slice %arg8[%dma_wait3A_203, %dma_wait3A_204, %dma_wait3A_207, %dma_wait3A_208] : memref<2x4x32x129xf32, #tpu.memory_space<vmem>> -> memref<1x1x8x128xf32, #tpu.memory_space<vmem>>
    %dma_wait3A_210 = tpu.memref_squeeze %dma_wait3A_209 : memref<1x1x8x128xf32, #tpu.memory_space<vmem>> -> memref<8x128xf32, #tpu.memory_space<vmem>>
    %dma_wait3A_211 = arith.constant 0 : i32
    %dma_wait3A_212 = arith.constant 0 : i32
    %dma_wait3A_213 = tpu.memref_slice %arg5[%dma_wait3A_205, %dma_wait3A_206, %add3A, %dma_wait3A_211, %dma_wait3A_212] : memref<200x4x32x8x128xf32, #tpu.memory_space<hbm>> -> memref<1x1x1x8x128xf32, #tpu.memory_space<hbm>>
    %dma_wait3A_214 = tpu.memref_squeeze %dma_wait3A_213 : memref<1x1x1x8x128xf32, #tpu.memory_space<hbm>> -> memref<8x128xf32, #tpu.memory_space<hbm>>
    %dma_wait3A_215 = arith.constant 0 : i32
    %dma_wait3A_216 = arith.constant 0 : i32
    %dma_wait3A_217 = tpu.memref_slice %arg5[%dma_wait3A_205, %dma_wait3A_206, %add3A, %dma_wait3A_215, %dma_wait3A_216] : memref<200x4x32x8x128xf32, #tpu.memory_space<hbm>> -> memref<1x1x1x8x128xf32, #tpu.memory_space<hbm>>
    %dma_wait3A_218 = tpu.memref_squeeze %dma_wait3A_217 : memref<1x1x1x8x128xf32, #tpu.memory_space<hbm>> -> memref<8x128xf32, #tpu.memory_space<hbm>>
    %dma_wait3A_219 = arith.constant 24 : i32
    %dma_wait3A_220 = arith.constant 0 : i32
    %dma_wait3A_221 = tpu.memref_slice %arg8[%dma_wait3A_203, %dma_wait3A_204, %dma_wait3A_219, %dma_wait3A_220] : memref<2x4x32x129xf32, #tpu.memory_space<vmem>> -> memref<1x1x8x128xf32, #tpu.memory_space<vmem>>
    %dma_wait3A_222 = tpu.memref_squeeze %dma_wait3A_221 : memref<1x1x8x128xf32, #tpu.memory_space<vmem>> -> memref<8x128xf32, #tpu.memory_space<vmem>>
    tpu.wait_dma2 semaphore(%arg12 : memref<!tpu.dma_semaphore, #tpu.memory_space<semaphore_mem>>) src(%dma_wait3A_222 : memref<8x128xf32, #tpu.memory_space<vmem>>) dst(%dma_wait3A_218 : memref<8x128xf32, #tpu.memory_space<hbm>>)
    %dma_wait3A_223 = arith.constant 0 : i32
    %dma_wait3A_224 = arith.constant 2 : i32
    %dma_wait3A_225 = arith.constant 194 : i32
    %dma_wait3A_226 = arith.constant 0 : i32
    %dma_wait3A_227 = arith.constant 0 : i32
    %dma_wait3A_228 = arith.constant 0 : i32
    %dma_wait3A_229 = tpu.memref_slice %arg8[%dma_wait3A_223, %dma_wait3A_224, %dma_wait3A_227, %dma_wait3A_228] : memref<2x4x32x129xf32, #tpu.memory_space<vmem>> -> memref<1x1x8x128xf32, #tpu.memory_space<vmem>>
    %dma_wait3A_230 = tpu.memref_squeeze %dma_wait3A_229 : memref<1x1x8x128xf32, #tpu.memory_space<vmem>> -> memref<8x128xf32, #tpu.memory_space<vmem>>
    %dma_wait3A_231 = arith.constant 0 : i32
    %dma_wait3A_232 = arith.constant 0 : i32
    %dma_wait3A_233 = tpu.memref_slice %arg5[%dma_wait3A_225, %dma_wait3A_226, %add3A, %dma_wait3A_231, %dma_wait3A_232] : memref<200x4x32x8x128xf32, #tpu.memory_space<hbm>> -> memref<1x1x1x8x128xf32, #tpu.memory_space<hbm>>
    %dma_wait3A_234 = tpu.memref_squeeze %dma_wait3A_233 : memref<1x1x1x8x128xf32, #tpu.memory_space<hbm>> -> memref<8x128xf32, #tpu.memory_space<hbm>>
    %dma_wait3A_235 = arith.constant 0 : i32
    %dma_wait3A_236 = arith.constant 0 : i32
    %dma_wait3A_237 = tpu.memref_slice %arg5[%dma_wait3A_225, %dma_wait3A_226, %add3A, %dma_wait3A_235, %dma_wait3A_236] : memref<200x4x32x8x128xf32, #tpu.memory_space<hbm>> -> memref<1x1x1x8x128xf32, #tpu.memory_space<hbm>>
    %dma_wait3A_238 = tpu.memref_squeeze %dma_wait3A_237 : memref<1x1x1x8x128xf32, #tpu.memory_space<hbm>> -> memref<8x128xf32, #tpu.memory_space<hbm>>
    %dma_wait3A_239 = arith.constant 0 : i32
    %dma_wait3A_240 = arith.constant 0 : i32
    %dma_wait3A_241 = tpu.memref_slice %arg8[%dma_wait3A_223, %dma_wait3A_224, %dma_wait3A_239, %dma_wait3A_240] : memref<2x4x32x129xf32, #tpu.memory_space<vmem>> -> memref<1x1x8x128xf32, #tpu.memory_space<vmem>>
    %dma_wait3A_242 = tpu.memref_squeeze %dma_wait3A_241 : memref<1x1x8x128xf32, #tpu.memory_space<vmem>> -> memref<8x128xf32, #tpu.memory_space<vmem>>
    tpu.wait_dma2 semaphore(%arg12 : memref<!tpu.dma_semaphore, #tpu.memory_space<semaphore_mem>>) src(%dma_wait3A_242 : memref<8x128xf32, #tpu.memory_space<vmem>>) dst(%dma_wait3A_238 : memref<8x128xf32, #tpu.memory_space<hbm>>)
    %dma_wait3A_243 = arith.constant 0 : i32
    %dma_wait3A_244 = arith.constant 2 : i32
    %dma_wait3A_245 = arith.constant 194 : i32
    %dma_wait3A_246 = arith.constant 1 : i32
    %dma_wait3A_247 = arith.constant 8 : i32
    %dma_wait3A_248 = arith.constant 0 : i32
    %dma_wait3A_249 = tpu.memref_slice %arg8[%dma_wait3A_243, %dma_wait3A_244, %dma_wait3A_247, %dma_wait3A_248] : memref<2x4x32x129xf32, #tpu.memory_space<vmem>> -> memref<1x1x8x128xf32, #tpu.memory_space<vmem>>
    %dma_wait3A_250 = tpu.memref_squeeze %dma_wait3A_249 : memref<1x1x8x128xf32, #tpu.memory_space<vmem>> -> memref<8x128xf32, #tpu.memory_space<vmem>>
    %dma_wait3A_251 = arith.constant 0 : i32
    %dma_wait3A_252 = arith.constant 0 : i32
    %dma_wait3A_253 = tpu.memref_slice %arg5[%dma_wait3A_245, %dma_wait3A_246, %add3A, %dma_wait3A_251, %dma_wait3A_252] : memref<200x4x32x8x128xf32, #tpu.memory_space<hbm>> -> memref<1x1x1x8x128xf32, #tpu.memory_space<hbm>>
    %dma_wait3A_254 = tpu.memref_squeeze %dma_wait3A_253 : memref<1x1x1x8x128xf32, #tpu.memory_space<hbm>> -> memref<8x128xf32, #tpu.memory_space<hbm>>
    %dma_wait3A_255 = arith.constant 0 : i32
    %dma_wait3A_256 = arith.constant 0 : i32
    %dma_wait3A_257 = tpu.memref_slice %arg5[%dma_wait3A_245, %dma_wait3A_246, %add3A, %dma_wait3A_255, %dma_wait3A_256] : memref<200x4x32x8x128xf32, #tpu.memory_space<hbm>> -> memref<1x1x1x8x128xf32, #tpu.memory_space<hbm>>
    %dma_wait3A_258 = tpu.memref_squeeze %dma_wait3A_257 : memref<1x1x1x8x128xf32, #tpu.memory_space<hbm>> -> memref<8x128xf32, #tpu.memory_space<hbm>>
    %dma_wait3A_259 = arith.constant 8 : i32
    %dma_wait3A_260 = arith.constant 0 : i32
    %dma_wait3A_261 = tpu.memref_slice %arg8[%dma_wait3A_243, %dma_wait3A_244, %dma_wait3A_259, %dma_wait3A_260] : memref<2x4x32x129xf32, #tpu.memory_space<vmem>> -> memref<1x1x8x128xf32, #tpu.memory_space<vmem>>
    %dma_wait3A_262 = tpu.memref_squeeze %dma_wait3A_261 : memref<1x1x8x128xf32, #tpu.memory_space<vmem>> -> memref<8x128xf32, #tpu.memory_space<vmem>>
    tpu.wait_dma2 semaphore(%arg12 : memref<!tpu.dma_semaphore, #tpu.memory_space<semaphore_mem>>) src(%dma_wait3A_262 : memref<8x128xf32, #tpu.memory_space<vmem>>) dst(%dma_wait3A_258 : memref<8x128xf32, #tpu.memory_space<hbm>>)
    %dma_wait3A_263 = arith.constant 0 : i32
    %dma_wait3A_264 = arith.constant 2 : i32
    %dma_wait3A_265 = arith.constant 194 : i32
    %dma_wait3A_266 = arith.constant 2 : i32
    %dma_wait3A_267 = arith.constant 16 : i32
    %dma_wait3A_268 = arith.constant 0 : i32
    %dma_wait3A_269 = tpu.memref_slice %arg8[%dma_wait3A_263, %dma_wait3A_264, %dma_wait3A_267, %dma_wait3A_268] : memref<2x4x32x129xf32, #tpu.memory_space<vmem>> -> memref<1x1x8x128xf32, #tpu.memory_space<vmem>>
    %dma_wait3A_270 = tpu.memref_squeeze %dma_wait3A_269 : memref<1x1x8x128xf32, #tpu.memory_space<vmem>> -> memref<8x128xf32, #tpu.memory_space<vmem>>
    %dma_wait3A_271 = arith.constant 0 : i32
    %dma_wait3A_272 = arith.constant 0 : i32
    %dma_wait3A_273 = tpu.memref_slice %arg5[%dma_wait3A_265, %dma_wait3A_266, %add3A, %dma_wait3A_271, %dma_wait3A_272] : memref<200x4x32x8x128xf32, #tpu.memory_space<hbm>> -> memref<1x1x1x8x128xf32, #tpu.memory_space<hbm>>
    %dma_wait3A_274 = tpu.memref_squeeze %dma_wait3A_273 : memref<1x1x1x8x128xf32, #tpu.memory_space<hbm>> -> memref<8x128xf32, #tpu.memory_space<hbm>>
    %dma_wait3A_275 = arith.constant 0 : i32
    %dma_wait3A_276 = arith.constant 0 : i32
    %dma_wait3A_277 = tpu.memref_slice %arg5[%dma_wait3A_265, %dma_wait3A_266, %add3A, %dma_wait3A_275, %dma_wait3A_276] : memref<200x4x32x8x128xf32, #tpu.memory_space<hbm>> -> memref<1x1x1x8x128xf32, #tpu.memory_space<hbm>>
    %dma_wait3A_278 = tpu.memref_squeeze %dma_wait3A_277 : memref<1x1x1x8x128xf32, #tpu.memory_space<hbm>> -> memref<8x128xf32, #tpu.memory_space<hbm>>
    %dma_wait3A_279 = arith.constant 16 : i32
    %dma_wait3A_280 = arith.constant 0 : i32
    %dma_wait3A_281 = tpu.memref_slice %arg8[%dma_wait3A_263, %dma_wait3A_264, %dma_wait3A_279, %dma_wait3A_280] : memref<2x4x32x129xf32, #tpu.memory_space<vmem>> -> memref<1x1x8x128xf32, #tpu.memory_space<vmem>>
    %dma_wait3A_282 = tpu.memref_squeeze %dma_wait3A_281 : memref<1x1x8x128xf32, #tpu.memory_space<vmem>> -> memref<8x128xf32, #tpu.memory_space<vmem>>
    tpu.wait_dma2 semaphore(%arg12 : memref<!tpu.dma_semaphore, #tpu.memory_space<semaphore_mem>>) src(%dma_wait3A_282 : memref<8x128xf32, #tpu.memory_space<vmem>>) dst(%dma_wait3A_278 : memref<8x128xf32, #tpu.memory_space<hbm>>)
    %dma_wait3A_283 = arith.constant 0 : i32
    %dma_wait3A_284 = arith.constant 2 : i32
    %dma_wait3A_285 = arith.constant 194 : i32
    %dma_wait3A_286 = arith.constant 3 : i32
    %dma_wait3A_287 = arith.constant 24 : i32
    %dma_wait3A_288 = arith.constant 0 : i32
    %dma_wait3A_289 = tpu.memref_slice %arg8[%dma_wait3A_283, %dma_wait3A_284, %dma_wait3A_287, %dma_wait3A_288] : memref<2x4x32x129xf32, #tpu.memory_space<vmem>> -> memref<1x1x8x128xf32, #tpu.memory_space<vmem>>
    %dma_wait3A_290 = tpu.memref_squeeze %dma_wait3A_289 : memref<1x1x8x128xf32, #tpu.memory_space<vmem>> -> memref<8x128xf32, #tpu.memory_space<vmem>>
    %dma_wait3A_291 = arith.constant 0 : i32
    %dma_wait3A_292 = arith.constant 0 : i32
    %dma_wait3A_293 = tpu.memref_slice %arg5[%dma_wait3A_285, %dma_wait3A_286, %add3A, %dma_wait3A_291, %dma_wait3A_292] : memref<200x4x32x8x128xf32, #tpu.memory_space<hbm>> -> memref<1x1x1x8x128xf32, #tpu.memory_space<hbm>>
    %dma_wait3A_294 = tpu.memref_squeeze %dma_wait3A_293 : memref<1x1x1x8x128xf32, #tpu.memory_space<hbm>> -> memref<8x128xf32, #tpu.memory_space<hbm>>
    %dma_wait3A_295 = arith.constant 0 : i32
    %dma_wait3A_296 = arith.constant 0 : i32
    %dma_wait3A_297 = tpu.memref_slice %arg5[%dma_wait3A_285, %dma_wait3A_286, %add3A, %dma_wait3A_295, %dma_wait3A_296] : memref<200x4x32x8x128xf32, #tpu.memory_space<hbm>> -> memref<1x1x1x8x128xf32, #tpu.memory_space<hbm>>
    %dma_wait3A_298 = tpu.memref_squeeze %dma_wait3A_297 : memref<1x1x1x8x128xf32, #tpu.memory_space<hbm>> -> memref<8x128xf32, #tpu.memory_space<hbm>>
    %dma_wait3A_299 = arith.constant 24 : i32
    %dma_wait3A_300 = arith.constant 0 : i32
    %dma_wait3A_301 = tpu.memref_slice %arg8[%dma_wait3A_283, %dma_wait3A_284, %dma_wait3A_299, %dma_wait3A_300] : memref<2x4x32x129xf32, #tpu.memory_space<vmem>> -> memref<1x1x8x128xf32, #tpu.memory_space<vmem>>
    %dma_wait3A_302 = tpu.memref_squeeze %dma_wait3A_301 : memref<1x1x8x128xf32, #tpu.memory_space<vmem>> -> memref<8x128xf32, #tpu.memory_space<vmem>>
    tpu.wait_dma2 semaphore(%arg12 : memref<!tpu.dma_semaphore, #tpu.memory_space<semaphore_mem>>) src(%dma_wait3A_302 : memref<8x128xf32, #tpu.memory_space<vmem>>) dst(%dma_wait3A_298 : memref<8x128xf32, #tpu.memory_space<hbm>>)
    %dma_wait3A_303 = arith.constant 0 : i32
    %dma_wait3A_304 = arith.constant 3 : i32
    %dma_wait3A_305 = arith.constant 195 : i32
    %dma_wait3A_306 = arith.constant 0 : i32
    %dma_wait3A_307 = arith.constant 0 : i32
    %dma_wait3A_308 = arith.constant 0 : i32
    %dma_wait3A_309 = tpu.memref_slice %arg8[%dma_wait3A_303, %dma_wait3A_304, %dma_wait3A_307, %dma_wait3A_308] : memref<2x4x32x129xf32, #tpu.memory_space<vmem>> -> memref<1x1x8x128xf32, #tpu.memory_space<vmem>>
    %dma_wait3A_310 = tpu.memref_squeeze %dma_wait3A_309 : memref<1x1x8x128xf32, #tpu.memory_space<vmem>> -> memref<8x128xf32, #tpu.memory_space<vmem>>
    %dma_wait3A_311 = arith.constant 0 : i32
    %dma_wait3A_312 = arith.constant 0 : i32
    %dma_wait3A_313 = tpu.memref_slice %arg5[%dma_wait3A_305, %dma_wait3A_306, %add3A, %dma_wait3A_311, %dma_wait3A_312] : memref<200x4x32x8x128xf32, #tpu.memory_space<hbm>> -> memref<1x1x1x8x128xf32, #tpu.memory_space<hbm>>
    %dma_wait3A_314 = tpu.memref_squeeze %dma_wait3A_313 : memref<1x1x1x8x128xf32, #tpu.memory_space<hbm>> -> memref<8x128xf32, #tpu.memory_space<hbm>>
    %dma_wait3A_315 = arith.constant 0 : i32
    %dma_wait3A_316 = arith.constant 0 : i32
    %dma_wait3A_317 = tpu.memref_slice %arg5[%dma_wait3A_305, %dma_wait3A_306, %add3A, %dma_wait3A_315, %dma_wait3A_316] : memref<200x4x32x8x128xf32, #tpu.memory_space<hbm>> -> memref<1x1x1x8x128xf32, #tpu.memory_space<hbm>>
    %dma_wait3A_318 = tpu.memref_squeeze %dma_wait3A_317 : memref<1x1x1x8x128xf32, #tpu.memory_space<hbm>> -> memref<8x128xf32, #tpu.memory_space<hbm>>
    %dma_wait3A_319 = arith.constant 0 : i32
    %dma_wait3A_320 = arith.constant 0 : i32
    %dma_wait3A_321 = tpu.memref_slice %arg8[%dma_wait3A_303, %dma_wait3A_304, %dma_wait3A_319, %dma_wait3A_320] : memref<2x4x32x129xf32, #tpu.memory_space<vmem>> -> memref<1x1x8x128xf32, #tpu.memory_space<vmem>>
    %dma_wait3A_322 = tpu.memref_squeeze %dma_wait3A_321 : memref<1x1x8x128xf32, #tpu.memory_space<vmem>> -> memref<8x128xf32, #tpu.memory_space<vmem>>
    tpu.wait_dma2 semaphore(%arg12 : memref<!tpu.dma_semaphore, #tpu.memory_space<semaphore_mem>>) src(%dma_wait3A_322 : memref<8x128xf32, #tpu.memory_space<vmem>>) dst(%dma_wait3A_318 : memref<8x128xf32, #tpu.memory_space<hbm>>)
    %dma_wait3A_323 = arith.constant 0 : i32
    %dma_wait3A_324 = arith.constant 3 : i32
    %dma_wait3A_325 = arith.constant 195 : i32
    %dma_wait3A_326 = arith.constant 1 : i32
    %dma_wait3A_327 = arith.constant 8 : i32
    %dma_wait3A_328 = arith.constant 0 : i32
    %dma_wait3A_329 = tpu.memref_slice %arg8[%dma_wait3A_323, %dma_wait3A_324, %dma_wait3A_327, %dma_wait3A_328] : memref<2x4x32x129xf32, #tpu.memory_space<vmem>> -> memref<1x1x8x128xf32, #tpu.memory_space<vmem>>
    %dma_wait3A_330 = tpu.memref_squeeze %dma_wait3A_329 : memref<1x1x8x128xf32, #tpu.memory_space<vmem>> -> memref<8x128xf32, #tpu.memory_space<vmem>>
    %dma_wait3A_331 = arith.constant 0 : i32
    %dma_wait3A_332 = arith.constant 0 : i32
    %dma_wait3A_333 = tpu.memref_slice %arg5[%dma_wait3A_325, %dma_wait3A_326, %add3A, %dma_wait3A_331, %dma_wait3A_332] : memref<200x4x32x8x128xf32, #tpu.memory_space<hbm>> -> memref<1x1x1x8x128xf32, #tpu.memory_space<hbm>>
    %dma_wait3A_334 = tpu.memref_squeeze %dma_wait3A_333 : memref<1x1x1x8x128xf32, #tpu.memory_space<hbm>> -> memref<8x128xf32, #tpu.memory_space<hbm>>
    %dma_wait3A_335 = arith.constant 0 : i32
    %dma_wait3A_336 = arith.constant 0 : i32
    %dma_wait3A_337 = tpu.memref_slice %arg5[%dma_wait3A_325, %dma_wait3A_326, %add3A, %dma_wait3A_335, %dma_wait3A_336] : memref<200x4x32x8x128xf32, #tpu.memory_space<hbm>> -> memref<1x1x1x8x128xf32, #tpu.memory_space<hbm>>
    %dma_wait3A_338 = tpu.memref_squeeze %dma_wait3A_337 : memref<1x1x1x8x128xf32, #tpu.memory_space<hbm>> -> memref<8x128xf32, #tpu.memory_space<hbm>>
    %dma_wait3A_339 = arith.constant 8 : i32
    %dma_wait3A_340 = arith.constant 0 : i32
    %dma_wait3A_341 = tpu.memref_slice %arg8[%dma_wait3A_323, %dma_wait3A_324, %dma_wait3A_339, %dma_wait3A_340] : memref<2x4x32x129xf32, #tpu.memory_space<vmem>> -> memref<1x1x8x128xf32, #tpu.memory_space<vmem>>
    %dma_wait3A_342 = tpu.memref_squeeze %dma_wait3A_341 : memref<1x1x8x128xf32, #tpu.memory_space<vmem>> -> memref<8x128xf32, #tpu.memory_space<vmem>>
    tpu.wait_dma2 semaphore(%arg12 : memref<!tpu.dma_semaphore, #tpu.memory_space<semaphore_mem>>) src(%dma_wait3A_342 : memref<8x128xf32, #tpu.memory_space<vmem>>) dst(%dma_wait3A_338 : memref<8x128xf32, #tpu.memory_space<hbm>>)
    %dma_wait3A_343 = arith.constant 0 : i32
    %dma_wait3A_344 = arith.constant 3 : i32
    %dma_wait3A_345 = arith.constant 195 : i32
    %dma_wait3A_346 = arith.constant 2 : i32
    %dma_wait3A_347 = arith.constant 16 : i32
    %dma_wait3A_348 = arith.constant 0 : i32
    %dma_wait3A_349 = tpu.memref_slice %arg8[%dma_wait3A_343, %dma_wait3A_344, %dma_wait3A_347, %dma_wait3A_348] : memref<2x4x32x129xf32, #tpu.memory_space<vmem>> -> memref<1x1x8x128xf32, #tpu.memory_space<vmem>>
    %dma_wait3A_350 = tpu.memref_squeeze %dma_wait3A_349 : memref<1x1x8x128xf32, #tpu.memory_space<vmem>> -> memref<8x128xf32, #tpu.memory_space<vmem>>
    %dma_wait3A_351 = arith.constant 0 : i32
    %dma_wait3A_352 = arith.constant 0 : i32
    %dma_wait3A_353 = tpu.memref_slice %arg5[%dma_wait3A_345, %dma_wait3A_346, %add3A, %dma_wait3A_351, %dma_wait3A_352] : memref<200x4x32x8x128xf32, #tpu.memory_space<hbm>> -> memref<1x1x1x8x128xf32, #tpu.memory_space<hbm>>
    %dma_wait3A_354 = tpu.memref_squeeze %dma_wait3A_353 : memref<1x1x1x8x128xf32, #tpu.memory_space<hbm>> -> memref<8x128xf32, #tpu.memory_space<hbm>>
    %dma_wait3A_355 = arith.constant 0 : i32
    %dma_wait3A_356 = arith.constant 0 : i32
    %dma_wait3A_357 = tpu.memref_slice %arg5[%dma_wait3A_345, %dma_wait3A_346, %add3A, %dma_wait3A_355, %dma_wait3A_356] : memref<200x4x32x8x128xf32, #tpu.memory_space<hbm>> -> memref<1x1x1x8x128xf32, #tpu.memory_space<hbm>>
    %dma_wait3A_358 = tpu.memref_squeeze %dma_wait3A_357 : memref<1x1x1x8x128xf32, #tpu.memory_space<hbm>> -> memref<8x128xf32, #tpu.memory_space<hbm>>
    %dma_wait3A_359 = arith.constant 16 : i32
    %dma_wait3A_360 = arith.constant 0 : i32
    %dma_wait3A_361 = tpu.memref_slice %arg8[%dma_wait3A_343, %dma_wait3A_344, %dma_wait3A_359, %dma_wait3A_360] : memref<2x4x32x129xf32, #tpu.memory_space<vmem>> -> memref<1x1x8x128xf32, #tpu.memory_space<vmem>>
    %dma_wait3A_362 = tpu.memref_squeeze %dma_wait3A_361 : memref<1x1x8x128xf32, #tpu.memory_space<vmem>> -> memref<8x128xf32, #tpu.memory_space<vmem>>
    tpu.wait_dma2 semaphore(%arg12 : memref<!tpu.dma_semaphore, #tpu.memory_space<semaphore_mem>>) src(%dma_wait3A_362 : memref<8x128xf32, #tpu.memory_space<vmem>>) dst(%dma_wait3A_358 : memref<8x128xf32, #tpu.memory_space<hbm>>)
    %dma_wait3A_363 = arith.constant 0 : i32
    %dma_wait3A_364 = arith.constant 3 : i32
    %dma_wait3A_365 = arith.constant 195 : i32
    %dma_wait3A_366 = arith.constant 3 : i32
    %dma_wait3A_367 = arith.constant 24 : i32
    %dma_wait3A_368 = arith.constant 0 : i32
    %dma_wait3A_369 = tpu.memref_slice %arg8[%dma_wait3A_363, %dma_wait3A_364, %dma_wait3A_367, %dma_wait3A_368] : memref<2x4x32x129xf32, #tpu.memory_space<vmem>> -> memref<1x1x8x128xf32, #tpu.memory_space<vmem>>
    %dma_wait3A_370 = tpu.memref_squeeze %dma_wait3A_369 : memref<1x1x8x128xf32, #tpu.memory_space<vmem>> -> memref<8x128xf32, #tpu.memory_space<vmem>>
    %dma_wait3A_371 = arith.constant 0 : i32
    %dma_wait3A_372 = arith.constant 0 : i32
    %dma_wait3A_373 = tpu.memref_slice %arg5[%dma_wait3A_365, %dma_wait3A_366, %add3A, %dma_wait3A_371, %dma_wait3A_372] : memref<200x4x32x8x128xf32, #tpu.memory_space<hbm>> -> memref<1x1x1x8x128xf32, #tpu.memory_space<hbm>>
    %dma_wait3A_374 = tpu.memref_squeeze %dma_wait3A_373 : memref<1x1x1x8x128xf32, #tpu.memory_space<hbm>> -> memref<8x128xf32, #tpu.memory_space<hbm>>
    %dma_wait3A_375 = arith.constant 0 : i32
    %dma_wait3A_376 = arith.constant 0 : i32
    %dma_wait3A_377 = tpu.memref_slice %arg5[%dma_wait3A_365, %dma_wait3A_366, %add3A, %dma_wait3A_375, %dma_wait3A_376] : memref<200x4x32x8x128xf32, #tpu.memory_space<hbm>> -> memref<1x1x1x8x128xf32, #tpu.memory_space<hbm>>
    %dma_wait3A_378 = tpu.memref_squeeze %dma_wait3A_377 : memref<1x1x1x8x128xf32, #tpu.memory_space<hbm>> -> memref<8x128xf32, #tpu.memory_space<hbm>>
    %dma_wait3A_379 = arith.constant 24 : i32
    %dma_wait3A_380 = arith.constant 0 : i32
    %dma_wait3A_381 = tpu.memref_slice %arg8[%dma_wait3A_363, %dma_wait3A_364, %dma_wait3A_379, %dma_wait3A_380] : memref<2x4x32x129xf32, #tpu.memory_space<vmem>> -> memref<1x1x8x128xf32, #tpu.memory_space<vmem>>
    %dma_wait3A_382 = tpu.memref_squeeze %dma_wait3A_381 : memref<1x1x8x128xf32, #tpu.memory_space<vmem>> -> memref<8x128xf32, #tpu.memory_space<vmem>>
    tpu.wait_dma2 semaphore(%arg12 : memref<!tpu.dma_semaphore, #tpu.memory_space<semaphore_mem>>) src(%dma_wait3A_382 : memref<8x128xf32, #tpu.memory_space<vmem>>) dst(%dma_wait3A_378 : memref<8x128xf32, #tpu.memory_space<hbm>>)
    %dma_wait3A_383 = arith.constant 1 : i32
    %dma_wait3A_384 = arith.constant 0 : i32
    %dma_wait3A_385 = arith.constant 196 : i32
    %dma_wait3A_386 = arith.constant 0 : i32
    %dma_wait3A_387 = arith.constant 0 : i32
    %dma_wait3A_388 = arith.constant 0 : i32
    %dma_wait3A_389 = tpu.memref_slice %arg8[%dma_wait3A_383, %dma_wait3A_384, %dma_wait3A_387, %dma_wait3A_388] : memref<2x4x32x129xf32, #tpu.memory_space<vmem>> -> memref<1x1x8x128xf32, #tpu.memory_space<vmem>>
    %dma_wait3A_390 = tpu.memref_squeeze %dma_wait3A_389 : memref<1x1x8x128xf32, #tpu.memory_space<vmem>> -> memref<8x128xf32, #tpu.memory_space<vmem>>
    %dma_wait3A_391 = arith.constant 0 : i32
    %dma_wait3A_392 = arith.constant 0 : i32
    %dma_wait3A_393 = tpu.memref_slice %arg5[%dma_wait3A_385, %dma_wait3A_386, %add3A, %dma_wait3A_391, %dma_wait3A_392] : memref<200x4x32x8x128xf32, #tpu.memory_space<hbm>> -> memref<1x1x1x8x128xf32, #tpu.memory_space<hbm>>
    %dma_wait3A_394 = tpu.memref_squeeze %dma_wait3A_393 : memref<1x1x1x8x128xf32, #tpu.memory_space<hbm>> -> memref<8x128xf32, #tpu.memory_space<hbm>>
    %dma_wait3A_395 = arith.constant 0 : i32
    %dma_wait3A_396 = arith.constant 0 : i32
    %dma_wait3A_397 = tpu.memref_slice %arg5[%dma_wait3A_385, %dma_wait3A_386, %add3A, %dma_wait3A_395, %dma_wait3A_396] : memref<200x4x32x8x128xf32, #tpu.memory_space<hbm>> -> memref<1x1x1x8x128xf32, #tpu.memory_space<hbm>>
    %dma_wait3A_398 = tpu.memref_squeeze %dma_wait3A_397 : memref<1x1x1x8x128xf32, #tpu.memory_space<hbm>> -> memref<8x128xf32, #tpu.memory_space<hbm>>
    %dma_wait3A_399 = arith.constant 0 : i32
    %dma_wait3A_400 = arith.constant 0 : i32
    %dma_wait3A_401 = tpu.memref_slice %arg8[%dma_wait3A_383, %dma_wait3A_384, %dma_wait3A_399, %dma_wait3A_400] : memref<2x4x32x129xf32, #tpu.memory_space<vmem>> -> memref<1x1x8x128xf32, #tpu.memory_space<vmem>>
    %dma_wait3A_402 = tpu.memref_squeeze %dma_wait3A_401 : memref<1x1x8x128xf32, #tpu.memory_space<vmem>> -> memref<8x128xf32, #tpu.memory_space<vmem>>
    tpu.wait_dma2 semaphore(%arg13 : memref<!tpu.dma_semaphore, #tpu.memory_space<semaphore_mem>>) src(%dma_wait3A_402 : memref<8x128xf32, #tpu.memory_space<vmem>>) dst(%dma_wait3A_398 : memref<8x128xf32, #tpu.memory_space<hbm>>)
    %dma_wait3A_403 = arith.constant 1 : i32
    %dma_wait3A_404 = arith.constant 0 : i32
    %dma_wait3A_405 = arith.constant 196 : i32
    %dma_wait3A_406 = arith.constant 1 : i32
    %dma_wait3A_407 = arith.constant 8 : i32
    %dma_wait3A_408 = arith.constant 0 : i32
    %dma_wait3A_409 = tpu.memref_slice %arg8[%dma_wait3A_403, %dma_wait3A_404, %dma_wait3A_407, %dma_wait3A_408] : memref<2x4x32x129xf32, #tpu.memory_space<vmem>> -> memref<1x1x8x128xf32, #tpu.memory_space<vmem>>
    %dma_wait3A_410 = tpu.memref_squeeze %dma_wait3A_409 : memref<1x1x8x128xf32, #tpu.memory_space<vmem>> -> memref<8x128xf32, #tpu.memory_space<vmem>>
    %dma_wait3A_411 = arith.constant 0 : i32
    %dma_wait3A_412 = arith.constant 0 : i32
    %dma_wait3A_413 = tpu.memref_slice %arg5[%dma_wait3A_405, %dma_wait3A_406, %add3A, %dma_wait3A_411, %dma_wait3A_412] : memref<200x4x32x8x128xf32, #tpu.memory_space<hbm>> -> memref<1x1x1x8x128xf32, #tpu.memory_space<hbm>>
    %dma_wait3A_414 = tpu.memref_squeeze %dma_wait3A_413 : memref<1x1x1x8x128xf32, #tpu.memory_space<hbm>> -> memref<8x128xf32, #tpu.memory_space<hbm>>
    %dma_wait3A_415 = arith.constant 0 : i32
    %dma_wait3A_416 = arith.constant 0 : i32
    %dma_wait3A_417 = tpu.memref_slice %arg5[%dma_wait3A_405, %dma_wait3A_406, %add3A, %dma_wait3A_415, %dma_wait3A_416] : memref<200x4x32x8x128xf32, #tpu.memory_space<hbm>> -> memref<1x1x1x8x128xf32, #tpu.memory_space<hbm>>
    %dma_wait3A_418 = tpu.memref_squeeze %dma_wait3A_417 : memref<1x1x1x8x128xf32, #tpu.memory_space<hbm>> -> memref<8x128xf32, #tpu.memory_space<hbm>>
    %dma_wait3A_419 = arith.constant 8 : i32
    %dma_wait3A_420 = arith.constant 0 : i32
    %dma_wait3A_421 = tpu.memref_slice %arg8[%dma_wait3A_403, %dma_wait3A_404, %dma_wait3A_419, %dma_wait3A_420] : memref<2x4x32x129xf32, #tpu.memory_space<vmem>> -> memref<1x1x8x128xf32, #tpu.memory_space<vmem>>
    %dma_wait3A_422 = tpu.memref_squeeze %dma_wait3A_421 : memref<1x1x8x128xf32, #tpu.memory_space<vmem>> -> memref<8x128xf32, #tpu.memory_space<vmem>>
    tpu.wait_dma2 semaphore(%arg13 : memref<!tpu.dma_semaphore, #tpu.memory_space<semaphore_mem>>) src(%dma_wait3A_422 : memref<8x128xf32, #tpu.memory_space<vmem>>) dst(%dma_wait3A_418 : memref<8x128xf32, #tpu.memory_space<hbm>>)
    %dma_wait3A_423 = arith.constant 1 : i32
    %dma_wait3A_424 = arith.constant 0 : i32
    %dma_wait3A_425 = arith.constant 196 : i32
    %dma_wait3A_426 = arith.constant 2 : i32
    %dma_wait3A_427 = arith.constant 16 : i32
    %dma_wait3A_428 = arith.constant 0 : i32
    %dma_wait3A_429 = tpu.memref_slice %arg8[%dma_wait3A_423, %dma_wait3A_424, %dma_wait3A_427, %dma_wait3A_428] : memref<2x4x32x129xf32, #tpu.memory_space<vmem>> -> memref<1x1x8x128xf32, #tpu.memory_space<vmem>>
    %dma_wait3A_430 = tpu.memref_squeeze %dma_wait3A_429 : memref<1x1x8x128xf32, #tpu.memory_space<vmem>> -> memref<8x128xf32, #tpu.memory_space<vmem>>
    %dma_wait3A_431 = arith.constant 0 : i32
    %dma_wait3A_432 = arith.constant 0 : i32
    %dma_wait3A_433 = tpu.memref_slice %arg5[%dma_wait3A_425, %dma_wait3A_426, %add3A, %dma_wait3A_431, %dma_wait3A_432] : memref<200x4x32x8x128xf32, #tpu.memory_space<hbm>> -> memref<1x1x1x8x128xf32, #tpu.memory_space<hbm>>
    %dma_wait3A_434 = tpu.memref_squeeze %dma_wait3A_433 : memref<1x1x1x8x128xf32, #tpu.memory_space<hbm>> -> memref<8x128xf32, #tpu.memory_space<hbm>>
    %dma_wait3A_435 = arith.constant 0 : i32
    %dma_wait3A_436 = arith.constant 0 : i32
    %dma_wait3A_437 = tpu.memref_slice %arg5[%dma_wait3A_425, %dma_wait3A_426, %add3A, %dma_wait3A_435, %dma_wait3A_436] : memref<200x4x32x8x128xf32, #tpu.memory_space<hbm>> -> memref<1x1x1x8x128xf32, #tpu.memory_space<hbm>>
    %dma_wait3A_438 = tpu.memref_squeeze %dma_wait3A_437 : memref<1x1x1x8x128xf32, #tpu.memory_space<hbm>> -> memref<8x128xf32, #tpu.memory_space<hbm>>
    %dma_wait3A_439 = arith.constant 16 : i32
    %dma_wait3A_440 = arith.constant 0 : i32
    %dma_wait3A_441 = tpu.memref_slice %arg8[%dma_wait3A_423, %dma_wait3A_424, %dma_wait3A_439, %dma_wait3A_440] : memref<2x4x32x129xf32, #tpu.memory_space<vmem>> -> memref<1x1x8x128xf32, #tpu.memory_space<vmem>>
    %dma_wait3A_442 = tpu.memref_squeeze %dma_wait3A_441 : memref<1x1x8x128xf32, #tpu.memory_space<vmem>> -> memref<8x128xf32, #tpu.memory_space<vmem>>
    tpu.wait_dma2 semaphore(%arg13 : memref<!tpu.dma_semaphore, #tpu.memory_space<semaphore_mem>>) src(%dma_wait3A_442 : memref<8x128xf32, #tpu.memory_space<vmem>>) dst(%dma_wait3A_438 : memref<8x128xf32, #tpu.memory_space<hbm>>)
    %dma_wait3A_443 = arith.constant 1 : i32
    %dma_wait3A_444 = arith.constant 0 : i32
    %dma_wait3A_445 = arith.constant 196 : i32
    %dma_wait3A_446 = arith.constant 3 : i32
    %dma_wait3A_447 = arith.constant 24 : i32
    %dma_wait3A_448 = arith.constant 0 : i32
    %dma_wait3A_449 = tpu.memref_slice %arg8[%dma_wait3A_443, %dma_wait3A_444, %dma_wait3A_447, %dma_wait3A_448] : memref<2x4x32x129xf32, #tpu.memory_space<vmem>> -> memref<1x1x8x128xf32, #tpu.memory_space<vmem>>
    %dma_wait3A_450 = tpu.memref_squeeze %dma_wait3A_449 : memref<1x1x8x128xf32, #tpu.memory_space<vmem>> -> memref<8x128xf32, #tpu.memory_space<vmem>>
    %dma_wait3A_451 = arith.constant 0 : i32
    %dma_wait3A_452 = arith.constant 0 : i32
    %dma_wait3A_453 = tpu.memref_slice %arg5[%dma_wait3A_445, %dma_wait3A_446, %add3A, %dma_wait3A_451, %dma_wait3A_452] : memref<200x4x32x8x128xf32, #tpu.memory_space<hbm>> -> memref<1x1x1x8x128xf32, #tpu.memory_space<hbm>>
    %dma_wait3A_454 = tpu.memref_squeeze %dma_wait3A_453 : memref<1x1x1x8x128xf32, #tpu.memory_space<hbm>> -> memref<8x128xf32, #tpu.memory_space<hbm>>
    %dma_wait3A_455 = arith.constant 0 : i32
    %dma_wait3A_456 = arith.constant 0 : i32
    %dma_wait3A_457 = tpu.memref_slice %arg5[%dma_wait3A_445, %dma_wait3A_446, %add3A, %dma_wait3A_455, %dma_wait3A_456] : memref<200x4x32x8x128xf32, #tpu.memory_space<hbm>> -> memref<1x1x1x8x128xf32, #tpu.memory_space<hbm>>
    %dma_wait3A_458 = tpu.memref_squeeze %dma_wait3A_457 : memref<1x1x1x8x128xf32, #tpu.memory_space<hbm>> -> memref<8x128xf32, #tpu.memory_space<hbm>>
    %dma_wait3A_459 = arith.constant 24 : i32
    %dma_wait3A_460 = arith.constant 0 : i32
    %dma_wait3A_461 = tpu.memref_slice %arg8[%dma_wait3A_443, %dma_wait3A_444, %dma_wait3A_459, %dma_wait3A_460] : memref<2x4x32x129xf32, #tpu.memory_space<vmem>> -> memref<1x1x8x128xf32, #tpu.memory_space<vmem>>
    %dma_wait3A_462 = tpu.memref_squeeze %dma_wait3A_461 : memref<1x1x8x128xf32, #tpu.memory_space<vmem>> -> memref<8x128xf32, #tpu.memory_space<vmem>>
    tpu.wait_dma2 semaphore(%arg13 : memref<!tpu.dma_semaphore, #tpu.memory_space<semaphore_mem>>) src(%dma_wait3A_462 : memref<8x128xf32, #tpu.memory_space<vmem>>) dst(%dma_wait3A_458 : memref<8x128xf32, #tpu.memory_space<hbm>>)
    %dma_wait3A_463 = arith.constant 1 : i32
    %dma_wait3A_464 = arith.constant 1 : i32
    %dma_wait3A_465 = arith.constant 197 : i32
    %dma_wait3A_466 = arith.constant 0 : i32
    %dma_wait3A_467 = arith.constant 0 : i32
    %dma_wait3A_468 = arith.constant 0 : i32
    %dma_wait3A_469 = tpu.memref_slice %arg8[%dma_wait3A_463, %dma_wait3A_464, %dma_wait3A_467, %dma_wait3A_468] : memref<2x4x32x129xf32, #tpu.memory_space<vmem>> -> memref<1x1x8x128xf32, #tpu.memory_space<vmem>>
    %dma_wait3A_470 = tpu.memref_squeeze %dma_wait3A_469 : memref<1x1x8x128xf32, #tpu.memory_space<vmem>> -> memref<8x128xf32, #tpu.memory_space<vmem>>
    %dma_wait3A_471 = arith.constant 0 : i32
    %dma_wait3A_472 = arith.constant 0 : i32
    %dma_wait3A_473 = tpu.memref_slice %arg5[%dma_wait3A_465, %dma_wait3A_466, %add3A, %dma_wait3A_471, %dma_wait3A_472] : memref<200x4x32x8x128xf32, #tpu.memory_space<hbm>> -> memref<1x1x1x8x128xf32, #tpu.memory_space<hbm>>
    %dma_wait3A_474 = tpu.memref_squeeze %dma_wait3A_473 : memref<1x1x1x8x128xf32, #tpu.memory_space<hbm>> -> memref<8x128xf32, #tpu.memory_space<hbm>>
    %dma_wait3A_475 = arith.constant 0 : i32
    %dma_wait3A_476 = arith.constant 0 : i32
    %dma_wait3A_477 = tpu.memref_slice %arg5[%dma_wait3A_465, %dma_wait3A_466, %add3A, %dma_wait3A_475, %dma_wait3A_476] : memref<200x4x32x8x128xf32, #tpu.memory_space<hbm>> -> memref<1x1x1x8x128xf32, #tpu.memory_space<hbm>>
    %dma_wait3A_478 = tpu.memref_squeeze %dma_wait3A_477 : memref<1x1x1x8x128xf32, #tpu.memory_space<hbm>> -> memref<8x128xf32, #tpu.memory_space<hbm>>
    %dma_wait3A_479 = arith.constant 0 : i32
    %dma_wait3A_480 = arith.constant 0 : i32
    %dma_wait3A_481 = tpu.memref_slice %arg8[%dma_wait3A_463, %dma_wait3A_464, %dma_wait3A_479, %dma_wait3A_480] : memref<2x4x32x129xf32, #tpu.memory_space<vmem>> -> memref<1x1x8x128xf32, #tpu.memory_space<vmem>>
    %dma_wait3A_482 = tpu.memref_squeeze %dma_wait3A_481 : memref<1x1x8x128xf32, #tpu.memory_space<vmem>> -> memref<8x128xf32, #tpu.memory_space<vmem>>
    tpu.wait_dma2 semaphore(%arg13 : memref<!tpu.dma_semaphore, #tpu.memory_space<semaphore_mem>>) src(%dma_wait3A_482 : memref<8x128xf32, #tpu.memory_space<vmem>>) dst(%dma_wait3A_478 : memref<8x128xf32, #tpu.memory_space<hbm>>)
    %dma_wait3A_483 = arith.constant 1 : i32
    %dma_wait3A_484 = arith.constant 1 : i32
    %dma_wait3A_485 = arith.constant 197 : i32
    %dma_wait3A_486 = arith.constant 1 : i32
    %dma_wait3A_487 = arith.constant 8 : i32
    %dma_wait3A_488 = arith.constant 0 : i32
    %dma_wait3A_489 = tpu.memref_slice %arg8[%dma_wait3A_483, %dma_wait3A_484, %dma_wait3A_487, %dma_wait3A_488] : memref<2x4x32x129xf32, #tpu.memory_space<vmem>> -> memref<1x1x8x128xf32, #tpu.memory_space<vmem>>
    %dma_wait3A_490 = tpu.memref_squeeze %dma_wait3A_489 : memref<1x1x8x128xf32, #tpu.memory_space<vmem>> -> memref<8x128xf32, #tpu.memory_space<vmem>>
    %dma_wait3A_491 = arith.constant 0 : i32
    %dma_wait3A_492 = arith.constant 0 : i32
    %dma_wait3A_493 = tpu.memref_slice %arg5[%dma_wait3A_485, %dma_wait3A_486, %add3A, %dma_wait3A_491, %dma_wait3A_492] : memref<200x4x32x8x128xf32, #tpu.memory_space<hbm>> -> memref<1x1x1x8x128xf32, #tpu.memory_space<hbm>>
    %dma_wait3A_494 = tpu.memref_squeeze %dma_wait3A_493 : memref<1x1x1x8x128xf32, #tpu.memory_space<hbm>> -> memref<8x128xf32, #tpu.memory_space<hbm>>
    %dma_wait3A_495 = arith.constant 0 : i32
    %dma_wait3A_496 = arith.constant 0 : i32
    %dma_wait3A_497 = tpu.memref_slice %arg5[%dma_wait3A_485, %dma_wait3A_486, %add3A, %dma_wait3A_495, %dma_wait3A_496] : memref<200x4x32x8x128xf32, #tpu.memory_space<hbm>> -> memref<1x1x1x8x128xf32, #tpu.memory_space<hbm>>
    %dma_wait3A_498 = tpu.memref_squeeze %dma_wait3A_497 : memref<1x1x1x8x128xf32, #tpu.memory_space<hbm>> -> memref<8x128xf32, #tpu.memory_space<hbm>>
    %dma_wait3A_499 = arith.constant 8 : i32
    %dma_wait3A_500 = arith.constant 0 : i32
    %dma_wait3A_501 = tpu.memref_slice %arg8[%dma_wait3A_483, %dma_wait3A_484, %dma_wait3A_499, %dma_wait3A_500] : memref<2x4x32x129xf32, #tpu.memory_space<vmem>> -> memref<1x1x8x128xf32, #tpu.memory_space<vmem>>
    %dma_wait3A_502 = tpu.memref_squeeze %dma_wait3A_501 : memref<1x1x8x128xf32, #tpu.memory_space<vmem>> -> memref<8x128xf32, #tpu.memory_space<vmem>>
    tpu.wait_dma2 semaphore(%arg13 : memref<!tpu.dma_semaphore, #tpu.memory_space<semaphore_mem>>) src(%dma_wait3A_502 : memref<8x128xf32, #tpu.memory_space<vmem>>) dst(%dma_wait3A_498 : memref<8x128xf32, #tpu.memory_space<hbm>>)
    %dma_wait3A_503 = arith.constant 1 : i32
    %dma_wait3A_504 = arith.constant 1 : i32
    %dma_wait3A_505 = arith.constant 197 : i32
    %dma_wait3A_506 = arith.constant 2 : i32
    %dma_wait3A_507 = arith.constant 16 : i32
    %dma_wait3A_508 = arith.constant 0 : i32
    %dma_wait3A_509 = tpu.memref_slice %arg8[%dma_wait3A_503, %dma_wait3A_504, %dma_wait3A_507, %dma_wait3A_508] : memref<2x4x32x129xf32, #tpu.memory_space<vmem>> -> memref<1x1x8x128xf32, #tpu.memory_space<vmem>>
    %dma_wait3A_510 = tpu.memref_squeeze %dma_wait3A_509 : memref<1x1x8x128xf32, #tpu.memory_space<vmem>> -> memref<8x128xf32, #tpu.memory_space<vmem>>
    %dma_wait3A_511 = arith.constant 0 : i32
    %dma_wait3A_512 = arith.constant 0 : i32
    %dma_wait3A_513 = tpu.memref_slice %arg5[%dma_wait3A_505, %dma_wait3A_506, %add3A, %dma_wait3A_511, %dma_wait3A_512] : memref<200x4x32x8x128xf32, #tpu.memory_space<hbm>> -> memref<1x1x1x8x128xf32, #tpu.memory_space<hbm>>
    %dma_wait3A_514 = tpu.memref_squeeze %dma_wait3A_513 : memref<1x1x1x8x128xf32, #tpu.memory_space<hbm>> -> memref<8x128xf32, #tpu.memory_space<hbm>>
    %dma_wait3A_515 = arith.constant 0 : i32
    %dma_wait3A_516 = arith.constant 0 : i32
    %dma_wait3A_517 = tpu.memref_slice %arg5[%dma_wait3A_505, %dma_wait3A_506, %add3A, %dma_wait3A_515, %dma_wait3A_516] : memref<200x4x32x8x128xf32, #tpu.memory_space<hbm>> -> memref<1x1x1x8x128xf32, #tpu.memory_space<hbm>>
    %dma_wait3A_518 = tpu.memref_squeeze %dma_wait3A_517 : memref<1x1x1x8x128xf32, #tpu.memory_space<hbm>> -> memref<8x128xf32, #tpu.memory_space<hbm>>
    %dma_wait3A_519 = arith.constant 16 : i32
    %dma_wait3A_520 = arith.constant 0 : i32
    %dma_wait3A_521 = tpu.memref_slice %arg8[%dma_wait3A_503, %dma_wait3A_504, %dma_wait3A_519, %dma_wait3A_520] : memref<2x4x32x129xf32, #tpu.memory_space<vmem>> -> memref<1x1x8x128xf32, #tpu.memory_space<vmem>>
    %dma_wait3A_522 = tpu.memref_squeeze %dma_wait3A_521 : memref<1x1x8x128xf32, #tpu.memory_space<vmem>> -> memref<8x128xf32, #tpu.memory_space<vmem>>
    tpu.wait_dma2 semaphore(%arg13 : memref<!tpu.dma_semaphore, #tpu.memory_space<semaphore_mem>>) src(%dma_wait3A_522 : memref<8x128xf32, #tpu.memory_space<vmem>>) dst(%dma_wait3A_518 : memref<8x128xf32, #tpu.memory_space<hbm>>)
    %dma_wait3A_523 = arith.constant 1 : i32
    %dma_wait3A_524 = arith.constant 1 : i32
    %dma_wait3A_525 = arith.constant 197 : i32
    %dma_wait3A_526 = arith.constant 3 : i32
    %dma_wait3A_527 = arith.constant 24 : i32
    %dma_wait3A_528 = arith.constant 0 : i32
    %dma_wait3A_529 = tpu.memref_slice %arg8[%dma_wait3A_523, %dma_wait3A_524, %dma_wait3A_527, %dma_wait3A_528] : memref<2x4x32x129xf32, #tpu.memory_space<vmem>> -> memref<1x1x8x128xf32, #tpu.memory_space<vmem>>
    %dma_wait3A_530 = tpu.memref_squeeze %dma_wait3A_529 : memref<1x1x8x128xf32, #tpu.memory_space<vmem>> -> memref<8x128xf32, #tpu.memory_space<vmem>>
    %dma_wait3A_531 = arith.constant 0 : i32
    %dma_wait3A_532 = arith.constant 0 : i32
    %dma_wait3A_533 = tpu.memref_slice %arg5[%dma_wait3A_525, %dma_wait3A_526, %add3A, %dma_wait3A_531, %dma_wait3A_532] : memref<200x4x32x8x128xf32, #tpu.memory_space<hbm>> -> memref<1x1x1x8x128xf32, #tpu.memory_space<hbm>>
    %dma_wait3A_534 = tpu.memref_squeeze %dma_wait3A_533 : memref<1x1x1x8x128xf32, #tpu.memory_space<hbm>> -> memref<8x128xf32, #tpu.memory_space<hbm>>
    %dma_wait3A_535 = arith.constant 0 : i32
    %dma_wait3A_536 = arith.constant 0 : i32
    %dma_wait3A_537 = tpu.memref_slice %arg5[%dma_wait3A_525, %dma_wait3A_526, %add3A, %dma_wait3A_535, %dma_wait3A_536] : memref<200x4x32x8x128xf32, #tpu.memory_space<hbm>> -> memref<1x1x1x8x128xf32, #tpu.memory_space<hbm>>
    %dma_wait3A_538 = tpu.memref_squeeze %dma_wait3A_537 : memref<1x1x1x8x128xf32, #tpu.memory_space<hbm>> -> memref<8x128xf32, #tpu.memory_space<hbm>>
    %dma_wait3A_539 = arith.constant 24 : i32
    %dma_wait3A_540 = arith.constant 0 : i32
    %dma_wait3A_541 = tpu.memref_slice %arg8[%dma_wait3A_523, %dma_wait3A_524, %dma_wait3A_539, %dma_wait3A_540] : memref<2x4x32x129xf32, #tpu.memory_space<vmem>> -> memref<1x1x8x128xf32, #tpu.memory_space<vmem>>
    %dma_wait3A_542 = tpu.memref_squeeze %dma_wait3A_541 : memref<1x1x8x128xf32, #tpu.memory_space<vmem>> -> memref<8x128xf32, #tpu.memory_space<vmem>>
    tpu.wait_dma2 semaphore(%arg13 : memref<!tpu.dma_semaphore, #tpu.memory_space<semaphore_mem>>) src(%dma_wait3A_542 : memref<8x128xf32, #tpu.memory_space<vmem>>) dst(%dma_wait3A_538 : memref<8x128xf32, #tpu.memory_space<hbm>>)
    %dma_wait3A_543 = arith.constant 1 : i32
    %dma_wait3A_544 = arith.constant 2 : i32
    %dma_wait3A_545 = arith.constant 198 : i32
    %dma_wait3A_546 = arith.constant 0 : i32
    %dma_wait3A_547 = arith.constant 0 : i32
    %dma_wait3A_548 = arith.constant 0 : i32
    %dma_wait3A_549 = tpu.memref_slice %arg8[%dma_wait3A_543, %dma_wait3A_544, %dma_wait3A_547, %dma_wait3A_548] : memref<2x4x32x129xf32, #tpu.memory_space<vmem>> -> memref<1x1x8x128xf32, #tpu.memory_space<vmem>>
    %dma_wait3A_550 = tpu.memref_squeeze %dma_wait3A_549 : memref<1x1x8x128xf32, #tpu.memory_space<vmem>> -> memref<8x128xf32, #tpu.memory_space<vmem>>
    %dma_wait3A_551 = arith.constant 0 : i32
    %dma_wait3A_552 = arith.constant 0 : i32
    %dma_wait3A_553 = tpu.memref_slice %arg5[%dma_wait3A_545, %dma_wait3A_546, %add3A, %dma_wait3A_551, %dma_wait3A_552] : memref<200x4x32x8x128xf32, #tpu.memory_space<hbm>> -> memref<1x1x1x8x128xf32, #tpu.memory_space<hbm>>
    %dma_wait3A_554 = tpu.memref_squeeze %dma_wait3A_553 : memref<1x1x1x8x128xf32, #tpu.memory_space<hbm>> -> memref<8x128xf32, #tpu.memory_space<hbm>>
    %dma_wait3A_555 = arith.constant 0 : i32
    %dma_wait3A_556 = arith.constant 0 : i32
    %dma_wait3A_557 = tpu.memref_slice %arg5[%dma_wait3A_545, %dma_wait3A_546, %add3A, %dma_wait3A_555, %dma_wait3A_556] : memref<200x4x32x8x128xf32, #tpu.memory_space<hbm>> -> memref<1x1x1x8x128xf32, #tpu.memory_space<hbm>>
    %dma_wait3A_558 = tpu.memref_squeeze %dma_wait3A_557 : memref<1x1x1x8x128xf32, #tpu.memory_space<hbm>> -> memref<8x128xf32, #tpu.memory_space<hbm>>
    %dma_wait3A_559 = arith.constant 0 : i32
    %dma_wait3A_560 = arith.constant 0 : i32
    %dma_wait3A_561 = tpu.memref_slice %arg8[%dma_wait3A_543, %dma_wait3A_544, %dma_wait3A_559, %dma_wait3A_560] : memref<2x4x32x129xf32, #tpu.memory_space<vmem>> -> memref<1x1x8x128xf32, #tpu.memory_space<vmem>>
    %dma_wait3A_562 = tpu.memref_squeeze %dma_wait3A_561 : memref<1x1x8x128xf32, #tpu.memory_space<vmem>> -> memref<8x128xf32, #tpu.memory_space<vmem>>
    tpu.wait_dma2 semaphore(%arg13 : memref<!tpu.dma_semaphore, #tpu.memory_space<semaphore_mem>>) src(%dma_wait3A_562 : memref<8x128xf32, #tpu.memory_space<vmem>>) dst(%dma_wait3A_558 : memref<8x128xf32, #tpu.memory_space<hbm>>)
    %dma_wait3A_563 = arith.constant 1 : i32
    %dma_wait3A_564 = arith.constant 2 : i32
    %dma_wait3A_565 = arith.constant 198 : i32
    %dma_wait3A_566 = arith.constant 1 : i32
    %dma_wait3A_567 = arith.constant 8 : i32
    %dma_wait3A_568 = arith.constant 0 : i32
    %dma_wait3A_569 = tpu.memref_slice %arg8[%dma_wait3A_563, %dma_wait3A_564, %dma_wait3A_567, %dma_wait3A_568] : memref<2x4x32x129xf32, #tpu.memory_space<vmem>> -> memref<1x1x8x128xf32, #tpu.memory_space<vmem>>
    %dma_wait3A_570 = tpu.memref_squeeze %dma_wait3A_569 : memref<1x1x8x128xf32, #tpu.memory_space<vmem>> -> memref<8x128xf32, #tpu.memory_space<vmem>>
    %dma_wait3A_571 = arith.constant 0 : i32
    %dma_wait3A_572 = arith.constant 0 : i32
    %dma_wait3A_573 = tpu.memref_slice %arg5[%dma_wait3A_565, %dma_wait3A_566, %add3A, %dma_wait3A_571, %dma_wait3A_572] : memref<200x4x32x8x128xf32, #tpu.memory_space<hbm>> -> memref<1x1x1x8x128xf32, #tpu.memory_space<hbm>>
    %dma_wait3A_574 = tpu.memref_squeeze %dma_wait3A_573 : memref<1x1x1x8x128xf32, #tpu.memory_space<hbm>> -> memref<8x128xf32, #tpu.memory_space<hbm>>
    %dma_wait3A_575 = arith.constant 0 : i32
    %dma_wait3A_576 = arith.constant 0 : i32
    %dma_wait3A_577 = tpu.memref_slice %arg5[%dma_wait3A_565, %dma_wait3A_566, %add3A, %dma_wait3A_575, %dma_wait3A_576] : memref<200x4x32x8x128xf32, #tpu.memory_space<hbm>> -> memref<1x1x1x8x128xf32, #tpu.memory_space<hbm>>
    %dma_wait3A_578 = tpu.memref_squeeze %dma_wait3A_577 : memref<1x1x1x8x128xf32, #tpu.memory_space<hbm>> -> memref<8x128xf32, #tpu.memory_space<hbm>>
    %dma_wait3A_579 = arith.constant 8 : i32
    %dma_wait3A_580 = arith.constant 0 : i32
    %dma_wait3A_581 = tpu.memref_slice %arg8[%dma_wait3A_563, %dma_wait3A_564, %dma_wait3A_579, %dma_wait3A_580] : memref<2x4x32x129xf32, #tpu.memory_space<vmem>> -> memref<1x1x8x128xf32, #tpu.memory_space<vmem>>
    %dma_wait3A_582 = tpu.memref_squeeze %dma_wait3A_581 : memref<1x1x8x128xf32, #tpu.memory_space<vmem>> -> memref<8x128xf32, #tpu.memory_space<vmem>>
    tpu.wait_dma2 semaphore(%arg13 : memref<!tpu.dma_semaphore, #tpu.memory_space<semaphore_mem>>) src(%dma_wait3A_582 : memref<8x128xf32, #tpu.memory_space<vmem>>) dst(%dma_wait3A_578 : memref<8x128xf32, #tpu.memory_space<hbm>>)
    %dma_wait3A_583 = arith.constant 1 : i32
    %dma_wait3A_584 = arith.constant 2 : i32
    %dma_wait3A_585 = arith.constant 198 : i32
    %dma_wait3A_586 = arith.constant 2 : i32
    %dma_wait3A_587 = arith.constant 16 : i32
    %dma_wait3A_588 = arith.constant 0 : i32
    %dma_wait3A_589 = tpu.memref_slice %arg8[%dma_wait3A_583, %dma_wait3A_584, %dma_wait3A_587, %dma_wait3A_588] : memref<2x4x32x129xf32, #tpu.memory_space<vmem>> -> memref<1x1x8x128xf32, #tpu.memory_space<vmem>>
    %dma_wait3A_590 = tpu.memref_squeeze %dma_wait3A_589 : memref<1x1x8x128xf32, #tpu.memory_space<vmem>> -> memref<8x128xf32, #tpu.memory_space<vmem>>
    %dma_wait3A_591 = arith.constant 0 : i32
    %dma_wait3A_592 = arith.constant 0 : i32
    %dma_wait3A_593 = tpu.memref_slice %arg5[%dma_wait3A_585, %dma_wait3A_586, %add3A, %dma_wait3A_591, %dma_wait3A_592] : memref<200x4x32x8x128xf32, #tpu.memory_space<hbm>> -> memref<1x1x1x8x128xf32, #tpu.memory_space<hbm>>
    %dma_wait3A_594 = tpu.memref_squeeze %dma_wait3A_593 : memref<1x1x1x8x128xf32, #tpu.memory_space<hbm>> -> memref<8x128xf32, #tpu.memory_space<hbm>>
    %dma_wait3A_595 = arith.constant 0 : i32
    %dma_wait3A_596 = arith.constant 0 : i32
    %dma_wait3A_597 = tpu.memref_slice %arg5[%dma_wait3A_585, %dma_wait3A_586, %add3A, %dma_wait3A_595, %dma_wait3A_596] : memref<200x4x32x8x128xf32, #tpu.memory_space<hbm>> -> memref<1x1x1x8x128xf32, #tpu.memory_space<hbm>>
    %dma_wait3A_598 = tpu.memref_squeeze %dma_wait3A_597 : memref<1x1x1x8x128xf32, #tpu.memory_space<hbm>> -> memref<8x128xf32, #tpu.memory_space<hbm>>
    %dma_wait3A_599 = arith.constant 16 : i32
    %dma_wait3A_600 = arith.constant 0 : i32
    %dma_wait3A_601 = tpu.memref_slice %arg8[%dma_wait3A_583, %dma_wait3A_584, %dma_wait3A_599, %dma_wait3A_600] : memref<2x4x32x129xf32, #tpu.memory_space<vmem>> -> memref<1x1x8x128xf32, #tpu.memory_space<vmem>>
    %dma_wait3A_602 = tpu.memref_squeeze %dma_wait3A_601 : memref<1x1x8x128xf32, #tpu.memory_space<vmem>> -> memref<8x128xf32, #tpu.memory_space<vmem>>
    tpu.wait_dma2 semaphore(%arg13 : memref<!tpu.dma_semaphore, #tpu.memory_space<semaphore_mem>>) src(%dma_wait3A_602 : memref<8x128xf32, #tpu.memory_space<vmem>>) dst(%dma_wait3A_598 : memref<8x128xf32, #tpu.memory_space<hbm>>)
    %dma_wait3A_603 = arith.constant 1 : i32
    %dma_wait3A_604 = arith.constant 2 : i32
    %dma_wait3A_605 = arith.constant 198 : i32
    %dma_wait3A_606 = arith.constant 3 : i32
    %dma_wait3A_607 = arith.constant 24 : i32
    %dma_wait3A_608 = arith.constant 0 : i32
    %dma_wait3A_609 = tpu.memref_slice %arg8[%dma_wait3A_603, %dma_wait3A_604, %dma_wait3A_607, %dma_wait3A_608] : memref<2x4x32x129xf32, #tpu.memory_space<vmem>> -> memref<1x1x8x128xf32, #tpu.memory_space<vmem>>
    %dma_wait3A_610 = tpu.memref_squeeze %dma_wait3A_609 : memref<1x1x8x128xf32, #tpu.memory_space<vmem>> -> memref<8x128xf32, #tpu.memory_space<vmem>>
    %dma_wait3A_611 = arith.constant 0 : i32
    %dma_wait3A_612 = arith.constant 0 : i32
    %dma_wait3A_613 = tpu.memref_slice %arg5[%dma_wait3A_605, %dma_wait3A_606, %add3A, %dma_wait3A_611, %dma_wait3A_612] : memref<200x4x32x8x128xf32, #tpu.memory_space<hbm>> -> memref<1x1x1x8x128xf32, #tpu.memory_space<hbm>>
    %dma_wait3A_614 = tpu.memref_squeeze %dma_wait3A_613 : memref<1x1x1x8x128xf32, #tpu.memory_space<hbm>> -> memref<8x128xf32, #tpu.memory_space<hbm>>
    %dma_wait3A_615 = arith.constant 0 : i32
    %dma_wait3A_616 = arith.constant 0 : i32
    %dma_wait3A_617 = tpu.memref_slice %arg5[%dma_wait3A_605, %dma_wait3A_606, %add3A, %dma_wait3A_615, %dma_wait3A_616] : memref<200x4x32x8x128xf32, #tpu.memory_space<hbm>> -> memref<1x1x1x8x128xf32, #tpu.memory_space<hbm>>
    %dma_wait3A_618 = tpu.memref_squeeze %dma_wait3A_617 : memref<1x1x1x8x128xf32, #tpu.memory_space<hbm>> -> memref<8x128xf32, #tpu.memory_space<hbm>>
    %dma_wait3A_619 = arith.constant 24 : i32
    %dma_wait3A_620 = arith.constant 0 : i32
    %dma_wait3A_621 = tpu.memref_slice %arg8[%dma_wait3A_603, %dma_wait3A_604, %dma_wait3A_619, %dma_wait3A_620] : memref<2x4x32x129xf32, #tpu.memory_space<vmem>> -> memref<1x1x8x128xf32, #tpu.memory_space<vmem>>
    %dma_wait3A_622 = tpu.memref_squeeze %dma_wait3A_621 : memref<1x1x8x128xf32, #tpu.memory_space<vmem>> -> memref<8x128xf32, #tpu.memory_space<vmem>>
    tpu.wait_dma2 semaphore(%arg13 : memref<!tpu.dma_semaphore, #tpu.memory_space<semaphore_mem>>) src(%dma_wait3A_622 : memref<8x128xf32, #tpu.memory_space<vmem>>) dst(%dma_wait3A_618 : memref<8x128xf32, #tpu.memory_space<hbm>>)
    %dma_wait3A_623 = arith.constant 1 : i32
    %dma_wait3A_624 = arith.constant 3 : i32
    %dma_wait3A_625 = arith.constant 199 : i32
    %dma_wait3A_626 = arith.constant 0 : i32
    %dma_wait3A_627 = arith.constant 0 : i32
    %dma_wait3A_628 = arith.constant 0 : i32
    %dma_wait3A_629 = tpu.memref_slice %arg8[%dma_wait3A_623, %dma_wait3A_624, %dma_wait3A_627, %dma_wait3A_628] : memref<2x4x32x129xf32, #tpu.memory_space<vmem>> -> memref<1x1x8x128xf32, #tpu.memory_space<vmem>>
    %dma_wait3A_630 = tpu.memref_squeeze %dma_wait3A_629 : memref<1x1x8x128xf32, #tpu.memory_space<vmem>> -> memref<8x128xf32, #tpu.memory_space<vmem>>
    %dma_wait3A_631 = arith.constant 0 : i32
    %dma_wait3A_632 = arith.constant 0 : i32
    %dma_wait3A_633 = tpu.memref_slice %arg5[%dma_wait3A_625, %dma_wait3A_626, %add3A, %dma_wait3A_631, %dma_wait3A_632] : memref<200x4x32x8x128xf32, #tpu.memory_space<hbm>> -> memref<1x1x1x8x128xf32, #tpu.memory_space<hbm>>
    %dma_wait3A_634 = tpu.memref_squeeze %dma_wait3A_633 : memref<1x1x1x8x128xf32, #tpu.memory_space<hbm>> -> memref<8x128xf32, #tpu.memory_space<hbm>>
    %dma_wait3A_635 = arith.constant 0 : i32
    %dma_wait3A_636 = arith.constant 0 : i32
    %dma_wait3A_637 = tpu.memref_slice %arg5[%dma_wait3A_625, %dma_wait3A_626, %add3A, %dma_wait3A_635, %dma_wait3A_636] : memref<200x4x32x8x128xf32, #tpu.memory_space<hbm>> -> memref<1x1x1x8x128xf32, #tpu.memory_space<hbm>>
    %dma_wait3A_638 = tpu.memref_squeeze %dma_wait3A_637 : memref<1x1x1x8x128xf32, #tpu.memory_space<hbm>> -> memref<8x128xf32, #tpu.memory_space<hbm>>
    %dma_wait3A_639 = arith.constant 0 : i32
    %dma_wait3A_640 = arith.constant 0 : i32
    %dma_wait3A_641 = tpu.memref_slice %arg8[%dma_wait3A_623, %dma_wait3A_624, %dma_wait3A_639, %dma_wait3A_640] : memref<2x4x32x129xf32, #tpu.memory_space<vmem>> -> memref<1x1x8x128xf32, #tpu.memory_space<vmem>>
    %dma_wait3A_642 = tpu.memref_squeeze %dma_wait3A_641 : memref<1x1x8x128xf32, #tpu.memory_space<vmem>> -> memref<8x128xf32, #tpu.memory_space<vmem>>
    tpu.wait_dma2 semaphore(%arg13 : memref<!tpu.dma_semaphore, #tpu.memory_space<semaphore_mem>>) src(%dma_wait3A_642 : memref<8x128xf32, #tpu.memory_space<vmem>>) dst(%dma_wait3A_638 : memref<8x128xf32, #tpu.memory_space<hbm>>)
    %dma_wait3A_643 = arith.constant 1 : i32
    %dma_wait3A_644 = arith.constant 3 : i32
    %dma_wait3A_645 = arith.constant 199 : i32
    %dma_wait3A_646 = arith.constant 1 : i32
    %dma_wait3A_647 = arith.constant 8 : i32
    %dma_wait3A_648 = arith.constant 0 : i32
    %dma_wait3A_649 = tpu.memref_slice %arg8[%dma_wait3A_643, %dma_wait3A_644, %dma_wait3A_647, %dma_wait3A_648] : memref<2x4x32x129xf32, #tpu.memory_space<vmem>> -> memref<1x1x8x128xf32, #tpu.memory_space<vmem>>
    %dma_wait3A_650 = tpu.memref_squeeze %dma_wait3A_649 : memref<1x1x8x128xf32, #tpu.memory_space<vmem>> -> memref<8x128xf32, #tpu.memory_space<vmem>>
    %dma_wait3A_651 = arith.constant 0 : i32
    %dma_wait3A_652 = arith.constant 0 : i32
    %dma_wait3A_653 = tpu.memref_slice %arg5[%dma_wait3A_645, %dma_wait3A_646, %add3A, %dma_wait3A_651, %dma_wait3A_652] : memref<200x4x32x8x128xf32, #tpu.memory_space<hbm>> -> memref<1x1x1x8x128xf32, #tpu.memory_space<hbm>>
    %dma_wait3A_654 = tpu.memref_squeeze %dma_wait3A_653 : memref<1x1x1x8x128xf32, #tpu.memory_space<hbm>> -> memref<8x128xf32, #tpu.memory_space<hbm>>
    %dma_wait3A_655 = arith.constant 0 : i32
    %dma_wait3A_656 = arith.constant 0 : i32
    %dma_wait3A_657 = tpu.memref_slice %arg5[%dma_wait3A_645, %dma_wait3A_646, %add3A, %dma_wait3A_655, %dma_wait3A_656] : memref<200x4x32x8x128xf32, #tpu.memory_space<hbm>> -> memref<1x1x1x8x128xf32, #tpu.memory_space<hbm>>
    %dma_wait3A_658 = tpu.memref_squeeze %dma_wait3A_657 : memref<1x1x1x8x128xf32, #tpu.memory_space<hbm>> -> memref<8x128xf32, #tpu.memory_space<hbm>>
    %dma_wait3A_659 = arith.constant 8 : i32
    %dma_wait3A_660 = arith.constant 0 : i32
    %dma_wait3A_661 = tpu.memref_slice %arg8[%dma_wait3A_643, %dma_wait3A_644, %dma_wait3A_659, %dma_wait3A_660] : memref<2x4x32x129xf32, #tpu.memory_space<vmem>> -> memref<1x1x8x128xf32, #tpu.memory_space<vmem>>
    %dma_wait3A_662 = tpu.memref_squeeze %dma_wait3A_661 : memref<1x1x8x128xf32, #tpu.memory_space<vmem>> -> memref<8x128xf32, #tpu.memory_space<vmem>>
    tpu.wait_dma2 semaphore(%arg13 : memref<!tpu.dma_semaphore, #tpu.memory_space<semaphore_mem>>) src(%dma_wait3A_662 : memref<8x128xf32, #tpu.memory_space<vmem>>) dst(%dma_wait3A_658 : memref<8x128xf32, #tpu.memory_space<hbm>>)
    %dma_wait3A_663 = arith.constant 1 : i32
    %dma_wait3A_664 = arith.constant 3 : i32
    %dma_wait3A_665 = arith.constant 199 : i32
    %dma_wait3A_666 = arith.constant 2 : i32
    %dma_wait3A_667 = arith.constant 16 : i32
    %dma_wait3A_668 = arith.constant 0 : i32
    %dma_wait3A_669 = tpu.memref_slice %arg8[%dma_wait3A_663, %dma_wait3A_664, %dma_wait3A_667, %dma_wait3A_668] : memref<2x4x32x129xf32, #tpu.memory_space<vmem>> -> memref<1x1x8x128xf32, #tpu.memory_space<vmem>>
    %dma_wait3A_670 = tpu.memref_squeeze %dma_wait3A_669 : memref<1x1x8x128xf32, #tpu.memory_space<vmem>> -> memref<8x128xf32, #tpu.memory_space<vmem>>
    %dma_wait3A_671 = arith.constant 0 : i32
    %dma_wait3A_672 = arith.constant 0 : i32
    %dma_wait3A_673 = tpu.memref_slice %arg5[%dma_wait3A_665, %dma_wait3A_666, %add3A, %dma_wait3A_671, %dma_wait3A_672] : memref<200x4x32x8x128xf32, #tpu.memory_space<hbm>> -> memref<1x1x1x8x128xf32, #tpu.memory_space<hbm>>
    %dma_wait3A_674 = tpu.memref_squeeze %dma_wait3A_673 : memref<1x1x1x8x128xf32, #tpu.memory_space<hbm>> -> memref<8x128xf32, #tpu.memory_space<hbm>>
    %dma_wait3A_675 = arith.constant 0 : i32
    %dma_wait3A_676 = arith.constant 0 : i32
    %dma_wait3A_677 = tpu.memref_slice %arg5[%dma_wait3A_665, %dma_wait3A_666, %add3A, %dma_wait3A_675, %dma_wait3A_676] : memref<200x4x32x8x128xf32, #tpu.memory_space<hbm>> -> memref<1x1x1x8x128xf32, #tpu.memory_space<hbm>>
    %dma_wait3A_678 = tpu.memref_squeeze %dma_wait3A_677 : memref<1x1x1x8x128xf32, #tpu.memory_space<hbm>> -> memref<8x128xf32, #tpu.memory_space<hbm>>
    %dma_wait3A_679 = arith.constant 16 : i32
    %dma_wait3A_680 = arith.constant 0 : i32
    %dma_wait3A_681 = tpu.memref_slice %arg8[%dma_wait3A_663, %dma_wait3A_664, %dma_wait3A_679, %dma_wait3A_680] : memref<2x4x32x129xf32, #tpu.memory_space<vmem>> -> memref<1x1x8x128xf32, #tpu.memory_space<vmem>>
    %dma_wait3A_682 = tpu.memref_squeeze %dma_wait3A_681 : memref<1x1x8x128xf32, #tpu.memory_space<vmem>> -> memref<8x128xf32, #tpu.memory_space<vmem>>
    tpu.wait_dma2 semaphore(%arg13 : memref<!tpu.dma_semaphore, #tpu.memory_space<semaphore_mem>>) src(%dma_wait3A_682 : memref<8x128xf32, #tpu.memory_space<vmem>>) dst(%dma_wait3A_678 : memref<8x128xf32, #tpu.memory_space<hbm>>)
    %dma_wait3A_683 = arith.constant 1 : i32
    %dma_wait3A_684 = arith.constant 3 : i32
    %dma_wait3A_685 = arith.constant 199 : i32
    %dma_wait3A_686 = arith.constant 3 : i32
    %dma_wait3A_687 = arith.constant 24 : i32
    %dma_wait3A_688 = arith.constant 0 : i32
    %dma_wait3A_689 = tpu.memref_slice %arg8[%dma_wait3A_683, %dma_wait3A_684, %dma_wait3A_687, %dma_wait3A_688] : memref<2x4x32x129xf32, #tpu.memory_space<vmem>> -> memref<1x1x8x128xf32, #tpu.memory_space<vmem>>
    %dma_wait3A_690 = tpu.memref_squeeze %dma_wait3A_689 : memref<1x1x8x128xf32, #tpu.memory_space<vmem>> -> memref<8x128xf32, #tpu.memory_space<vmem>>
    %dma_wait3A_691 = arith.constant 0 : i32
    %dma_wait3A_692 = arith.constant 0 : i32
    %dma_wait3A_693 = tpu.memref_slice %arg5[%dma_wait3A_685, %dma_wait3A_686, %add3A, %dma_wait3A_691, %dma_wait3A_692] : memref<200x4x32x8x128xf32, #tpu.memory_space<hbm>> -> memref<1x1x1x8x128xf32, #tpu.memory_space<hbm>>
    %dma_wait3A_694 = tpu.memref_squeeze %dma_wait3A_693 : memref<1x1x1x8x128xf32, #tpu.memory_space<hbm>> -> memref<8x128xf32, #tpu.memory_space<hbm>>
    %dma_wait3A_695 = arith.constant 0 : i32
    %dma_wait3A_696 = arith.constant 0 : i32
    %dma_wait3A_697 = tpu.memref_slice %arg5[%dma_wait3A_685, %dma_wait3A_686, %add3A, %dma_wait3A_695, %dma_wait3A_696] : memref<200x4x32x8x128xf32, #tpu.memory_space<hbm>> -> memref<1x1x1x8x128xf32, #tpu.memory_space<hbm>>
    %dma_wait3A_698 = tpu.memref_squeeze %dma_wait3A_697 : memref<1x1x1x8x128xf32, #tpu.memory_space<hbm>> -> memref<8x128xf32, #tpu.memory_space<hbm>>
    %dma_wait3A_699 = arith.constant 24 : i32
    %dma_wait3A_700 = arith.constant 0 : i32
    %dma_wait3A_701 = tpu.memref_slice %arg8[%dma_wait3A_683, %dma_wait3A_684, %dma_wait3A_699, %dma_wait3A_700] : memref<2x4x32x129xf32, #tpu.memory_space<vmem>> -> memref<1x1x8x128xf32, #tpu.memory_space<vmem>>
    %dma_wait3A_702 = tpu.memref_squeeze %dma_wait3A_701 : memref<1x1x8x128xf32, #tpu.memory_space<vmem>> -> memref<8x128xf32, #tpu.memory_space<vmem>>
    tpu.wait_dma2 semaphore(%arg13 : memref<!tpu.dma_semaphore, #tpu.memory_space<semaphore_mem>>) src(%dma_wait3A_702 : memref<8x128xf32, #tpu.memory_space<vmem>>) dst(%dma_wait3A_698 : memref<8x128xf32, #tpu.memory_space<hbm>>)
    return
  }
}

</mosaic_0001>

<sc_bundles>
// kernel: kernel.3.cloned.1.call-start
scs
__scs_entry_jumppad:
0x0: {  	(pc) =	sbr.rel $0x88, $3  }
0x1: {  	(tag) =	ssettag $0x0;
	lr =	simm.s32 $0x1  }
0x2: {  	[smem:$0x3F9E] =	sst lr;
	_ =	strace $0xD0000000  }
0x3: {  	_ = 	snop  }
0x4: {  	_ = 	snop  }
0x5: {  	_ = 	snop  }
0x6: {  	_ = 	snop  }
0x7: {  	_ = 	snop  }
__scs_overlays_trampoline_lowered:
0x8: {  	[smem:$0x3FAD] =	sst s0  }
0x9: {  	[smem:$0x3FAE] =	sst s1  }
0xa: {  	[smem:$0x3FAF] =	sst s2  }
0xb: {  	[smem:$0x3FB0] =	sst s3  }
0xc: {  	[smem:$0x3FB1] =	sst s4  }
0xd: {  	[smem:$0x3FB2] =	sst s5  }
0xe: {  	[smem:$0x3FB3] =	sst s6  }
0xf: {  	[smem:$0x3FB4] =	sst s7  }
0x10: {  	[smem:$0x3FB5] =	sst s8  }
0x11: {  	[smem:$0x3FB6] =	sst s9;
	s0 =	simm.s32 @!p0 $0x0  }
0x12: {  	s1 =	sld [smem:$0x3F9C];
	s0 =	simm.s32 @p0 $0x1  }
0x13: {  	[smem:$0x3FB7] =	sst s0;
	s0 =	simm.s32 @!p1 $0x0  }
0x14: {  	s2 =	sld [smem:$0x3F9B];
	s0 =	simm.s32 @p1 $0x1  }
0x15: {  	[smem:$0x3FB8] =	sst s0;
	s0 =	simm.s32 @!p2 $0x0  }
0x16: {  	s3 =	sld [smem:$0x3FDB];
	s0 =	simm.s32 @p2 $0x1  }
0x17: {  	s4 =	simm.s32 $0x1BF5;
	[smem:$0x3FBA] =	sst s0  }
0x18: {  	s0 =	sld [smem:$0x3F9D];
	_ =	swait.ge [sflag:s4], $0x0  }
0x19: {  	s7 =	sld [smem:$0x3F9E]  }
0x1a: {  	s8 =	sadd.s32 $0xFFFFE003, lr  }
0x1b: {  	s9 =	sadd.s32 $0xFFFFFEF7, lr;
	s5 =	simm.s32 $0xFFFFFFFF;
	p2 =	slt.u32 s8, $0xFFFFF086  }
0x1c: {  	p1 =	slt.u32 s9, $0xF7A;
	s5 =	simm.s32 @!p2 $0x0  }
0x1d: {  	s5 =	simm.s32 @p1 $0x1;
	p0 =	seq.s32 s7, s2  }
0x1e: {  	s7 =	smul.u32 @!p0 $0xF7A, s2;
	p2 =	seq.s32 @!p0 s5, $0x0  }
0x1f: {  	s9 =	smul.u32 $0xF7A, s1;
	s8 =	simm.s32 @!p0 $0x1BF5;
	p2 =	por !p2, p0  }
0x20: {  	[sflag:s8] =	ssyncset.s32 @!p0 $0xFFFFF086;
	s6 =	sadd.s32 @!p0 s3, s7;
	s7 =	simm.s32 @!p0 $0x108  }
0x21: {  	s3 =	sadd.s32 s3, s9;
	s6 =	sadd.s32 @!p0 $0x88, s6;
	s7 =	simm.s32 @p2 $0x1082  }
0x22: {  	[simem:s7], [sflag:s8] =	dma.local @!p0 [hbm:s6], $0xF7A  }
0x23: {  	s9 =	sor.u32 $0xD0000000, s2;
	s6 =	simm.s32 $0x108;
	_ =	swait.ge @!p0 [sflag:s8], $0x0  }
0x24: {  	s3 =	sadd.s32 $0x88, s3;
	s6 =	simm.s32 @!p1 $0x1082;
	[sflag:s4] =	ssyncset.s32 $0xFFFFF086  }
0x25: {  	[simem:s6], [sflag:s4] =	dma.local [hbm:s3], $0xF7A  }
0x26: {  	[smem:$0x3F9E] =	sst s1;
	(tag) =	ssettag s2;
	_ =	strace s9  }
0x27: {  	s1 =	sld [smem:$0x3FAE]  }
0x28: {  	s2 =	sld [smem:$0x3FAF]  }
0x29: {  	s4 =	sld [smem:$0x3FB1]  }
0x2a: {  	p0 =	seq.s32 s5, $0x0;
	s5 =	sld [smem:$0x3FB2]  }
0x2b: {  	s6 =	sld [smem:$0x3FB3]  }
0x2c: {  	s7 =	sld [smem:$0x3FB4]  }
0x2d: {  	s3 =	simm.s32 $0x108;
	s8 =	sld [smem:$0x3FB5]  }
0x2e: {  	s3 =	simm.s32 @!p0 $0x1082;
	s9 =	sld [smem:$0x3FB6]  }
0x2f: {  	lr =	sadd.s32 s0, s3;
	s0 =	sld [smem:$0x3FAD]  }
0x30: {  	s3 =	sld [smem:$0x3FB0]  }
0x31: {  	[smem:$0x3FB9] =	sst s10  }
0x32: {  	s10 =	sld [smem:$0x3FB7];
	_ =	sdelay $0x3  }
0x33: {  	p0 =	seq.s32 s10, $0x1;
	s10 =	sld [smem:$0x3FB9];
	_ =	sdelay $0x3  }
0x34: {  	[smem:$0x3FB9] =	sst s10  }
0x35: {  	s10 =	sld [smem:$0x3FB8];
	_ =	sdelay $0x3  }
0x36: {  	p1 =	seq.s32 s10, $0x1;
	s10 =	sld [smem:$0x3FB9];
	_ =	sdelay $0x3  }
0x37: {  	[smem:$0x3FB9] =	sst s10  }
0x38: {  	s10 =	sld [smem:$0x3FBA]  }
0x39: {  	_ = 	snop;
	(pc) =	sbr.ind lr, $3  }
0x3a: {  	_ = 	snop  }
0x3b: {  	_ = 	snop  }
0x3c: {  	p2 =	seq.s32 s10, $0x1;
	s10 =	sld [smem:$0x3FB9]  }
0x3d: {  	_ =	shalt  }
0x3e: {  	_ =	shalt  }
0x3f: {  	_ =	shalt  }
0x40: {  	_ =	shalt  }
0x41: {  	_ =	shalt  }
0x42: {  	_ =	shalt  }
0x43: {  	_ =	shalt  }
0x44: {  	_ =	shalt  }
0x45: {  	_ =	shalt  }
0x46: {  	_ =	shalt  }
0x47: {  	_ =	shalt  }
0x48: {  	_ =	shalt  }
0x49: {  	_ =	shalt  }
0x4a: {  	_ =	shalt  }
0x4b: {  	_ =	shalt  }
0x4c: {  	_ =	shalt  }
0x4d: {  	_ =	shalt  }
0x4e: {  	_ =	shalt  }
0x4f: {  	_ =	shalt  }
0x50: {  	_ =	shalt  }
0x51: {  	_ =	shalt  }
0x52: {  	_ =	shalt  }
0x53: {  	_ =	shalt  }
0x54: {  	_ =	shalt  }
0x55: {  	_ =	shalt  }
0x56: {  	_ =	shalt  }
0x57: {  	_ =	shalt  }
0x58: {  	_ =	shalt  }
0x59: {  	_ =	shalt  }
0x5a: {  	_ =	shalt  }
0x5b: {  	_ =	shalt  }
0x5c: {  	_ =	shalt  }
0x5d: {  	_ =	shalt  }
0x5e: {  	_ =	shalt  }
0x5f: {  	_ =	shalt  }
0x60: {  	_ =	shalt  }
0x61: {  	_ =	shalt  }
0x62: {  	_ =	shalt  }
0x63: {  	_ =	shalt  }
0x64: {  	_ =	shalt  }
0x65: {  	_ =	shalt  }
0x66: {  	_ =	shalt  }
0x67: {  	_ =	shalt  }
0x68: {  	_ =	shalt  }
0x69: {  	_ =	shalt  }
0x6a: {  	_ =	shalt  }
0x6b: {  	_ =	shalt  }
0x6c: {  	_ =	shalt  }
0x6d: {  	_ =	shalt  }
0x6e: {  	_ =	shalt  }
0x6f: {  	_ =	shalt  }
0x70: {  	_ =	shalt  }
0x71: {  	_ =	shalt  }
0x72: {  	_ =	shalt  }
0x73: {  	_ =	shalt  }
0x74: {  	_ =	shalt  }
0x75: {  	_ =	shalt  }
0x76: {  	_ =	shalt  }
0x77: {  	_ =	shalt  }
0x78: {  	_ =	shalt  }
0x79: {  	_ =	shalt  }
0x7a: {  	_ =	shalt  }
0x7b: {  	_ =	shalt  }
0x7c: {  	_ =	shalt  }
0x7d: {  	_ =	shalt  }
0x7e: {  	_ =	shalt  }
0x7f: {  	_ =	shalt  }
0x80: {  	_ =	shalt  }
0x81: {  	_ =	shalt  }
0x82: {  	_ =	shalt  }
0x83: {  	_ =	shalt  }
0x84: {  	_ =	shalt  }
0x85: {  	_ =	shalt  }
0x86: {  	_ =	shalt  }
0x87: {  	_ =	shalt  }
.Lfunc_end0:
.L_simem_size_0:
called_computation_lowered:
.L_overlay_start_0:
0x88: {  	s2 =	sld [smem:$0x3FD9]  }
0x89: {  	s3 =	sld [smem:$0x3FFE];
	_ =	sdelay $0x1  }
0x8a: {  	s1 =	srdreg.scid  }
0x8b: {  	s0 =	sand.u32 $0x1, s1  }
0x8c: {  	s17 =	sshll.u32 s0, $0xA;
	s2 =	sadd.s32 s3, s2  }
0x8d: {  	s2 =	sadd.s32 s2, s17  }
0x8e: {  	[smem:$0x3FC5] =	sst s2  }
0x8f: {  	_ = 	snop  }
0x90: {  	s2 =	sld [smem:$0x3FD0];
	(tm) =	ssettm $0x1  }
0x91: {  	s18 =	sld [smem:$0x3FFB];
	_ =	sdelay $0x3  }
0x92: {  	_ =	strace s18  }
0x93: {  	s3 =	sld [smem:$0x3FFC];
	_ =	sdelay $0x3  }
0x94: {  	_ =	strace s3  }
0x95: {  	s3 =	sld [smem:$0x3FFD];
	_ =	sdelay $0x3  }
0x96: {  	_ =	strace s3  }
0x97: {  	_ =	strace $0x8FFFFFFF  }
0x98: {  	s19 =	sld [smem:$0x3FDB];
	_ =	sdelay $0x1  }
0x99: {  	s4 =	simm.s32 $_scs_section_size  }
0x9a: {  	s5 =	simm.s32 $_size__tile_overlayer_lowered;
	s6 =	simm.s32 $_tile_overlayer_lowered  }
0x9b: {  	s22 =	simm.s32 $0x1BFF;
	s21 =	sshll.u32 s6, $0x1;
	s3 =	sadd.s32 s4, s19  }
0x9c: {  	s7 =	simm.s32 $0x0;
	s20 =	sshll.u32 s5, $0x1;
	s5 =	sadd.s32 s21, s3  }
0x9d: {  	[timem:s7], [sflag:s22] =	dma.local [hbm:s5], s20  }
0x9e: {  	_ =	swait.ge [sflag:s22], s20  }
0x9f: {  	s4 =	ssub.s32 $0x0, s20;
	[sflag:s22] =	ssyncset.done $0x0  }
0xa0: {  	[sflag:s22] =	ssyncadd.s32 s4;
	_ =	sdelay $0x1  }
0xa1: {  	s23 =	simm.s32 $0x1B8B  }
0xa2: {  	_ =	swait.ge [sflag:s23], $0x1  }
0xa3: {  	[sflag:s23] =	ssyncset.done $0x0  }
0xa4: {  	s25 =	simm.s32 $0x1B8E;
	s24 =	sld [smem:$0x3FFE];
	[sflag:s23] =	ssyncadd.s32 $0xFFFFFFFF  }
0xa5: {  	s26 =	simm.s32 $execute0_lowered;
	[smem:$0x3FD2] =	sst s25  }
0xa6: {  	s5 =	sshll.u32 s26, $0x1;
	_ =	strace $0x80000046;
	[dreg:$0x1] =	wrdreg $0xFFFFFFFF  }
0xa7: {  	s28 =	simm.s32 $_size_execute0_lowered;
	s3 =	sadd.s32 s3, s5;
	[dreg:$0x0] =	wrdreg $0x0  }
0xa8: {  	s5 =	sshll.u32 s28, $0x1;
	[dreg:$0x2] =	wrdreg s3  }
0xa9: {  	[dreg:$0x3] =	wrdreg s5  }
0xaa: {  	[dreg:$0x4] =	wrdreg $0xC0  }
0xab: {  	_ =	task [dreg:s7], $0x5FFFF  }
0xac: {  	[dreg:$0x1] =	wrdreg $0xFFFFFFFF  }
0xad: {  	[dreg:$0x0] =	wrdreg $0x60  }
0xae: {  	[dreg:$0x2] =	wrdreg s24  }
0xaf: {  	[dreg:$0x3] =	wrdreg s2  }
0xb0: {  	[dreg:$0x4] =	wrdreg $0x9  }
0xb1: {  	_ =	task.clear_ibuf [dreg:s7], $0x5FFFF;
	_ =	strace $0x90000046  }
0xb2: {  	s29 =	simm.s32 $0x9;
	_ =	strace $0x80000048  }
0xb3: {  	_ =	swait.ge [sflag:s29], $0x1  }
0xb4: {  	[sflag:s29] =	ssyncadd.s32 $0xFFFFFFFF  }
0xb5: {  	_ =	strace $0x90000048  }
0xb6: {  	_ =	sfence  }
0xb7: {  	s30 =	sld [smem:$0x0];
	_ =	sdelay $0x2  }
0xb8: {  	s31 =	sshll.u32 s1, $0xD;
	s1 =	sshrl.u32 s1, $0x2  }
0xb9: {  	s3 =	sand.u32 $0x4000, s31;
	s1 =	sadd.s32 s1, s30  }
0xba: {  	s0 =	sor.u32 s3, s0;
	s1 =	sshll.u32 s1, $0x11  }
0xbb: {  	s0 =	sor.u32 s1, s0  }
0xbc: {  	s0 =	sadd.s32 $0x8F2B, s0  }
0xbd: {  	[sflag:s0] =	ssyncadd.remote.s32 $0x1  }
0xbe: {  	_ =	sfence.sel $0xFFFF  }
0xbf: {  	[dreg:$0x0] =	wrdreg $0xFFFFFFFF;
	(pc) =	sbr.abs _section_cstart, $3  }
0xc0: {  	[dreg:$0x1] =	wrdreg $0xFFFFFFFF  }
0xc1: {  	_ =	task.clear_ibuf [dreg:s7], $0x2FFFF;
	_ =	strace $0x9FFFFFFF  }
0xc2: {  	(tm) =	ssettm $0x7FFFFFFF  }
0xc3: {  	_ =	shalt  }
tec
execute0_lowered:
.L_overlay_start_1:
0x0: {  	(tag) =	ssettag $0x1  }
0x1: {  	s0 =	rddreg [dreg:$0x0]  }
0x2: {  	s16 =	rddreg [dreg:$0x1];
	s3 =	simm.s32 $0x0;
	s1 =	srdreg.scid  }
0x3: {  	s2 =	stileid.u32;
	s29 =	simm.s32 $0x5;
	s8 =	simm.s32 $0x1  }
0x4: {  	s30 =	simm.s32 $0x9500;
	s31 =	simm.s32 $0xA600;
	s28 =	simm.s32 $0x2  }
0x5: {  	s9 =	simm.s32 $0x4;
	[smem:$0x7FF] =	sst s3;
	s17 =	sadd.s32 $0x1000, s16  }
0x6: {  	s19 =	sadd.s32 $0x2000, s16;
	_ =	strace $0x80000047;
	[dreg:$0x6] =	wrdreg s17  }
0x7: {  	s11 =	simm.s32 $0x0;
	s20 =	sadd.s32 $0x3000, s16;
	[dreg:$0x7] =	wrdreg s19  }
0x8: {  	s7 =	sadd.s32 $0x800, s0;
	s21 =	sadd.s32 $0x4000, s16;
	[dreg:$0x8] =	wrdreg s20  }
0x9: {  	s1 =	sand.u32 $0x1, s1;
	s22 =	sadd.s32 $0x5000, s16;
	[dreg:$0x9] =	wrdreg s21  }
0xa: {  	s2 =	sshll.u32 s2, $0x1;
	s23 =	sadd.s32 $0x6000, s16;
	[dreg:$0xa] =	wrdreg s22  }
0xb: {  	s5 =	sadd.s32 $0x19800, s0;
	s24 =	sadd.s32 $0x7000, s16;
	[dreg:$0xb] =	wrdreg s23  }
0xc: {  	s6 =	sadd.s32 $0x400, s0;
	s25 =	sadd.s32 $0x8000, s16;
	[dreg:$0xc] =	wrdreg s24  }
0xd: {  	s26 =	sadd.s32 $0x9000, s16;
	s4 =	ssub.s32 $0x2, s1;
	[dreg:$0xd] =	wrdreg s25  }
0xe: {  	s1 =	sor.u32 s1, s2;
	s18 =	smov.u32 s7;
	[dreg:$0xe] =	wrdreg s26  }
0xf: {  	s19 =	sadd.s32 $0xA000, s16;
	s20 =	sadd.s32 $0xB000, s16;
	s21 =	sadd.s32 $0xC000, s16  }
0x10: {  	s22 =	sadd.s32 $0xD000, s16;
	s23 =	sadd.s32 $0xE000, s16;
	s24 =	sadd.s32 $0xF000, s16  }
0x11: {  	s26 =	simm.s32 $0x80;
	s25 =	simm.s32 $0x8400;
	s14 =	sshrl.u32 s4, $0x1  }
0x12: {  	s2 =	sshll.u32 s1, $0x4;
	s15 =	sshll.u32 s1, $0x7;
	s1 =	sshll.u32 s1, $0xA  }
0x13: {  	v0 =	vlaneseq.u32;
	s0 =	ssub.s32 s4, s14;
	[dreg:$0x3] =	wrdreg s15;
	s2 =	sadd.s32 s7, s2  }
0x14: {  	v0 =	vmul.u32 $0x88, v0;
	[dreg:$0x5] =	wrdreg s1;
	s1 =	simm.s32 $0xC800;
	s4 =	simm.s32 $0xEA00  }
0x15: {  	s7 =	simm.s32 $0xFB00;
	[dreg:$0x4] =	wrdreg s2;
	s0 =	smax.u32 s0, $0x1  }
0x16: {  	v1 =	vadd.s32 $0x880, v0;
	s2 =	simm.s32 $0xD900;
	[dreg:$0xf] =	wrdreg s0;
	s0 =	simm.s32 $0xB700  }
.LBB2_1:
0x17: {  	[dreg:$0x10] =	wrdreg s11  }
0x18: {  	s10 =	rddreg [dreg:$0x4];
	s15 =	simm.s32 $0x1000  }
0x19: {  	[tilespmem:s3], [sflag:$0x5] =	stream.strided.gather [hbm4b:s10+s26], $0x200, s15, s26, $0x38;
	[tilespmem:$0x10D00] =	vst v63  }
0x1a: {  	_ =	swait.ge [sflag:s29], $0x200  }
0x1b: {  	[sflag:s29] =	ssyncset.done $0x0  }
0x1c: {  	s17 =	simm.s32 $0x10C00;
	[sflag:s29] =	ssyncadd.s32 $0xFFFFFE00  }
0x1d: {  	[tilespmem:s17], [sflag:$0x5] =	stream.linear.gather [hbm4b:s6+s3], $0x80, $0x38;
	[tilespmem:$0x10D00] =	vst v63  }
0x1e: {  	_ =	swait.ge [sflag:s29], $0x80  }
0x1f: {  	[sflag:s29] =	ssyncset.done $0x0  }
0x20: {  	s11 =	simm.s32 $0x400;
	[sflag:s29] =	ssyncadd.s32 $0xFFFFFF80  }
0x21: {  	[tilespmem:s11], [sflag:$0x1] =	stream.indirect.gather [hbm4b:s5+s26], $0x20, s3, s26, $0xb8;
	[tilespmem:$0x10D00] =	vst v63  }
0x22: {  	s12 =	simm.s32 $0x1400  }
0x23: {  	[tilespmem:s12], [sflag:$0x1] =	stream.indirect.gather [hbm4b:s5+s26], $0x20, s26, s26, $0xb8;
	[tilespmem:$0x10D00] =	vst v63  }
0x24: {  	s13 =	simm.s32 $0x100;
	s14 =	simm.s32 $0x2400  }
0x25: {  	[tilespmem:s14], [sflag:$0x1] =	stream.indirect.gather [hbm4b:s5+s26], $0x20, s13, s26, $0xb8;
	[tilespmem:$0x10D00] =	vst v63  }
0x26: {  	s15 =	simm.s32 $0x180;
	s10 =	simm.s32 $0x0;
	s17 =	simm.s32 $0x3400  }
0x27: {  	[tilespmem:s17], [sflag:$0x1] =	stream.indirect.gather [hbm4b:s5+s26], $0x20, s15, s26, $0xb8;
	[tilespmem:$0x10D00] =	vst v63  }
.LBB2_2:
0x28: {  	s11 =	sshllo.u32 s10, $0x1  }
0x29: {  	s13 =	rddreg [dreg:$0x3];
	s12 =	sshll.u32 s11, $0xE  }
0x2a: {  	s12 =	sor.u32 s13, s12  }
0x2b: {  	s12 =	sshrl.u32 s12, $0x3  }
0x2c: {  	s17 =	simm.s32 $0x1000;
	s14 =	simm.s32 $0x200;
	s12 =	sadd.s32 s18, s12  }
0x2d: {  	[tilespmem:s14], [sflag:$0x5] =	stream.strided.gather [hbm4b:s12+s26], $0x200, s17, s26, $0x38;
	[tilespmem:$0x10D00] =	vst v63  }
0x2e: {  	_ =	swait.ge [sflag:s29], $0x200  }
0x2f: {  	s15 =	sshll.u32 s11, $0x4;
	[sflag:s29] =	ssyncset.done $0x0  }
0x30: {  	s12 =	sadd.s32 s6, s15;
	s17 =	simm.s32 $0x10C80;
	[sflag:s29] =	ssyncadd.s32 $0xFFFFFE00  }
0x31: {  	[tilespmem:s17], [sflag:$0x5] =	stream.linear.gather [hbm4b:s12+s3], $0x80, $0x38;
	[tilespmem:$0x10D00] =	vst v63  }
0x32: {  	_ =	swait.ge [sflag:s29], $0x80  }
0x33: {  	[sflag:s29] =	ssyncset.done $0x0  }
0x34: {  	s13 =	simm.s32 $0x4400;
	[sflag:s29] =	ssyncadd.s32 $0xFFFFFF80  }
0x35: {  	[tilespmem:s13], [sflag:$0x2] =	stream.indirect.gather [hbm4b:s5+s26], $0x20, s14, s26, $0xb8;
	[tilespmem:$0x10D00] =	vst v63  }
0x36: {  	s15 =	simm.s32 $0x280;
	s17 =	simm.s32 $0x5400  }
0x37: {  	[tilespmem:s17], [sflag:$0x2] =	stream.indirect.gather [hbm4b:s5+s26], $0x20, s15, s26, $0xb8;
	[tilespmem:$0x10D00] =	vst v63  }
0x38: {  	p0 =	seq.s32 s10, $0x0;
	s13 =	simm.s32 $0x300;
	s14 =	simm.s32 $0x6400  }
0x39: {  	[tilespmem:s14], [sflag:$0x2] =	stream.indirect.gather [hbm4b:s5+s26], $0x20, s13, s26, $0xb8;
	[tilespmem:$0x10D00] =	vst v63  }
0x3a: {  	s12 =	simm.s32 @!p0 $0x3;
	s15 =	simm.s32 $0x380;
	s17 =	simm.s32 $0x7400  }
0x3b: {  	[tilespmem:s17], [sflag:$0x2] =	stream.indirect.gather [hbm4b:s5+s26], $0x20, s15, s26, $0xb8;
	[tilespmem:$0x10D00] =	vst v63  }
0x3c: {  	_ =	swait.ge @!p0 [sflag:s12], $0x400  }
0x3d: {  	[sflag:s12] =	ssyncset.done @!p0 $0x0  }
0x3e: {  	[sflag:s12] =	ssyncadd.s32 @!p0 $0xFFFFFC00  }
0x3f: {  	_ =	swait.ge @!p0 [sflag:s12], $0x400  }
0x40: {  	[sflag:s12] =	ssyncset.done @!p0 $0x0  }
0x41: {  	[sflag:s12] =	ssyncadd.s32 @!p0 $0xFFFFFC00  }
0x42: {  	_ =	swait.ge @!p0 [sflag:s12], $0x400  }
0x43: {  	[sflag:s12] =	ssyncset.done @!p0 $0x0  }
0x44: {  	[sflag:s12] =	ssyncadd.s32 @!p0 $0xFFFFFC00  }
0x45: {  	_ =	swait.ge @!p0 [sflag:s12], $0x400  }
0x46: {  	[sflag:s12] =	ssyncset.done @!p0 $0x0  }
0x47: {  	[sflag:s12] =	ssyncadd.s32 @!p0 $0xFFFFFC00  }
0x48: {  	_ =	swait.ge @!p0 [sflag:s12], $0x400  }
0x49: {  	[sflag:s12] =	ssyncset.done @!p0 $0x0  }
0x4a: {  	[sflag:s12] =	ssyncadd.s32 @!p0 $0xFFFFFC00  }
0x4b: {  	_ =	swait.ge @!p0 [sflag:s12], $0x400  }
0x4c: {  	[sflag:s12] =	ssyncset.done @!p0 $0x0  }
0x4d: {  	[sflag:s12] =	ssyncadd.s32 @!p0 $0xFFFFFC00  }
0x4e: {  	_ =	swait.ge @!p0 [sflag:s12], $0x400  }
0x4f: {  	[sflag:s12] =	ssyncset.done @!p0 $0x0  }
0x50: {  	[sflag:s12] =	ssyncadd.s32 @!p0 $0xFFFFFC00  }
0x51: {  	_ =	swait.ge @!p0 [sflag:s12], $0x400  }
0x52: {  	[sflag:s12] =	ssyncset.done @!p0 $0x0  }
0x53: {  	[sflag:s12] =	ssyncadd.s32 @!p0 $0xFFFFFC00  }
0x54: {  	_ =	swait.ge @!p0 [sflag:s12], $0x400  }
0x55: {  	[sflag:s12] =	ssyncset.done @!p0 $0x0  }
0x56: {  	[sflag:s12] =	ssyncadd.s32 @!p0 $0xFFFFFC00  }
0x57: {  	_ =	swait.ge @!p0 [sflag:s12], $0x400  }
0x58: {  	[sflag:s12] =	ssyncset.done @!p0 $0x0  }
0x59: {  	[sflag:s12] =	ssyncadd.s32 @!p0 $0xFFFFFC00  }
0x5a: {  	_ =	swait.ge @!p0 [sflag:s12], $0x400  }
0x5b: {  	[sflag:s12] =	ssyncset.done @!p0 $0x0  }
0x5c: {  	[sflag:s12] =	ssyncadd.s32 @!p0 $0xFFFFFC00  }
0x5d: {  	_ =	swait.ge @!p0 [sflag:s12], $0x400  }
0x5e: {  	[sflag:s12] =	ssyncset.done @!p0 $0x0  }
0x5f: {  	[sflag:s12] =	ssyncadd.s32 @!p0 $0xFFFFFC00  }
0x60: {  	_ =	swait.ge @!p0 [sflag:s12], $0x400  }
0x61: {  	[sflag:s12] =	ssyncset.done @!p0 $0x0  }
0x62: {  	[sflag:s12] =	ssyncadd.s32 @!p0 $0xFFFFFC00  }
0x63: {  	_ =	swait.ge @!p0 [sflag:s12], $0x400  }
0x64: {  	[sflag:s12] =	ssyncset.done @!p0 $0x0  }
0x65: {  	[sflag:s12] =	ssyncadd.s32 @!p0 $0xFFFFFC00  }
0x66: {  	_ =	swait.ge @!p0 [sflag:s12], $0x400  }
0x67: {  	[sflag:s12] =	ssyncset.done @!p0 $0x0  }
0x68: {  	[sflag:s12] =	ssyncadd.s32 @!p0 $0xFFFFFC00  }
0x69: {  	_ =	swait.ge @!p0 [sflag:s12], $0x400  }
0x6a: {  	[sflag:s12] =	ssyncset.done @!p0 $0x0  }
0x6b: {  	[sflag:s12] =	ssyncadd.s32 @!p0 $0xFFFFFC00  }
0x6c: {  	_ =	swait.ge [sflag:s8], $0x1000  }
0x6d: {  	[sflag:s8] =	ssyncset.done $0x0  }
0x6e: {  	[sflag:s8] =	ssyncadd.s32 $0xFFFFF000  }
0x6f: {  	_ =	swait.ge [sflag:s8], $0x1000  }
0x70: {  	[sflag:s8] =	ssyncset.done $0x0  }
0x71: {  	[sflag:s8] =	ssyncadd.s32 $0xFFFFF000  }
0x72: {  	_ =	swait.ge [sflag:s8], $0x1000  }
0x73: {  	[sflag:s8] =	ssyncset.done $0x0  }
0x74: {  	[sflag:s8] =	ssyncadd.s32 $0xFFFFF000  }
0x75: {  	_ =	swait.ge [sflag:s8], $0x1000  }
0x76: {  	[sflag:s8] =	ssyncset.done $0x0  }
0x77: {  	[sflag:s8] =	ssyncadd.s32 $0xFFFFF000  }
0x78: {  	v12 =	vld [tilespmem:$0x10C00]  }
0x79: {  	v6 =	vld [tilespmem:$0x10C10]  }
0x7a: {  	v5 =	vld [tilespmem:$0x10C20]  }
0x7b: {  	v4 =	vld [tilespmem:$0x10C30]  }
0x7c: {  	v3 =	vld [tilespmem:$0x10C40]  }
0x7d: {  	s14 =	simm.s32 $0x2400;
	v8 =	vld [tilespmem:$0x10C60]  }
0x7e: {  	v10 =	vld [tilespmem:s14+$0x1000]  }
0x7f: {  	s13 =	simm.s32 $0x0;
	v2 =	vld [tilespmem:$0x10C50]  }
0x80: {  	v7 =	vmov s13;
	v14 =	vld [tilespmem:$0x10C70]  }
0x81: {  	v15 =	vand.u32 $0x7F, v7;
	v16 =	vld [tilespmem:s14+$0x1010]  }
0x82: {  	v7 =	vadd.s32 v0, v15;
	v17 =	vld [tilespmem:s14+$0xFFFFE000]  }
0x83: {  	v13 =	vld [tilespmem:s14+$0xFFFFE010];
	v18 =	vadd.f32 v8, v10;
	v8 =	vadd.s32 v1, v15  }
0x84: {  	v11 =	vld [tilespmem:s14+$0xFFFFF000]  }
0x85: {  	v9 =	vld [tilespmem:s14+$0xFFFFF010]  }
0x86: {  	v10 =	vld [tilespmem:s14+$0x0];
	v15 =	vadd.f32 v14, v16  }
0x87: {  	s11 =	sshll.u32 s11, $0x13;
	s15 =	simm.s32 $0x0;
	s12 =	sshll.u32 s10, $0x1;
	v14 =	vadd.f32 v12, v17;
	v12 =	vld [tilespmem:s14+$0x10];
	[tilespmem:v7+s0+$0x0] =	vst.idx.msk $0xffff, v18  }
.LBB2_3:
0x88: {  	v16 =	vld [tilespmem:$0x10C00];
	v13 =	vadd.f32 v6, v13;
	[tilespmem:v8+s0+$0x0] =	vst.idx.msk $0xffff, v15  }
0x89: {  	v6 =	vld [tilespmem:$0x10C10];
	[tilespmem:v7+s25+$0x0] =	vst.idx.msk $0xffff, v14;
	v11 =	vadd.f32 v5, v11  }
0x8a: {  	v5 =	vld [tilespmem:$0x10C20];
	[tilespmem:v8+s25+$0x0] =	vst.idx.msk $0xffff, v13;
	v9 =	vadd.f32 v4, v9  }
0x8b: {  	v4 =	vld [tilespmem:$0x10C30];
	[tilespmem:v7+s30+$0x0] =	vst.idx.msk $0xffff, v11;
	v10 =	vadd.f32 v3, v10  }
0x8c: {  	v3 =	vld [tilespmem:$0x10C40];
	[tilespmem:v8+s30+$0x0] =	vst.idx.msk $0xffff, v9;
	v9 =	vadd.f32 v2, v12  }
0x8d: {  	v2 =	vld [tilespmem:$0x10C50];
	[tilespmem:v7+s31+$0x0] =	vst.idx.msk $0xffff, v10  }
0x8e: {  	v10 =	vld [tilespmem:$0x10C60];
	[tilespmem:v8+s31+$0x0] =	vst.idx.msk $0xffff, v9  }
0x8f: {  	s13 =	sadd.s32 $0x1, s13;
	s14 =	sadd.s32 $0x20, s14;
	v12 =	vld [tilespmem:$0x10C70]  }
0x90: {  	v7 =	vmov s13;
	v14 =	vld [tilespmem:s14+$0x1000]  }
0x91: {  	s15 =	sadd.s32 $0x4, s15;
	v8 =	vand.u32 $0x7F, v7;
	v15 =	vld [tilespmem:s14+$0x1010]  }
0x92: {  	p0 =	slt.u32 s15, $0x1FC;
	v7 =	vadd.s32 v0, v8;
	v17 =	vld [tilespmem:s14+$0xFFFFE000]  }
.Ltmp0:
0x93: {  	v8 =	vadd.s32 v1, v8;
	v13 =	vld [tilespmem:s14+$0xFFFFE010];
	(pc) =	sbr.rel @p0 .LBB2_3-.Ltmp0, $4  }
0x94: {  	v11 =	vld [tilespmem:s14+$0xFFFFF000]  }
0x95: {  	v9 =	vld [tilespmem:s14+$0xFFFFF010];
	v18 =	vadd.f32 v10, v14  }
0x96: {  	v10 =	vld [tilespmem:s14+$0x0];
	v15 =	vadd.f32 v12, v15  }
0x97: {  	v14 =	vadd.f32 v16, v17;
	v12 =	vld [tilespmem:s14+$0x10];
	[tilespmem:v7+s0+$0x0] =	vst.idx.msk $0xffff, v18  }
0x98: {  	_ =	sdelay $0x3  }
0x99: {  	v6 =	vadd.f32 v6, v13;
	[tilespmem:v8+s0+$0x0] =	vst.idx.msk $0xffff, v15  }
0x9a: {  	[tilespmem:v7+s25+$0x0] =	vst.idx.msk $0xffff, v14;
	v5 =	vadd.f32 v5, v11  }
0x9b: {  	[tilespmem:v8+s25+$0x0] =	vst.idx.msk $0xffff, v6;
	v4 =	vadd.f32 v4, v9  }
0x9c: {  	[tilespmem:v7+s30+$0x0] =	vst.idx.msk $0xffff, v5  }
0x9d: {  	[tilespmem:v8+s30+$0x0] =	vst.idx.msk $0xffff, v4  }
0x9e: {  	s13 =	sshll.u32 s10, $0x14;
	v3 =	vadd.f32 v3, v10;
	s14 =	rddreg [dreg:$0x5]  }
0x9f: {  	v2 =	vadd.f32 v2, v12;
	s13 =	sor.u32 s14, s13  }
0xa0: {  	[tilespmem:v7+s31+$0x0] =	vst.idx.msk $0xffff, v3;
	s13 =	sshrl.u32 s13, $0x3  }
0xa1: {  	[tilespmem:v8+s31+$0x0] =	vst.idx.msk $0xffff, v2;
	s14 =	sadd.s32 s16, s13  }
0xa2: {  	[hbm4b:s14+s3] =	stream.linear.scatter [tilespmem:s25], [sflag:$0x3], $0x80, $0x38;
	[tilespmem:$0x10D00] =	vst v63  }
0xa3: {  	s17 =	smov.u32 s16;
	s16 =	simm.s32 $0x8488;
	s15 =	sadd.s32 $0x10, s14  }
0xa4: {  	[hbm4b:s15+s3] =	stream.linear.scatter [tilespmem:s16], [sflag:$0x3], $0x80, $0x38;
	[tilespmem:$0x10D00] =	vst v63  }
0xa5: {  	s15 =	sadd.s32 $0x20, s14;
	s16 =	simm.s32 $0x8510  }
0xa6: {  	[hbm4b:s15+s3] =	stream.linear.scatter [tilespmem:s16], [sflag:$0x3], $0x80, $0x38;
	[tilespmem:$0x10D00] =	vst v63  }
0xa7: {  	s15 =	sadd.s32 $0x30, s14;
	s16 =	simm.s32 $0x8598  }
0xa8: {  	[hbm4b:s15+s3] =	stream.linear.scatter [tilespmem:s16], [sflag:$0x3], $0x80, $0x38;
	[tilespmem:$0x10D00] =	vst v63  }
0xa9: {  	s15 =	sadd.s32 $0x40, s14;
	s16 =	simm.s32 $0x8620  }
0xaa: {  	[hbm4b:s15+s3] =	stream.linear.scatter [tilespmem:s16], [sflag:$0x3], $0x80, $0x38;
	[tilespmem:$0x10D00] =	vst v63  }
0xab: {  	s15 =	sadd.s32 $0x50, s14;
	s16 =	simm.s32 $0x86A8  }
0xac: {  	[hbm4b:s15+s3] =	stream.linear.scatter [tilespmem:s16], [sflag:$0x3], $0x80, $0x38;
	[tilespmem:$0x10D00] =	vst v63  }
0xad: {  	s15 =	sadd.s32 $0x60, s14;
	s16 =	simm.s32 $0x8730  }
0xae: {  	[hbm4b:s15+s3] =	stream.linear.scatter [tilespmem:s16], [sflag:$0x3], $0x80, $0x38;
	[tilespmem:$0x10D00] =	vst v63  }
0xaf: {  	s14 =	sadd.s32 $0x70, s14;
	s16 =	simm.s32 $0x87B8;
	s15 =	rddreg [dreg:$0x6]  }
0xb0: {  	[hbm4b:s14+s3] =	stream.linear.scatter [tilespmem:s16], [sflag:$0x3], $0x80, $0x38;
	[tilespmem:$0x10D00] =	vst v63  }
0xb1: {  	s14 =	sadd.s32 s13, s15;
	s16 =	simm.s32 $0x8840  }
0xb2: {  	[hbm4b:s14+s3] =	stream.linear.scatter [tilespmem:s16], [sflag:$0x3], $0x80, $0x38;
	[tilespmem:$0x10D00] =	vst v63  }
0xb3: {  	s15 =	sadd.s32 $0x10, s14;
	s16 =	simm.s32 $0x88C8  }
0xb4: {  	[hbm4b:s15+s3] =	stream.linear.scatter [tilespmem:s16], [sflag:$0x3], $0x80, $0x38;
	[tilespmem:$0x10D00] =	vst v63  }
0xb5: {  	s15 =	sadd.s32 $0x20, s14;
	s16 =	simm.s32 $0x8950  }
0xb6: {  	[hbm4b:s15+s3] =	stream.linear.scatter [tilespmem:s16], [sflag:$0x3], $0x80, $0x38;
	[tilespmem:$0x10D00] =	vst v63  }
0xb7: {  	s15 =	sadd.s32 $0x30, s14;
	s16 =	simm.s32 $0x89D8  }
0xb8: {  	[hbm4b:s15+s3] =	stream.linear.scatter [tilespmem:s16], [sflag:$0x3], $0x80, $0x38;
	[tilespmem:$0x10D00] =	vst v63  }
0xb9: {  	s15 =	sadd.s32 $0x40, s14;
	s16 =	simm.s32 $0x8A60  }
0xba: {  	[hbm4b:s15+s3] =	stream.linear.scatter [tilespmem:s16], [sflag:$0x3], $0x80, $0x38;
	[tilespmem:$0x10D00] =	vst v63  }
0xbb: {  	s15 =	sadd.s32 $0x50, s14;
	s16 =	simm.s32 $0x8AE8  }
0xbc: {  	[hbm4b:s15+s3] =	stream.linear.scatter [tilespmem:s16], [sflag:$0x3], $0x80, $0x38;
	[tilespmem:$0x10D00] =	vst v63  }
0xbd: {  	s15 =	sadd.s32 $0x60, s14;
	s16 =	simm.s32 $0x8B70  }
0xbe: {  	[hbm4b:s15+s3] =	stream.linear.scatter [tilespmem:s16], [sflag:$0x3], $0x80, $0x38;
	[tilespmem:$0x10D00] =	vst v63  }
0xbf: {  	s14 =	sadd.s32 $0x70, s14;
	s16 =	simm.s32 $0x8BF8;
	s15 =	rddreg [dreg:$0x7]  }
0xc0: {  	[hbm4b:s14+s3] =	stream.linear.scatter [tilespmem:s16], [sflag:$0x3], $0x80, $0x38;
	[tilespmem:$0x10D00] =	vst v63  }
0xc1: {  	s14 =	sadd.s32 s13, s15;
	s16 =	simm.s32 $0x8C80  }
0xc2: {  	[hbm4b:s14+s3] =	stream.linear.scatter [tilespmem:s16], [sflag:$0x3], $0x80, $0x38;
	[tilespmem:$0x10D00] =	vst v63  }
0xc3: {  	s15 =	sadd.s32 $0x10, s14;
	s16 =	simm.s32 $0x8D08  }
0xc4: {  	[hbm4b:s15+s3] =	stream.linear.scatter [tilespmem:s16], [sflag:$0x3], $0x80, $0x38;
	[tilespmem:$0x10D00] =	vst v63  }
0xc5: {  	s15 =	sadd.s32 $0x20, s14;
	s16 =	simm.s32 $0x8D90  }
0xc6: {  	[hbm4b:s15+s3] =	stream.linear.scatter [tilespmem:s16], [sflag:$0x3], $0x80, $0x38;
	[tilespmem:$0x10D00] =	vst v63  }
0xc7: {  	s15 =	sadd.s32 $0x30, s14;
	s16 =	simm.s32 $0x8E18  }
0xc8: {  	[hbm4b:s15+s3] =	stream.linear.scatter [tilespmem:s16], [sflag:$0x3], $0x80, $0x38;
	[tilespmem:$0x10D00] =	vst v63  }
0xc9: {  	s15 =	sadd.s32 $0x40, s14;
	s16 =	simm.s32 $0x8EA0  }
0xca: {  	[hbm4b:s15+s3] =	stream.linear.scatter [tilespmem:s16], [sflag:$0x3], $0x80, $0x38;
	[tilespmem:$0x10D00] =	vst v63  }
0xcb: {  	s15 =	sadd.s32 $0x50, s14;
	s16 =	simm.s32 $0x8F28  }
0xcc: {  	[hbm4b:s15+s3] =	stream.linear.scatter [tilespmem:s16], [sflag:$0x3], $0x80, $0x38;
	[tilespmem:$0x10D00] =	vst v63  }
0xcd: {  	s15 =	sadd.s32 $0x60, s14;
	s16 =	simm.s32 $0x8FB0  }
0xce: {  	[hbm4b:s15+s3] =	stream.linear.scatter [tilespmem:s16], [sflag:$0x3], $0x80, $0x38;
	[tilespmem:$0x10D00] =	vst v63  }
0xcf: {  	s14 =	sadd.s32 $0x70, s14;
	s16 =	simm.s32 $0x9038;
	s15 =	rddreg [dreg:$0x8]  }
0xd0: {  	[hbm4b:s14+s3] =	stream.linear.scatter [tilespmem:s16], [sflag:$0x3], $0x80, $0x38;
	[tilespmem:$0x10D00] =	vst v63  }
0xd1: {  	s14 =	sadd.s32 s13, s15;
	s16 =	simm.s32 $0x90C0  }
0xd2: {  	[hbm4b:s14+s3] =	stream.linear.scatter [tilespmem:s16], [sflag:$0x3], $0x80, $0x38;
	[tilespmem:$0x10D00] =	vst v63  }
0xd3: {  	s15 =	sadd.s32 $0x10, s14;
	s16 =	simm.s32 $0x9148  }
0xd4: {  	[hbm4b:s15+s3] =	stream.linear.scatter [tilespmem:s16], [sflag:$0x3], $0x80, $0x38;
	[tilespmem:$0x10D00] =	vst v63  }
0xd5: {  	s15 =	sadd.s32 $0x20, s14;
	s16 =	simm.s32 $0x91D0  }
0xd6: {  	[hbm4b:s15+s3] =	stream.linear.scatter [tilespmem:s16], [sflag:$0x3], $0x80, $0x38;
	[tilespmem:$0x10D00] =	vst v63  }
0xd7: {  	s15 =	sadd.s32 $0x30, s14;
	s16 =	simm.s32 $0x9258  }
0xd8: {  	[hbm4b:s15+s3] =	stream.linear.scatter [tilespmem:s16], [sflag:$0x3], $0x80, $0x38;
	[tilespmem:$0x10D00] =	vst v63  }
0xd9: {  	s15 =	sadd.s32 $0x40, s14;
	s16 =	simm.s32 $0x92E0  }
0xda: {  	[hbm4b:s15+s3] =	stream.linear.scatter [tilespmem:s16], [sflag:$0x3], $0x80, $0x38;
	[tilespmem:$0x10D00] =	vst v63  }
0xdb: {  	s15 =	sadd.s32 $0x50, s14;
	s16 =	simm.s32 $0x9368  }
0xdc: {  	[hbm4b:s15+s3] =	stream.linear.scatter [tilespmem:s16], [sflag:$0x3], $0x80, $0x38;
	[tilespmem:$0x10D00] =	vst v63  }
0xdd: {  	s15 =	sadd.s32 $0x60, s14;
	s16 =	simm.s32 $0x93F0  }
0xde: {  	[hbm4b:s15+s3] =	stream.linear.scatter [tilespmem:s16], [sflag:$0x3], $0x80, $0x38;
	[tilespmem:$0x10D00] =	vst v63  }
0xdf: {  	s14 =	sadd.s32 $0x70, s14;
	s16 =	simm.s32 $0x9478;
	s15 =	rddreg [dreg:$0x9]  }
0xe0: {  	[hbm4b:s14+s3] =	stream.linear.scatter [tilespmem:s16], [sflag:$0x3], $0x80, $0x38;
	[tilespmem:$0x10D00] =	vst v63  }
0xe1: {  	s14 =	sadd.s32 s13, s15  }
0xe2: {  	[hbm4b:s14+s3] =	stream.linear.scatter [tilespmem:s30], [sflag:$0x3], $0x80, $0x38;
	[tilespmem:$0x10D00] =	vst v63  }
0xe3: {  	s16 =	simm.s32 $0x9588;
	s15 =	sadd.s32 $0x10, s14  }
0xe4: {  	[hbm4b:s15+s3] =	stream.linear.scatter [tilespmem:s16], [sflag:$0x3], $0x80, $0x38;
	[tilespmem:$0x10D00] =	vst v63  }
0xe5: {  	s15 =	sadd.s32 $0x20, s14;
	s16 =	simm.s32 $0x9610  }
0xe6: {  	[hbm4b:s15+s3] =	stream.linear.scatter [tilespmem:s16], [sflag:$0x3], $0x80, $0x38;
	[tilespmem:$0x10D00] =	vst v63  }
0xe7: {  	s15 =	sadd.s32 $0x30, s14;
	s16 =	simm.s32 $0x9698  }
0xe8: {  	[hbm4b:s15+s3] =	stream.linear.scatter [tilespmem:s16], [sflag:$0x3], $0x80, $0x38;
	[tilespmem:$0x10D00] =	vst v63  }
0xe9: {  	s15 =	sadd.s32 $0x40, s14;
	s16 =	simm.s32 $0x9720  }
0xea: {  	[hbm4b:s15+s3] =	stream.linear.scatter [tilespmem:s16], [sflag:$0x3], $0x80, $0x38;
	[tilespmem:$0x10D00] =	vst v63  }
0xeb: {  	s15 =	sadd.s32 $0x50, s14;
	s16 =	simm.s32 $0x97A8  }
0xec: {  	[hbm4b:s15+s3] =	stream.linear.scatter [tilespmem:s16], [sflag:$0x3], $0x80, $0x38;
	[tilespmem:$0x10D00] =	vst v63  }
0xed: {  	s15 =	sadd.s32 $0x60, s14;
	s16 =	simm.s32 $0x9830  }
0xee: {  	[hbm4b:s15+s3] =	stream.linear.scatter [tilespmem:s16], [sflag:$0x3], $0x80, $0x38;
	[tilespmem:$0x10D00] =	vst v63  }
0xef: {  	s14 =	sadd.s32 $0x70, s14;
	s16 =	simm.s32 $0x98B8;
	s15 =	rddreg [dreg:$0xa]  }
0xf0: {  	[hbm4b:s14+s3] =	stream.linear.scatter [tilespmem:s16], [sflag:$0x3], $0x80, $0x38;
	[tilespmem:$0x10D00] =	vst v63  }
0xf1: {  	s14 =	sadd.s32 s13, s15;
	s16 =	simm.s32 $0x9940  }
0xf2: {  	[hbm4b:s14+s3] =	stream.linear.scatter [tilespmem:s16], [sflag:$0x3], $0x80, $0x38;
	[tilespmem:$0x10D00] =	vst v63  }
0xf3: {  	s15 =	sadd.s32 $0x10, s14;
	s16 =	simm.s32 $0x99C8  }
0xf4: {  	[hbm4b:s15+s3] =	stream.linear.scatter [tilespmem:s16], [sflag:$0x3], $0x80, $0x38;
	[tilespmem:$0x10D00] =	vst v63  }
0xf5: {  	s15 =	sadd.s32 $0x20, s14;
	s16 =	simm.s32 $0x9A50  }
0xf6: {  	[hbm4b:s15+s3] =	stream.linear.scatter [tilespmem:s16], [sflag:$0x3], $0x80, $0x38;
	[tilespmem:$0x10D00] =	vst v63  }
0xf7: {  	s15 =	sadd.s32 $0x30, s14;
	s16 =	simm.s32 $0x9AD8  }
0xf8: {  	[hbm4b:s15+s3] =	stream.linear.scatter [tilespmem:s16], [sflag:$0x3], $0x80, $0x38;
	[tilespmem:$0x10D00] =	vst v63  }
0xf9: {  	s15 =	sadd.s32 $0x40, s14;
	s16 =	simm.s32 $0x9B60  }
0xfa: {  	[hbm4b:s15+s3] =	stream.linear.scatter [tilespmem:s16], [sflag:$0x3], $0x80, $0x38;
	[tilespmem:$0x10D00] =	vst v63  }
0xfb: {  	s15 =	sadd.s32 $0x50, s14;
	s16 =	simm.s32 $0x9BE8  }
0xfc: {  	[hbm4b:s15+s3] =	stream.linear.scatter [tilespmem:s16], [sflag:$0x3], $0x80, $0x38;
	[tilespmem:$0x10D00] =	vst v63  }
0xfd: {  	s15 =	sadd.s32 $0x60, s14;
	s16 =	simm.s32 $0x9C70  }
0xfe: {  	[hbm4b:s15+s3] =	stream.linear.scatter [tilespmem:s16], [sflag:$0x3], $0x80, $0x38;
	[tilespmem:$0x10D00] =	vst v63  }
0xff: {  	s14 =	sadd.s32 $0x70, s14;
	s16 =	simm.s32 $0x9CF8;
	s15 =	rddreg [dreg:$0xb]  }
0x100: {  	[hbm4b:s14+s3] =	stream.linear.scatter [tilespmem:s16], [sflag:$0x3], $0x80, $0x38;
	[tilespmem:$0x10D00] =	vst v63  }
0x101: {  	s14 =	sadd.s32 s13, s15;
	s16 =	simm.s32 $0x9D80  }
0x102: {  	[hbm4b:s14+s3] =	stream.linear.scatter [tilespmem:s16], [sflag:$0x3], $0x80, $0x38;
	[tilespmem:$0x10D00] =	vst v63  }
0x103: {  	s15 =	sadd.s32 $0x10, s14;
	s16 =	simm.s32 $0x9E08  }
0x104: {  	[hbm4b:s15+s3] =	stream.linear.scatter [tilespmem:s16], [sflag:$0x3], $0x80, $0x38;
	[tilespmem:$0x10D00] =	vst v63  }
0x105: {  	s15 =	sadd.s32 $0x20, s14;
	s16 =	simm.s32 $0x9E90  }
0x106: {  	[hbm4b:s15+s3] =	stream.linear.scatter [tilespmem:s16], [sflag:$0x3], $0x80, $0x38;
	[tilespmem:$0x10D00] =	vst v63  }
0x107: {  	s15 =	sadd.s32 $0x30, s14;
	s16 =	simm.s32 $0x9F18  }
0x108: {  	[hbm4b:s15+s3] =	stream.linear.scatter [tilespmem:s16], [sflag:$0x3], $0x80, $0x38;
	[tilespmem:$0x10D00] =	vst v63  }
0x109: {  	s15 =	sadd.s32 $0x40, s14;
	s16 =	simm.s32 $0x9FA0  }
0x10a: {  	[hbm4b:s15+s3] =	stream.linear.scatter [tilespmem:s16], [sflag:$0x3], $0x80, $0x38;
	[tilespmem:$0x10D00] =	vst v63  }
0x10b: {  	s15 =	sadd.s32 $0x50, s14;
	s16 =	simm.s32 $0xA028  }
0x10c: {  	[hbm4b:s15+s3] =	stream.linear.scatter [tilespmem:s16], [sflag:$0x3], $0x80, $0x38;
	[tilespmem:$0x10D00] =	vst v63  }
0x10d: {  	s15 =	sadd.s32 $0x60, s14;
	s16 =	simm.s32 $0xA0B0  }
0x10e: {  	[hbm4b:s15+s3] =	stream.linear.scatter [tilespmem:s16], [sflag:$0x3], $0x80, $0x38;
	[tilespmem:$0x10D00] =	vst v63  }
0x10f: {  	s14 =	sadd.s32 $0x70, s14;
	s16 =	simm.s32 $0xA138;
	s15 =	rddreg [dreg:$0xc]  }
0x110: {  	[hbm4b:s14+s3] =	stream.linear.scatter [tilespmem:s16], [sflag:$0x3], $0x80, $0x38;
	[tilespmem:$0x10D00] =	vst v63  }
0x111: {  	s14 =	sadd.s32 s13, s15;
	s16 =	simm.s32 $0xA1C0  }
0x112: {  	[hbm4b:s14+s3] =	stream.linear.scatter [tilespmem:s16], [sflag:$0x3], $0x80, $0x38;
	[tilespmem:$0x10D00] =	vst v63  }
0x113: {  	s15 =	sadd.s32 $0x10, s14;
	s16 =	simm.s32 $0xA248  }
0x114: {  	[hbm4b:s15+s3] =	stream.linear.scatter [tilespmem:s16], [sflag:$0x3], $0x80, $0x38;
	[tilespmem:$0x10D00] =	vst v63  }
0x115: {  	s15 =	sadd.s32 $0x20, s14;
	s16 =	simm.s32 $0xA2D0  }
0x116: {  	[hbm4b:s15+s3] =	stream.linear.scatter [tilespmem:s16], [sflag:$0x3], $0x80, $0x38;
	[tilespmem:$0x10D00] =	vst v63  }
0x117: {  	s15 =	sadd.s32 $0x30, s14;
	s16 =	simm.s32 $0xA358  }
0x118: {  	[hbm4b:s15+s3] =	stream.linear.scatter [tilespmem:s16], [sflag:$0x3], $0x80, $0x38;
	[tilespmem:$0x10D00] =	vst v63  }
0x119: {  	s15 =	sadd.s32 $0x40, s14;
	s16 =	simm.s32 $0xA3E0  }
0x11a: {  	[hbm4b:s15+s3] =	stream.linear.scatter [tilespmem:s16], [sflag:$0x3], $0x80, $0x38;
	[tilespmem:$0x10D00] =	vst v63  }
0x11b: {  	s15 =	sadd.s32 $0x50, s14;
	s16 =	simm.s32 $0xA468  }
0x11c: {  	[hbm4b:s15+s3] =	stream.linear.scatter [tilespmem:s16], [sflag:$0x3], $0x80, $0x38;
	[tilespmem:$0x10D00] =	vst v63  }
0x11d: {  	s15 =	sadd.s32 $0x60, s14;
	s16 =	simm.s32 $0xA4F0  }
0x11e: {  	[hbm4b:s15+s3] =	stream.linear.scatter [tilespmem:s16], [sflag:$0x3], $0x80, $0x38;
	[tilespmem:$0x10D00] =	vst v63  }
0x11f: {  	s14 =	sadd.s32 $0x70, s14;
	s16 =	simm.s32 $0xA578;
	s15 =	rddreg [dreg:$0xd]  }
0x120: {  	[hbm4b:s14+s3] =	stream.linear.scatter [tilespmem:s16], [sflag:$0x3], $0x80, $0x38;
	[tilespmem:$0x10D00] =	vst v63  }
0x121: {  	s14 =	sadd.s32 s13, s15  }
0x122: {  	[hbm4b:s14+s3] =	stream.linear.scatter [tilespmem:s31], [sflag:$0x3], $0x80, $0x38;
	[tilespmem:$0x10D00] =	vst v63  }
0x123: {  	s16 =	simm.s32 $0xA688;
	s15 =	sadd.s32 $0x10, s14  }
0x124: {  	[hbm4b:s15+s3] =	stream.linear.scatter [tilespmem:s16], [sflag:$0x3], $0x80, $0x38;
	[tilespmem:$0x10D00] =	vst v63  }
0x125: {  	s15 =	sadd.s32 $0x20, s14;
	s16 =	simm.s32 $0xA710  }
0x126: {  	[hbm4b:s15+s3] =	stream.linear.scatter [tilespmem:s16], [sflag:$0x3], $0x80, $0x38;
	[tilespmem:$0x10D00] =	vst v63  }
0x127: {  	s15 =	sadd.s32 $0x30, s14;
	s16 =	simm.s32 $0xA798  }
0x128: {  	[hbm4b:s15+s3] =	stream.linear.scatter [tilespmem:s16], [sflag:$0x3], $0x80, $0x38;
	[tilespmem:$0x10D00] =	vst v63  }
0x129: {  	s15 =	sadd.s32 $0x40, s14;
	s16 =	simm.s32 $0xA820  }
0x12a: {  	[hbm4b:s15+s3] =	stream.linear.scatter [tilespmem:s16], [sflag:$0x3], $0x80, $0x38;
	[tilespmem:$0x10D00] =	vst v63  }
0x12b: {  	s15 =	sadd.s32 $0x50, s14;
	s16 =	simm.s32 $0xA8A8  }
0x12c: {  	[hbm4b:s15+s3] =	stream.linear.scatter [tilespmem:s16], [sflag:$0x3], $0x80, $0x38;
	[tilespmem:$0x10D00] =	vst v63  }
0x12d: {  	s15 =	sadd.s32 $0x60, s14;
	s16 =	simm.s32 $0xA930  }
0x12e: {  	[hbm4b:s15+s3] =	stream.linear.scatter [tilespmem:s16], [sflag:$0x3], $0x80, $0x38;
	[tilespmem:$0x10D00] =	vst v63  }
0x12f: {  	s14 =	sadd.s32 $0x70, s14;
	s16 =	simm.s32 $0xA9B8;
	s15 =	rddreg [dreg:$0xe]  }
0x130: {  	[hbm4b:s14+s3] =	stream.linear.scatter [tilespmem:s16], [sflag:$0x3], $0x80, $0x38;
	[tilespmem:$0x10D00] =	vst v63  }
0x131: {  	s14 =	sadd.s32 s13, s15;
	s16 =	simm.s32 $0xAA40  }
0x132: {  	[hbm4b:s14+s3] =	stream.linear.scatter [tilespmem:s16], [sflag:$0x3], $0x80, $0x38;
	[tilespmem:$0x10D00] =	vst v63  }
0x133: {  	s15 =	sadd.s32 $0x10, s14;
	s16 =	simm.s32 $0xAAC8  }
0x134: {  	[hbm4b:s15+s3] =	stream.linear.scatter [tilespmem:s16], [sflag:$0x3], $0x80, $0x38;
	[tilespmem:$0x10D00] =	vst v63  }
0x135: {  	s15 =	sadd.s32 $0x20, s14;
	s16 =	simm.s32 $0xAB50  }
0x136: {  	[hbm4b:s15+s3] =	stream.linear.scatter [tilespmem:s16], [sflag:$0x3], $0x80, $0x38;
	[tilespmem:$0x10D00] =	vst v63  }
0x137: {  	s15 =	sadd.s32 $0x30, s14;
	s16 =	simm.s32 $0xABD8  }
0x138: {  	[hbm4b:s15+s3] =	stream.linear.scatter [tilespmem:s16], [sflag:$0x3], $0x80, $0x38;
	[tilespmem:$0x10D00] =	vst v63  }
0x139: {  	s15 =	sadd.s32 $0x40, s14;
	s16 =	simm.s32 $0xAC60  }
0x13a: {  	[hbm4b:s15+s3] =	stream.linear.scatter [tilespmem:s16], [sflag:$0x3], $0x80, $0x38;
	[tilespmem:$0x10D00] =	vst v63  }
0x13b: {  	s15 =	sadd.s32 $0x50, s14;
	s16 =	simm.s32 $0xACE8  }
0x13c: {  	[hbm4b:s15+s3] =	stream.linear.scatter [tilespmem:s16], [sflag:$0x3], $0x80, $0x38;
	[tilespmem:$0x10D00] =	vst v63  }
0x13d: {  	s15 =	sadd.s32 $0x60, s14;
	s16 =	simm.s32 $0xAD70  }
0x13e: {  	[hbm4b:s15+s3] =	stream.linear.scatter [tilespmem:s16], [sflag:$0x3], $0x80, $0x38;
	[tilespmem:$0x10D00] =	vst v63  }
0x13f: {  	s14 =	sadd.s32 $0x70, s14;
	s16 =	simm.s32 $0xADF8  }
0x140: {  	[hbm4b:s14+s3] =	stream.linear.scatter [tilespmem:s16], [sflag:$0x3], $0x80, $0x38;
	[tilespmem:$0x10D00] =	vst v63  }
0x141: {  	s14 =	sadd.s32 s13, s19;
	s16 =	simm.s32 $0xAE80  }
0x142: {  	[hbm4b:s14+s3] =	stream.linear.scatter [tilespmem:s16], [sflag:$0x3], $0x80, $0x38;
	[tilespmem:$0x10D00] =	vst v63  }
0x143: {  	s15 =	sadd.s32 $0x10, s14;
	s16 =	simm.s32 $0xAF08  }
0x144: {  	[hbm4b:s15+s3] =	stream.linear.scatter [tilespmem:s16], [sflag:$0x3], $0x80, $0x38;
	[tilespmem:$0x10D00] =	vst v63  }
0x145: {  	s15 =	sadd.s32 $0x20, s14;
	s16 =	simm.s32 $0xAF90  }
0x146: {  	[hbm4b:s15+s3] =	stream.linear.scatter [tilespmem:s16], [sflag:$0x3], $0x80, $0x38;
	[tilespmem:$0x10D00] =	vst v63  }
0x147: {  	s15 =	sadd.s32 $0x30, s14;
	s16 =	simm.s32 $0xB018  }
0x148: {  	[hbm4b:s15+s3] =	stream.linear.scatter [tilespmem:s16], [sflag:$0x3], $0x80, $0x38;
	[tilespmem:$0x10D00] =	vst v63  }
0x149: {  	s15 =	sadd.s32 $0x40, s14;
	s16 =	simm.s32 $0xB0A0  }
0x14a: {  	[hbm4b:s15+s3] =	stream.linear.scatter [tilespmem:s16], [sflag:$0x3], $0x80, $0x38;
	[tilespmem:$0x10D00] =	vst v63  }
0x14b: {  	s15 =	sadd.s32 $0x50, s14;
	s16 =	simm.s32 $0xB128  }
0x14c: {  	[hbm4b:s15+s3] =	stream.linear.scatter [tilespmem:s16], [sflag:$0x3], $0x80, $0x38;
	[tilespmem:$0x10D00] =	vst v63  }
0x14d: {  	s15 =	sadd.s32 $0x60, s14;
	s16 =	simm.s32 $0xB1B0  }
0x14e: {  	[hbm4b:s15+s3] =	stream.linear.scatter [tilespmem:s16], [sflag:$0x3], $0x80, $0x38;
	[tilespmem:$0x10D00] =	vst v63  }
0x14f: {  	s14 =	sadd.s32 $0x70, s14;
	s16 =	simm.s32 $0xB238  }
0x150: {  	[hbm4b:s14+s3] =	stream.linear.scatter [tilespmem:s16], [sflag:$0x3], $0x80, $0x38;
	[tilespmem:$0x10D00] =	vst v63  }
0x151: {  	s14 =	sadd.s32 s13, s20;
	s16 =	simm.s32 $0xB2C0  }
0x152: {  	[hbm4b:s14+s3] =	stream.linear.scatter [tilespmem:s16], [sflag:$0x3], $0x80, $0x38;
	[tilespmem:$0x10D00] =	vst v63  }
0x153: {  	s15 =	sadd.s32 $0x10, s14;
	s16 =	simm.s32 $0xB348  }
0x154: {  	[hbm4b:s15+s3] =	stream.linear.scatter [tilespmem:s16], [sflag:$0x3], $0x80, $0x38;
	[tilespmem:$0x10D00] =	vst v63  }
0x155: {  	s15 =	sadd.s32 $0x20, s14;
	s16 =	simm.s32 $0xB3D0  }
0x156: {  	[hbm4b:s15+s3] =	stream.linear.scatter [tilespmem:s16], [sflag:$0x3], $0x80, $0x38;
	[tilespmem:$0x10D00] =	vst v63  }
0x157: {  	s15 =	sadd.s32 $0x30, s14;
	s16 =	simm.s32 $0xB458  }
0x158: {  	[hbm4b:s15+s3] =	stream.linear.scatter [tilespmem:s16], [sflag:$0x3], $0x80, $0x38;
	[tilespmem:$0x10D00] =	vst v63  }
0x159: {  	s15 =	sadd.s32 $0x40, s14;
	s16 =	simm.s32 $0xB4E0  }
0x15a: {  	[hbm4b:s15+s3] =	stream.linear.scatter [tilespmem:s16], [sflag:$0x3], $0x80, $0x38;
	[tilespmem:$0x10D00] =	vst v63  }
0x15b: {  	s15 =	sadd.s32 $0x50, s14;
	s16 =	simm.s32 $0xB568  }
0x15c: {  	[hbm4b:s15+s3] =	stream.linear.scatter [tilespmem:s16], [sflag:$0x3], $0x80, $0x38;
	[tilespmem:$0x10D00] =	vst v63  }
0x15d: {  	s15 =	sadd.s32 $0x60, s14;
	s16 =	simm.s32 $0xB5F0  }
0x15e: {  	[hbm4b:s15+s3] =	stream.linear.scatter [tilespmem:s16], [sflag:$0x3], $0x80, $0x38;
	[tilespmem:$0x10D00] =	vst v63  }
0x15f: {  	s14 =	sadd.s32 $0x70, s14;
	s16 =	simm.s32 $0xB678  }
0x160: {  	[hbm4b:s14+s3] =	stream.linear.scatter [tilespmem:s16], [sflag:$0x3], $0x80, $0x38;
	[tilespmem:$0x10D00] =	vst v63  }
0x161: {  	s14 =	sadd.s32 s13, s21  }
0x162: {  	[hbm4b:s14+s3] =	stream.linear.scatter [tilespmem:s0], [sflag:$0x3], $0x80, $0x38;
	[tilespmem:$0x10D00] =	vst v63  }
0x163: {  	s16 =	simm.s32 $0xB788;
	s15 =	sadd.s32 $0x10, s14  }
0x164: {  	[hbm4b:s15+s3] =	stream.linear.scatter [tilespmem:s16], [sflag:$0x3], $0x80, $0x38;
	[tilespmem:$0x10D00] =	vst v63  }
0x165: {  	s15 =	sadd.s32 $0x20, s14;
	s16 =	simm.s32 $0xB810  }
0x166: {  	[hbm4b:s15+s3] =	stream.linear.scatter [tilespmem:s16], [sflag:$0x3], $0x80, $0x38;
	[tilespmem:$0x10D00] =	vst v63  }
0x167: {  	s15 =	sadd.s32 $0x30, s14;
	s16 =	simm.s32 $0xB898  }
0x168: {  	[hbm4b:s15+s3] =	stream.linear.scatter [tilespmem:s16], [sflag:$0x3], $0x80, $0x38;
	[tilespmem:$0x10D00] =	vst v63  }
0x169: {  	s15 =	sadd.s32 $0x40, s14;
	s16 =	simm.s32 $0xB920  }
0x16a: {  	[hbm4b:s15+s3] =	stream.linear.scatter [tilespmem:s16], [sflag:$0x3], $0x80, $0x38;
	[tilespmem:$0x10D00] =	vst v63  }
0x16b: {  	s15 =	sadd.s32 $0x50, s14;
	s16 =	simm.s32 $0xB9A8  }
0x16c: {  	[hbm4b:s15+s3] =	stream.linear.scatter [tilespmem:s16], [sflag:$0x3], $0x80, $0x38;
	[tilespmem:$0x10D00] =	vst v63  }
0x16d: {  	s15 =	sadd.s32 $0x60, s14;
	s16 =	simm.s32 $0xBA30  }
0x16e: {  	[hbm4b:s15+s3] =	stream.linear.scatter [tilespmem:s16], [sflag:$0x3], $0x80, $0x38;
	[tilespmem:$0x10D00] =	vst v63  }
0x16f: {  	s14 =	sadd.s32 $0x70, s14;
	s16 =	simm.s32 $0xBAB8  }
0x170: {  	[hbm4b:s14+s3] =	stream.linear.scatter [tilespmem:s16], [sflag:$0x3], $0x80, $0x38;
	[tilespmem:$0x10D00] =	vst v63  }
0x171: {  	s14 =	sadd.s32 s13, s22;
	s16 =	simm.s32 $0xBB40  }
0x172: {  	[hbm4b:s14+s3] =	stream.linear.scatter [tilespmem:s16], [sflag:$0x3], $0x80, $0x38;
	[tilespmem:$0x10D00] =	vst v63  }
0x173: {  	s15 =	sadd.s32 $0x10, s14;
	s16 =	simm.s32 $0xBBC8  }
0x174: {  	[hbm4b:s15+s3] =	stream.linear.scatter [tilespmem:s16], [sflag:$0x3], $0x80, $0x38;
	[tilespmem:$0x10D00] =	vst v63  }
0x175: {  	s15 =	sadd.s32 $0x20, s14;
	s16 =	simm.s32 $0xBC50  }
0x176: {  	[hbm4b:s15+s3] =	stream.linear.scatter [tilespmem:s16], [sflag:$0x3], $0x80, $0x38;
	[tilespmem:$0x10D00] =	vst v63  }
0x177: {  	s15 =	sadd.s32 $0x30, s14;
	s16 =	simm.s32 $0xBCD8  }
0x178: {  	[hbm4b:s15+s3] =	stream.linear.scatter [tilespmem:s16], [sflag:$0x3], $0x80, $0x38;
	[tilespmem:$0x10D00] =	vst v63  }
0x179: {  	s15 =	sadd.s32 $0x40, s14;
	s16 =	simm.s32 $0xBD60  }
0x17a: {  	[hbm4b:s15+s3] =	stream.linear.scatter [tilespmem:s16], [sflag:$0x3], $0x80, $0x38;
	[tilespmem:$0x10D00] =	vst v63  }
0x17b: {  	s15 =	sadd.s32 $0x50, s14;
	s16 =	simm.s32 $0xBDE8  }
0x17c: {  	[hbm4b:s15+s3] =	stream.linear.scatter [tilespmem:s16], [sflag:$0x3], $0x80, $0x38;
	[tilespmem:$0x10D00] =	vst v63  }
0x17d: {  	s15 =	sadd.s32 $0x60, s14;
	s16 =	simm.s32 $0xBE70  }
0x17e: {  	[hbm4b:s15+s3] =	stream.linear.scatter [tilespmem:s16], [sflag:$0x3], $0x80, $0x38;
	[tilespmem:$0x10D00] =	vst v63  }
0x17f: {  	s14 =	sadd.s32 $0x70, s14;
	s16 =	simm.s32 $0xBEF8  }
0x180: {  	[hbm4b:s14+s3] =	stream.linear.scatter [tilespmem:s16], [sflag:$0x3], $0x80, $0x38;
	[tilespmem:$0x10D00] =	vst v63  }
0x181: {  	s14 =	sadd.s32 s13, s23;
	s16 =	simm.s32 $0xBF80  }
0x182: {  	[hbm4b:s14+s3] =	stream.linear.scatter [tilespmem:s16], [sflag:$0x3], $0x80, $0x38;
	[tilespmem:$0x10D00] =	vst v63  }
0x183: {  	s15 =	sadd.s32 $0x10, s14;
	s16 =	simm.s32 $0xC008  }
0x184: {  	[hbm4b:s15+s3] =	stream.linear.scatter [tilespmem:s16], [sflag:$0x3], $0x80, $0x38;
	[tilespmem:$0x10D00] =	vst v63  }
0x185: {  	s15 =	sadd.s32 $0x20, s14;
	s16 =	simm.s32 $0xC090  }
0x186: {  	[hbm4b:s15+s3] =	stream.linear.scatter [tilespmem:s16], [sflag:$0x3], $0x80, $0x38;
	[tilespmem:$0x10D00] =	vst v63  }
0x187: {  	s15 =	sadd.s32 $0x30, s14;
	s16 =	simm.s32 $0xC118  }
0x188: {  	[hbm4b:s15+s3] =	stream.linear.scatter [tilespmem:s16], [sflag:$0x3], $0x80, $0x38;
	[tilespmem:$0x10D00] =	vst v63  }
0x189: {  	s15 =	sadd.s32 $0x40, s14;
	s16 =	simm.s32 $0xC1A0  }
0x18a: {  	[hbm4b:s15+s3] =	stream.linear.scatter [tilespmem:s16], [sflag:$0x3], $0x80, $0x38;
	[tilespmem:$0x10D00] =	vst v63  }
0x18b: {  	s15 =	sadd.s32 $0x50, s14;
	s16 =	simm.s32 $0xC228  }
0x18c: {  	[hbm4b:s15+s3] =	stream.linear.scatter [tilespmem:s16], [sflag:$0x3], $0x80, $0x38;
	[tilespmem:$0x10D00] =	vst v63  }
0x18d: {  	s15 =	sadd.s32 $0x60, s14;
	s16 =	simm.s32 $0xC2B0  }
0x18e: {  	[hbm4b:s15+s3] =	stream.linear.scatter [tilespmem:s16], [sflag:$0x3], $0x80, $0x38;
	[tilespmem:$0x10D00] =	vst v63  }
0x18f: {  	s14 =	sadd.s32 $0x70, s14;
	s16 =	simm.s32 $0xC338  }
0x190: {  	[hbm4b:s14+s3] =	stream.linear.scatter [tilespmem:s16], [sflag:$0x3], $0x80, $0x38;
	[tilespmem:$0x10D00] =	vst v63  }
0x191: {  	s13 =	sadd.s32 s13, s24;
	s16 =	simm.s32 $0xC3C0  }
0x192: {  	[hbm4b:s13+s3] =	stream.linear.scatter [tilespmem:s16], [sflag:$0x3], $0x80, $0x38;
	[tilespmem:$0x10D00] =	vst v63  }
0x193: {  	s15 =	sadd.s32 $0x10, s13;
	s16 =	simm.s32 $0xC448  }
0x194: {  	[hbm4b:s15+s3] =	stream.linear.scatter [tilespmem:s16], [sflag:$0x3], $0x80, $0x38;
	[tilespmem:$0x10D00] =	vst v63  }
0x195: {  	s15 =	sadd.s32 $0x20, s13;
	s16 =	simm.s32 $0xC4D0  }
0x196: {  	[hbm4b:s15+s3] =	stream.linear.scatter [tilespmem:s16], [sflag:$0x3], $0x80, $0x38;
	[tilespmem:$0x10D00] =	vst v63  }
0x197: {  	s15 =	sadd.s32 $0x30, s13;
	s16 =	simm.s32 $0xC558  }
0x198: {  	[hbm4b:s15+s3] =	stream.linear.scatter [tilespmem:s16], [sflag:$0x3], $0x80, $0x38;
	[tilespmem:$0x10D00] =	vst v63  }
0x199: {  	s15 =	sadd.s32 $0x40, s13;
	s16 =	simm.s32 $0xC5E0  }
0x19a: {  	[hbm4b:s15+s3] =	stream.linear.scatter [tilespmem:s16], [sflag:$0x3], $0x80, $0x38;
	[tilespmem:$0x10D00] =	vst v63  }
0x19b: {  	s15 =	sadd.s32 $0x50, s13;
	s16 =	simm.s32 $0xC668  }
0x19c: {  	[hbm4b:s15+s3] =	stream.linear.scatter [tilespmem:s16], [sflag:$0x3], $0x80, $0x38;
	[tilespmem:$0x10D00] =	vst v63  }
0x19d: {  	p0 =	seq.s32 s10, $0x18;
	s15 =	sadd.s32 $0x60, s13;
	s16 =	simm.s32 $0xC6F0  }
0x19e: {  	[hbm4b:s15+s3] =	stream.linear.scatter [tilespmem:s16], [sflag:$0x3], $0x80, $0x38;
	[tilespmem:$0x10D00] =	vst v63  }
0x19f: {  	s12 =	sadd.s32 @!p0 $0x2, s12;
	s13 =	sadd.s32 $0x70, s13;
	s16 =	simm.s32 $0xC778  }
0x1a0: {  	[hbm4b:s13+s3] =	stream.linear.scatter [tilespmem:s16], [sflag:$0x3], $0x80, $0x38;
	[tilespmem:$0x10D00] =	vst v63  }
0x1a1: {  	s14 =	rddreg [dreg:$0x3];
	s13 =	sshll.u32 @!p0 s12, $0xE  }
0x1a2: {  	s13 =	sor.u32 @!p0 s14, s13  }
0x1a3: {  	s15 =	simm.s32 @!p0 $0x1000;
	s13 =	sshrl.u32 @!p0 s13, $0x3  }
0x1a4: {  	s16 =	simm.s32 @!p0 $0x0;
	s14 =	simm.s32 @!p0 $0x80;
	s13 =	sadd.s32 @!p0 s18, s13  }
0x1a5: {  	[tilespmem:s16], [sflag:$0x5] =	stream.strided.gather @!p0 [hbm4b:s13+s14], $0x200, s15, s14, $0x38;
	[tilespmem:$0x10D00] =	vst v63  }
0x1a6: {  	s13 =	simm.s32 @!p0 $0x5  }
0x1a7: {  	_ =	swait.ge @!p0 [sflag:s13], $0x200  }
0x1a8: {  	s12 =	sshll.u32 @!p0 s12, $0x4;
	[sflag:s13] =	ssyncset.done @!p0 $0x0  }
0x1a9: {  	s12 =	sadd.s32 @!p0 s6, s12;
	s15 =	simm.s32 @!p0 $0x10C00;
	[sflag:s13] =	ssyncadd.s32 @!p0 $0xFFFFFE00  }
0x1aa: {  	[tilespmem:s15], [sflag:$0x5] =	stream.linear.gather @!p0 [hbm4b:s12+s16], $0x80, $0x38;
	[tilespmem:$0x10D00] =	vst v63  }
0x1ab: {  	_ =	swait.ge @!p0 [sflag:s13], $0x80  }
0x1ac: {  	[sflag:s13] =	ssyncset.done @!p0 $0x0  }
0x1ad: {  	s12 =	simm.s32 @!p0 $0x400;
	[sflag:s13] =	ssyncadd.s32 @!p0 $0xFFFFFF80  }
0x1ae: {  	[tilespmem:s12], [sflag:$0x1] =	stream.indirect.gather @!p0 [hbm4b:s5+s14], $0x20, s16, s14, $0xb8;
	[tilespmem:$0x10D00] =	vst v63  }
0x1af: {  	s12 =	simm.s32 @!p0 $0x1400  }
0x1b0: {  	[tilespmem:s12], [sflag:$0x1] =	stream.indirect.gather @!p0 [hbm4b:s5+s14], $0x20, s14, s14, $0xb8;
	[tilespmem:$0x10D00] =	vst v63  }
0x1b1: {  	s13 =	simm.s32 @!p0 $0x2400;
	s12 =	simm.s32 @!p0 $0x100  }
0x1b2: {  	[tilespmem:s13], [sflag:$0x1] =	stream.indirect.gather @!p0 [hbm4b:s5+s14], $0x20, s12, s14, $0xb8;
	[tilespmem:$0x10D00] =	vst v63  }
0x1b3: {  	p1 =	seq.s32 @!p0 s10, $0x0;
	s12 =	simm.s32 @!p0 $0x180;
	s13 =	simm.s32 @!p0 $0x3400  }
0x1b4: {  	[tilespmem:s13], [sflag:$0x1] =	stream.indirect.gather @!p0 [hbm4b:s5+s14], $0x20, s12, s14, $0xb8;
	[tilespmem:$0x10D00] =	vst v63  }
0x1b5: {  	p0 =	por p0, !p1  }
0x1b6: {  	_ =	swait.ge @p0 [sflag:s9], $0x400  }
0x1b7: {  	[sflag:s9] =	ssyncset.done @p0 $0x0  }
0x1b8: {  	[sflag:s9] =	ssyncadd.s32 @p0 $0xFFFFFC00  }
0x1b9: {  	_ =	swait.ge @p0 [sflag:s9], $0x400  }
0x1ba: {  	[sflag:s9] =	ssyncset.done @p0 $0x0  }
0x1bb: {  	[sflag:s9] =	ssyncadd.s32 @p0 $0xFFFFFC00  }
0x1bc: {  	_ =	swait.ge @p0 [sflag:s9], $0x400  }
0x1bd: {  	[sflag:s9] =	ssyncset.done @p0 $0x0  }
0x1be: {  	[sflag:s9] =	ssyncadd.s32 @p0 $0xFFFFFC00  }
0x1bf: {  	_ =	swait.ge @p0 [sflag:s9], $0x400  }
0x1c0: {  	[sflag:s9] =	ssyncset.done @p0 $0x0  }
0x1c1: {  	[sflag:s9] =	ssyncadd.s32 @p0 $0xFFFFFC00  }
0x1c2: {  	_ =	swait.ge @p0 [sflag:s9], $0x400  }
0x1c3: {  	[sflag:s9] =	ssyncset.done @p0 $0x0  }
0x1c4: {  	[sflag:s9] =	ssyncadd.s32 @p0 $0xFFFFFC00  }
0x1c5: {  	_ =	swait.ge @p0 [sflag:s9], $0x400  }
0x1c6: {  	[sflag:s9] =	ssyncset.done @p0 $0x0  }
0x1c7: {  	[sflag:s9] =	ssyncadd.s32 @p0 $0xFFFFFC00  }
0x1c8: {  	_ =	swait.ge @p0 [sflag:s9], $0x400  }
0x1c9: {  	[sflag:s9] =	ssyncset.done @p0 $0x0  }
0x1ca: {  	[sflag:s9] =	ssyncadd.s32 @p0 $0xFFFFFC00  }
0x1cb: {  	_ =	swait.ge @p0 [sflag:s9], $0x400  }
0x1cc: {  	[sflag:s9] =	ssyncset.done @p0 $0x0  }
0x1cd: {  	[sflag:s9] =	ssyncadd.s32 @p0 $0xFFFFFC00  }
0x1ce: {  	_ =	swait.ge @p0 [sflag:s9], $0x400  }
0x1cf: {  	[sflag:s9] =	ssyncset.done @p0 $0x0  }
0x1d0: {  	[sflag:s9] =	ssyncadd.s32 @p0 $0xFFFFFC00  }
0x1d1: {  	_ =	swait.ge @p0 [sflag:s9], $0x400  }
0x1d2: {  	[sflag:s9] =	ssyncset.done @p0 $0x0  }
0x1d3: {  	[sflag:s9] =	ssyncadd.s32 @p0 $0xFFFFFC00  }
0x1d4: {  	_ =	swait.ge @p0 [sflag:s9], $0x400  }
0x1d5: {  	[sflag:s9] =	ssyncset.done @p0 $0x0  }
0x1d6: {  	[sflag:s9] =	ssyncadd.s32 @p0 $0xFFFFFC00  }
0x1d7: {  	_ =	swait.ge @p0 [sflag:s9], $0x400  }
0x1d8: {  	[sflag:s9] =	ssyncset.done @p0 $0x0  }
0x1d9: {  	[sflag:s9] =	ssyncadd.s32 @p0 $0xFFFFFC00  }
0x1da: {  	_ =	swait.ge @p0 [sflag:s9], $0x400  }
0x1db: {  	[sflag:s9] =	ssyncset.done @p0 $0x0  }
0x1dc: {  	[sflag:s9] =	ssyncadd.s32 @p0 $0xFFFFFC00  }
0x1dd: {  	_ =	swait.ge @p0 [sflag:s9], $0x400  }
0x1de: {  	[sflag:s9] =	ssyncset.done @p0 $0x0  }
0x1df: {  	[sflag:s9] =	ssyncadd.s32 @p0 $0xFFFFFC00  }
0x1e0: {  	_ =	swait.ge @p0 [sflag:s9], $0x400  }
0x1e1: {  	[sflag:s9] =	ssyncset.done @p0 $0x0  }
0x1e2: {  	[sflag:s9] =	ssyncadd.s32 @p0 $0xFFFFFC00  }
0x1e3: {  	_ =	swait.ge @p0 [sflag:s9], $0x400  }
0x1e4: {  	[sflag:s9] =	ssyncset.done @p0 $0x0  }
0x1e5: {  	[sflag:s9] =	ssyncadd.s32 @p0 $0xFFFFFC00  }
0x1e6: {  	_ =	swait.ge [sflag:s28], $0x1000  }
0x1e7: {  	[sflag:s28] =	ssyncset.done $0x0  }
0x1e8: {  	[sflag:s28] =	ssyncadd.s32 $0xFFFFF000  }
0x1e9: {  	_ =	swait.ge [sflag:s28], $0x1000  }
0x1ea: {  	[sflag:s28] =	ssyncset.done $0x0  }
0x1eb: {  	[sflag:s28] =	ssyncadd.s32 $0xFFFFF000  }
0x1ec: {  	_ =	swait.ge [sflag:s28], $0x1000  }
0x1ed: {  	[sflag:s28] =	ssyncset.done $0x0  }
0x1ee: {  	[sflag:s28] =	ssyncadd.s32 $0xFFFFF000  }
0x1ef: {  	_ =	swait.ge [sflag:s28], $0x1000  }
0x1f0: {  	[sflag:s28] =	ssyncset.done $0x0  }
0x1f1: {  	[sflag:s28] =	ssyncadd.s32 $0xFFFFF000  }
0x1f2: {  	v11 =	vld [tilespmem:$0x10C80]  }
0x1f3: {  	v6 =	vld [tilespmem:$0x10C90]  }
0x1f4: {  	v5 =	vld [tilespmem:$0x10CA0]  }
0x1f5: {  	v4 =	vld [tilespmem:$0x10CB0]  }
0x1f6: {  	v3 =	vld [tilespmem:$0x10CC0]  }
0x1f7: {  	s12 =	simm.s32 $0x4400;
	v8 =	vld [tilespmem:$0x10CE0]  }
0x1f8: {  	v10 =	vld [tilespmem:s12+$0x3000]  }
0x1f9: {  	s13 =	simm.s32 $0x0;
	v2 =	vld [tilespmem:$0x10CD0]  }
0x1fa: {  	v7 =	vmov s13;
	v14 =	vld [tilespmem:$0x10CF0]  }
0x1fb: {  	v15 =	vand.u32 $0x7F, v7;
	v16 =	vld [tilespmem:s12+$0x3010]  }
0x1fc: {  	v7 =	vadd.s32 v0, v15;
	v17 =	vld [tilespmem:s12+$0x0]  }
0x1fd: {  	v13 =	vld [tilespmem:s12+$0x10];
	v18 =	vadd.f32 v8, v10;
	v8 =	vadd.s32 v1, v15  }
0x1fe: {  	v12 =	vld [tilespmem:s12+$0x1000]  }
0x1ff: {  	v9 =	vld [tilespmem:s12+$0x1010]  }
0x200: {  	v10 =	vld [tilespmem:s12+$0x2000];
	v15 =	vadd.f32 v14, v16  }
0x201: {  	s14 =	simm.s32 $0x0;
	v14 =	vadd.f32 v11, v17;
	v11 =	vld [tilespmem:s12+$0x2010];
	[tilespmem:v7+s7+$0x0] =	vst.idx.msk $0xffff, v18  }
.LBB2_5:
0x202: {  	v16 =	vld [tilespmem:$0x10C80];
	v13 =	vadd.f32 v6, v13;
	[tilespmem:v8+s7+$0x0] =	vst.idx.msk $0xffff, v15  }
0x203: {  	v6 =	vld [tilespmem:$0x10C90];
	[tilespmem:v7+s1+$0x0] =	vst.idx.msk $0xffff, v14;
	v12 =	vadd.f32 v5, v12  }
0x204: {  	v5 =	vld [tilespmem:$0x10CA0];
	[tilespmem:v8+s1+$0x0] =	vst.idx.msk $0xffff, v13;
	v9 =	vadd.f32 v4, v9  }
0x205: {  	v4 =	vld [tilespmem:$0x10CB0];
	[tilespmem:v7+s2+$0x0] =	vst.idx.msk $0xffff, v12;
	v10 =	vadd.f32 v3, v10  }
0x206: {  	v3 =	vld [tilespmem:$0x10CC0];
	[tilespmem:v8+s2+$0x0] =	vst.idx.msk $0xffff, v9;
	v9 =	vadd.f32 v2, v11  }
0x207: {  	v2 =	vld [tilespmem:$0x10CD0];
	[tilespmem:v7+s4+$0x0] =	vst.idx.msk $0xffff, v10  }
0x208: {  	v10 =	vld [tilespmem:$0x10CE0];
	[tilespmem:v8+s4+$0x0] =	vst.idx.msk $0xffff, v9  }
0x209: {  	s12 =	sadd.s32 $0x20, s12;
	s13 =	sadd.s32 $0x1, s13;
	v11 =	vld [tilespmem:$0x10CF0]  }
0x20a: {  	v7 =	vmov s13;
	v14 =	vld [tilespmem:s12+$0x3000]  }
0x20b: {  	s14 =	sadd.s32 $0x4, s14;
	v8 =	vand.u32 $0x7F, v7;
	v15 =	vld [tilespmem:s12+$0x3010]  }
0x20c: {  	p0 =	slt.u32 s14, $0x1FC;
	v7 =	vadd.s32 v0, v8;
	v17 =	vld [tilespmem:s12+$0x0]  }
.Ltmp1:
0x20d: {  	v8 =	vadd.s32 v1, v8;
	v13 =	vld [tilespmem:s12+$0x10];
	(pc) =	sbr.rel @p0 .LBB2_5-.Ltmp1, $4  }
0x20e: {  	v12 =	vld [tilespmem:s12+$0x1000]  }
0x20f: {  	v9 =	vld [tilespmem:s12+$0x1010];
	v18 =	vadd.f32 v10, v14  }
0x210: {  	v10 =	vld [tilespmem:s12+$0x2000];
	v15 =	vadd.f32 v11, v15  }
0x211: {  	v14 =	vadd.f32 v16, v17;
	v11 =	vld [tilespmem:s12+$0x2010];
	[tilespmem:v7+s7+$0x0] =	vst.idx.msk $0xffff, v18  }
0x212: {  	_ =	sdelay $0x3  }
0x213: {  	v6 =	vadd.f32 v6, v13;
	[tilespmem:v8+s7+$0x0] =	vst.idx.msk $0xffff, v15  }
0x214: {  	[tilespmem:v7+s1+$0x0] =	vst.idx.msk $0xffff, v14;
	v5 =	vadd.f32 v5, v12  }
0x215: {  	[tilespmem:v8+s1+$0x0] =	vst.idx.msk $0xffff, v6;
	v4 =	vadd.f32 v4, v9  }
0x216: {  	[tilespmem:v7+s2+$0x0] =	vst.idx.msk $0xffff, v5  }
0x217: {  	[tilespmem:v8+s2+$0x0] =	vst.idx.msk $0xffff, v4  }
0x218: {  	v3 =	vadd.f32 v3, v10;
	s12 =	rddreg [dreg:$0x5]  }
0x219: {  	v2 =	vadd.f32 v2, v11;
	s11 =	sor.u32 s12, s11  }
0x21a: {  	[tilespmem:v7+s4+$0x0] =	vst.idx.msk $0xffff, v3;
	s11 =	sshrl.u32 s11, $0x3  }
0x21b: {  	[tilespmem:v8+s4+$0x0] =	vst.idx.msk $0xffff, v2;
	s12 =	sadd.s32 s17, s11  }
0x21c: {  	[hbm4b:s12+s3] =	stream.linear.scatter [tilespmem:s1], [sflag:$0x4], $0x80, $0x38;
	[tilespmem:$0x10D00] =	vst v63  }
0x21d: {  	s14 =	simm.s32 $0xC888;
	s13 =	sadd.s32 $0x10, s12  }
0x21e: {  	[hbm4b:s13+s3] =	stream.linear.scatter [tilespmem:s14], [sflag:$0x4], $0x80, $0x38;
	[tilespmem:$0x10D00] =	vst v63  }
0x21f: {  	s16 =	smov.u32 s17;
	s17 =	simm.s32 $0xC910;
	s15 =	sadd.s32 $0x20, s12  }
0x220: {  	[hbm4b:s15+s3] =	stream.linear.scatter [tilespmem:s17], [sflag:$0x4], $0x80, $0x38;
	[tilespmem:$0x10D00] =	vst v63  }
0x221: {  	s15 =	sadd.s32 $0x30, s12;
	s17 =	simm.s32 $0xC998  }
0x222: {  	[hbm4b:s15+s3] =	stream.linear.scatter [tilespmem:s17], [sflag:$0x4], $0x80, $0x38;
	[tilespmem:$0x10D00] =	vst v63  }
0x223: {  	s15 =	sadd.s32 $0x40, s12;
	s17 =	simm.s32 $0xCA20  }
0x224: {  	[hbm4b:s15+s3] =	stream.linear.scatter [tilespmem:s17], [sflag:$0x4], $0x80, $0x38;
	[tilespmem:$0x10D00] =	vst v63  }
0x225: {  	s15 =	sadd.s32 $0x50, s12;
	s17 =	simm.s32 $0xCAA8  }
0x226: {  	[hbm4b:s15+s3] =	stream.linear.scatter [tilespmem:s17], [sflag:$0x4], $0x80, $0x38;
	[tilespmem:$0x10D00] =	vst v63  }
0x227: {  	s14 =	sadd.s32 $0x60, s12;
	s15 =	simm.s32 $0xCB30  }
0x228: {  	[hbm4b:s14+s3] =	stream.linear.scatter [tilespmem:s15], [sflag:$0x4], $0x80, $0x38;
	[tilespmem:$0x10D00] =	vst v63  }
0x229: {  	s13 =	rddreg [dreg:$0x6];
	s12 =	sadd.s32 $0x70, s12;
	s17 =	simm.s32 $0xCBB8  }
0x22a: {  	[hbm4b:s12+s3] =	stream.linear.scatter [tilespmem:s17], [sflag:$0x4], $0x80, $0x38;
	[tilespmem:$0x10D00] =	vst v63  }
0x22b: {  	s14 =	simm.s32 $0xCC40;
	s12 =	sadd.s32 s11, s13  }
0x22c: {  	[hbm4b:s12+s3] =	stream.linear.scatter [tilespmem:s14], [sflag:$0x4], $0x80, $0x38;
	[tilespmem:$0x10D00] =	vst v63  }
0x22d: {  	s17 =	simm.s32 $0xCCC8;
	s15 =	sadd.s32 $0x10, s12  }
0x22e: {  	[hbm4b:s15+s3] =	stream.linear.scatter [tilespmem:s17], [sflag:$0x4], $0x80, $0x38;
	[tilespmem:$0x10D00] =	vst v63  }
0x22f: {  	s15 =	sadd.s32 $0x20, s12;
	s17 =	simm.s32 $0xCD50  }
0x230: {  	[hbm4b:s15+s3] =	stream.linear.scatter [tilespmem:s17], [sflag:$0x4], $0x80, $0x38;
	[tilespmem:$0x10D00] =	vst v63  }
0x231: {  	s15 =	sadd.s32 $0x30, s12;
	s17 =	simm.s32 $0xCDD8  }
0x232: {  	[hbm4b:s15+s3] =	stream.linear.scatter [tilespmem:s17], [sflag:$0x4], $0x80, $0x38;
	[tilespmem:$0x10D00] =	vst v63  }
0x233: {  	s15 =	sadd.s32 $0x40, s12;
	s17 =	simm.s32 $0xCE60  }
0x234: {  	[hbm4b:s15+s3] =	stream.linear.scatter [tilespmem:s17], [sflag:$0x4], $0x80, $0x38;
	[tilespmem:$0x10D00] =	vst v63  }
0x235: {  	s15 =	sadd.s32 $0x50, s12;
	s17 =	simm.s32 $0xCEE8  }
0x236: {  	[hbm4b:s15+s3] =	stream.linear.scatter [tilespmem:s17], [sflag:$0x4], $0x80, $0x38;
	[tilespmem:$0x10D00] =	vst v63  }
0x237: {  	s14 =	sadd.s32 $0x60, s12;
	s15 =	simm.s32 $0xCF70  }
0x238: {  	[hbm4b:s14+s3] =	stream.linear.scatter [tilespmem:s15], [sflag:$0x4], $0x80, $0x38;
	[tilespmem:$0x10D00] =	vst v63  }
0x239: {  	s13 =	rddreg [dreg:$0x7];
	s12 =	sadd.s32 $0x70, s12;
	s17 =	simm.s32 $0xCFF8  }
0x23a: {  	[hbm4b:s12+s3] =	stream.linear.scatter [tilespmem:s17], [sflag:$0x4], $0x80, $0x38;
	[tilespmem:$0x10D00] =	vst v63  }
0x23b: {  	s14 =	simm.s32 $0xD080;
	s12 =	sadd.s32 s11, s13  }
0x23c: {  	[hbm4b:s12+s3] =	stream.linear.scatter [tilespmem:s14], [sflag:$0x4], $0x80, $0x38;
	[tilespmem:$0x10D00] =	vst v63  }
0x23d: {  	s17 =	simm.s32 $0xD108;
	s15 =	sadd.s32 $0x10, s12  }
0x23e: {  	[hbm4b:s15+s3] =	stream.linear.scatter [tilespmem:s17], [sflag:$0x4], $0x80, $0x38;
	[tilespmem:$0x10D00] =	vst v63  }
0x23f: {  	s15 =	sadd.s32 $0x20, s12;
	s17 =	simm.s32 $0xD190  }
0x240: {  	[hbm4b:s15+s3] =	stream.linear.scatter [tilespmem:s17], [sflag:$0x4], $0x80, $0x38;
	[tilespmem:$0x10D00] =	vst v63  }
0x241: {  	s15 =	sadd.s32 $0x30, s12;
	s17 =	simm.s32 $0xD218  }
0x242: {  	[hbm4b:s15+s3] =	stream.linear.scatter [tilespmem:s17], [sflag:$0x4], $0x80, $0x38;
	[tilespmem:$0x10D00] =	vst v63  }
0x243: {  	s15 =	sadd.s32 $0x40, s12;
	s17 =	simm.s32 $0xD2A0  }
0x244: {  	[hbm4b:s15+s3] =	stream.linear.scatter [tilespmem:s17], [sflag:$0x4], $0x80, $0x38;
	[tilespmem:$0x10D00] =	vst v63  }
0x245: {  	s15 =	sadd.s32 $0x50, s12;
	s17 =	simm.s32 $0xD328  }
0x246: {  	[hbm4b:s15+s3] =	stream.linear.scatter [tilespmem:s17], [sflag:$0x4], $0x80, $0x38;
	[tilespmem:$0x10D00] =	vst v63  }
0x247: {  	s14 =	sadd.s32 $0x60, s12;
	s15 =	simm.s32 $0xD3B0  }
0x248: {  	[hbm4b:s14+s3] =	stream.linear.scatter [tilespmem:s15], [sflag:$0x4], $0x80, $0x38;
	[tilespmem:$0x10D00] =	vst v63  }
0x249: {  	s13 =	rddreg [dreg:$0x8];
	s12 =	sadd.s32 $0x70, s12;
	s17 =	simm.s32 $0xD438  }
0x24a: {  	[hbm4b:s12+s3] =	stream.linear.scatter [tilespmem:s17], [sflag:$0x4], $0x80, $0x38;
	[tilespmem:$0x10D00] =	vst v63  }
0x24b: {  	s14 =	simm.s32 $0xD4C0;
	s12 =	sadd.s32 s11, s13  }
0x24c: {  	[hbm4b:s12+s3] =	stream.linear.scatter [tilespmem:s14], [sflag:$0x4], $0x80, $0x38;
	[tilespmem:$0x10D00] =	vst v63  }
0x24d: {  	s17 =	simm.s32 $0xD548;
	s15 =	sadd.s32 $0x10, s12  }
0x24e: {  	[hbm4b:s15+s3] =	stream.linear.scatter [tilespmem:s17], [sflag:$0x4], $0x80, $0x38;
	[tilespmem:$0x10D00] =	vst v63  }
0x24f: {  	s15 =	sadd.s32 $0x20, s12;
	s17 =	simm.s32 $0xD5D0  }
0x250: {  	[hbm4b:s15+s3] =	stream.linear.scatter [tilespmem:s17], [sflag:$0x4], $0x80, $0x38;
	[tilespmem:$0x10D00] =	vst v63  }
0x251: {  	s15 =	sadd.s32 $0x30, s12;
	s17 =	simm.s32 $0xD658  }
0x252: {  	[hbm4b:s15+s3] =	stream.linear.scatter [tilespmem:s17], [sflag:$0x4], $0x80, $0x38;
	[tilespmem:$0x10D00] =	vst v63  }
0x253: {  	s15 =	sadd.s32 $0x40, s12;
	s17 =	simm.s32 $0xD6E0  }
0x254: {  	[hbm4b:s15+s3] =	stream.linear.scatter [tilespmem:s17], [sflag:$0x4], $0x80, $0x38;
	[tilespmem:$0x10D00] =	vst v63  }
0x255: {  	s15 =	sadd.s32 $0x50, s12;
	s17 =	simm.s32 $0xD768  }
0x256: {  	[hbm4b:s15+s3] =	stream.linear.scatter [tilespmem:s17], [sflag:$0x4], $0x80, $0x38;
	[tilespmem:$0x10D00] =	vst v63  }
0x257: {  	s14 =	sadd.s32 $0x60, s12;
	s15 =	simm.s32 $0xD7F0  }
0x258: {  	[hbm4b:s14+s3] =	stream.linear.scatter [tilespmem:s15], [sflag:$0x4], $0x80, $0x38;
	[tilespmem:$0x10D00] =	vst v63  }
0x259: {  	s12 =	sadd.s32 $0x70, s12;
	s17 =	simm.s32 $0xD878;
	s14 =	rddreg [dreg:$0x9]  }
0x25a: {  	[hbm4b:s12+s3] =	stream.linear.scatter [tilespmem:s17], [sflag:$0x4], $0x80, $0x38;
	[tilespmem:$0x10D00] =	vst v63  }
0x25b: {  	s12 =	sadd.s32 s11, s14  }
0x25c: {  	[hbm4b:s12+s3] =	stream.linear.scatter [tilespmem:s2], [sflag:$0x4], $0x80, $0x38;
	[tilespmem:$0x10D00] =	vst v63  }
0x25d: {  	s17 =	simm.s32 $0xD988;
	s15 =	sadd.s32 $0x10, s12  }
0x25e: {  	[hbm4b:s15+s3] =	stream.linear.scatter [tilespmem:s17], [sflag:$0x4], $0x80, $0x38;
	[tilespmem:$0x10D00] =	vst v63  }
0x25f: {  	s15 =	sadd.s32 $0x20, s12;
	s17 =	simm.s32 $0xDA10  }
0x260: {  	[hbm4b:s15+s3] =	stream.linear.scatter [tilespmem:s17], [sflag:$0x4], $0x80, $0x38;
	[tilespmem:$0x10D00] =	vst v63  }
0x261: {  	s15 =	sadd.s32 $0x30, s12;
	s17 =	simm.s32 $0xDA98  }
0x262: {  	[hbm4b:s15+s3] =	stream.linear.scatter [tilespmem:s17], [sflag:$0x4], $0x80, $0x38;
	[tilespmem:$0x10D00] =	vst v63  }
0x263: {  	s15 =	sadd.s32 $0x40, s12;
	s17 =	simm.s32 $0xDB20  }
0x264: {  	[hbm4b:s15+s3] =	stream.linear.scatter [tilespmem:s17], [sflag:$0x4], $0x80, $0x38;
	[tilespmem:$0x10D00] =	vst v63  }
0x265: {  	s15 =	sadd.s32 $0x50, s12;
	s17 =	simm.s32 $0xDBA8  }
0x266: {  	[hbm4b:s15+s3] =	stream.linear.scatter [tilespmem:s17], [sflag:$0x4], $0x80, $0x38;
	[tilespmem:$0x10D00] =	vst v63  }
0x267: {  	s14 =	sadd.s32 $0x60, s12;
	s15 =	simm.s32 $0xDC30  }
0x268: {  	[hbm4b:s14+s3] =	stream.linear.scatter [tilespmem:s15], [sflag:$0x4], $0x80, $0x38;
	[tilespmem:$0x10D00] =	vst v63  }
0x269: {  	s13 =	rddreg [dreg:$0xa];
	s12 =	sadd.s32 $0x70, s12;
	s17 =	simm.s32 $0xDCB8  }
0x26a: {  	[hbm4b:s12+s3] =	stream.linear.scatter [tilespmem:s17], [sflag:$0x4], $0x80, $0x38;
	[tilespmem:$0x10D00] =	vst v63  }
0x26b: {  	s14 =	simm.s32 $0xDD40;
	s12 =	sadd.s32 s11, s13  }
0x26c: {  	[hbm4b:s12+s3] =	stream.linear.scatter [tilespmem:s14], [sflag:$0x4], $0x80, $0x38;
	[tilespmem:$0x10D00] =	vst v63  }
0x26d: {  	s17 =	simm.s32 $0xDDC8;
	s15 =	sadd.s32 $0x10, s12  }
0x26e: {  	[hbm4b:s15+s3] =	stream.linear.scatter [tilespmem:s17], [sflag:$0x4], $0x80, $0x38;
	[tilespmem:$0x10D00] =	vst v63  }
0x26f: {  	s15 =	sadd.s32 $0x20, s12;
	s17 =	simm.s32 $0xDE50  }
0x270: {  	[hbm4b:s15+s3] =	stream.linear.scatter [tilespmem:s17], [sflag:$0x4], $0x80, $0x38;
	[tilespmem:$0x10D00] =	vst v63  }
0x271: {  	s15 =	sadd.s32 $0x30, s12;
	s17 =	simm.s32 $0xDED8  }
0x272: {  	[hbm4b:s15+s3] =	stream.linear.scatter [tilespmem:s17], [sflag:$0x4], $0x80, $0x38;
	[tilespmem:$0x10D00] =	vst v63  }
0x273: {  	s15 =	sadd.s32 $0x40, s12;
	s17 =	simm.s32 $0xDF60  }
0x274: {  	[hbm4b:s15+s3] =	stream.linear.scatter [tilespmem:s17], [sflag:$0x4], $0x80, $0x38;
	[tilespmem:$0x10D00] =	vst v63  }
0x275: {  	s15 =	sadd.s32 $0x50, s12;
	s17 =	simm.s32 $0xDFE8  }
0x276: {  	[hbm4b:s15+s3] =	stream.linear.scatter [tilespmem:s17], [sflag:$0x4], $0x80, $0x38;
	[tilespmem:$0x10D00] =	vst v63  }
0x277: {  	s14 =	sadd.s32 $0x60, s12;
	s15 =	simm.s32 $0xE070  }
0x278: {  	[hbm4b:s14+s3] =	stream.linear.scatter [tilespmem:s15], [sflag:$0x4], $0x80, $0x38;
	[tilespmem:$0x10D00] =	vst v63  }
0x279: {  	s13 =	rddreg [dreg:$0xb];
	s12 =	sadd.s32 $0x70, s12;
	s17 =	simm.s32 $0xE0F8  }
0x27a: {  	[hbm4b:s12+s3] =	stream.linear.scatter [tilespmem:s17], [sflag:$0x4], $0x80, $0x38;
	[tilespmem:$0x10D00] =	vst v63  }
0x27b: {  	s14 =	simm.s32 $0xE180;
	s12 =	sadd.s32 s11, s13  }
0x27c: {  	[hbm4b:s12+s3] =	stream.linear.scatter [tilespmem:s14], [sflag:$0x4], $0x80, $0x38;
	[tilespmem:$0x10D00] =	vst v63  }
0x27d: {  	s17 =	simm.s32 $0xE208;
	s15 =	sadd.s32 $0x10, s12  }
0x27e: {  	[hbm4b:s15+s3] =	stream.linear.scatter [tilespmem:s17], [sflag:$0x4], $0x80, $0x38;
	[tilespmem:$0x10D00] =	vst v63  }
0x27f: {  	s15 =	sadd.s32 $0x20, s12;
	s17 =	simm.s32 $0xE290  }
0x280: {  	[hbm4b:s15+s3] =	stream.linear.scatter [tilespmem:s17], [sflag:$0x4], $0x80, $0x38;
	[tilespmem:$0x10D00] =	vst v63  }
0x281: {  	s15 =	sadd.s32 $0x30, s12;
	s17 =	simm.s32 $0xE318  }
0x282: {  	[hbm4b:s15+s3] =	stream.linear.scatter [tilespmem:s17], [sflag:$0x4], $0x80, $0x38;
	[tilespmem:$0x10D00] =	vst v63  }
0x283: {  	s15 =	sadd.s32 $0x40, s12;
	s17 =	simm.s32 $0xE3A0  }
0x284: {  	[hbm4b:s15+s3] =	stream.linear.scatter [tilespmem:s17], [sflag:$0x4], $0x80, $0x38;
	[tilespmem:$0x10D00] =	vst v63  }
0x285: {  	s15 =	sadd.s32 $0x50, s12;
	s17 =	simm.s32 $0xE428  }
0x286: {  	[hbm4b:s15+s3] =	stream.linear.scatter [tilespmem:s17], [sflag:$0x4], $0x80, $0x38;
	[tilespmem:$0x10D00] =	vst v63  }
0x287: {  	s14 =	sadd.s32 $0x60, s12;
	s15 =	simm.s32 $0xE4B0  }
0x288: {  	[hbm4b:s14+s3] =	stream.linear.scatter [tilespmem:s15], [sflag:$0x4], $0x80, $0x38;
	[tilespmem:$0x10D00] =	vst v63  }
0x289: {  	s13 =	rddreg [dreg:$0xc];
	s12 =	sadd.s32 $0x70, s12;
	s17 =	simm.s32 $0xE538  }
0x28a: {  	[hbm4b:s12+s3] =	stream.linear.scatter [tilespmem:s17], [sflag:$0x4], $0x80, $0x38;
	[tilespmem:$0x10D00] =	vst v63  }
0x28b: {  	s14 =	simm.s32 $0xE5C0;
	s12 =	sadd.s32 s11, s13  }
0x28c: {  	[hbm4b:s12+s3] =	stream.linear.scatter [tilespmem:s14], [sflag:$0x4], $0x80, $0x38;
	[tilespmem:$0x10D00] =	vst v63  }
0x28d: {  	s17 =	simm.s32 $0xE648;
	s15 =	sadd.s32 $0x10, s12  }
0x28e: {  	[hbm4b:s15+s3] =	stream.linear.scatter [tilespmem:s17], [sflag:$0x4], $0x80, $0x38;
	[tilespmem:$0x10D00] =	vst v63  }
0x28f: {  	s15 =	sadd.s32 $0x20, s12;
	s17 =	simm.s32 $0xE6D0  }
0x290: {  	[hbm4b:s15+s3] =	stream.linear.scatter [tilespmem:s17], [sflag:$0x4], $0x80, $0x38;
	[tilespmem:$0x10D00] =	vst v63  }
0x291: {  	s15 =	sadd.s32 $0x30, s12;
	s17 =	simm.s32 $0xE758  }
0x292: {  	[hbm4b:s15+s3] =	stream.linear.scatter [tilespmem:s17], [sflag:$0x4], $0x80, $0x38;
	[tilespmem:$0x10D00] =	vst v63  }
0x293: {  	s15 =	sadd.s32 $0x40, s12;
	s17 =	simm.s32 $0xE7E0  }
0x294: {  	[hbm4b:s15+s3] =	stream.linear.scatter [tilespmem:s17], [sflag:$0x4], $0x80, $0x38;
	[tilespmem:$0x10D00] =	vst v63  }
0x295: {  	s15 =	sadd.s32 $0x50, s12;
	s17 =	simm.s32 $0xE868  }
0x296: {  	[hbm4b:s15+s3] =	stream.linear.scatter [tilespmem:s17], [sflag:$0x4], $0x80, $0x38;
	[tilespmem:$0x10D00] =	vst v63  }
0x297: {  	s14 =	sadd.s32 $0x60, s12;
	s15 =	simm.s32 $0xE8F0  }
0x298: {  	[hbm4b:s14+s3] =	stream.linear.scatter [tilespmem:s15], [sflag:$0x4], $0x80, $0x38;
	[tilespmem:$0x10D00] =	vst v63  }
0x299: {  	s12 =	sadd.s32 $0x70, s12;
	s17 =	simm.s32 $0xE978;
	s14 =	rddreg [dreg:$0xd]  }
0x29a: {  	[hbm4b:s12+s3] =	stream.linear.scatter [tilespmem:s17], [sflag:$0x4], $0x80, $0x38;
	[tilespmem:$0x10D00] =	vst v63  }
0x29b: {  	s12 =	sadd.s32 s11, s14  }
0x29c: {  	[hbm4b:s12+s3] =	stream.linear.scatter [tilespmem:s4], [sflag:$0x4], $0x80, $0x38;
	[tilespmem:$0x10D00] =	vst v63  }
0x29d: {  	s17 =	simm.s32 $0xEA88;
	s15 =	sadd.s32 $0x10, s12  }
0x29e: {  	[hbm4b:s15+s3] =	stream.linear.scatter [tilespmem:s17], [sflag:$0x4], $0x80, $0x38;
	[tilespmem:$0x10D00] =	vst v63  }
0x29f: {  	s15 =	sadd.s32 $0x20, s12;
	s17 =	simm.s32 $0xEB10  }
0x2a0: {  	[hbm4b:s15+s3] =	stream.linear.scatter [tilespmem:s17], [sflag:$0x4], $0x80, $0x38;
	[tilespmem:$0x10D00] =	vst v63  }
0x2a1: {  	s15 =	sadd.s32 $0x30, s12;
	s17 =	simm.s32 $0xEB98  }
0x2a2: {  	[hbm4b:s15+s3] =	stream.linear.scatter [tilespmem:s17], [sflag:$0x4], $0x80, $0x38;
	[tilespmem:$0x10D00] =	vst v63  }
0x2a3: {  	s15 =	sadd.s32 $0x40, s12;
	s17 =	simm.s32 $0xEC20  }
0x2a4: {  	[hbm4b:s15+s3] =	stream.linear.scatter [tilespmem:s17], [sflag:$0x4], $0x80, $0x38;
	[tilespmem:$0x10D00] =	vst v63  }
0x2a5: {  	s15 =	sadd.s32 $0x50, s12;
	s17 =	simm.s32 $0xECA8  }
0x2a6: {  	[hbm4b:s15+s3] =	stream.linear.scatter [tilespmem:s17], [sflag:$0x4], $0x80, $0x38;
	[tilespmem:$0x10D00] =	vst v63  }
0x2a7: {  	s14 =	sadd.s32 $0x60, s12;
	s15 =	simm.s32 $0xED30  }
0x2a8: {  	[hbm4b:s14+s3] =	stream.linear.scatter [tilespmem:s15], [sflag:$0x4], $0x80, $0x38;
	[tilespmem:$0x10D00] =	vst v63  }
0x2a9: {  	s13 =	rddreg [dreg:$0xe];
	s12 =	sadd.s32 $0x70, s12;
	s17 =	simm.s32 $0xEDB8  }
0x2aa: {  	[hbm4b:s12+s3] =	stream.linear.scatter [tilespmem:s17], [sflag:$0x4], $0x80, $0x38;
	[tilespmem:$0x10D00] =	vst v63  }
0x2ab: {  	s14 =	simm.s32 $0xEE40;
	s12 =	sadd.s32 s11, s13  }
0x2ac: {  	[hbm4b:s12+s3] =	stream.linear.scatter [tilespmem:s14], [sflag:$0x4], $0x80, $0x38;
	[tilespmem:$0x10D00] =	vst v63  }
0x2ad: {  	s17 =	simm.s32 $0xEEC8;
	s15 =	sadd.s32 $0x10, s12  }
0x2ae: {  	[hbm4b:s15+s3] =	stream.linear.scatter [tilespmem:s17], [sflag:$0x4], $0x80, $0x38;
	[tilespmem:$0x10D00] =	vst v63  }
0x2af: {  	s15 =	sadd.s32 $0x20, s12;
	s17 =	simm.s32 $0xEF50  }
0x2b0: {  	[hbm4b:s15+s3] =	stream.linear.scatter [tilespmem:s17], [sflag:$0x4], $0x80, $0x38;
	[tilespmem:$0x10D00] =	vst v63  }
0x2b1: {  	s15 =	sadd.s32 $0x30, s12;
	s17 =	simm.s32 $0xEFD8  }
0x2b2: {  	[hbm4b:s15+s3] =	stream.linear.scatter [tilespmem:s17], [sflag:$0x4], $0x80, $0x38;
	[tilespmem:$0x10D00] =	vst v63  }
0x2b3: {  	s15 =	sadd.s32 $0x40, s12;
	s17 =	simm.s32 $0xF060  }
0x2b4: {  	[hbm4b:s15+s3] =	stream.linear.scatter [tilespmem:s17], [sflag:$0x4], $0x80, $0x38;
	[tilespmem:$0x10D00] =	vst v63  }
0x2b5: {  	s15 =	sadd.s32 $0x50, s12;
	s17 =	simm.s32 $0xF0E8  }
0x2b6: {  	[hbm4b:s15+s3] =	stream.linear.scatter [tilespmem:s17], [sflag:$0x4], $0x80, $0x38;
	[tilespmem:$0x10D00] =	vst v63  }
0x2b7: {  	s14 =	sadd.s32 $0x60, s12;
	s15 =	simm.s32 $0xF170  }
0x2b8: {  	[hbm4b:s14+s3] =	stream.linear.scatter [tilespmem:s15], [sflag:$0x4], $0x80, $0x38;
	[tilespmem:$0x10D00] =	vst v63  }
0x2b9: {  	s12 =	sadd.s32 $0x70, s12;
	s17 =	simm.s32 $0xF1F8  }
0x2ba: {  	[hbm4b:s12+s3] =	stream.linear.scatter [tilespmem:s17], [sflag:$0x4], $0x80, $0x38;
	[tilespmem:$0x10D00] =	vst v63  }
0x2bb: {  	s14 =	simm.s32 $0xF280;
	s12 =	sadd.s32 s11, s19  }
0x2bc: {  	[hbm4b:s12+s3] =	stream.linear.scatter [tilespmem:s14], [sflag:$0x4], $0x80, $0x38;
	[tilespmem:$0x10D00] =	vst v63  }
0x2bd: {  	s17 =	simm.s32 $0xF308;
	s15 =	sadd.s32 $0x10, s12  }
0x2be: {  	[hbm4b:s15+s3] =	stream.linear.scatter [tilespmem:s17], [sflag:$0x4], $0x80, $0x38;
	[tilespmem:$0x10D00] =	vst v63  }
0x2bf: {  	s15 =	sadd.s32 $0x20, s12;
	s17 =	simm.s32 $0xF390  }
0x2c0: {  	[hbm4b:s15+s3] =	stream.linear.scatter [tilespmem:s17], [sflag:$0x4], $0x80, $0x38;
	[tilespmem:$0x10D00] =	vst v63  }
0x2c1: {  	s15 =	sadd.s32 $0x30, s12;
	s17 =	simm.s32 $0xF418  }
0x2c2: {  	[hbm4b:s15+s3] =	stream.linear.scatter [tilespmem:s17], [sflag:$0x4], $0x80, $0x38;
	[tilespmem:$0x10D00] =	vst v63  }
0x2c3: {  	s15 =	sadd.s32 $0x40, s12;
	s17 =	simm.s32 $0xF4A0  }
0x2c4: {  	[hbm4b:s15+s3] =	stream.linear.scatter [tilespmem:s17], [sflag:$0x4], $0x80, $0x38;
	[tilespmem:$0x10D00] =	vst v63  }
0x2c5: {  	s15 =	sadd.s32 $0x50, s12;
	s17 =	simm.s32 $0xF528  }
0x2c6: {  	[hbm4b:s15+s3] =	stream.linear.scatter [tilespmem:s17], [sflag:$0x4], $0x80, $0x38;
	[tilespmem:$0x10D00] =	vst v63  }
0x2c7: {  	s14 =	sadd.s32 $0x60, s12;
	s15 =	simm.s32 $0xF5B0  }
0x2c8: {  	[hbm4b:s14+s3] =	stream.linear.scatter [tilespmem:s15], [sflag:$0x4], $0x80, $0x38;
	[tilespmem:$0x10D00] =	vst v63  }
0x2c9: {  	s12 =	sadd.s32 $0x70, s12;
	s17 =	simm.s32 $0xF638  }
0x2ca: {  	[hbm4b:s12+s3] =	stream.linear.scatter [tilespmem:s17], [sflag:$0x4], $0x80, $0x38;
	[tilespmem:$0x10D00] =	vst v63  }
0x2cb: {  	s14 =	simm.s32 $0xF6C0;
	s12 =	sadd.s32 s11, s20  }
0x2cc: {  	[hbm4b:s12+s3] =	stream.linear.scatter [tilespmem:s14], [sflag:$0x4], $0x80, $0x38;
	[tilespmem:$0x10D00] =	vst v63  }
0x2cd: {  	s17 =	simm.s32 $0xF748;
	s15 =	sadd.s32 $0x10, s12  }
0x2ce: {  	[hbm4b:s15+s3] =	stream.linear.scatter [tilespmem:s17], [sflag:$0x4], $0x80, $0x38;
	[tilespmem:$0x10D00] =	vst v63  }
0x2cf: {  	s15 =	sadd.s32 $0x20, s12;
	s17 =	simm.s32 $0xF7D0  }
0x2d0: {  	[hbm4b:s15+s3] =	stream.linear.scatter [tilespmem:s17], [sflag:$0x4], $0x80, $0x38;
	[tilespmem:$0x10D00] =	vst v63  }
0x2d1: {  	s15 =	sadd.s32 $0x30, s12;
	s17 =	simm.s32 $0xF858  }
0x2d2: {  	[hbm4b:s15+s3] =	stream.linear.scatter [tilespmem:s17], [sflag:$0x4], $0x80, $0x38;
	[tilespmem:$0x10D00] =	vst v63  }
0x2d3: {  	s15 =	sadd.s32 $0x40, s12;
	s17 =	simm.s32 $0xF8E0  }
0x2d4: {  	[hbm4b:s15+s3] =	stream.linear.scatter [tilespmem:s17], [sflag:$0x4], $0x80, $0x38;
	[tilespmem:$0x10D00] =	vst v63  }
0x2d5: {  	s15 =	sadd.s32 $0x50, s12;
	s17 =	simm.s32 $0xF968  }
0x2d6: {  	[hbm4b:s15+s3] =	stream.linear.scatter [tilespmem:s17], [sflag:$0x4], $0x80, $0x38;
	[tilespmem:$0x10D00] =	vst v63  }
0x2d7: {  	s15 =	sadd.s32 $0x60, s12;
	s17 =	simm.s32 $0xF9F0  }
0x2d8: {  	[hbm4b:s15+s3] =	stream.linear.scatter [tilespmem:s17], [sflag:$0x4], $0x80, $0x38;
	[tilespmem:$0x10D00] =	vst v63  }
0x2d9: {  	s14 =	simm.s32 $0xFA78;
	s12 =	sadd.s32 $0x70, s12  }
0x2da: {  	[hbm4b:s12+s3] =	stream.linear.scatter [tilespmem:s14], [sflag:$0x4], $0x80, $0x38;
	[tilespmem:$0x10D00] =	vst v63  }
0x2db: {  	s12 =	sadd.s32 s11, s21  }
0x2dc: {  	[hbm4b:s12+s3] =	stream.linear.scatter [tilespmem:s7], [sflag:$0x4], $0x80, $0x38;
	[tilespmem:$0x10D00] =	vst v63  }
0x2dd: {  	s17 =	simm.s32 $0xFB88;
	s15 =	sadd.s32 $0x10, s12  }
0x2de: {  	[hbm4b:s15+s3] =	stream.linear.scatter [tilespmem:s17], [sflag:$0x4], $0x80, $0x38;
	[tilespmem:$0x10D00] =	vst v63  }
0x2df: {  	s15 =	sadd.s32 $0x20, s12;
	s17 =	simm.s32 $0xFC10  }
0x2e0: {  	[hbm4b:s15+s3] =	stream.linear.scatter [tilespmem:s17], [sflag:$0x4], $0x80, $0x38;
	[tilespmem:$0x10D00] =	vst v63  }
0x2e1: {  	s15 =	sadd.s32 $0x30, s12;
	s17 =	simm.s32 $0xFC98  }
0x2e2: {  	[hbm4b:s15+s3] =	stream.linear.scatter [tilespmem:s17], [sflag:$0x4], $0x80, $0x38;
	[tilespmem:$0x10D00] =	vst v63  }
0x2e3: {  	s15 =	sadd.s32 $0x40, s12;
	s17 =	simm.s32 $0xFD20  }
0x2e4: {  	[hbm4b:s15+s3] =	stream.linear.scatter [tilespmem:s17], [sflag:$0x4], $0x80, $0x38;
	[tilespmem:$0x10D00] =	vst v63  }
0x2e5: {  	s15 =	sadd.s32 $0x50, s12;
	s17 =	simm.s32 $0xFDA8  }
0x2e6: {  	[hbm4b:s15+s3] =	stream.linear.scatter [tilespmem:s17], [sflag:$0x4], $0x80, $0x38;
	[tilespmem:$0x10D00] =	vst v63  }
0x2e7: {  	s14 =	sadd.s32 $0x60, s12;
	s15 =	simm.s32 $0xFE30  }
0x2e8: {  	[hbm4b:s14+s3] =	stream.linear.scatter [tilespmem:s15], [sflag:$0x4], $0x80, $0x38;
	[tilespmem:$0x10D00] =	vst v63  }
0x2e9: {  	s12 =	sadd.s32 $0x70, s12;
	s17 =	simm.s32 $0xFEB8  }
0x2ea: {  	[hbm4b:s12+s3] =	stream.linear.scatter [tilespmem:s17], [sflag:$0x4], $0x80, $0x38;
	[tilespmem:$0x10D00] =	vst v63  }
0x2eb: {  	s14 =	simm.s32 $0xFF40;
	s12 =	sadd.s32 s11, s22  }
0x2ec: {  	[hbm4b:s12+s3] =	stream.linear.scatter [tilespmem:s14], [sflag:$0x4], $0x80, $0x38;
	[tilespmem:$0x10D00] =	vst v63  }
0x2ed: {  	s17 =	simm.s32 $0xFFC8;
	s15 =	sadd.s32 $0x10, s12  }
0x2ee: {  	[hbm4b:s15+s3] =	stream.linear.scatter [tilespmem:s17], [sflag:$0x4], $0x80, $0x38;
	[tilespmem:$0x10D00] =	vst v63  }
0x2ef: {  	s15 =	sadd.s32 $0x20, s12;
	s17 =	simm.s32 $0x10050  }
0x2f0: {  	[hbm4b:s15+s3] =	stream.linear.scatter [tilespmem:s17], [sflag:$0x4], $0x80, $0x38;
	[tilespmem:$0x10D00] =	vst v63  }
0x2f1: {  	s15 =	sadd.s32 $0x30, s12;
	s17 =	simm.s32 $0x100D8  }
0x2f2: {  	[hbm4b:s15+s3] =	stream.linear.scatter [tilespmem:s17], [sflag:$0x4], $0x80, $0x38;
	[tilespmem:$0x10D00] =	vst v63  }
0x2f3: {  	s15 =	sadd.s32 $0x40, s12;
	s17 =	simm.s32 $0x10160  }
0x2f4: {  	[hbm4b:s15+s3] =	stream.linear.scatter [tilespmem:s17], [sflag:$0x4], $0x80, $0x38;
	[tilespmem:$0x10D00] =	vst v63  }
0x2f5: {  	s15 =	sadd.s32 $0x50, s12;
	s17 =	simm.s32 $0x101E8  }
0x2f6: {  	[hbm4b:s15+s3] =	stream.linear.scatter [tilespmem:s17], [sflag:$0x4], $0x80, $0x38;
	[tilespmem:$0x10D00] =	vst v63  }
0x2f7: {  	s14 =	sadd.s32 $0x60, s12;
	s15 =	simm.s32 $0x10270  }
0x2f8: {  	[hbm4b:s14+s3] =	stream.linear.scatter [tilespmem:s15], [sflag:$0x4], $0x80, $0x38;
	[tilespmem:$0x10D00] =	vst v63  }
0x2f9: {  	s12 =	sadd.s32 $0x70, s12;
	s17 =	simm.s32 $0x102F8  }
0x2fa: {  	[hbm4b:s12+s3] =	stream.linear.scatter [tilespmem:s17], [sflag:$0x4], $0x80, $0x38;
	[tilespmem:$0x10D00] =	vst v63  }
0x2fb: {  	s14 =	simm.s32 $0x10380;
	s12 =	sadd.s32 s11, s23  }
0x2fc: {  	[hbm4b:s12+s3] =	stream.linear.scatter [tilespmem:s14], [sflag:$0x4], $0x80, $0x38;
	[tilespmem:$0x10D00] =	vst v63  }
0x2fd: {  	s17 =	simm.s32 $0x10408;
	s15 =	sadd.s32 $0x10, s12  }
0x2fe: {  	[hbm4b:s15+s3] =	stream.linear.scatter [tilespmem:s17], [sflag:$0x4], $0x80, $0x38;
	[tilespmem:$0x10D00] =	vst v63  }
0x2ff: {  	s15 =	sadd.s32 $0x20, s12;
	s17 =	simm.s32 $0x10490  }
0x300: {  	[hbm4b:s15+s3] =	stream.linear.scatter [tilespmem:s17], [sflag:$0x4], $0x80, $0x38;
	[tilespmem:$0x10D00] =	vst v63  }
0x301: {  	s15 =	sadd.s32 $0x30, s12;
	s17 =	simm.s32 $0x10518  }
0x302: {  	[hbm4b:s15+s3] =	stream.linear.scatter [tilespmem:s17], [sflag:$0x4], $0x80, $0x38;
	[tilespmem:$0x10D00] =	vst v63  }
0x303: {  	s15 =	sadd.s32 $0x40, s12;
	s17 =	simm.s32 $0x105A0  }
0x304: {  	[hbm4b:s15+s3] =	stream.linear.scatter [tilespmem:s17], [sflag:$0x4], $0x80, $0x38;
	[tilespmem:$0x10D00] =	vst v63  }
0x305: {  	s15 =	sadd.s32 $0x50, s12;
	s17 =	simm.s32 $0x10628  }
0x306: {  	[hbm4b:s15+s3] =	stream.linear.scatter [tilespmem:s17], [sflag:$0x4], $0x80, $0x38;
	[tilespmem:$0x10D00] =	vst v63  }
0x307: {  	s14 =	sadd.s32 $0x60, s12;
	s15 =	simm.s32 $0x106B0  }
0x308: {  	[hbm4b:s14+s3] =	stream.linear.scatter [tilespmem:s15], [sflag:$0x4], $0x80, $0x38;
	[tilespmem:$0x10D00] =	vst v63  }
0x309: {  	s12 =	sadd.s32 $0x70, s12;
	s17 =	simm.s32 $0x10738  }
0x30a: {  	[hbm4b:s12+s3] =	stream.linear.scatter [tilespmem:s17], [sflag:$0x4], $0x80, $0x38;
	[tilespmem:$0x10D00] =	vst v63  }
0x30b: {  	s11 =	sadd.s32 s11, s24;
	s14 =	simm.s32 $0x107C0  }
0x30c: {  	[hbm4b:s11+s3] =	stream.linear.scatter [tilespmem:s14], [sflag:$0x4], $0x80, $0x38;
	[tilespmem:$0x10D00] =	vst v63  }
0x30d: {  	s15 =	sadd.s32 $0x10, s11;
	s17 =	simm.s32 $0x10848  }
0x30e: {  	[hbm4b:s15+s3] =	stream.linear.scatter [tilespmem:s17], [sflag:$0x4], $0x80, $0x38;
	[tilespmem:$0x10D00] =	vst v63  }
0x30f: {  	s13 =	sadd.s32 $0x20, s11;
	s14 =	simm.s32 $0x108D0  }
0x310: {  	[hbm4b:s13+s3] =	stream.linear.scatter [tilespmem:s14], [sflag:$0x4], $0x80, $0x38;
	[tilespmem:$0x10D00] =	vst v63  }
0x311: {  	s15 =	sadd.s32 $0x30, s11;
	s17 =	simm.s32 $0x10958  }
0x312: {  	[hbm4b:s15+s3] =	stream.linear.scatter [tilespmem:s17], [sflag:$0x4], $0x80, $0x38;
	[tilespmem:$0x10D00] =	vst v63  }
0x313: {  	s10 =	sadd.s32 $0x1, s10;
	s13 =	sadd.s32 $0x40, s11;
	s14 =	simm.s32 $0x109E0  }
0x314: {  	[hbm4b:s13+s3] =	stream.linear.scatter [tilespmem:s14], [sflag:$0x4], $0x80, $0x38;
	[tilespmem:$0x10D00] =	vst v63  }
0x315: {  	p0 =	sne.s32 s10, $0x19;
	s15 =	sadd.s32 $0x50, s11;
	s17 =	simm.s32 $0x10A68  }
0x316: {  	[hbm4b:s15+s3] =	stream.linear.scatter [tilespmem:s17], [sflag:$0x4], $0x80, $0x38;
	[tilespmem:$0x10D00] =	vst v63  }
.Ltmp2:
0x317: {  	_ = 	snop;
	(pc) =	sbr.rel @p0 .LBB2_2-.Ltmp2, $4  }
0x318: {  	s14 =	sadd.s32 $0x60, s11;
	s15 =	simm.s32 $0x10AF0  }
0x319: {  	[hbm4b:s14+s3] =	stream.linear.scatter [tilespmem:s15], [sflag:$0x4], $0x80, $0x38;
	[tilespmem:$0x10D00] =	vst v63  }
0x31a: {  	s11 =	sadd.s32 $0x70, s11;
	s17 =	simm.s32 $0x10B78  }
0x31b: {  	[hbm4b:s11+s3] =	stream.linear.scatter [tilespmem:s17], [sflag:$0x4], $0x80, $0x38;
	[tilespmem:$0x10D00] =	vst v63  }
0x31c: {  	s10 =	simm.s32 $0x3  }
0x31d: {  	_ =	swait.ge [sflag:s10], $0x400  }
0x31e: {  	[sflag:s10] =	ssyncset.done $0x0  }
0x31f: {  	[sflag:s10] =	ssyncadd.s32 $0xFFFFFC00  }
0x320: {  	_ =	swait.ge [sflag:s10], $0x400  }
0x321: {  	[sflag:s10] =	ssyncset.done $0x0  }
0x322: {  	[sflag:s10] =	ssyncadd.s32 $0xFFFFFC00  }
0x323: {  	_ =	swait.ge [sflag:s10], $0x400  }
0x324: {  	[sflag:s10] =	ssyncset.done $0x0  }
0x325: {  	[sflag:s10] =	ssyncadd.s32 $0xFFFFFC00  }
0x326: {  	_ =	swait.ge [sflag:s10], $0x400  }
0x327: {  	[sflag:s10] =	ssyncset.done $0x0  }
0x328: {  	[sflag:s10] =	ssyncadd.s32 $0xFFFFFC00  }
0x329: {  	_ =	swait.ge [sflag:s10], $0x400  }
0x32a: {  	[sflag:s10] =	ssyncset.done $0x0  }
0x32b: {  	[sflag:s10] =	ssyncadd.s32 $0xFFFFFC00  }
0x32c: {  	_ =	swait.ge [sflag:s10], $0x400  }
0x32d: {  	[sflag:s10] =	ssyncset.done $0x0  }
0x32e: {  	[sflag:s10] =	ssyncadd.s32 $0xFFFFFC00  }
0x32f: {  	_ =	swait.ge [sflag:s10], $0x400  }
0x330: {  	[sflag:s10] =	ssyncset.done $0x0  }
0x331: {  	[sflag:s10] =	ssyncadd.s32 $0xFFFFFC00  }
0x332: {  	_ =	swait.ge [sflag:s10], $0x400  }
0x333: {  	[sflag:s10] =	ssyncset.done $0x0  }
0x334: {  	[sflag:s10] =	ssyncadd.s32 $0xFFFFFC00  }
0x335: {  	_ =	swait.ge [sflag:s10], $0x400  }
0x336: {  	[sflag:s10] =	ssyncset.done $0x0  }
0x337: {  	[sflag:s10] =	ssyncadd.s32 $0xFFFFFC00  }
0x338: {  	_ =	swait.ge [sflag:s10], $0x400  }
0x339: {  	[sflag:s10] =	ssyncset.done $0x0  }
0x33a: {  	[sflag:s10] =	ssyncadd.s32 $0xFFFFFC00  }
0x33b: {  	_ =	swait.ge [sflag:s10], $0x400  }
0x33c: {  	[sflag:s10] =	ssyncset.done $0x0  }
0x33d: {  	[sflag:s10] =	ssyncadd.s32 $0xFFFFFC00  }
0x33e: {  	_ =	swait.ge [sflag:s10], $0x400  }
0x33f: {  	[sflag:s10] =	ssyncset.done $0x0  }
0x340: {  	[sflag:s10] =	ssyncadd.s32 $0xFFFFFC00  }
0x341: {  	_ =	swait.ge [sflag:s10], $0x400  }
0x342: {  	[sflag:s10] =	ssyncset.done $0x0  }
0x343: {  	[sflag:s10] =	ssyncadd.s32 $0xFFFFFC00  }
0x344: {  	_ =	swait.ge [sflag:s10], $0x400  }
0x345: {  	[sflag:s10] =	ssyncset.done $0x0  }
0x346: {  	[sflag:s10] =	ssyncadd.s32 $0xFFFFFC00  }
0x347: {  	_ =	swait.ge [sflag:s10], $0x400  }
0x348: {  	[sflag:s10] =	ssyncset.done $0x0  }
0x349: {  	[sflag:s10] =	ssyncadd.s32 $0xFFFFFC00  }
0x34a: {  	_ =	swait.ge [sflag:s10], $0x400  }
0x34b: {  	[sflag:s10] =	ssyncset.done $0x0  }
0x34c: {  	[sflag:s10] =	ssyncadd.s32 $0xFFFFFC00  }
0x34d: {  	_ =	swait.ge [sflag:s9], $0x400  }
0x34e: {  	[sflag:s9] =	ssyncset.done $0x0  }
0x34f: {  	[sflag:s9] =	ssyncadd.s32 $0xFFFFFC00  }
0x350: {  	_ =	swait.ge [sflag:s9], $0x400  }
0x351: {  	[sflag:s9] =	ssyncset.done $0x0  }
0x352: {  	[sflag:s9] =	ssyncadd.s32 $0xFFFFFC00  }
0x353: {  	_ =	swait.ge [sflag:s9], $0x400  }
0x354: {  	[sflag:s9] =	ssyncset.done $0x0  }
0x355: {  	[sflag:s9] =	ssyncadd.s32 $0xFFFFFC00  }
0x356: {  	_ =	swait.ge [sflag:s9], $0x400  }
0x357: {  	[sflag:s9] =	ssyncset.done $0x0  }
0x358: {  	[sflag:s9] =	ssyncadd.s32 $0xFFFFFC00  }
0x359: {  	_ =	swait.ge [sflag:s9], $0x400  }
0x35a: {  	[sflag:s9] =	ssyncset.done $0x0  }
0x35b: {  	[sflag:s9] =	ssyncadd.s32 $0xFFFFFC00  }
0x35c: {  	_ =	swait.ge [sflag:s9], $0x400  }
0x35d: {  	[sflag:s9] =	ssyncset.done $0x0  }
0x35e: {  	[sflag:s9] =	ssyncadd.s32 $0xFFFFFC00  }
0x35f: {  	_ =	swait.ge [sflag:s9], $0x400  }
0x360: {  	[sflag:s9] =	ssyncset.done $0x0  }
0x361: {  	[sflag:s9] =	ssyncadd.s32 $0xFFFFFC00  }
0x362: {  	_ =	swait.ge [sflag:s9], $0x400  }
0x363: {  	[sflag:s9] =	ssyncset.done $0x0  }
0x364: {  	[sflag:s9] =	ssyncadd.s32 $0xFFFFFC00  }
0x365: {  	_ =	swait.ge [sflag:s9], $0x400  }
0x366: {  	[sflag:s9] =	ssyncset.done $0x0  }
0x367: {  	[sflag:s9] =	ssyncadd.s32 $0xFFFFFC00  }
0x368: {  	_ =	swait.ge [sflag:s9], $0x400  }
0x369: {  	[sflag:s9] =	ssyncset.done $0x0  }
0x36a: {  	[sflag:s9] =	ssyncadd.s32 $0xFFFFFC00  }
0x36b: {  	_ =	swait.ge [sflag:s9], $0x400  }
0x36c: {  	[sflag:s9] =	ssyncset.done $0x0  }
0x36d: {  	[sflag:s9] =	ssyncadd.s32 $0xFFFFFC00  }
0x36e: {  	_ =	swait.ge [sflag:s9], $0x400  }
0x36f: {  	[sflag:s9] =	ssyncset.done $0x0  }
0x370: {  	[sflag:s9] =	ssyncadd.s32 $0xFFFFFC00  }
0x371: {  	_ =	swait.ge [sflag:s9], $0x400  }
0x372: {  	[sflag:s9] =	ssyncset.done $0x0  }
0x373: {  	[sflag:s9] =	ssyncadd.s32 $0xFFFFFC00  }
0x374: {  	_ =	swait.ge [sflag:s9], $0x400  }
0x375: {  	[sflag:s9] =	ssyncset.done $0x0  }
0x376: {  	[sflag:s9] =	ssyncadd.s32 $0xFFFFFC00  }
0x377: {  	_ =	swait.ge [sflag:s9], $0x400  }
0x378: {  	[sflag:s9] =	ssyncset.done $0x0  }
0x379: {  	[sflag:s9] =	ssyncadd.s32 $0xFFFFFC00  }
0x37a: {  	_ =	swait.ge [sflag:s9], $0x400  }
0x37b: {  	s11 =	rddreg [dreg:$0x10]  }
0x37c: {  	s17 =	rddreg [dreg:$0xf];
	s11 =	sadd.s32 $0x1, s11  }
0x37d: {  	p0 =	sne.s32 s11, s17  }
.Ltmp3:
0x37e: {  	_ = 	snop;
	(pc) =	sbr.rel @p0 .LBB2_1-.Ltmp3, $3  }
0x37f: {  	_ =	sdelay $0x1  }
0x380: {  	[sflag:s9] =	ssyncset.done $0x0  }
0x381: {  	[sflag:s9] =	ssyncadd.s32 $0xFFFFFC00  }
0x382: {  	_ =	sfence.sel $0x180000  }
0x383: {  	[bflag:$0x0] =	sbarrier.arrive $0xFFFF  }
0x384: {  	_ =	strace $0x90000047  }
0x385: {  	s0 =	stileid.u32;
	[bflag:$0x2] =	sbarrier.arrive $0xFFFF  }
0x386: {  	p0 =	sne.s32 s0, $0x0;
	s0 =	rddreg [dreg:$0x2]  }
0x387: {  	s0 =	sadd.s32 @!p0 $0x100000, s0  }
0x388: {  	[sflag:s0] =	ssyncadd.tile.s32 @!p0 $0x1;
	_ =	shalt  }
.Lfunc_end2:
_tile_overlayer_lowered:
.L_overlay_start_2:
0x389: {  	(tag) =	ssettag $0x2  }
0x38a: {  	s0 =	rddreg [dreg:$0x0];
	s2 =	stileid.u32  }
0x38b: {  	s1 =	rddreg [dreg:$0x1];
	p0 =	sne.s32 s2, $0x0  }
0x38c: {  	s3 =	rddreg [dreg:$0x2];
	[bflag:$0x3] =	sbarrier.arrive $0xFFFF;
	s2 =	simm.s32 @!p0 $0x1C05  }
0x38d: {  	[timem:s3], [sflag:s2] =	dma.local @!p0 [hbm:s0], s1  }
0x38e: {  	s0 =	simm.s32 @!p0 $0x5  }
0x38f: {  	_ =	swait.ge @!p0 [sflag:s0], s1  }
0x390: {  	s1 =	ssub.s32 @!p0 $0x0, s1;
	[sflag:s0] =	ssyncset.done @!p0 $0x0  }
0x391: {  	[sflag:s0] =	ssyncadd.s32 @!p0 s1  }
0x392: {  	[bflag:$0x3] =	sbarrier.arrive $0xFFFF  }
0x393: {  	_ =	shalt  }

</sc_bundles>
